<compile_context>
chip_gen: v7x
topology: tpu7x:2x2x1
jax: 0.10.2.dev20260603
libtpu: 0.0.44.dev20260713+nightly
codegen_flags: <defaults>
</compile_context>

<pallas_src>
import functools

import jax
import jax.numpy as jnp
from jax import lax
from jax.experimental import pallas as pl
from jax.experimental.pallas import tpu as pltpu
from jax.experimental.pallas import tpu_sc as plsc

N_NODES = 10000
N_EDGES = 320000
D = 128
DH = 64
DE = 16

AB_CHUNK = 40
AB_NCHUNK = 500
AB_SEG = 100
AB_NSEG = AB_NCHUNK // AB_SEG
AB_PER_TILE = AB_CHUNK * AB_NCHUNK
AB_ZROWS = 64
NPAD = 10240
STRIPE = NPAD // 16
ZROWS = 128

C_CHUNK = 40
C_NCHUNK = 250
C_PER_TILE = C_CHUNK * C_NCHUNK



def _tc_nodes_body(feat_ref, node_ref, psf_ref, pdf_ref, t0_ref, t1_ref):
    f1 = jnp.dot(feat_ref[...], psf_ref[...],
                 preferred_element_type=jnp.float32)
    n1 = jnp.dot(node_ref[...], pdf_ref[...],
                 preferred_element_type=jnp.float32)
    t0_ref[0] = f1[:, :DH]
    t0_ref[1] = n1[:, :DH]
    t1_ref[0] = f1[:, DH:]
    t1_ref[1] = n1[:, DH:]


def _tc_nodes(feature_emb, node_emb, psf, pdf):
    nb = 10
    rows = N_NODES // nb
    return pl.pallas_call(
        _tc_nodes_body,
        grid=(nb,),
        in_specs=[
            pl.BlockSpec((rows, D), lambda i: (i, 0)),
            pl.BlockSpec((rows, D), lambda i: (i, 0)),
            pl.BlockSpec((D, D), lambda i: (0, 0)),
            pl.BlockSpec((D, D), lambda i: (0, 0)),
        ],
        out_specs=[
            pl.BlockSpec((2, rows, DH), lambda i: (0, i, 0)),
            pl.BlockSpec((2, rows, DH), lambda i: (0, i, 0)),
        ],
        out_shape=[
            jax.ShapeDtypeStruct((2, N_NODES, DH), jnp.float32),
            jax.ShapeDtypeStruct((2, N_NODES, DH), jnp.float32),
        ],
    )(feature_emb, node_emb, psf, pdf)


def _tc_edges_body(ee_ref, p_ref, b_ref, est_ref):
    est_ref[...] = jnp.dot(ee_ref[...], p_ref[...],
                           preferred_element_type=jnp.float32) + b_ref[0:1]


def _tc_edges(edge_emb, pse, pde, bps, bpd):
    eb = 2000
    nb = N_EDGES // eb
    p2 = jnp.concatenate([pse, pde], axis=0)
    b2 = jnp.concatenate([jnp.broadcast_to(bps, (8, D)),
                          jnp.broadcast_to(bpd, (8, D))], axis=0)
    return pl.pallas_call(
        _tc_edges_body,
        grid=(2, nb),
        in_specs=[
            pl.BlockSpec((eb, DE), lambda p, i: (i, 0)),
            pl.BlockSpec((DE, D), lambda p, i: (p, 0)),
            pl.BlockSpec((8, D), lambda p, i: (p, 0)),
        ],
        out_specs=pl.BlockSpec((eb, D), lambda p, i: (p * nb + i, 0)),
        out_shape=jax.ShapeDtypeStruct((2 * N_EDGES, D), jnp.float32),
    )(edge_emb, p2, b2)


def _tc_e3_body(ee_ref, we_ref, bw_ref, e3_ref):
    e3_ref[...] = jnp.dot(ee_ref[...], we_ref[...],
                          preferred_element_type=jnp.float32) + bw_ref[...]


def _tc_e3(edge_emb, we, bw):
    eb = 2000
    nb = N_EDGES // eb
    return pl.pallas_call(
        _tc_e3_body,
        grid=(nb,),
        in_specs=[
            pl.BlockSpec((eb, DE), lambda i: (i, 0)),
            pl.BlockSpec((DE, DE), lambda i: (0, 0)),
            pl.BlockSpec((1, DE), lambda i: (0, 0)),
        ],
        out_specs=pl.BlockSpec((eb, DE), lambda i: (i, 0)),
        out_shape=jax.ShapeDtypeStruct((N_EDGES, DE), jnp.float32),
    )(edge_emb, we, bw)



def _sc_ab_body(taba0_hbm, taba1_hbm, tabb0_hbm, tabb1_hbm, est_hbm, idx_hbm,
                acc0_hbm, acc1_hbm, cnt_hbm,
                gidx_v, sidx_v, g0, g1, g2, g3, e0, e1, e2, e3,
                ones_v, zbuf, cbuf, tab_s, acc_s, cnt_s,
                gs0, gs1, gs2, gs3, es0, es1, es2, es3,
                ss0, ss1, ss2, ss3, cs0, cs1, cs2, cs3):
    c = lax.axis_index("c")
    s = lax.axis_index("s")
    gbufs = (g0, g1, g2, g3)
    ebufs = (e0, e1, e2, e3)
    gsems = (gs0, gs1, gs2, gs3)
    esems = (es0, es1, es2, es3)
    ssems = (ss0, ss1, ss2, ss3)
    csems = (cs0, cs1, cs2, cs3)
    tabs_a = (taba0_hbm, taba1_hbm)
    tabs_b = (tabb0_hbm, tabb1_hbm)
    acc_hbms = (acc0_hbm, acc1_hbm)

    zero16 = jnp.zeros((16,), jnp.float32)
    ones16 = jnp.full((16,), 1.0, jnp.float32)

    def ofill(i, _):
        ones_v[i] = ones16
        return 0
    lax.fori_loop(0, AB_CHUNK, ofill, 0)

    ebase = c * N_EDGES + s * AB_PER_TILE

    def start_in(r, g, j, k):
        pltpu.async_copy(tab_s.at[gidx_v.at[j]], gbufs[k], gsems[k])
        pltpu.async_copy(
            est_hbm.at[pl.ds(ebase + (g * AB_SEG + j) * AB_CHUNK, AB_CHUNK),
                       pl.ds(r * DH, DH)],
            ebufs[k], esems[k])

    def wait_in(r, j, k):
        pltpu.make_async_copy(tab_s.at[gidx_v.at[j]], gbufs[k],
                              gsems[k]).wait()
        pltpu.make_async_copy(
            est_hbm.at[pl.ds(ebase, AB_CHUNK), pl.ds(r * DH, DH)],
            ebufs[k], esems[k]).wait()

    def wait_scat(r, j, k):
        pltpu.make_async_copy(gbufs[k], acc_s.at[sidx_v.at[j]],
                              ssems[k]).wait()
        if r == 0:
            pltpu.make_async_copy(ones_v, cnt_s.at[sidx_v.at[j]],
                                  csems[k]).wait()

    for r in range(2):
        def tload(k, _):
            r0 = s * STRIPE + k * AB_CHUNK

            @pl.when(c == 0)
            def _():
                pltpu.sync_copy(tabs_a[r].at[pl.ds(r0, AB_CHUNK)], g0)

            @pl.when(c == 1)
            def _():
                pltpu.sync_copy(tabs_b[r].at[pl.ds(r0, AB_CHUNK)], g0)

            pltpu.sync_copy(g0, tab_s.at[pl.ds(r0, AB_CHUNK)])
            return 0
        lax.fori_loop(0, STRIPE // AB_CHUNK, tload, 0)

        def zfill(i, _):
            for v in range(DH // 16):
                zbuf[i, pl.ds(v * 16, 16)] = zero16
            cbuf[i] = zero16
            return 0
        lax.fori_loop(0, AB_ZROWS, zfill, 0)

        def prep(k, _):
            r0 = s * STRIPE + k * AB_ZROWS
            pltpu.sync_copy(zbuf, acc_s.at[pl.ds(r0, AB_ZROWS)])
            if r == 0:
                pltpu.sync_copy(cbuf, cnt_s.at[pl.ds(r0, AB_ZROWS)])
            return 0
        lax.fori_loop(0, STRIPE // AB_ZROWS, prep, 0)
        plsc.subcore_barrier()

        def seg(g, _):
            pltpu.sync_copy(idx_hbm.at[1 - c, s, g], gidx_v)
            pltpu.sync_copy(idx_hbm.at[c, s, g], sidx_v)
            for k in range(4):
                start_in(r, g, k, k)

            def step(jj, _):
                for k in range(4):
                    j = 4 * jj + k
                    wait_in(r, j, k)
                    gbuf = gbufs[k]
                    ebuf = ebufs[k]

                    def edge(i, _):
                        for v in range(DH // 16):
                            sl = pl.ds(v * 16, 16)
                            t = gbuf[i, sl] + ebuf[i, sl]
                            gbuf[i, sl] = jnp.maximum(t, t * 0.01)
                        return 0
                    lax.fori_loop(0, AB_CHUNK, edge, 0)

                    pltpu.async_copy(gbuf, acc_s.at[sidx_v.at[j]], ssems[k],
                                     add=True)
                    if r == 0:
                        pltpu.async_copy(ones_v, cnt_s.at[sidx_v.at[j]],
                                         csems[k], add=True)

                    @pl.when(jj < AB_SEG // 4 - 1)
                    def _():
                        wait_scat(r, j, k)
                        start_in(r, g, j + 4, k)
                return 0
            lax.fori_loop(0, AB_SEG // 4, step, 0)

            for k in range(4):
                wait_scat(r, AB_SEG - 4 + k, k)
            return 0
        lax.fori_loop(0, AB_NSEG, seg, 0)
        plsc.subcore_barrier()

        def flush(k, _):
            r0 = s * STRIPE + k * AB_ZROWS
            pltpu.sync_copy(acc_s.at[pl.ds(r0, AB_ZROWS)], zbuf)
            pltpu.sync_copy(zbuf,
                            acc_hbms[r].at[pl.ds(c * NPAD + r0, AB_ZROWS)])
            if r == 0:
                pltpu.sync_copy(cnt_s.at[pl.ds(r0, AB_ZROWS)], cbuf)
                pltpu.sync_copy(cbuf,
                                cnt_hbm.at[pl.ds(c * NPAD + r0, AB_ZROWS)])
            return 0
        lax.fori_loop(0, STRIPE // AB_ZROWS, flush, 0)


def _sc_ab(taba0, taba1, tabb0, tabb1, est, idx):
    mesh = plsc.VectorSubcoreMesh(core_axis_name="c", subcore_axis_name="s")
    f = functools.partial(
        pl.kernel, _sc_ab_body, mesh=mesh,
        compiler_params=pltpu.CompilerParams(use_tc_tiling_on_sc=False),
        out_type=[
            jax.ShapeDtypeStruct((2 * NPAD, DH), jnp.float32),
            jax.ShapeDtypeStruct((2 * NPAD, DH), jnp.float32),
            jax.ShapeDtypeStruct((2 * NPAD, 16), jnp.float32),
        ],
        scratch_types=(
            [pltpu.VMEM((AB_SEG, AB_CHUNK), jnp.int32)] * 2
            + [pltpu.VMEM((AB_CHUNK, DH), jnp.float32)] * 8
            + [pltpu.VMEM((AB_CHUNK, 16), jnp.float32)]
            + [pltpu.VMEM((AB_ZROWS, DH), jnp.float32)]
            + [pltpu.VMEM((AB_ZROWS, 16), jnp.float32)]
            + [pltpu.VMEM_SHARED((NPAD, DH), jnp.float32)] * 2
            + [pltpu.VMEM_SHARED((NPAD, 16), jnp.float32)]
            + [pltpu.SemaphoreType.DMA] * 16
        ),
    )()
    return f(taba0, taba1, tabb0, tabb1, est, idx)



def _tc_stage2_body(pa0_ref, pa1_ref, pb0_ref, pb1_ref, ca_ref, cb_ref,
                    ne_ref, fe_ref,
                    qss_ref, qsn_ref, qds_ref, qdn_ref, wn_ref, wf_ref,
                    bn_ref, bf_ref, no_ref, fo_ref, nw_ref, fw_ref):
    inv_a = 1.0 / jnp.clip(ca_ref[:, 0:1], 1.0, None)
    inv_b = 1.0 / jnp.clip(cb_ref[:, 0:1], 1.0, None)
    msga = jnp.concatenate([pa0_ref[...], pa1_ref[...]], axis=1) * inv_a
    msgb = jnp.concatenate([pb0_ref[...], pb1_ref[...]], axis=1) * inv_b
    node_out = (jnp.dot(ne_ref[...], qss_ref[...],
                        preferred_element_type=jnp.float32)
                + jnp.dot(msga, qsn_ref[...],
                          preferred_element_type=jnp.float32)
                + bn_ref[...])
    feat_out = (jnp.dot(fe_ref[...], qds_ref[...],
                        preferred_element_type=jnp.float32)
                + jnp.dot(msgb, qdn_ref[...],
                          preferred_element_type=jnp.float32)
                + bf_ref[...])
    no_ref[...] = node_out
    fo_ref[...] = feat_out
    nw_ref[...] = jnp.dot(node_out, wn_ref[...],
                          preferred_element_type=jnp.float32)
    fw_ref[...] = jnp.dot(feat_out, wf_ref[...],
                          preferred_element_type=jnp.float32)


def _tc_stage2(acc0, acc1, cnt, node_emb, feature_emb, qss, qsn, qds, qdn,
               wn, wf, bn, bf):
    rows = 80
    nb = N_NODES // rows
    pb = NPAD // rows
    return pl.pallas_call(
        _tc_stage2_body,
        grid=(nb,),
        in_specs=[
            pl.BlockSpec((rows, DH), lambda i: (i, 0)),
            pl.BlockSpec((rows, DH), lambda i: (i, 0)),
            pl.BlockSpec((rows, DH), lambda i: (i + pb, 0)),
            pl.BlockSpec((rows, DH), lambda i: (i + pb, 0)),
            pl.BlockSpec((rows, 16), lambda i: (i, 0)),
            pl.BlockSpec((rows, 16), lambda i: (i + pb, 0)),
            pl.BlockSpec((rows, D), lambda i: (i, 0)),
            pl.BlockSpec((rows, D), lambda i: (i, 0)),
            pl.BlockSpec((D, D), lambda i: (0, 0)),
            pl.BlockSpec((D, D), lambda i: (0, 0)),
            pl.BlockSpec((D, D), lambda i: (0, 0)),
            pl.BlockSpec((D, D), lambda i: (0, 0)),
            pl.BlockSpec((D, DE), lambda i: (0, 0)),
            pl.BlockSpec((D, DE), lambda i: (0, 0)),
            pl.BlockSpec((1, D), lambda i: (0, 0)),
            pl.BlockSpec((1, D), lambda i: (0, 0)),
        ],
        out_specs=[
            pl.BlockSpec((rows, D), lambda i: (i, 0)),
            pl.BlockSpec((rows, D), lambda i: (i, 0)),
            pl.BlockSpec((rows, DE), lambda i: (i, 0)),
            pl.BlockSpec((rows, DE), lambda i: (i, 0)),
        ],
        out_shape=[
            jax.ShapeDtypeStruct((N_NODES, D), jnp.float32),
            jax.ShapeDtypeStruct((N_NODES, D), jnp.float32),
            jax.ShapeDtypeStruct((N_NODES, DE), jnp.float32),
            jax.ShapeDtypeStruct((N_NODES, DE), jnp.float32),
        ],
    )(acc0, acc1, acc0, acc1, cnt, cnt, node_emb, feature_emb,
      qss, qsn, qds, qdn, wn, wf, bn, bf)



def _sc_c_body(no_hbm, fo_hbm, e3_hbm, idx_hbm, out_hbm,
               sidx_v, didx_v, nb0, nb1, fb0, fb1, eb0, eb1, ob0, ob1,
               nsem0, nsem1, fsem0, fsem1, esem0, esem1, osem0, osem1):
    c = lax.axis_index("c")
    s = lax.axis_index("s")
    wid = s * 2 + c
    nbufs = (nb0, nb1)
    fbufs = (fb0, fb1)
    ebufs = (eb0, eb1)
    obufs = (ob0, ob1)
    nsems = (nsem0, nsem1)
    fsems = (fsem0, fsem1)
    esems = (esem0, esem1)
    osems = (osem0, osem1)

    pltpu.sync_copy(idx_hbm.at[wid], sidx_v)
    pltpu.sync_copy(idx_hbm.at[32 + wid], didx_v)
    ebase = wid * C_PER_TILE

    def start_in(j, b):
        pltpu.async_copy(no_hbm.at[sidx_v.at[j]], nbufs[b], nsems[b])
        pltpu.async_copy(fo_hbm.at[didx_v.at[j]], fbufs[b], fsems[b])
        pltpu.async_copy(e3_hbm.at[pl.ds(ebase + j * C_CHUNK, C_CHUNK)],
                         ebufs[b], esems[b])

    def wait_in(j, b):
        pltpu.make_async_copy(no_hbm.at[sidx_v.at[j]], nbufs[b],
                              nsems[b]).wait()
        pltpu.make_async_copy(fo_hbm.at[didx_v.at[j]], fbufs[b],
                              fsems[b]).wait()
        pltpu.make_async_copy(e3_hbm.at[pl.ds(ebase, C_CHUNK)], ebufs[b],
                              esems[b]).wait()

    def wait_out(b):
        pltpu.make_async_copy(obufs[b],
                              out_hbm.at[pl.ds(ebase, C_CHUNK)],
                              osems[b]).wait()

    for b in range(2):
        start_in(b, b)

    def step(jj, _):
        for b in range(2):
            j = 2 * jj + b
            wait_in(j, b)

            @pl.when(jj > 0)
            def _():
                wait_out(b)

            nbuf = nbufs[b]
            fbuf = fbufs[b]
            ebuf = ebufs[b]
            obuf = obufs[b]

            def edge(i, _):
                obuf[i] = nbuf[i] + fbuf[i] + ebuf[i]
                return 0
            lax.fori_loop(0, C_CHUNK, edge, 0)

            pltpu.async_copy(obuf,
                             out_hbm.at[pl.ds(ebase + j * C_CHUNK, C_CHUNK)],
                             osems[b])

            @pl.when(jj < C_NCHUNK // 2 - 1)
            def _():
                start_in(j + 2, b)
        return 0
    lax.fori_loop(0, C_NCHUNK // 2, step, 0)

    for b in range(2):
        wait_out(b)


def _sc_c(no, fo, e3, idx):
    mesh = plsc.VectorSubcoreMesh(core_axis_name="c", subcore_axis_name="s")
    f = functools.partial(
        pl.kernel, _sc_c_body, mesh=mesh,
        compiler_params=pltpu.CompilerParams(use_tc_tiling_on_sc=False),
        out_type=jax.ShapeDtypeStruct((N_EDGES, DE), jnp.float32),
        scratch_types=(
            [pltpu.VMEM((C_NCHUNK, C_CHUNK), jnp.int32)] * 2
            + [pltpu.VMEM((C_CHUNK, DE), jnp.float32)] * 8
            + [pltpu.SemaphoreType.DMA] * 8
        ),
    )()
    return f(no, fo, e3, idx)



def kernel(node_emb, edge_emb, feature_emb, edge_index,
           P_src, b_P_src, P_dst, b_P_dst,
           Q_src_self, b_Q_src_self, Q_src_neigh, b_Q_src_neigh,
           Q_dst_self, b_Q_dst_self, Q_dst_neigh, b_Q_dst_neigh,
           W, b_W):
    psf, pse = P_src[:D], P_src[D:]
    pdf, pde = P_dst[:D], P_dst[D:]
    we, wn, wf = W[:DE], W[DE:DE + D], W[DE + D:]
    bps = b_P_src.reshape(1, D)
    bpd = b_P_dst.reshape(1, D)
    bw = b_W.reshape(1, DE)
    bn = (b_Q_src_self + b_Q_src_neigh).reshape(1, D)
    bf = (b_Q_dst_self + b_Q_dst_neigh).reshape(1, D)

    idx_ab = edge_index.reshape(2, 16, AB_NSEG, AB_SEG, AB_CHUNK)
    idx_c = edge_index.reshape(64, C_NCHUNK, C_CHUNK)

    tab0, tab1 = _tc_nodes(feature_emb, node_emb, psf, pdf)
    est = _tc_edges(edge_emb, pse, pde, bps, bpd)
    e3 = _tc_e3(edge_emb, we, bw)

    pad = ((0, 0), (0, NPAD - N_NODES), (0, 0))
    tp0 = jnp.pad(tab0, pad)
    tp1 = jnp.pad(tab1, pad)
    acc0, acc1, cnt = _sc_ab(tp0[0], tp1[0], tp0[1], tp1[1], est, idx_ab)

    node_out, feat_out, no_w, fo_w = _tc_stage2(
        acc0, acc1, cnt, node_emb, feature_emb,
        Q_src_self, Q_src_neigh, Q_dst_self, Q_dst_neigh,
        wn, wf, bn, bf)

    edge_out = _sc_c(no_w, fo_w, e3, idx_c)
    return (node_out, edge_out, feat_out)

# --- scband reference (transcript-rebuilt; emitter-appended) ---
"""Pipeline reference for scband-gcnblock-ver2-78314433675283 (READ-ONLY COPY).

The authoritative reference and input builder live on the scoring server;
editing this copy changes nothing except your own understanding.
"""

import jax, jax.numpy as jnp
import numpy as np

N_NODES = 10000
N_FEATS = 10000
N_EDGES = 320000
D_NODE_IN = 128
D_NODE_OUT = 128
D_EDGE_IN = 16
D_EDGE_OUT = 16
D_MSG = 128


def _xavier(k, shape):
    fan_in, fan_out = shape[0], shape[1]
    std = np.sqrt(2.0 / (fan_in + fan_out))
    return (jax.random.normal(k, shape) * std).astype(jnp.float32)


def _scatter_mean(vals, idx, num_segments):
    s = jax.ops.segment_sum(vals, idx, num_segments=num_segments)
    cnt = jax.ops.segment_sum(jnp.ones((vals.shape[0],), vals.dtype), idx, num_segments=num_segments)
    return s / jnp.clip(cnt, 1.0, None)[:, None]


def setup_inputs(seed: int = 0) -> dict:
    key = jax.random.key(seed)
    ks = jax.random.split(key, 16)
    node_emb = jax.random.normal(ks[0], (N_NODES, D_NODE_IN), dtype=jnp.float32)
    edge_emb = jax.random.normal(ks[1], (N_EDGES, D_EDGE_IN), dtype=jnp.float32)
    feature_emb = jax.random.normal(ks[2], (N_FEATS, D_NODE_IN), dtype=jnp.float32)
    edge_index = jax.random.randint(ks[3], (2, N_EDGES), 0, N_NODES).astype(jnp.int32)
    P_src = _xavier(ks[4], (D_NODE_IN + D_EDGE_IN, D_MSG))
    b_P_src = jnp.zeros((D_MSG,), jnp.float32)
    P_dst = _xavier(ks[5], (D_NODE_IN + D_EDGE_IN, D_MSG))
    b_P_dst = jnp.zeros((D_MSG,), jnp.float32)
    Q_src_self = _xavier(ks[6], (D_NODE_IN, D_NODE_OUT))
    b_Q_src_self = jnp.zeros((D_NODE_OUT,), jnp.float32)
    Q_src_neigh = _xavier(ks[7], (D_MSG, D_NODE_OUT))
    b_Q_src_neigh = jnp.zeros((D_NODE_OUT,), jnp.float32)
    Q_dst_self = _xavier(ks[8], (D_NODE_IN, D_NODE_OUT))
    b_Q_dst_self = jnp.zeros((D_NODE_OUT,), jnp.float32)
    Q_dst_neigh = _xavier(ks[9], (D_MSG, D_NODE_OUT))
    b_Q_dst_neigh = jnp.zeros((D_NODE_OUT,), jnp.float32)
    W = _xavier(ks[10], (D_EDGE_IN + D_NODE_OUT + D_NODE_OUT, D_EDGE_OUT))
    b_W = jnp.zeros((D_EDGE_OUT,), jnp.float32)
    return {
        "node_emb": node_emb, "edge_emb": edge_emb, "feature_emb": feature_emb,
        "edge_index": edge_index,
        "P_src": P_src, "b_P_src": b_P_src, "P_dst": P_dst, "b_P_dst": b_P_dst,
        "Q_src_self": Q_src_self, "b_Q_src_self": b_Q_src_self,
        "Q_src_neigh": Q_src_neigh, "b_Q_src_neigh": b_Q_src_neigh,
        "Q_dst_self": Q_dst_self, "b_Q_dst_self": b_Q_dst_self,
        "Q_dst_neigh": Q_dst_neigh, "b_Q_dst_neigh": b_Q_dst_neigh,
        "W": W, "b_W": b_W,
    }


def reference(node_emb, edge_emb, feature_emb, edge_index,
              P_src, b_P_src, P_dst, b_P_dst,
              Q_src_self, b_Q_src_self, Q_src_neigh, b_Q_src_neigh,
              Q_dst_self, b_Q_dst_self, Q_dst_neigh, b_Q_dst_neigh,
              W, b_W):
    src = edge_index[0]
    dst = edge_index[1]
    msg = jnp.concatenate([feature_emb[dst], edge_emb], axis=1)
    msg = jax.nn.leaky_relu(msg @ P_src + b_P_src, negative_slope=0.01)
    msg = _scatter_mean(msg, src, node_emb.shape[0])
    msg_f = jnp.concatenate([node_emb[src], edge_emb], axis=1)
    msg_f = jax.nn.leaky_relu(msg_f @ P_dst + b_P_dst, negative_slope=0.01)
    msg_f = _scatter_mean(msg_f, dst, feature_emb.shape[0])
    node_out = node_emb @ Q_src_self + b_Q_src_self + msg @ Q_src_neigh + b_Q_src_neigh
    feat_out = feature_emb @ Q_dst_self + b_Q_dst_self + msg_f @ Q_dst_neigh + b_Q_dst_neigh
    edge_out = jnp.concatenate([edge_emb, node_out[src], feat_out[dst]], axis=1) @ W + b_W
    return (node_out, edge_out, feat_out)

if __name__ == "__main__":
    import jax
    _d = setup_inputs()
    print(jax.jit(kernel)(*tuple(_d.values())))

</pallas_src>

<mosaic_0001>
#map = affine_map<(d0, d1) -> (0, 0)>
#map1 = affine_map<(d0, d1) -> (0, 0, 0)>
module attributes {stable_mosaic.version = 14 : i64} {
  func.func @_sc_c_body(%arg0: i32, %arg1: i32, %arg2: memref<10000x16xf32, #tpu.memory_space<hbm>>, %arg3: memref<10000x16xf32, #tpu.memory_space<hbm>>, %arg4: memref<320000x16xf32, #tpu.memory_space<hbm>>, %arg5: memref<64x250x40xi32, #tpu.memory_space<hbm>>, %arg6: memref<320000x16xf32, #tpu.memory_space<hbm>>, %arg7: memref<250x40xi32, #tpu.memory_space<vmem>>, %arg8: memref<250x40xi32, #tpu.memory_space<vmem>>, %arg9: memref<40x16xf32, #tpu.memory_space<vmem>>, %arg10: memref<40x16xf32, #tpu.memory_space<vmem>>, %arg11: memref<40x16xf32, #tpu.memory_space<vmem>>, %arg12: memref<40x16xf32, #tpu.memory_space<vmem>>, %arg13: memref<40x16xf32, #tpu.memory_space<vmem>>, %arg14: memref<40x16xf32, #tpu.memory_space<vmem>>, %arg15: memref<40x16xf32, #tpu.memory_space<vmem>>, %arg16: memref<40x16xf32, #tpu.memory_space<vmem>>, %arg17: memref<!tpu.dma_semaphore, #tpu.memory_space<semaphore_mem>>, %arg18: memref<!tpu.dma_semaphore, #tpu.memory_space<semaphore_mem>>, %arg19: memref<!tpu.dma_semaphore, #tpu.memory_space<semaphore_mem>>, %arg20: memref<!tpu.dma_semaphore, #tpu.memory_space<semaphore_mem>>, %arg21: memref<!tpu.dma_semaphore, #tpu.memory_space<semaphore_mem>>, %arg22: memref<!tpu.dma_semaphore, #tpu.memory_space<semaphore_mem>>, %arg23: memref<!tpu.dma_semaphore, #tpu.memory_space<semaphore_mem>>, %arg24: memref<!tpu.dma_semaphore, #tpu.memory_space<semaphore_mem>>) attributes {dimension_semantics = [#tpu.dimension_semantics<core_parallel>, #tpu.dimension_semantics<subcore_parallel>], iteration_bounds = array<i64: 2, 16>, scalar_prefetch = 0 : i64, scratch_operands = 18 : i64, tpu.core_type = #tpu.core_type<sc_vector_subcore>, window_params = [{transform_indices = #map}, {transform_indices = #map}, {transform_indices = #map}, {transform_indices = #map1}, {transform_indices = #map}]} {
    %mul3A = arith.constant 2 : i32
    %mul3A_0 = arith.muli %arg1, %mul3A : i32
    %add3A = arith.addi %mul3A_0, %arg0 : i32
    "tpu.region"() ({
      %run_scoped3A = tpu.sem_alloc : memref<!tpu.dma_semaphore, #tpu.memory_space<semaphore_mem>>
      %dma_start3A_57 = arith.constant 0 : i32
      %dma_start3A_58 = arith.constant 0 : i32
      %dma_start3A_59 = tpu.memref_slice %arg5[%add3A, %dma_start3A_57, %dma_start3A_58] : memref<64x250x40xi32, #tpu.memory_space<hbm>> -> memref<1x250x40xi32, #tpu.memory_space<hbm>>
      %dma_start3A_60 = tpu.memref_squeeze %dma_start3A_59 : memref<1x250x40xi32, #tpu.memory_space<hbm>> -> memref<250x40xi32, #tpu.memory_space<hbm>>
      %dma_start3A_61 = arith.constant 0 : i32
      %dma_start3A_62 = arith.constant 0 : i32
      %dma_start3A_63 = tpu.memref_slice %arg5[%add3A, %dma_start3A_61, %dma_start3A_62] : memref<64x250x40xi32, #tpu.memory_space<hbm>> -> memref<1x250x40xi32, #tpu.memory_space<hbm>>
      %dma_start3A_64 = tpu.memref_squeeze %dma_start3A_63 : memref<1x250x40xi32, #tpu.memory_space<hbm>> -> memref<250x40xi32, #tpu.memory_space<hbm>>
      tpu.enqueue_dma source(%dma_start3A_64 : memref<250x40xi32, #tpu.memory_space<hbm>>) target(%arg7 : memref<250x40xi32, #tpu.memory_space<vmem>>) target_semaphore(%run_scoped3A : memref<!tpu.dma_semaphore, #tpu.memory_space<semaphore_mem>>)
      %dma_wait3A_65 = arith.constant 0 : i32
      %dma_wait3A_66 = arith.constant 0 : i32
      %dma_wait3A_67 = tpu.memref_slice %arg5[%add3A, %dma_wait3A_65, %dma_wait3A_66] : memref<64x250x40xi32, #tpu.memory_space<hbm>> -> memref<1x250x40xi32, #tpu.memory_space<hbm>>
      %dma_wait3A_68 = tpu.memref_squeeze %dma_wait3A_67 : memref<1x250x40xi32, #tpu.memory_space<hbm>> -> memref<250x40xi32, #tpu.memory_space<hbm>>
      %dma_wait3A_69 = arith.constant 0 : i32
      %dma_wait3A_70 = arith.constant 0 : i32
      %dma_wait3A_71 = tpu.memref_slice %arg5[%add3A, %dma_wait3A_69, %dma_wait3A_70] : memref<64x250x40xi32, #tpu.memory_space<hbm>> -> memref<1x250x40xi32, #tpu.memory_space<hbm>>
      %dma_wait3A_72 = tpu.memref_squeeze %dma_wait3A_71 : memref<1x250x40xi32, #tpu.memory_space<hbm>> -> memref<250x40xi32, #tpu.memory_space<hbm>>
      tpu.wait_dma2 semaphore(%run_scoped3A : memref<!tpu.dma_semaphore, #tpu.memory_space<semaphore_mem>>) src(%dma_wait3A_72 : memref<250x40xi32, #tpu.memory_space<hbm>>) dst(%arg7 : memref<250x40xi32, #tpu.memory_space<vmem>>)
      tpu.yield
    }) : () -> ()
    %add3A_1 = arith.constant 32 : i32
    %add3A_2 = arith.addi %add3A_1, %add3A : i32
    "tpu.region"() ({
      %run_scoped3A = tpu.sem_alloc : memref<!tpu.dma_semaphore, #tpu.memory_space<semaphore_mem>>
      %dma_start3A_57 = arith.constant 0 : i32
      %dma_start3A_58 = arith.constant 0 : i32
      %dma_start3A_59 = tpu.memref_slice %arg5[%add3A_2, %dma_start3A_57, %dma_start3A_58] : memref<64x250x40xi32, #tpu.memory_space<hbm>> -> memref<1x250x40xi32, #tpu.memory_space<hbm>>
      %dma_start3A_60 = tpu.memref_squeeze %dma_start3A_59 : memref<1x250x40xi32, #tpu.memory_space<hbm>> -> memref<250x40xi32, #tpu.memory_space<hbm>>
      %dma_start3A_61 = arith.constant 0 : i32
      %dma_start3A_62 = arith.constant 0 : i32
      %dma_start3A_63 = tpu.memref_slice %arg5[%add3A_2, %dma_start3A_61, %dma_start3A_62] : memref<64x250x40xi32, #tpu.memory_space<hbm>> -> memref<1x250x40xi32, #tpu.memory_space<hbm>>
      %dma_start3A_64 = tpu.memref_squeeze %dma_start3A_63 : memref<1x250x40xi32, #tpu.memory_space<hbm>> -> memref<250x40xi32, #tpu.memory_space<hbm>>
      tpu.enqueue_dma source(%dma_start3A_64 : memref<250x40xi32, #tpu.memory_space<hbm>>) target(%arg8 : memref<250x40xi32, #tpu.memory_space<vmem>>) target_semaphore(%run_scoped3A : memref<!tpu.dma_semaphore, #tpu.memory_space<semaphore_mem>>)
      %dma_wait3A_65 = arith.constant 0 : i32
      %dma_wait3A_66 = arith.constant 0 : i32
      %dma_wait3A_67 = tpu.memref_slice %arg5[%add3A_2, %dma_wait3A_65, %dma_wait3A_66] : memref<64x250x40xi32, #tpu.memory_space<hbm>> -> memref<1x250x40xi32, #tpu.memory_space<hbm>>
      %dma_wait3A_68 = tpu.memref_squeeze %dma_wait3A_67 : memref<1x250x40xi32, #tpu.memory_space<hbm>> -> memref<250x40xi32, #tpu.memory_space<hbm>>
      %dma_wait3A_69 = arith.constant 0 : i32
      %dma_wait3A_70 = arith.constant 0 : i32
      %dma_wait3A_71 = tpu.memref_slice %arg5[%add3A_2, %dma_wait3A_69, %dma_wait3A_70] : memref<64x250x40xi32, #tpu.memory_space<hbm>> -> memref<1x250x40xi32, #tpu.memory_space<hbm>>
      %dma_wait3A_72 = tpu.memref_squeeze %dma_wait3A_71 : memref<1x250x40xi32, #tpu.memory_space<hbm>> -> memref<250x40xi32, #tpu.memory_space<hbm>>
      tpu.wait_dma2 semaphore(%run_scoped3A : memref<!tpu.dma_semaphore, #tpu.memory_space<semaphore_mem>>) src(%dma_wait3A_72 : memref<250x40xi32, #tpu.memory_space<hbm>>) dst(%arg8 : memref<250x40xi32, #tpu.memory_space<vmem>>)
      tpu.yield
    }) : () -> ()
    %mul3A_3 = arith.constant 10000 : i32
    %mul3A_4 = arith.muli %add3A, %mul3A_3 : i32
    %dma_start3A = arith.constant 0 : i32
    %dma_start3A_5 = arith.constant 0 : i32
    %dma_start3A_6 = tpu.memref_slice %arg7[%dma_start3A, %dma_start3A_5] : memref<250x40xi32, #tpu.memory_space<vmem>> -> memref<1x40xi32, #tpu.memory_space<vmem>>
    %dma_start3A_7 = tpu.memref_squeeze %dma_start3A_6 : memref<1x40xi32, #tpu.memory_space<vmem>> -> memref<40xi32, #tpu.memory_space<vmem>>
    %dma_start3A_8 = arith.constant 0 : i32
    %dma_start3A_9 = arith.constant 0 : i32
    %dma_start3A_10 = tpu.memref_slice %arg2[%dma_start3A_8, %dma_start3A_9] : memref<10000x16xf32, #tpu.memory_space<hbm>> -> memref<10000x16xf32, #tpu.memory_space<hbm>>
    tpu.enqueue_indirect_dma source(%dma_start3A_10 : memref<10000x16xf32, #tpu.memory_space<hbm>>) target(%arg9 : memref<40x16xf32, #tpu.memory_space<vmem>>) offsets(%dma_start3A_7 : memref<40xi32, #tpu.memory_space<vmem>>) semaphore(%arg17 : memref<!tpu.dma_semaphore, #tpu.memory_space<semaphore_mem>>)
    %dma_start3A_11 = arith.constant 0 : i32
    %dma_start3A_12 = arith.constant 0 : i32
    %dma_start3A_13 = tpu.memref_slice %arg8[%dma_start3A_11, %dma_start3A_12] : memref<250x40xi32, #tpu.memory_space<vmem>> -> memref<1x40xi32, #tpu.memory_space<vmem>>
    %dma_start3A_14 = tpu.memref_squeeze %dma_start3A_13 : memref<1x40xi32, #tpu.memory_space<vmem>> -> memref<40xi32, #tpu.memory_space<vmem>>
    %dma_start3A_15 = arith.constant 0 : i32
    %dma_start3A_16 = arith.constant 0 : i32
    %dma_start3A_17 = tpu.memref_slice %arg3[%dma_start3A_15, %dma_start3A_16] : memref<10000x16xf32, #tpu.memory_space<hbm>> -> memref<10000x16xf32, #tpu.memory_space<hbm>>
    tpu.enqueue_indirect_dma source(%dma_start3A_17 : memref<10000x16xf32, #tpu.memory_space<hbm>>) target(%arg11 : memref<40x16xf32, #tpu.memory_space<vmem>>) offsets(%dma_start3A_14 : memref<40xi32, #tpu.memory_space<vmem>>) semaphore(%arg19 : memref<!tpu.dma_semaphore, #tpu.memory_space<semaphore_mem>>)
    %add3A_18 = arith.constant 0 : i32
    %add3A_19 = arith.addi %mul3A_4, %add3A_18 : i32
    %dma_start3A_20 = arith.constant 0 : i32
    %dma_start3A_21 = tpu.memref_slice %arg4[%add3A_19, %dma_start3A_20] : memref<320000x16xf32, #tpu.memory_space<hbm>> -> memref<40x16xf32, #tpu.memory_space<hbm>>
    %dma_start3A_22 = arith.constant 0 : i32
    %dma_start3A_23 = tpu.memref_slice %arg4[%add3A_19, %dma_start3A_22] : memref<320000x16xf32, #tpu.memory_space<hbm>> -> memref<40x16xf32, #tpu.memory_space<hbm>>
    tpu.enqueue_dma source(%dma_start3A_23 : memref<40x16xf32, #tpu.memory_space<hbm>>) target(%arg13 : memref<40x16xf32, #tpu.memory_space<vmem>>) target_semaphore(%arg21 : memref<!tpu.dma_semaphore, #tpu.memory_space<semaphore_mem>>)
    %dma_start3A_24 = arith.constant 1 : i32
    %dma_start3A_25 = arith.constant 0 : i32
    %dma_start3A_26 = tpu.memref_slice %arg7[%dma_start3A_24, %dma_start3A_25] : memref<250x40xi32, #tpu.memory_space<vmem>> -> memref<1x40xi32, #tpu.memory_space<vmem>>
    %dma_start3A_27 = tpu.memref_squeeze %dma_start3A_26 : memref<1x40xi32, #tpu.memory_space<vmem>> -> memref<40xi32, #tpu.memory_space<vmem>>
    %dma_start3A_28 = arith.constant 0 : i32
    %dma_start3A_29 = arith.constant 0 : i32
    %dma_start3A_30 = tpu.memref_slice %arg2[%dma_start3A_28, %dma_start3A_29] : memref<10000x16xf32, #tpu.memory_space<hbm>> -> memref<10000x16xf32, #tpu.memory_space<hbm>>
    tpu.enqueue_indirect_dma source(%dma_start3A_30 : memref<10000x16xf32, #tpu.memory_space<hbm>>) target(%arg10 : memref<40x16xf32, #tpu.memory_space<vmem>>) offsets(%dma_start3A_27 : memref<40xi32, #tpu.memory_space<vmem>>) semaphore(%arg18 : memref<!tpu.dma_semaphore, #tpu.memory_space<semaphore_mem>>)
    %dma_start3A_31 = arith.constant 1 : i32
    %dma_start3A_32 = arith.constant 0 : i32
    %dma_start3A_33 = tpu.memref_slice %arg8[%dma_start3A_31, %dma_start3A_32] : memref<250x40xi32, #tpu.memory_space<vmem>> -> memref<1x40xi32, #tpu.memory_space<vmem>>
    %dma_start3A_34 = tpu.memref_squeeze %dma_start3A_33 : memref<1x40xi32, #tpu.memory_space<vmem>> -> memref<40xi32, #tpu.memory_space<vmem>>
    %dma_start3A_35 = arith.constant 0 : i32
    %dma_start3A_36 = arith.constant 0 : i32
    %dma_start3A_37 = tpu.memref_slice %arg3[%dma_start3A_35, %dma_start3A_36] : memref<10000x16xf32, #tpu.memory_space<hbm>> -> memref<10000x16xf32, #tpu.memory_space<hbm>>
    tpu.enqueue_indirect_dma source(%dma_start3A_37 : memref<10000x16xf32, #tpu.memory_space<hbm>>) target(%arg12 : memref<40x16xf32, #tpu.memory_space<vmem>>) offsets(%dma_start3A_34 : memref<40xi32, #tpu.memory_space<vmem>>) semaphore(%arg20 : memref<!tpu.dma_semaphore, #tpu.memory_space<semaphore_mem>>)
    %add3A_38 = arith.constant 40 : i32
    %add3A_39 = arith.addi %mul3A_4, %add3A_38 : i32
    %dma_start3A_40 = arith.constant 0 : i32
    %dma_start3A_41 = tpu.memref_slice %arg4[%add3A_39, %dma_start3A_40] : memref<320000x16xf32, #tpu.memory_space<hbm>> -> memref<40x16xf32, #tpu.memory_space<hbm>>
    %dma_start3A_42 = arith.constant 0 : i32
    %dma_start3A_43 = tpu.memref_slice %arg4[%add3A_39, %dma_start3A_42] : memref<320000x16xf32, #tpu.memory_space<hbm>> -> memref<40x16xf32, #tpu.memory_space<hbm>>
    tpu.enqueue_dma source(%dma_start3A_43 : memref<40x16xf32, #tpu.memory_space<hbm>>) target(%arg14 : memref<40x16xf32, #tpu.memory_space<vmem>>) target_semaphore(%arg22 : memref<!tpu.dma_semaphore, #tpu.memory_space<semaphore_mem>>)
    %scan3A = arith.constant 0 : i32
    %scan3A_44 = arith.constant 0 : i32
    %scan3A_45 = arith.constant 125 : i32
    %scan3A_46 = arith.addi %scan3A_44, %scan3A_45 : i32
    %scan3A_47 = arith.constant 1 : i32
    %scan3A_48 = scf.for %scan3A_57 = %scan3A_44 to %scan3A_46 step %scan3A_47 iter_args(%scan3A_58 = %scan3A) -> (i32)  : i32 {
      %mul3A_59 = arith.constant 2 : i32
      %mul3A_60 = arith.muli %mul3A_59, %scan3A_57 : i32
      %add3A_61 = arith.constant 0 : i32
      %add3A_62 = arith.addi %mul3A_60, %add3A_61 : i32
      %dma_wait3A_63 = arith.constant 0 : i32
      %dma_wait3A_64 = tpu.memref_slice %arg7[%add3A_62, %dma_wait3A_63] : memref<250x40xi32, #tpu.memory_space<vmem>> -> memref<1x40xi32, #tpu.memory_space<vmem>>
      %dma_wait3A_65 = tpu.memref_squeeze %dma_wait3A_64 : memref<1x40xi32, #tpu.memory_space<vmem>> -> memref<40xi32, #tpu.memory_space<vmem>>
      %dma_wait3A_66 = arith.constant 0 : i32
      %dma_wait3A_67 = arith.constant 0 : i32
      %dma_wait3A_68 = tpu.memref_slice %arg2[%dma_wait3A_66, %dma_wait3A_67] : memref<10000x16xf32, #tpu.memory_space<hbm>> -> memref<10000x16xf32, #tpu.memory_space<hbm>>
      tpu.wait_indirect_dma semaphore(%arg17 : memref<!tpu.dma_semaphore, #tpu.memory_space<semaphore_mem>>) src(%dma_wait3A_68 : memref<10000x16xf32, #tpu.memory_space<hbm>>) dst(%arg9 : memref<40x16xf32, #tpu.memory_space<vmem>>)
      %dma_wait3A_69 = arith.constant 0 : i32
      %dma_wait3A_70 = tpu.memref_slice %arg8[%add3A_62, %dma_wait3A_69] : memref<250x40xi32, #tpu.memory_space<vmem>> -> memref<1x40xi32, #tpu.memory_space<vmem>>
      %dma_wait3A_71 = tpu.memref_squeeze %dma_wait3A_70 : memref<1x40xi32, #tpu.memory_space<vmem>> -> memref<40xi32, #tpu.memory_space<vmem>>
      %dma_wait3A_72 = arith.constant 0 : i32
      %dma_wait3A_73 = arith.constant 0 : i32
      %dma_wait3A_74 = tpu.memref_slice %arg3[%dma_wait3A_72, %dma_wait3A_73] : memref<10000x16xf32, #tpu.memory_space<hbm>> -> memref<10000x16xf32, #tpu.memory_space<hbm>>
      tpu.wait_indirect_dma semaphore(%arg19 : memref<!tpu.dma_semaphore, #tpu.memory_space<semaphore_mem>>) src(%dma_wait3A_74 : memref<10000x16xf32, #tpu.memory_space<hbm>>) dst(%arg11 : memref<40x16xf32, #tpu.memory_space<vmem>>)
      %dma_wait3A_75 = arith.constant 0 : i32
      %dma_wait3A_76 = tpu.memref_slice %arg4[%mul3A_4, %dma_wait3A_75] : memref<320000x16xf32, #tpu.memory_space<hbm>> -> memref<40x16xf32, #tpu.memory_space<hbm>>
      %dma_wait3A_77 = arith.constant 0 : i32
      %dma_wait3A_78 = tpu.memref_slice %arg4[%mul3A_4, %dma_wait3A_77] : memref<320000x16xf32, #tpu.memory_space<hbm>> -> memref<40x16xf32, #tpu.memory_space<hbm>>
      tpu.wait_dma2 semaphore(%arg21 : memref<!tpu.dma_semaphore, #tpu.memory_space<semaphore_mem>>) src(%dma_wait3A_78 : memref<40x16xf32, #tpu.memory_space<hbm>>) dst(%arg13 : memref<40x16xf32, #tpu.memory_space<vmem>>)
      %gt3A = arith.constant 0 : i32
      %gt3A_79 = arith.cmpi sgt, %scan3A_57, %gt3A : i32
      %convert_element_type3A = arith.extui %gt3A_79 : i1 to i32
      %cond3A = arith.constant 0 : i32
      %cond3A_80 = arith.cmpi ne, %convert_element_type3A, %cond3A : i32
      scf.if %cond3A_80 {
        %dma_wait3A_144 = arith.constant 0 : i32
        %dma_wait3A_145 = tpu.memref_slice %arg6[%mul3A_4, %dma_wait3A_144] : memref<320000x16xf32, #tpu.memory_space<hbm>> -> memref<40x16xf32, #tpu.memory_space<hbm>>
        %dma_wait3A_146 = arith.constant 0 : i32
        %dma_wait3A_147 = tpu.memref_slice %arg6[%mul3A_4, %dma_wait3A_146] : memref<320000x16xf32, #tpu.memory_space<hbm>> -> memref<40x16xf32, #tpu.memory_space<hbm>>
        tpu.wait_dma2 semaphore(%arg23 : memref<!tpu.dma_semaphore, #tpu.memory_space<semaphore_mem>>) src(%arg15 : memref<40x16xf32, #tpu.memory_space<vmem>>) dst(%dma_wait3A_147 : memref<40x16xf32, #tpu.memory_space<hbm>>)
      } else {
      }
      %scan3A_81 = arith.constant 0 : i32
      %scan3A_82 = arith.constant 0 : i32
      %scan3A_83 = arith.constant 40 : i32
      %scan3A_84 = arith.addi %scan3A_82, %scan3A_83 : i32
      %scan3A_85 = arith.constant 1 : i32
      %scan3A_86 = scf.for %scan3A_144 = %scan3A_82 to %scan3A_84 step %scan3A_85 iter_args(%scan3A_145 = %scan3A_81) -> (i32)  : i32 {
        %get3A = arith.index_cast %scan3A_144 : i32 to index
        %get3A_146 = arith.constant 0 : index
        %get3A_147 = tpu.vector_load %arg9[%get3A, %get3A_146] {strides = array<i32>} : memref<40x16xf32, #tpu.memory_space<vmem>>, vector<1x16xf32>,
        %get3A_148 = vector.shape_cast %get3A_147 : vector<1x16xf32> to vector<16xf32>
        %get3A_149 = arith.index_cast %scan3A_144 : i32 to index
        %get3A_150 = arith.constant 0 : index
        %get3A_151 = tpu.vector_load %arg11[%get3A_149, %get3A_150] {strides = array<i32>} : memref<40x16xf32, #tpu.memory_space<vmem>>, vector<1x16xf32>,
        %get3A_152 = vector.shape_cast %get3A_151 : vector<1x16xf32> to vector<16xf32>
        %add3A_153 = arith.addf %get3A_148, %get3A_152 : vector<16xf32>
        %get3A_154 = arith.index_cast %scan3A_144 : i32 to index
        %get3A_155 = arith.constant 0 : index
        %get3A_156 = tpu.vector_load %arg13[%get3A_154, %get3A_155] {strides = array<i32>} : memref<40x16xf32, #tpu.memory_space<vmem>>, vector<1x16xf32>,
        %get3A_157 = vector.shape_cast %get3A_156 : vector<1x16xf32> to vector<16xf32>
        %add3A_158 = arith.addf %add3A_153, %get3A_157 : vector<16xf32>
        %swap3A = arith.index_cast %scan3A_144 : i32 to index
        %swap3A_159 = arith.constant 0 : index
        %swap3A_160 = tpu.vector_load %arg15[%swap3A, %swap3A_159] {strides = array<i32>} : memref<40x16xf32, #tpu.memory_space<vmem>>, vector<1x16xf32>,
        %swap3A_161 = vector.shape_cast %swap3A_160 : vector<1x16xf32> to vector<16xf32>
        %swap3A_162 = vector.shape_cast %add3A_158 : vector<16xf32> to vector<1x16xf32>
        tpu.vector_store %arg15[%swap3A, %swap3A_159], %swap3A_162 {strides = array<i32>} : memref<40x16xf32, #tpu.memory_space<vmem>>, vector<1x16xf32>,
        %scan3A_163 = arith.constant 0 : i32
        scf.yield %scan3A_163 : i32
      }
      %scan3A_87 = arith.constant 40 : i32
      %mul3A_88 = arith.constant 40 : i32
      %mul3A_89 = arith.muli %add3A_62, %mul3A_88 : i32
      %add3A_90 = arith.addi %mul3A_4, %mul3A_89 : i32
      %dma_start3A_91 = arith.constant 0 : i32
      %dma_start3A_92 = tpu.memref_slice %arg6[%add3A_90, %dma_start3A_91] : memref<320000x16xf32, #tpu.memory_space<hbm>> -> memref<40x16xf32, #tpu.memory_space<hbm>>
      %dma_start3A_93 = arith.constant 0 : i32
      %dma_start3A_94 = tpu.memref_slice %arg6[%add3A_90, %dma_start3A_93] : memref<320000x16xf32, #tpu.memory_space<hbm>> -> memref<40x16xf32, #tpu.memory_space<hbm>>
      tpu.enqueue_dma source(%arg15 : memref<40x16xf32, #tpu.memory_space<vmem>>) target(%dma_start3A_94 : memref<40x16xf32, #tpu.memory_space<hbm>>) target_semaphore(%arg23 : memref<!tpu.dma_semaphore, #tpu.memory_space<semaphore_mem>>)
      %lt3A = arith.constant 124 : i32
      %lt3A_95 = arith.cmpi slt, %scan3A_57, %lt3A : i32
      %convert_element_type3A_96 = arith.extui %lt3A_95 : i1 to i32
      %cond3A_97 = arith.constant 0 : i32
      %cond3A_98 = arith.cmpi ne, %convert_element_type3A_96, %cond3A_97 : i32
      scf.if %cond3A_98 {
        %add3A_144 = arith.constant 2 : i32
        %add3A_145 = arith.addi %add3A_62, %add3A_144 : i32
        %dma_start3A_146 = arith.constant 0 : i32
        %dma_start3A_147 = tpu.memref_slice %arg7[%add3A_145, %dma_start3A_146] : memref<250x40xi32, #tpu.memory_space<vmem>> -> memref<1x40xi32, #tpu.memory_space<vmem>>
        %dma_start3A_148 = tpu.memref_squeeze %dma_start3A_147 : memref<1x40xi32, #tpu.memory_space<vmem>> -> memref<40xi32, #tpu.memory_space<vmem>>
        %dma_start3A_149 = arith.constant 0 : i32
        %dma_start3A_150 = arith.constant 0 : i32
        %dma_start3A_151 = tpu.memref_slice %arg2[%dma_start3A_149, %dma_start3A_150] : memref<10000x16xf32, #tpu.memory_space<hbm>> -> memref<10000x16xf32, #tpu.memory_space<hbm>>
        tpu.enqueue_indirect_dma source(%dma_start3A_151 : memref<10000x16xf32, #tpu.memory_space<hbm>>) target(%arg9 : memref<40x16xf32, #tpu.memory_space<vmem>>) offsets(%dma_start3A_148 : memref<40xi32, #tpu.memory_space<vmem>>) semaphore(%arg17 : memref<!tpu.dma_semaphore, #tpu.memory_space<semaphore_mem>>)
        %dma_start3A_152 = arith.constant 0 : i32
        %dma_start3A_153 = tpu.memref_slice %arg8[%add3A_145, %dma_start3A_152] : memref<250x40xi32, #tpu.memory_space<vmem>> -> memref<1x40xi32, #tpu.memory_space<vmem>>
        %dma_start3A_154 = tpu.memref_squeeze %dma_start3A_153 : memref<1x40xi32, #tpu.memory_space<vmem>> -> memref<40xi32, #tpu.memory_space<vmem>>
        %dma_start3A_155 = arith.constant 0 : i32
        %dma_start3A_156 = arith.constant 0 : i32
        %dma_start3A_157 = tpu.memref_slice %arg3[%dma_start3A_155, %dma_start3A_156] : memref<10000x16xf32, #tpu.memory_space<hbm>> -> memref<10000x16xf32, #tpu.memory_space<hbm>>
        tpu.enqueue_indirect_dma source(%dma_start3A_157 : memref<10000x16xf32, #tpu.memory_space<hbm>>) target(%arg11 : memref<40x16xf32, #tpu.memory_space<vmem>>) offsets(%dma_start3A_154 : memref<40xi32, #tpu.memory_space<vmem>>) semaphore(%arg19 : memref<!tpu.dma_semaphore, #tpu.memory_space<semaphore_mem>>)
        %mul3A_158 = arith.constant 40 : i32
        %mul3A_159 = arith.muli %add3A_145, %mul3A_158 : i32
        %add3A_160 = arith.addi %mul3A_4, %mul3A_159 : i32
        %dma_start3A_161 = arith.constant 0 : i32
        %dma_start3A_162 = tpu.memref_slice %arg4[%add3A_160, %dma_start3A_161] : memref<320000x16xf32, #tpu.memory_space<hbm>> -> memref<40x16xf32, #tpu.memory_space<hbm>>
        %dma_start3A_163 = arith.constant 0 : i32
        %dma_start3A_164 = tpu.memref_slice %arg4[%add3A_160, %dma_start3A_163] : memref<320000x16xf32, #tpu.memory_space<hbm>> -> memref<40x16xf32, #tpu.memory_space<hbm>>
        tpu.enqueue_dma source(%dma_start3A_164 : memref<40x16xf32, #tpu.memory_space<hbm>>) target(%arg13 : memref<40x16xf32, #tpu.memory_space<vmem>>) target_semaphore(%arg21 : memref<!tpu.dma_semaphore, #tpu.memory_space<semaphore_mem>>)
      } else {
      }
      %mul3A_99 = arith.constant 2 : i32
      %mul3A_100 = arith.muli %mul3A_99, %scan3A_57 : i32
      %add3A_101 = arith.constant 1 : i32
      %add3A_102 = arith.addi %mul3A_100, %add3A_101 : i32
      %dma_wait3A_103 = arith.constant 0 : i32
      %dma_wait3A_104 = tpu.memref_slice %arg7[%add3A_102, %dma_wait3A_103] : memref<250x40xi32, #tpu.memory_space<vmem>> -> memref<1x40xi32, #tpu.memory_space<vmem>>
      %dma_wait3A_105 = tpu.memref_squeeze %dma_wait3A_104 : memref<1x40xi32, #tpu.memory_space<vmem>> -> memref<40xi32, #tpu.memory_space<vmem>>
      %dma_wait3A_106 = arith.constant 0 : i32
      %dma_wait3A_107 = arith.constant 0 : i32
      %dma_wait3A_108 = tpu.memref_slice %arg2[%dma_wait3A_106, %dma_wait3A_107] : memref<10000x16xf32, #tpu.memory_space<hbm>> -> memref<10000x16xf32, #tpu.memory_space<hbm>>
      tpu.wait_indirect_dma semaphore(%arg18 : memref<!tpu.dma_semaphore, #tpu.memory_space<semaphore_mem>>) src(%dma_wait3A_108 : memref<10000x16xf32, #tpu.memory_space<hbm>>) dst(%arg10 : memref<40x16xf32, #tpu.memory_space<vmem>>)
      %dma_wait3A_109 = arith.constant 0 : i32
      %dma_wait3A_110 = tpu.memref_slice %arg8[%add3A_102, %dma_wait3A_109] : memref<250x40xi32, #tpu.memory_space<vmem>> -> memref<1x40xi32, #tpu.memory_space<vmem>>
      %dma_wait3A_111 = tpu.memref_squeeze %dma_wait3A_110 : memref<1x40xi32, #tpu.memory_space<vmem>> -> memref<40xi32, #tpu.memory_space<vmem>>
      %dma_wait3A_112 = arith.constant 0 : i32
      %dma_wait3A_113 = arith.constant 0 : i32
      %dma_wait3A_114 = tpu.memref_slice %arg3[%dma_wait3A_112, %dma_wait3A_113] : memref<10000x16xf32, #tpu.memory_space<hbm>> -> memref<10000x16xf32, #tpu.memory_space<hbm>>
      tpu.wait_indirect_dma semaphore(%arg20 : memref<!tpu.dma_semaphore, #tpu.memory_space<semaphore_mem>>) src(%dma_wait3A_114 : memref<10000x16xf32, #tpu.memory_space<hbm>>) dst(%arg12 : memref<40x16xf32, #tpu.memory_space<vmem>>)
      %dma_wait3A_115 = arith.constant 0 : i32
      %dma_wait3A_116 = tpu.memref_slice %arg4[%mul3A_4, %dma_wait3A_115] : memref<320000x16xf32, #tpu.memory_space<hbm>> -> memref<40x16xf32, #tpu.memory_space<hbm>>
      %dma_wait3A_117 = arith.constant 0 : i32
      %dma_wait3A_118 = tpu.memref_slice %arg4[%mul3A_4, %dma_wait3A_117] : memref<320000x16xf32, #tpu.memory_space<hbm>> -> memref<40x16xf32, #tpu.memory_space<hbm>>
      tpu.wait_dma2 semaphore(%arg22 : memref<!tpu.dma_semaphore, #tpu.memory_space<semaphore_mem>>) src(%dma_wait3A_118 : memref<40x16xf32, #tpu.memory_space<hbm>>) dst(%arg14 : memref<40x16xf32, #tpu.memory_space<vmem>>)
      %gt3A_119 = arith.constant 0 : i32
      %gt3A_120 = arith.cmpi sgt, %scan3A_57, %gt3A_119 : i32
      %convert_element_type3A_121 = arith.extui %gt3A_120 : i1 to i32
      %cond3A_122 = arith.constant 0 : i32
      %cond3A_123 = arith.cmpi ne, %convert_element_type3A_121, %cond3A_122 : i32
      scf.if %cond3A_123 {
        %dma_wait3A_144 = arith.constant 0 : i32
        %dma_wait3A_145 = tpu.memref_slice %arg6[%mul3A_4, %dma_wait3A_144] : memref<320000x16xf32, #tpu.memory_space<hbm>> -> memref<40x16xf32, #tpu.memory_space<hbm>>
        %dma_wait3A_146 = arith.constant 0 : i32
        %dma_wait3A_147 = tpu.memref_slice %arg6[%mul3A_4, %dma_wait3A_146] : memref<320000x16xf32, #tpu.memory_space<hbm>> -> memref<40x16xf32, #tpu.memory_space<hbm>>
        tpu.wait_dma2 semaphore(%arg24 : memref<!tpu.dma_semaphore, #tpu.memory_space<semaphore_mem>>) src(%arg16 : memref<40x16xf32, #tpu.memory_space<vmem>>) dst(%dma_wait3A_147 : memref<40x16xf32, #tpu.memory_space<hbm>>)
      } else {
      }
      %scan3A_124 = arith.constant 0 : i32
      %scan3A_125 = arith.constant 0 : i32
      %scan3A_126 = arith.constant 40 : i32
      %scan3A_127 = arith.addi %scan3A_125, %scan3A_126 : i32
      %scan3A_128 = arith.constant 1 : i32
      %scan3A_129 = scf.for %scan3A_144 = %scan3A_125 to %scan3A_127 step %scan3A_128 iter_args(%scan3A_145 = %scan3A_124) -> (i32)  : i32 {
        %get3A = arith.index_cast %scan3A_144 : i32 to index
        %get3A_146 = arith.constant 0 : index
        %get3A_147 = tpu.vector_load %arg10[%get3A, %get3A_146] {strides = array<i32>} : memref<40x16xf32, #tpu.memory_space<vmem>>, vector<1x16xf32>,
        %get3A_148 = vector.shape_cast %get3A_147 : vector<1x16xf32> to vector<16xf32>
        %get3A_149 = arith.index_cast %scan3A_144 : i32 to index
        %get3A_150 = arith.constant 0 : index
        %get3A_151 = tpu.vector_load %arg12[%get3A_149, %get3A_150] {strides = array<i32>} : memref<40x16xf32, #tpu.memory_space<vmem>>, vector<1x16xf32>,
        %get3A_152 = vector.shape_cast %get3A_151 : vector<1x16xf32> to vector<16xf32>
        %add3A_153 = arith.addf %get3A_148, %get3A_152 : vector<16xf32>
        %get3A_154 = arith.index_cast %scan3A_144 : i32 to index
        %get3A_155 = arith.constant 0 : index
        %get3A_156 = tpu.vector_load %arg14[%get3A_154, %get3A_155] {strides = array<i32>} : memref<40x16xf32, #tpu.memory_space<vmem>>, vector<1x16xf32>,
        %get3A_157 = vector.shape_cast %get3A_156 : vector<1x16xf32> to vector<16xf32>
        %add3A_158 = arith.addf %add3A_153, %get3A_157 : vector<16xf32>
        %swap3A = arith.index_cast %scan3A_144 : i32 to index
        %swap3A_159 = arith.constant 0 : index
        %swap3A_160 = tpu.vector_load %arg16[%swap3A, %swap3A_159] {strides = array<i32>} : memref<40x16xf32, #tpu.memory_space<vmem>>, vector<1x16xf32>,
        %swap3A_161 = vector.shape_cast %swap3A_160 : vector<1x16xf32> to vector<16xf32>
        %swap3A_162 = vector.shape_cast %add3A_158 : vector<16xf32> to vector<1x16xf32>
        tpu.vector_store %arg16[%swap3A, %swap3A_159], %swap3A_162 {strides = array<i32>} : memref<40x16xf32, #tpu.memory_space<vmem>>, vector<1x16xf32>,
        %scan3A_163 = arith.constant 0 : i32
        scf.yield %scan3A_163 : i32
      }
      %scan3A_130 = arith.constant 40 : i32
      %mul3A_131 = arith.constant 40 : i32
      %mul3A_132 = arith.muli %add3A_102, %mul3A_131 : i32
      %add3A_133 = arith.addi %mul3A_4, %mul3A_132 : i32
      %dma_start3A_134 = arith.constant 0 : i32
      %dma_start3A_135 = tpu.memref_slice %arg6[%add3A_133, %dma_start3A_134] : memref<320000x16xf32, #tpu.memory_space<hbm>> -> memref<40x16xf32, #tpu.memory_space<hbm>>
      %dma_start3A_136 = arith.constant 0 : i32
      %dma_start3A_137 = tpu.memref_slice %arg6[%add3A_133, %dma_start3A_136] : memref<320000x16xf32, #tpu.memory_space<hbm>> -> memref<40x16xf32, #tpu.memory_space<hbm>>
      tpu.enqueue_dma source(%arg16 : memref<40x16xf32, #tpu.memory_space<vmem>>) target(%dma_start3A_137 : memref<40x16xf32, #tpu.memory_space<hbm>>) target_semaphore(%arg24 : memref<!tpu.dma_semaphore, #tpu.memory_space<semaphore_mem>>)
      %lt3A_138 = arith.constant 124 : i32
      %lt3A_139 = arith.cmpi slt, %scan3A_57, %lt3A_138 : i32
      %convert_element_type3A_140 = arith.extui %lt3A_139 : i1 to i32
      %cond3A_141 = arith.constant 0 : i32
      %cond3A_142 = arith.cmpi ne, %convert_element_type3A_140, %cond3A_141 : i32
      scf.if %cond3A_142 {
        %add3A_144 = arith.constant 2 : i32
        %add3A_145 = arith.addi %add3A_102, %add3A_144 : i32
        %dma_start3A_146 = arith.constant 0 : i32
        %dma_start3A_147 = tpu.memref_slice %arg7[%add3A_145, %dma_start3A_146] : memref<250x40xi32, #tpu.memory_space<vmem>> -> memref<1x40xi32, #tpu.memory_space<vmem>>
        %dma_start3A_148 = tpu.memref_squeeze %dma_start3A_147 : memref<1x40xi32, #tpu.memory_space<vmem>> -> memref<40xi32, #tpu.memory_space<vmem>>
        %dma_start3A_149 = arith.constant 0 : i32
        %dma_start3A_150 = arith.constant 0 : i32
        %dma_start3A_151 = tpu.memref_slice %arg2[%dma_start3A_149, %dma_start3A_150] : memref<10000x16xf32, #tpu.memory_space<hbm>> -> memref<10000x16xf32, #tpu.memory_space<hbm>>
        tpu.enqueue_indirect_dma source(%dma_start3A_151 : memref<10000x16xf32, #tpu.memory_space<hbm>>) target(%arg10 : memref<40x16xf32, #tpu.memory_space<vmem>>) offsets(%dma_start3A_148 : memref<40xi32, #tpu.memory_space<vmem>>) semaphore(%arg18 : memref<!tpu.dma_semaphore, #tpu.memory_space<semaphore_mem>>)
        %dma_start3A_152 = arith.constant 0 : i32
        %dma_start3A_153 = tpu.memref_slice %arg8[%add3A_145, %dma_start3A_152] : memref<250x40xi32, #tpu.memory_space<vmem>> -> memref<1x40xi32, #tpu.memory_space<vmem>>
        %dma_start3A_154 = tpu.memref_squeeze %dma_start3A_153 : memref<1x40xi32, #tpu.memory_space<vmem>> -> memref<40xi32, #tpu.memory_space<vmem>>
        %dma_start3A_155 = arith.constant 0 : i32
        %dma_start3A_156 = arith.constant 0 : i32
        %dma_start3A_157 = tpu.memref_slice %arg3[%dma_start3A_155, %dma_start3A_156] : memref<10000x16xf32, #tpu.memory_space<hbm>> -> memref<10000x16xf32, #tpu.memory_space<hbm>>
        tpu.enqueue_indirect_dma source(%dma_start3A_157 : memref<10000x16xf32, #tpu.memory_space<hbm>>) target(%arg12 : memref<40x16xf32, #tpu.memory_space<vmem>>) offsets(%dma_start3A_154 : memref<40xi32, #tpu.memory_space<vmem>>) semaphore(%arg20 : memref<!tpu.dma_semaphore, #tpu.memory_space<semaphore_mem>>)
        %mul3A_158 = arith.constant 40 : i32
        %mul3A_159 = arith.muli %add3A_145, %mul3A_158 : i32
        %add3A_160 = arith.addi %mul3A_4, %mul3A_159 : i32
        %dma_start3A_161 = arith.constant 0 : i32
        %dma_start3A_162 = tpu.memref_slice %arg4[%add3A_160, %dma_start3A_161] : memref<320000x16xf32, #tpu.memory_space<hbm>> -> memref<40x16xf32, #tpu.memory_space<hbm>>
        %dma_start3A_163 = arith.constant 0 : i32
        %dma_start3A_164 = tpu.memref_slice %arg4[%add3A_160, %dma_start3A_163] : memref<320000x16xf32, #tpu.memory_space<hbm>> -> memref<40x16xf32, #tpu.memory_space<hbm>>
        tpu.enqueue_dma source(%dma_start3A_164 : memref<40x16xf32, #tpu.memory_space<hbm>>) target(%arg14 : memref<40x16xf32, #tpu.memory_space<vmem>>) target_semaphore(%arg22 : memref<!tpu.dma_semaphore, #tpu.memory_space<semaphore_mem>>)
      } else {
      }
      %scan3A_143 = arith.constant 0 : i32
      scf.yield %scan3A_143 : i32
    }
    %scan3A_49 = arith.constant 125 : i32
    %dma_wait3A = arith.constant 0 : i32
    %dma_wait3A_50 = tpu.memref_slice %arg6[%mul3A_4, %dma_wait3A] : memref<320000x16xf32, #tpu.memory_space<hbm>> -> memref<40x16xf32, #tpu.memory_space<hbm>>
    %dma_wait3A_51 = arith.constant 0 : i32
    %dma_wait3A_52 = tpu.memref_slice %arg6[%mul3A_4, %dma_wait3A_51] : memref<320000x16xf32, #tpu.memory_space<hbm>> -> memref<40x16xf32, #tpu.memory_space<hbm>>
    tpu.wait_dma2 semaphore(%arg23 : memref<!tpu.dma_semaphore, #tpu.memory_space<semaphore_mem>>) src(%arg15 : memref<40x16xf32, #tpu.memory_space<vmem>>) dst(%dma_wait3A_52 : memref<40x16xf32, #tpu.memory_space<hbm>>)
    %dma_wait3A_53 = arith.constant 0 : i32
    %dma_wait3A_54 = tpu.memref_slice %arg6[%mul3A_4, %dma_wait3A_53] : memref<320000x16xf32, #tpu.memory_space<hbm>> -> memref<40x16xf32, #tpu.memory_space<hbm>>
    %dma_wait3A_55 = arith.constant 0 : i32
    %dma_wait3A_56 = tpu.memref_slice %arg6[%mul3A_4, %dma_wait3A_55] : memref<320000x16xf32, #tpu.memory_space<hbm>> -> memref<40x16xf32, #tpu.memory_space<hbm>>
    tpu.wait_dma2 semaphore(%arg24 : memref<!tpu.dma_semaphore, #tpu.memory_space<semaphore_mem>>) src(%arg16 : memref<40x16xf32, #tpu.memory_space<vmem>>) dst(%dma_wait3A_56 : memref<40x16xf32, #tpu.memory_space<hbm>>)
    return
  }
}

#map = affine_map<(d0, d1) -> (0, 0)>
#map1 = affine_map<(d0, d1) -> (0, 0, 0, 0, 0)>
module attributes {stable_mosaic.version = 14 : i64} {
  func.func @_sc_ab_body(%arg0: i32, %arg1: i32, %arg2: memref<10240x64xf32, #tpu.memory_space<hbm>>, %arg3: memref<10240x64xf32, #tpu.memory_space<hbm>>, %arg4: memref<10240x64xf32, #tpu.memory_space<hbm>>, %arg5: memref<10240x64xf32, #tpu.memory_space<hbm>>, %arg6: memref<640000x128xf32, #tpu.memory_space<hbm>>, %arg7: memref<2x16x5x100x40xi32, #tpu.memory_space<hbm>>, %arg8: memref<20480x64xf32, #tpu.memory_space<hbm>>, %arg9: memref<20480x64xf32, #tpu.memory_space<hbm>>, %arg10: memref<20480x16xf32, #tpu.memory_space<hbm>>, %arg11: memref<100x40xi32, #tpu.memory_space<vmem>>, %arg12: memref<100x40xi32, #tpu.memory_space<vmem>>, %arg13: memref<40x64xf32, #tpu.memory_space<vmem>>, %arg14: memref<40x64xf32, #tpu.memory_space<vmem>>, %arg15: memref<40x64xf32, #tpu.memory_space<vmem>>, %arg16: memref<40x64xf32, #tpu.memory_space<vmem>>, %arg17: memref<40x64xf32, #tpu.memory_space<vmem>>, %arg18: memref<40x64xf32, #tpu.memory_space<vmem>>, %arg19: memref<40x64xf32, #tpu.memory_space<vmem>>, %arg20: memref<40x64xf32, #tpu.memory_space<vmem>>, %arg21: memref<40x16xf32, #tpu.memory_space<vmem>>, %arg22: memref<64x64xf32, #tpu.memory_space<vmem>>, %arg23: memref<64x16xf32, #tpu.memory_space<vmem>>, %arg24: memref<10240x64xf32, #tpu.memory_space<vmem_shared>>, %arg25: memref<10240x64xf32, #tpu.memory_space<vmem_shared>>, %arg26: memref<10240x16xf32, #tpu.memory_space<vmem_shared>>, %arg27: memref<!tpu.dma_semaphore, #tpu.memory_space<semaphore_mem>>, %arg28: memref<!tpu.dma_semaphore, #tpu.memory_space<semaphore_mem>>, %arg29: memref<!tpu.dma_semaphore, #tpu.memory_space<semaphore_mem>>, %arg30: memref<!tpu.dma_semaphore, #tpu.memory_space<semaphore_mem>>, %arg31: memref<!tpu.dma_semaphore, #tpu.memory_space<semaphore_mem>>, %arg32: memref<!tpu.dma_semaphore, #tpu.memory_space<semaphore_mem>>, %arg33: memref<!tpu.dma_semaphore, #tpu.memory_space<semaphore_mem>>, %arg34: memref<!tpu.dma_semaphore, #tpu.memory_space<semaphore_mem>>, %arg35: memref<!tpu.dma_semaphore, #tpu.memory_space<semaphore_mem>>, %arg36: memref<!tpu.dma_semaphore, #tpu.memory_space<semaphore_mem>>, %arg37: memref<!tpu.dma_semaphore, #tpu.memory_space<semaphore_mem>>, %arg38: memref<!tpu.dma_semaphore, #tpu.memory_space<semaphore_mem>>, %arg39: memref<!tpu.dma_semaphore, #tpu.memory_space<semaphore_mem>>, %arg40: memref<!tpu.dma_semaphore, #tpu.memory_space<semaphore_mem>>, %arg41: memref<!tpu.dma_semaphore, #tpu.memory_space<semaphore_mem>>, %arg42: memref<!tpu.dma_semaphore, #tpu.memory_space<semaphore_mem>>) attributes {dimension_semantics = [#tpu.dimension_semantics<core_parallel>, #tpu.dimension_semantics<subcore_parallel>], iteration_bounds = array<i64: 2, 16>, scalar_prefetch = 0 : i64, scratch_operands = 32 : i64, tpu.core_type = #tpu.core_type<sc_vector_subcore>, window_params = [{transform_indices = #map}, {transform_indices = #map}, {transform_indices = #map}, {transform_indices = #map}, {transform_indices = #map}, {transform_indices = #map1}, {transform_indices = #map}, {transform_indices = #map}, {transform_indices = #map}]} {
    %broadcast_in_dim3A = arith.constant 0.000000e+00 : f32
    %broadcast_in_dim3A_0 = vector.broadcast %broadcast_in_dim3A : f32 to vector<16xf32>
    %broadcast_in_dim3A_1 = arith.constant 1.000000e+00 : f32
    %broadcast_in_dim3A_2 = vector.broadcast %broadcast_in_dim3A_1 : f32 to vector<16xf32>
    %scan3A = arith.constant 0 : i32
    %scan3A_3 = arith.constant 0 : i32
    %scan3A_4 = arith.constant 40 : i32
    %scan3A_5 = arith.addi %scan3A_3, %scan3A_4 : i32
    %scan3A_6 = arith.constant 1 : i32
    %scan3A_7 = scf.for %scan3A_85 = %scan3A_3 to %scan3A_5 step %scan3A_6 iter_args(%scan3A_86 = %scan3A) -> (i32)  : i32 {
      %swap3A = arith.index_cast %scan3A_85 : i32 to index
      %swap3A_87 = arith.constant 0 : index
      %swap3A_88 = tpu.vector_load %arg21[%swap3A, %swap3A_87] {strides = array<i32>} : memref<40x16xf32, #tpu.memory_space<vmem>>, vector<1x16xf32>,
      %swap3A_89 = vector.shape_cast %swap3A_88 : vector<1x16xf32> to vector<16xf32>
      %swap3A_90 = vector.shape_cast %broadcast_in_dim3A_2 : vector<16xf32> to vector<1x16xf32>
      tpu.vector_store %arg21[%swap3A, %swap3A_87], %swap3A_90 {strides = array<i32>} : memref<40x16xf32, #tpu.memory_space<vmem>>, vector<1x16xf32>,
      %scan3A_91 = arith.constant 0 : i32
      scf.yield %scan3A_91 : i32
    }
    %scan3A_8 = arith.constant 40 : i32
    %mul3A = arith.constant 320000 : i32
    %mul3A_9 = arith.muli %arg0, %mul3A : i32
    %mul3A_10 = arith.constant 20000 : i32
    %mul3A_11 = arith.muli %arg1, %mul3A_10 : i32
    %add3A = arith.addi %mul3A_9, %mul3A_11 : i32
    %scan3A_12 = arith.constant 0 : i32
    %scan3A_13 = arith.constant 0 : i32
    %scan3A_14 = arith.constant 16 : i32
    %scan3A_15 = arith.addi %scan3A_13, %scan3A_14 : i32
    %scan3A_16 = arith.constant 1 : i32
    %scan3A_17 = scf.for %scan3A_85 = %scan3A_13 to %scan3A_15 step %scan3A_16 iter_args(%scan3A_86 = %scan3A_12) -> (i32)  : i32 {
      %mul3A_87 = arith.constant 640 : i32
      %mul3A_88 = arith.muli %arg1, %mul3A_87 : i32
      %mul3A_89 = arith.constant 40 : i32
      %mul3A_90 = arith.muli %scan3A_85, %mul3A_89 : i32
      %add3A_91 = arith.addi %mul3A_88, %mul3A_90 : i32
      %eq3A = arith.constant 0 : i32
      %eq3A_92 = arith.cmpi eq, %arg0, %eq3A : i32
      %convert_element_type3A = arith.extui %eq3A_92 : i1 to i32
      %cond3A = arith.constant 0 : i32
      %cond3A_93 = arith.cmpi ne, %convert_element_type3A, %cond3A : i32
      scf.if %cond3A_93 {
        "tpu.region"() ({
          %run_scoped3A = tpu.sem_alloc : memref<!tpu.dma_semaphore, #tpu.memory_space<semaphore_mem>>
          %dma_start3A = arith.constant 0 : i32
          %dma_start3A_100 = tpu.memref_slice %arg2[%add3A_91, %dma_start3A] : memref<10240x64xf32, #tpu.memory_space<hbm>> -> memref<40x64xf32, #tpu.memory_space<hbm>>
          %dma_start3A_101 = arith.constant 0 : i32
          %dma_start3A_102 = tpu.memref_slice %arg2[%add3A_91, %dma_start3A_101] : memref<10240x64xf32, #tpu.memory_space<hbm>> -> memref<40x64xf32, #tpu.memory_space<hbm>>
          tpu.enqueue_dma source(%dma_start3A_102 : memref<40x64xf32, #tpu.memory_space<hbm>>) target(%arg13 : memref<40x64xf32, #tpu.memory_space<vmem>>) target_semaphore(%run_scoped3A : memref<!tpu.dma_semaphore, #tpu.memory_space<semaphore_mem>>)
          %dma_wait3A = arith.constant 0 : i32
          %dma_wait3A_103 = tpu.memref_slice %arg2[%add3A_91, %dma_wait3A] : memref<10240x64xf32, #tpu.memory_space<hbm>> -> memref<40x64xf32, #tpu.memory_space<hbm>>
          %dma_wait3A_104 = arith.constant 0 : i32
          %dma_wait3A_105 = tpu.memref_slice %arg2[%add3A_91, %dma_wait3A_104] : memref<10240x64xf32, #tpu.memory_space<hbm>> -> memref<40x64xf32, #tpu.memory_space<hbm>>
          tpu.wait_dma2 semaphore(%run_scoped3A : memref<!tpu.dma_semaphore, #tpu.memory_space<semaphore_mem>>) src(%dma_wait3A_105 : memref<40x64xf32, #tpu.memory_space<hbm>>) dst(%arg13 : memref<40x64xf32, #tpu.memory_space<vmem>>)
          tpu.yield
        }) : () -> ()
      } else {
      }
      %eq3A_94 = arith.constant 1 : i32
      %eq3A_95 = arith.cmpi eq, %arg0, %eq3A_94 : i32
      %convert_element_type3A_96 = arith.extui %eq3A_95 : i1 to i32
      %cond3A_97 = arith.constant 0 : i32
      %cond3A_98 = arith.cmpi ne, %convert_element_type3A_96, %cond3A_97 : i32
      scf.if %cond3A_98 {
        "tpu.region"() ({
          %run_scoped3A = tpu.sem_alloc : memref<!tpu.dma_semaphore, #tpu.memory_space<semaphore_mem>>
          %dma_start3A = arith.constant 0 : i32
          %dma_start3A_100 = tpu.memref_slice %arg4[%add3A_91, %dma_start3A] : memref<10240x64xf32, #tpu.memory_space<hbm>> -> memref<40x64xf32, #tpu.memory_space<hbm>>
          %dma_start3A_101 = arith.constant 0 : i32
          %dma_start3A_102 = tpu.memref_slice %arg4[%add3A_91, %dma_start3A_101] : memref<10240x64xf32, #tpu.memory_space<hbm>> -> memref<40x64xf32, #tpu.memory_space<hbm>>
          tpu.enqueue_dma source(%dma_start3A_102 : memref<40x64xf32, #tpu.memory_space<hbm>>) target(%arg13 : memref<40x64xf32, #tpu.memory_space<vmem>>) target_semaphore(%run_scoped3A : memref<!tpu.dma_semaphore, #tpu.memory_space<semaphore_mem>>)
          %dma_wait3A = arith.constant 0 : i32
          %dma_wait3A_103 = tpu.memref_slice %arg4[%add3A_91, %dma_wait3A] : memref<10240x64xf32, #tpu.memory_space<hbm>> -> memref<40x64xf32, #tpu.memory_space<hbm>>
          %dma_wait3A_104 = arith.constant 0 : i32
          %dma_wait3A_105 = tpu.memref_slice %arg4[%add3A_91, %dma_wait3A_104] : memref<10240x64xf32, #tpu.memory_space<hbm>> -> memref<40x64xf32, #tpu.memory_space<hbm>>
          tpu.wait_dma2 semaphore(%run_scoped3A : memref<!tpu.dma_semaphore, #tpu.memory_space<semaphore_mem>>) src(%dma_wait3A_105 : memref<40x64xf32, #tpu.memory_space<hbm>>) dst(%arg13 : memref<40x64xf32, #tpu.memory_space<vmem>>)
          tpu.yield
        }) : () -> ()
      } else {
      }
      "tpu.region"() ({
        %run_scoped3A = tpu.sem_alloc : memref<!tpu.dma_semaphore, #tpu.memory_space<semaphore_mem>>
        %dma_start3A = arith.constant 0 : i32
        %dma_start3A_100 = tpu.memref_slice %arg24[%add3A_91, %dma_start3A] : memref<10240x64xf32, #tpu.memory_space<vmem_shared>> -> memref<40x64xf32, #tpu.memory_space<vmem_shared>>
        %dma_start3A_101 = arith.constant 0 : i32
        %dma_start3A_102 = tpu.memref_slice %arg24[%add3A_91, %dma_start3A_101] : memref<10240x64xf32, #tpu.memory_space<vmem_shared>> -> memref<40x64xf32, #tpu.memory_space<vmem_shared>>
        tpu.enqueue_dma source(%arg13 : memref<40x64xf32, #tpu.memory_space<vmem>>) target(%dma_start3A_102 : memref<40x64xf32, #tpu.memory_space<vmem_shared>>) target_semaphore(%run_scoped3A : memref<!tpu.dma_semaphore, #tpu.memory_space<semaphore_mem>>)
        %dma_wait3A = arith.constant 0 : i32
        %dma_wait3A_103 = tpu.memref_slice %arg24[%add3A_91, %dma_wait3A] : memref<10240x64xf32, #tpu.memory_space<vmem_shared>> -> memref<40x64xf32, #tpu.memory_space<vmem_shared>>
        %dma_wait3A_104 = arith.constant 0 : i32
        %dma_wait3A_105 = tpu.memref_slice %arg24[%add3A_91, %dma_wait3A_104] : memref<10240x64xf32, #tpu.memory_space<vmem_shared>> -> memref<40x64xf32, #tpu.memory_space<vmem_shared>>
        tpu.wait_dma2 semaphore(%run_scoped3A : memref<!tpu.dma_semaphore, #tpu.memory_space<semaphore_mem>>) src(%arg13 : memref<40x64xf32, #tpu.memory_space<vmem>>) dst(%dma_wait3A_105 : memref<40x64xf32, #tpu.memory_space<vmem_shared>>)
        tpu.yield
      }) : () -> ()
      %scan3A_99 = arith.constant 0 : i32
      scf.yield %scan3A_99 : i32
    }
    %scan3A_18 = arith.constant 16 : i32
    %scan3A_19 = arith.constant 0 : i32
    %scan3A_20 = arith.constant 0 : i32
    %scan3A_21 = arith.constant 64 : i32
    %scan3A_22 = arith.addi %scan3A_20, %scan3A_21 : i32
    %scan3A_23 = arith.constant 1 : i32
    %scan3A_24 = scf.for %scan3A_85 = %scan3A_20 to %scan3A_22 step %scan3A_23 iter_args(%scan3A_86 = %scan3A_19) -> (i32)  : i32 {
      %swap3A = arith.index_cast %scan3A_85 : i32 to index
      %swap3A_87 = arith.constant 0 : index
      %swap3A_88 = tpu.vector_load %arg22[%swap3A, %swap3A_87] {strides = array<i32>} : memref<64x64xf32, #tpu.memory_space<vmem>>, vector<1x16xf32>,
      %swap3A_89 = vector.shape_cast %swap3A_88 : vector<1x16xf32> to vector<16xf32>
      %swap3A_90 = vector.shape_cast %broadcast_in_dim3A_0 : vector<16xf32> to vector<1x16xf32>
      tpu.vector_store %arg22[%swap3A, %swap3A_87], %swap3A_90 {strides = array<i32>} : memref<64x64xf32, #tpu.memory_space<vmem>>, vector<1x16xf32>,
      %swap3A_91 = arith.index_cast %scan3A_85 : i32 to index
      %swap3A_92 = arith.constant 16 : index
      %swap3A_93 = tpu.vector_load %arg22[%swap3A_91, %swap3A_92] {strides = array<i32>} : memref<64x64xf32, #tpu.memory_space<vmem>>, vector<1x16xf32>,
      %swap3A_94 = vector.shape_cast %swap3A_93 : vector<1x16xf32> to vector<16xf32>
      %swap3A_95 = vector.shape_cast %broadcast_in_dim3A_0 : vector<16xf32> to vector<1x16xf32>
      tpu.vector_store %arg22[%swap3A_91, %swap3A_92], %swap3A_95 {strides = array<i32>} : memref<64x64xf32, #tpu.memory_space<vmem>>, vector<1x16xf32>,
      %swap3A_96 = arith.index_cast %scan3A_85 : i32 to index
      %swap3A_97 = arith.constant 32 : index
      %swap3A_98 = tpu.vector_load %arg22[%swap3A_96, %swap3A_97] {strides = array<i32>} : memref<64x64xf32, #tpu.memory_space<vmem>>, vector<1x16xf32>,
      %swap3A_99 = vector.shape_cast %swap3A_98 : vector<1x16xf32> to vector<16xf32>
      %swap3A_100 = vector.shape_cast %broadcast_in_dim3A_0 : vector<16xf32> to vector<1x16xf32>
      tpu.vector_store %arg22[%swap3A_96, %swap3A_97], %swap3A_100 {strides = array<i32>} : memref<64x64xf32, #tpu.memory_space<vmem>>, vector<1x16xf32>,
      %swap3A_101 = arith.index_cast %scan3A_85 : i32 to index
      %swap3A_102 = arith.constant 48 : index
      %swap3A_103 = tpu.vector_load %arg22[%swap3A_101, %swap3A_102] {strides = array<i32>} : memref<64x64xf32, #tpu.memory_space<vmem>>, vector<1x16xf32>,
      %swap3A_104 = vector.shape_cast %swap3A_103 : vector<1x16xf32> to vector<16xf32>
      %swap3A_105 = vector.shape_cast %broadcast_in_dim3A_0 : vector<16xf32> to vector<1x16xf32>
      tpu.vector_store %arg22[%swap3A_101, %swap3A_102], %swap3A_105 {strides = array<i32>} : memref<64x64xf32, #tpu.memory_space<vmem>>, vector<1x16xf32>,
      %swap3A_106 = arith.index_cast %scan3A_85 : i32 to index
      %swap3A_107 = arith.constant 0 : index
      %swap3A_108 = tpu.vector_load %arg23[%swap3A_106, %swap3A_107] {strides = array<i32>} : memref<64x16xf32, #tpu.memory_space<vmem>>, vector<1x16xf32>,
      %swap3A_109 = vector.shape_cast %swap3A_108 : vector<1x16xf32> to vector<16xf32>
      %swap3A_110 = vector.shape_cast %broadcast_in_dim3A_0 : vector<16xf32> to vector<1x16xf32>
      tpu.vector_store %arg23[%swap3A_106, %swap3A_107], %swap3A_110 {strides = array<i32>} : memref<64x16xf32, #tpu.memory_space<vmem>>, vector<1x16xf32>,
      %scan3A_111 = arith.constant 0 : i32
      scf.yield %scan3A_111 : i32
    }
    %scan3A_25 = arith.constant 64 : i32
    %scan3A_26 = arith.constant 0 : i32
    %scan3A_27 = arith.constant 0 : i32
    %scan3A_28 = arith.constant 10 : i32
    %scan3A_29 = arith.addi %scan3A_27, %scan3A_28 : i32
    %scan3A_30 = arith.constant 1 : i32
    %scan3A_31 = scf.for %scan3A_85 = %scan3A_27 to %scan3A_29 step %scan3A_30 iter_args(%scan3A_86 = %scan3A_26) -> (i32)  : i32 {
      %mul3A_87 = arith.constant 640 : i32
      %mul3A_88 = arith.muli %arg1, %mul3A_87 : i32
      %mul3A_89 = arith.constant 64 : i32
      %mul3A_90 = arith.muli %scan3A_85, %mul3A_89 : i32
      %add3A_91 = arith.addi %mul3A_88, %mul3A_90 : i32
      "tpu.region"() ({
        %run_scoped3A = tpu.sem_alloc : memref<!tpu.dma_semaphore, #tpu.memory_space<semaphore_mem>>
        %dma_start3A = arith.constant 0 : i32
        %dma_start3A_93 = tpu.memref_slice %arg25[%add3A_91, %dma_start3A] : memref<10240x64xf32, #tpu.memory_space<vmem_shared>> -> memref<64x64xf32, #tpu.memory_space<vmem_shared>>
        %dma_start3A_94 = arith.constant 0 : i32
        %dma_start3A_95 = tpu.memref_slice %arg25[%add3A_91, %dma_start3A_94] : memref<10240x64xf32, #tpu.memory_space<vmem_shared>> -> memref<64x64xf32, #tpu.memory_space<vmem_shared>>
        tpu.enqueue_dma source(%arg22 : memref<64x64xf32, #tpu.memory_space<vmem>>) target(%dma_start3A_95 : memref<64x64xf32, #tpu.memory_space<vmem_shared>>) target_semaphore(%run_scoped3A : memref<!tpu.dma_semaphore, #tpu.memory_space<semaphore_mem>>)
        %dma_wait3A = arith.constant 0 : i32
        %dma_wait3A_96 = tpu.memref_slice %arg25[%add3A_91, %dma_wait3A] : memref<10240x64xf32, #tpu.memory_space<vmem_shared>> -> memref<64x64xf32, #tpu.memory_space<vmem_shared>>
        %dma_wait3A_97 = arith.constant 0 : i32
        %dma_wait3A_98 = tpu.memref_slice %arg25[%add3A_91, %dma_wait3A_97] : memref<10240x64xf32, #tpu.memory_space<vmem_shared>> -> memref<64x64xf32, #tpu.memory_space<vmem_shared>>
        tpu.wait_dma2 semaphore(%run_scoped3A : memref<!tpu.dma_semaphore, #tpu.memory_space<semaphore_mem>>) src(%arg22 : memref<64x64xf32, #tpu.memory_space<vmem>>) dst(%dma_wait3A_98 : memref<64x64xf32, #tpu.memory_space<vmem_shared>>)
        tpu.yield
      }) : () -> ()
      "tpu.region"() ({
        %run_scoped3A = tpu.sem_alloc : memref<!tpu.dma_semaphore, #tpu.memory_space<semaphore_mem>>
        %dma_start3A = arith.constant 0 : i32
        %dma_start3A_93 = tpu.memref_slice %arg26[%add3A_91, %dma_start3A] : memref<10240x16xf32, #tpu.memory_space<vmem_shared>> -> memref<64x16xf32, #tpu.memory_space<vmem_shared>>
        %dma_start3A_94 = arith.constant 0 : i32
        %dma_start3A_95 = tpu.memref_slice %arg26[%add3A_91, %dma_start3A_94] : memref<10240x16xf32, #tpu.memory_space<vmem_shared>> -> memref<64x16xf32, #tpu.memory_space<vmem_shared>>
        tpu.enqueue_dma source(%arg23 : memref<64x16xf32, #tpu.memory_space<vmem>>) target(%dma_start3A_95 : memref<64x16xf32, #tpu.memory_space<vmem_shared>>) target_semaphore(%run_scoped3A : memref<!tpu.dma_semaphore, #tpu.memory_space<semaphore_mem>>)
        %dma_wait3A = arith.constant 0 : i32
        %dma_wait3A_96 = tpu.memref_slice %arg26[%add3A_91, %dma_wait3A] : memref<10240x16xf32, #tpu.memory_space<vmem_shared>> -> memref<64x16xf32, #tpu.memory_space<vmem_shared>>
        %dma_wait3A_97 = arith.constant 0 : i32
        %dma_wait3A_98 = tpu.memref_slice %arg26[%add3A_91, %dma_wait3A_97] : memref<10240x16xf32, #tpu.memory_space<vmem_shared>> -> memref<64x16xf32, #tpu.memory_space<vmem_shared>>
        tpu.wait_dma2 semaphore(%run_scoped3A : memref<!tpu.dma_semaphore, #tpu.memory_space<semaphore_mem>>) src(%arg23 : memref<64x16xf32, #tpu.memory_space<vmem>>) dst(%dma_wait3A_98 : memref<64x16xf32, #tpu.memory_space<vmem_shared>>)
        tpu.yield
      }) : () -> ()
      %scan3A_92 = arith.constant 0 : i32
      scf.yield %scan3A_92 : i32
    }
    %scan3A_32 = arith.constant 10 : i32
    %barrier3A = arith.constant 0 : index
    tpu.barrier barrier_id(%barrier3A)
    %scan3A_33 = arith.constant 0 : i32
    %scan3A_34 = arith.constant 0 : i32
    %scan3A_35 = arith.constant 5 : i32
    %scan3A_36 = arith.addi %scan3A_34, %scan3A_35 : i32
    %scan3A_37 = arith.constant 1 : i32
    %scan3A_38 = scf.for %scan3A_85 = %scan3A_34 to %scan3A_36 step %scan3A_37 iter_args(%scan3A_86 = %scan3A_33) -> (i32)  : i32 {
      %sub3A = arith.constant 1 : i32
      %sub3A_87 = arith.subi %sub3A, %arg0 : i32
      "tpu.region"() ({
        %run_scoped3A = tpu.sem_alloc : memref<!tpu.dma_semaphore, #tpu.memory_space<semaphore_mem>>
        %dma_start3A_222 = arith.constant 0 : i32
        %dma_start3A_223 = arith.constant 0 : i32
        %dma_start3A_224 = tpu.memref_slice %arg7[%sub3A_87, %arg1, %scan3A_85, %dma_start3A_222, %dma_start3A_223] : memref<2x16x5x100x40xi32, #tpu.memory_space<hbm>> -> memref<1x1x1x100x40xi32, #tpu.memory_space<hbm>>
        %dma_start3A_225 = tpu.memref_squeeze %dma_start3A_224 : memref<1x1x1x100x40xi32, #tpu.memory_space<hbm>> -> memref<100x40xi32, #tpu.memory_space<hbm>>
        %dma_start3A_226 = arith.constant 0 : i32
        %dma_start3A_227 = arith.constant 0 : i32
        %dma_start3A_228 = tpu.memref_slice %arg7[%sub3A_87, %arg1, %scan3A_85, %dma_start3A_226, %dma_start3A_227] : memref<2x16x5x100x40xi32, #tpu.memory_space<hbm>> -> memref<1x1x1x100x40xi32, #tpu.memory_space<hbm>>
        %dma_start3A_229 = tpu.memref_squeeze %dma_start3A_228 : memref<1x1x1x100x40xi32, #tpu.memory_space<hbm>> -> memref<100x40xi32, #tpu.memory_space<hbm>>
        tpu.enqueue_dma source(%dma_start3A_229 : memref<100x40xi32, #tpu.memory_space<hbm>>) target(%arg11 : memref<100x40xi32, #tpu.memory_space<vmem>>) target_semaphore(%run_scoped3A : memref<!tpu.dma_semaphore, #tpu.memory_space<semaphore_mem>>)
        %dma_wait3A_230 = arith.constant 0 : i32
        %dma_wait3A_231 = arith.constant 0 : i32
        %dma_wait3A_232 = tpu.memref_slice %arg7[%sub3A_87, %arg1, %scan3A_85, %dma_wait3A_230, %dma_wait3A_231] : memref<2x16x5x100x40xi32, #tpu.memory_space<hbm>> -> memref<1x1x1x100x40xi32, #tpu.memory_space<hbm>>
        %dma_wait3A_233 = tpu.memref_squeeze %dma_wait3A_232 : memref<1x1x1x100x40xi32, #tpu.memory_space<hbm>> -> memref<100x40xi32, #tpu.memory_space<hbm>>
        %dma_wait3A_234 = arith.constant 0 : i32
        %dma_wait3A_235 = arith.constant 0 : i32
        %dma_wait3A_236 = tpu.memref_slice %arg7[%sub3A_87, %arg1, %scan3A_85, %dma_wait3A_234, %dma_wait3A_235] : memref<2x16x5x100x40xi32, #tpu.memory_space<hbm>> -> memref<1x1x1x100x40xi32, #tpu.memory_space<hbm>>
        %dma_wait3A_237 = tpu.memref_squeeze %dma_wait3A_236 : memref<1x1x1x100x40xi32, #tpu.memory_space<hbm>> -> memref<100x40xi32, #tpu.memory_space<hbm>>
        tpu.wait_dma2 semaphore(%run_scoped3A : memref<!tpu.dma_semaphore, #tpu.memory_space<semaphore_mem>>) src(%dma_wait3A_237 : memref<100x40xi32, #tpu.memory_space<hbm>>) dst(%arg11 : memref<100x40xi32, #tpu.memory_space<vmem>>)
        tpu.yield
      }) : () -> ()
      "tpu.region"() ({
        %run_scoped3A = tpu.sem_alloc : memref<!tpu.dma_semaphore, #tpu.memory_space<semaphore_mem>>
        %dma_start3A_222 = arith.constant 0 : i32
        %dma_start3A_223 = arith.constant 0 : i32
        %dma_start3A_224 = tpu.memref_slice %arg7[%arg0, %arg1, %scan3A_85, %dma_start3A_222, %dma_start3A_223] : memref<2x16x5x100x40xi32, #tpu.memory_space<hbm>> -> memref<1x1x1x100x40xi32, #tpu.memory_space<hbm>>
        %dma_start3A_225 = tpu.memref_squeeze %dma_start3A_224 : memref<1x1x1x100x40xi32, #tpu.memory_space<hbm>> -> memref<100x40xi32, #tpu.memory_space<hbm>>
        %dma_start3A_226 = arith.constant 0 : i32
        %dma_start3A_227 = arith.constant 0 : i32
        %dma_start3A_228 = tpu.memref_slice %arg7[%arg0, %arg1, %scan3A_85, %dma_start3A_226, %dma_start3A_227] : memref<2x16x5x100x40xi32, #tpu.memory_space<hbm>> -> memref<1x1x1x100x40xi32, #tpu.memory_space<hbm>>
        %dma_start3A_229 = tpu.memref_squeeze %dma_start3A_228 : memref<1x1x1x100x40xi32, #tpu.memory_space<hbm>> -> memref<100x40xi32, #tpu.memory_space<hbm>>
        tpu.enqueue_dma source(%dma_start3A_229 : memref<100x40xi32, #tpu.memory_space<hbm>>) target(%arg12 : memref<100x40xi32, #tpu.memory_space<vmem>>) target_semaphore(%run_scoped3A : memref<!tpu.dma_semaphore, #tpu.memory_space<semaphore_mem>>)
        %dma_wait3A_230 = arith.constant 0 : i32
        %dma_wait3A_231 = arith.constant 0 : i32
        %dma_wait3A_232 = tpu.memref_slice %arg7[%arg0, %arg1, %scan3A_85, %dma_wait3A_230, %dma_wait3A_231] : memref<2x16x5x100x40xi32, #tpu.memory_space<hbm>> -> memref<1x1x1x100x40xi32, #tpu.memory_space<hbm>>
        %dma_wait3A_233 = tpu.memref_squeeze %dma_wait3A_232 : memref<1x1x1x100x40xi32, #tpu.memory_space<hbm>> -> memref<100x40xi32, #tpu.memory_space<hbm>>
        %dma_wait3A_234 = arith.constant 0 : i32
        %dma_wait3A_235 = arith.constant 0 : i32
        %dma_wait3A_236 = tpu.memref_slice %arg7[%arg0, %arg1, %scan3A_85, %dma_wait3A_234, %dma_wait3A_235] : memref<2x16x5x100x40xi32, #tpu.memory_space<hbm>> -> memref<1x1x1x100x40xi32, #tpu.memory_space<hbm>>
        %dma_wait3A_237 = tpu.memref_squeeze %dma_wait3A_236 : memref<1x1x1x100x40xi32, #tpu.memory_space<hbm>> -> memref<100x40xi32, #tpu.memory_space<hbm>>
        tpu.wait_dma2 semaphore(%run_scoped3A : memref<!tpu.dma_semaphore, #tpu.memory_space<semaphore_mem>>) src(%dma_wait3A_237 : memref<100x40xi32, #tpu.memory_space<hbm>>) dst(%arg12 : memref<100x40xi32, #tpu.memory_space<vmem>>)
        tpu.yield
      }) : () -> ()
      %dma_start3A = arith.constant 0 : i32
      %dma_start3A_88 = arith.constant 0 : i32
      %dma_start3A_89 = tpu.memref_slice %arg11[%dma_start3A, %dma_start3A_88] : memref<100x40xi32, #tpu.memory_space<vmem>> -> memref<1x40xi32, #tpu.memory_space<vmem>>
      %dma_start3A_90 = tpu.memref_squeeze %dma_start3A_89 : memref<1x40xi32, #tpu.memory_space<vmem>> -> memref<40xi32, #tpu.memory_space<vmem>>
      %dma_start3A_91 = arith.constant 0 : i32
      %dma_start3A_92 = arith.constant 0 : i32
      %dma_start3A_93 = tpu.memref_slice %arg24[%dma_start3A_91, %dma_start3A_92] : memref<10240x64xf32, #tpu.memory_space<vmem_shared>> -> memref<10240x64xf32, #tpu.memory_space<vmem_shared>>
      tpu.enqueue_indirect_dma source(%dma_start3A_93 : memref<10240x64xf32, #tpu.memory_space<vmem_shared>>) target(%arg13 : memref<40x64xf32, #tpu.memory_space<vmem>>) offsets(%dma_start3A_90 : memref<40xi32, #tpu.memory_space<vmem>>) semaphore(%arg27 : memref<!tpu.dma_semaphore, #tpu.memory_space<semaphore_mem>>)
      %mul3A_94 = arith.constant 100 : i32
      %mul3A_95 = arith.muli %scan3A_85, %mul3A_94 : i32
      %add3A_96 = arith.constant 0 : i32
      %add3A_97 = arith.addi %mul3A_95, %add3A_96 : i32
      %mul3A_98 = arith.constant 40 : i32
      %mul3A_99 = arith.muli %add3A_97, %mul3A_98 : i32
      %add3A_100 = arith.addi %add3A, %mul3A_99 : i32
      %dma_start3A_101 = arith.constant 0 : i32
      %dma_start3A_102 = tpu.memref_slice %arg6[%add3A_100, %dma_start3A_101] : memref<640000x128xf32, #tpu.memory_space<hbm>> -> memref<40x64xf32, #tpu.memory_space<hbm>>
      %dma_start3A_103 = arith.constant 0 : i32
      %dma_start3A_104 = tpu.memref_slice %arg6[%add3A_100, %dma_start3A_103] : memref<640000x128xf32, #tpu.memory_space<hbm>> -> memref<40x64xf32, #tpu.memory_space<hbm>>
      tpu.enqueue_dma source(%dma_start3A_104 : memref<40x64xf32, #tpu.memory_space<hbm>>) target(%arg17 : memref<40x64xf32, #tpu.memory_space<vmem>>) target_semaphore(%arg31 : memref<!tpu.dma_semaphore, #tpu.memory_space<semaphore_mem>>)
      %dma_start3A_105 = arith.constant 1 : i32
      %dma_start3A_106 = arith.constant 0 : i32
      %dma_start3A_107 = tpu.memref_slice %arg11[%dma_start3A_105, %dma_start3A_106] : memref<100x40xi32, #tpu.memory_space<vmem>> -> memref<1x40xi32, #tpu.memory_space<vmem>>
      %dma_start3A_108 = tpu.memref_squeeze %dma_start3A_107 : memref<1x40xi32, #tpu.memory_space<vmem>> -> memref<40xi32, #tpu.memory_space<vmem>>
      %dma_start3A_109 = arith.constant 0 : i32
      %dma_start3A_110 = arith.constant 0 : i32
      %dma_start3A_111 = tpu.memref_slice %arg24[%dma_start3A_109, %dma_start3A_110] : memref<10240x64xf32, #tpu.memory_space<vmem_shared>> -> memref<10240x64xf32, #tpu.memory_space<vmem_shared>>
      tpu.enqueue_indirect_dma source(%dma_start3A_111 : memref<10240x64xf32, #tpu.memory_space<vmem_shared>>) target(%arg14 : memref<40x64xf32, #tpu.memory_space<vmem>>) offsets(%dma_start3A_108 : memref<40xi32, #tpu.memory_space<vmem>>) semaphore(%arg28 : memref<!tpu.dma_semaphore, #tpu.memory_space<semaphore_mem>>)
      %mul3A_112 = arith.constant 100 : i32
      %mul3A_113 = arith.muli %scan3A_85, %mul3A_112 : i32
      %add3A_114 = arith.constant 1 : i32
      %add3A_115 = arith.addi %mul3A_113, %add3A_114 : i32
      %mul3A_116 = arith.constant 40 : i32
      %mul3A_117 = arith.muli %add3A_115, %mul3A_116 : i32
      %add3A_118 = arith.addi %add3A, %mul3A_117 : i32
      %dma_start3A_119 = arith.constant 0 : i32
      %dma_start3A_120 = tpu.memref_slice %arg6[%add3A_118, %dma_start3A_119] : memref<640000x128xf32, #tpu.memory_space<hbm>> -> memref<40x64xf32, #tpu.memory_space<hbm>>
      %dma_start3A_121 = arith.constant 0 : i32
      %dma_start3A_122 = tpu.memref_slice %arg6[%add3A_118, %dma_start3A_121] : memref<640000x128xf32, #tpu.memory_space<hbm>> -> memref<40x64xf32, #tpu.memory_space<hbm>>
      tpu.enqueue_dma source(%dma_start3A_122 : memref<40x64xf32, #tpu.memory_space<hbm>>) target(%arg18 : memref<40x64xf32, #tpu.memory_space<vmem>>) target_semaphore(%arg32 : memref<!tpu.dma_semaphore, #tpu.memory_space<semaphore_mem>>)
      %dma_start3A_123 = arith.constant 2 : i32
      %dma_start3A_124 = arith.constant 0 : i32
      %dma_start3A_125 = tpu.memref_slice %arg11[%dma_start3A_123, %dma_start3A_124] : memref<100x40xi32, #tpu.memory_space<vmem>> -> memref<1x40xi32, #tpu.memory_space<vmem>>
      %dma_start3A_126 = tpu.memref_squeeze %dma_start3A_125 : memref<1x40xi32, #tpu.memory_space<vmem>> -> memref<40xi32, #tpu.memory_space<vmem>>
      %dma_start3A_127 = arith.constant 0 : i32
      %dma_start3A_128 = arith.constant 0 : i32
      %dma_start3A_129 = tpu.memref_slice %arg24[%dma_start3A_127, %dma_start3A_128] : memref<10240x64xf32, #tpu.memory_space<vmem_shared>> -> memref<10240x64xf32, #tpu.memory_space<vmem_shared>>
      tpu.enqueue_indirect_dma source(%dma_start3A_129 : memref<10240x64xf32, #tpu.memory_space<vmem_shared>>) target(%arg15 : memref<40x64xf32, #tpu.memory_space<vmem>>) offsets(%dma_start3A_126 : memref<40xi32, #tpu.memory_space<vmem>>) semaphore(%arg29 : memref<!tpu.dma_semaphore, #tpu.memory_space<semaphore_mem>>)
      %mul3A_130 = arith.constant 100 : i32
      %mul3A_131 = arith.muli %scan3A_85, %mul3A_130 : i32
      %add3A_132 = arith.constant 2 : i32
      %add3A_133 = arith.addi %mul3A_131, %add3A_132 : i32
      %mul3A_134 = arith.constant 40 : i32
      %mul3A_135 = arith.muli %add3A_133, %mul3A_134 : i32
      %add3A_136 = arith.addi %add3A, %mul3A_135 : i32
      %dma_start3A_137 = arith.constant 0 : i32
      %dma_start3A_138 = tpu.memref_slice %arg6[%add3A_136, %dma_start3A_137] : memref<640000x128xf32, #tpu.memory_space<hbm>> -> memref<40x64xf32, #tpu.memory_space<hbm>>
      %dma_start3A_139 = arith.constant 0 : i32
      %dma_start3A_140 = tpu.memref_slice %arg6[%add3A_136, %dma_start3A_139] : memref<640000x128xf32, #tpu.memory_space<hbm>> -> memref<40x64xf32, #tpu.memory_space<hbm>>
      tpu.enqueue_dma source(%dma_start3A_140 : memref<40x64xf32, #tpu.memory_space<hbm>>) target(%arg19 : memref<40x64xf32, #tpu.memory_space<vmem>>) target_semaphore(%arg33 : memref<!tpu.dma_semaphore, #tpu.memory_space<semaphore_mem>>)
      %dma_start3A_141 = arith.constant 3 : i32
      %dma_start3A_142 = arith.constant 0 : i32
      %dma_start3A_143 = tpu.memref_slice %arg11[%dma_start3A_141, %dma_start3A_142] : memref<100x40xi32, #tpu.memory_space<vmem>> -> memref<1x40xi32, #tpu.memory_space<vmem>>
      %dma_start3A_144 = tpu.memref_squeeze %dma_start3A_143 : memref<1x40xi32, #tpu.memory_space<vmem>> -> memref<40xi32, #tpu.memory_space<vmem>>
      %dma_start3A_145 = arith.constant 0 : i32
      %dma_start3A_146 = arith.constant 0 : i32
      %dma_start3A_147 = tpu.memref_slice %arg24[%dma_start3A_145, %dma_start3A_146] : memref<10240x64xf32, #tpu.memory_space<vmem_shared>> -> memref<10240x64xf32, #tpu.memory_space<vmem_shared>>
      tpu.enqueue_indirect_dma source(%dma_start3A_147 : memref<10240x64xf32, #tpu.memory_space<vmem_shared>>) target(%arg16 : memref<40x64xf32, #tpu.memory_space<vmem>>) offsets(%dma_start3A_144 : memref<40xi32, #tpu.memory_space<vmem>>) semaphore(%arg30 : memref<!tpu.dma_semaphore, #tpu.memory_space<semaphore_mem>>)
      %mul3A_148 = arith.constant 100 : i32
      %mul3A_149 = arith.muli %scan3A_85, %mul3A_148 : i32
      %add3A_150 = arith.constant 3 : i32
      %add3A_151 = arith.addi %mul3A_149, %add3A_150 : i32
      %mul3A_152 = arith.constant 40 : i32
      %mul3A_153 = arith.muli %add3A_151, %mul3A_152 : i32
      %add3A_154 = arith.addi %add3A, %mul3A_153 : i32
      %dma_start3A_155 = arith.constant 0 : i32
      %dma_start3A_156 = tpu.memref_slice %arg6[%add3A_154, %dma_start3A_155] : memref<640000x128xf32, #tpu.memory_space<hbm>> -> memref<40x64xf32, #tpu.memory_space<hbm>>
      %dma_start3A_157 = arith.constant 0 : i32
      %dma_start3A_158 = tpu.memref_slice %arg6[%add3A_154, %dma_start3A_157] : memref<640000x128xf32, #tpu.memory_space<hbm>> -> memref<40x64xf32, #tpu.memory_space<hbm>>
      tpu.enqueue_dma source(%dma_start3A_158 : memref<40x64xf32, #tpu.memory_space<hbm>>) target(%arg20 : memref<40x64xf32, #tpu.memory_space<vmem>>) target_semaphore(%arg34 : memref<!tpu.dma_semaphore, #tpu.memory_space<semaphore_mem>>)
      %scan3A_159 = arith.constant 0 : i32
      %scan3A_160 = arith.constant 0 : i32
      %scan3A_161 = arith.constant 25 : i32
      %scan3A_162 = arith.addi %scan3A_160, %scan3A_161 : i32
      %scan3A_163 = arith.constant 1 : i32
      %scan3A_164 = scf.for %scan3A_222 = %scan3A_160 to %scan3A_162 step %scan3A_163 iter_args(%scan3A_223 = %scan3A_159) -> (i32)  : i32 {
        %mul3A_224 = arith.constant 4 : i32
        %mul3A_225 = arith.muli %mul3A_224, %scan3A_222 : i32
        %add3A_226 = arith.constant 0 : i32
        %add3A_227 = arith.addi %mul3A_225, %add3A_226 : i32
        %dma_wait3A_228 = arith.constant 0 : i32
        %dma_wait3A_229 = tpu.memref_slice %arg11[%add3A_227, %dma_wait3A_228] : memref<100x40xi32, #tpu.memory_space<vmem>> -> memref<1x40xi32, #tpu.memory_space<vmem>>
        %dma_wait3A_230 = tpu.memref_squeeze %dma_wait3A_229 : memref<1x40xi32, #tpu.memory_space<vmem>> -> memref<40xi32, #tpu.memory_space<vmem>>
        %dma_wait3A_231 = arith.constant 0 : i32
        %dma_wait3A_232 = arith.constant 0 : i32
        %dma_wait3A_233 = tpu.memref_slice %arg24[%dma_wait3A_231, %dma_wait3A_232] : memref<10240x64xf32, #tpu.memory_space<vmem_shared>> -> memref<10240x64xf32, #tpu.memory_space<vmem_shared>>
        tpu.wait_indirect_dma semaphore(%arg27 : memref<!tpu.dma_semaphore, #tpu.memory_space<semaphore_mem>>) src(%dma_wait3A_233 : memref<10240x64xf32, #tpu.memory_space<vmem_shared>>) dst(%arg13 : memref<40x64xf32, #tpu.memory_space<vmem>>)
        %dma_wait3A_234 = arith.constant 0 : i32
        %dma_wait3A_235 = tpu.memref_slice %arg6[%add3A, %dma_wait3A_234] : memref<640000x128xf32, #tpu.memory_space<hbm>> -> memref<40x64xf32, #tpu.memory_space<hbm>>
        %dma_wait3A_236 = arith.constant 0 : i32
        %dma_wait3A_237 = tpu.memref_slice %arg6[%add3A, %dma_wait3A_236] : memref<640000x128xf32, #tpu.memory_space<hbm>> -> memref<40x64xf32, #tpu.memory_space<hbm>>
        tpu.wait_dma2 semaphore(%arg31 : memref<!tpu.dma_semaphore, #tpu.memory_space<semaphore_mem>>) src(%dma_wait3A_237 : memref<40x64xf32, #tpu.memory_space<hbm>>) dst(%arg17 : memref<40x64xf32, #tpu.memory_space<vmem>>)
        %scan3A_238 = arith.constant 0 : i32
        %scan3A_239 = arith.constant 0 : i32
        %scan3A_240 = arith.constant 40 : i32
        %scan3A_241 = arith.addi %scan3A_239, %scan3A_240 : i32
        %scan3A_242 = arith.constant 1 : i32
        %scan3A_243 = scf.for %scan3A_374 = %scan3A_239 to %scan3A_241 step %scan3A_242 iter_args(%scan3A_375 = %scan3A_238) -> (i32)  : i32 {
          %get3A = arith.index_cast %scan3A_374 : i32 to index
          %get3A_376 = arith.constant 0 : index
          %get3A_377 = tpu.vector_load %arg13[%get3A, %get3A_376] {strides = array<i32>} : memref<40x64xf32, #tpu.memory_space<vmem>>, vector<1x16xf32>,
          %get3A_378 = vector.shape_cast %get3A_377 : vector<1x16xf32> to vector<16xf32>
          %get3A_379 = arith.index_cast %scan3A_374 : i32 to index
          %get3A_380 = arith.constant 0 : index
          %get3A_381 = tpu.vector_load %arg17[%get3A_379, %get3A_380] {strides = array<i32>} : memref<40x64xf32, #tpu.memory_space<vmem>>, vector<1x16xf32>,
          %get3A_382 = vector.shape_cast %get3A_381 : vector<1x16xf32> to vector<16xf32>
          %add3A_383 = arith.addf %get3A_378, %get3A_382 : vector<16xf32>
          %mul3A_384 = arith.constant 0.00999999977 : f32
          %mul3A_385 = vector.broadcast %mul3A_384 : f32 to vector<16xf32>
          %mul3A_386 = arith.mulf %add3A_383, %mul3A_385 : vector<16xf32>
          %max3A = arith.maximumf %add3A_383, %mul3A_386 : vector<16xf32>
          %swap3A = arith.index_cast %scan3A_374 : i32 to index
          %swap3A_387 = arith.constant 0 : index
          %swap3A_388 = tpu.vector_load %arg13[%swap3A, %swap3A_387] {strides = array<i32>} : memref<40x64xf32, #tpu.memory_space<vmem>>, vector<1x16xf32>,
          %swap3A_389 = vector.shape_cast %swap3A_388 : vector<1x16xf32> to vector<16xf32>
          %swap3A_390 = vector.shape_cast %max3A : vector<16xf32> to vector<1x16xf32>
          tpu.vector_store %arg13[%swap3A, %swap3A_387], %swap3A_390 {strides = array<i32>} : memref<40x64xf32, #tpu.memory_space<vmem>>, vector<1x16xf32>,
          %get3A_391 = arith.index_cast %scan3A_374 : i32 to index
          %get3A_392 = arith.constant 16 : index
          %get3A_393 = tpu.vector_load %arg13[%get3A_391, %get3A_392] {strides = array<i32>} : memref<40x64xf32, #tpu.memory_space<vmem>>, vector<1x16xf32>,
          %get3A_394 = vector.shape_cast %get3A_393 : vector<1x16xf32> to vector<16xf32>
          %get3A_395 = arith.index_cast %scan3A_374 : i32 to index
          %get3A_396 = arith.constant 16 : index
          %get3A_397 = tpu.vector_load %arg17[%get3A_395, %get3A_396] {strides = array<i32>} : memref<40x64xf32, #tpu.memory_space<vmem>>, vector<1x16xf32>,
          %get3A_398 = vector.shape_cast %get3A_397 : vector<1x16xf32> to vector<16xf32>
          %add3A_399 = arith.addf %get3A_394, %get3A_398 : vector<16xf32>
          %mul3A_400 = arith.constant 0.00999999977 : f32
          %mul3A_401 = vector.broadcast %mul3A_400 : f32 to vector<16xf32>
          %mul3A_402 = arith.mulf %add3A_399, %mul3A_401 : vector<16xf32>
          %max3A_403 = arith.maximumf %add3A_399, %mul3A_402 : vector<16xf32>
          %swap3A_404 = arith.index_cast %scan3A_374 : i32 to index
          %swap3A_405 = arith.constant 16 : index
          %swap3A_406 = tpu.vector_load %arg13[%swap3A_404, %swap3A_405] {strides = array<i32>} : memref<40x64xf32, #tpu.memory_space<vmem>>, vector<1x16xf32>,
          %swap3A_407 = vector.shape_cast %swap3A_406 : vector<1x16xf32> to vector<16xf32>
          %swap3A_408 = vector.shape_cast %max3A_403 : vector<16xf32> to vector<1x16xf32>
          tpu.vector_store %arg13[%swap3A_404, %swap3A_405], %swap3A_408 {strides = array<i32>} : memref<40x64xf32, #tpu.memory_space<vmem>>, vector<1x16xf32>,
          %get3A_409 = arith.index_cast %scan3A_374 : i32 to index
          %get3A_410 = arith.constant 32 : index
          %get3A_411 = tpu.vector_load %arg13[%get3A_409, %get3A_410] {strides = array<i32>} : memref<40x64xf32, #tpu.memory_space<vmem>>, vector<1x16xf32>,
          %get3A_412 = vector.shape_cast %get3A_411 : vector<1x16xf32> to vector<16xf32>
          %get3A_413 = arith.index_cast %scan3A_374 : i32 to index
          %get3A_414 = arith.constant 32 : index
          %get3A_415 = tpu.vector_load %arg17[%get3A_413, %get3A_414] {strides = array<i32>} : memref<40x64xf32, #tpu.memory_space<vmem>>, vector<1x16xf32>,
          %get3A_416 = vector.shape_cast %get3A_415 : vector<1x16xf32> to vector<16xf32>
          %add3A_417 = arith.addf %get3A_412, %get3A_416 : vector<16xf32>
          %mul3A_418 = arith.constant 0.00999999977 : f32
          %mul3A_419 = vector.broadcast %mul3A_418 : f32 to vector<16xf32>
          %mul3A_420 = arith.mulf %add3A_417, %mul3A_419 : vector<16xf32>
          %max3A_421 = arith.maximumf %add3A_417, %mul3A_420 : vector<16xf32>
          %swap3A_422 = arith.index_cast %scan3A_374 : i32 to index
          %swap3A_423 = arith.constant 32 : index
          %swap3A_424 = tpu.vector_load %arg13[%swap3A_422, %swap3A_423] {strides = array<i32>} : memref<40x64xf32, #tpu.memory_space<vmem>>, vector<1x16xf32>,
          %swap3A_425 = vector.shape_cast %swap3A_424 : vector<1x16xf32> to vector<16xf32>
          %swap3A_426 = vector.shape_cast %max3A_421 : vector<16xf32> to vector<1x16xf32>
          tpu.vector_store %arg13[%swap3A_422, %swap3A_423], %swap3A_426 {strides = array<i32>} : memref<40x64xf32, #tpu.memory_space<vmem>>, vector<1x16xf32>,
          %get3A_427 = arith.index_cast %scan3A_374 : i32 to index
          %get3A_428 = arith.constant 48 : index
          %get3A_429 = tpu.vector_load %arg13[%get3A_427, %get3A_428] {strides = array<i32>} : memref<40x64xf32, #tpu.memory_space<vmem>>, vector<1x16xf32>,
          %get3A_430 = vector.shape_cast %get3A_429 : vector<1x16xf32> to vector<16xf32>
          %get3A_431 = arith.index_cast %scan3A_374 : i32 to index
          %get3A_432 = arith.constant 48 : index
          %get3A_433 = tpu.vector_load %arg17[%get3A_431, %get3A_432] {strides = array<i32>} : memref<40x64xf32, #tpu.memory_space<vmem>>, vector<1x16xf32>,
          %get3A_434 = vector.shape_cast %get3A_433 : vector<1x16xf32> to vector<16xf32>
          %add3A_435 = arith.addf %get3A_430, %get3A_434 : vector<16xf32>
          %mul3A_436 = arith.constant 0.00999999977 : f32
          %mul3A_437 = vector.broadcast %mul3A_436 : f32 to vector<16xf32>
          %mul3A_438 = arith.mulf %add3A_435, %mul3A_437 : vector<16xf32>
          %max3A_439 = arith.maximumf %add3A_435, %mul3A_438 : vector<16xf32>
          %swap3A_440 = arith.index_cast %scan3A_374 : i32 to index
          %swap3A_441 = arith.constant 48 : index
          %swap3A_442 = tpu.vector_load %arg13[%swap3A_440, %swap3A_441] {strides = array<i32>} : memref<40x64xf32, #tpu.memory_space<vmem>>, vector<1x16xf32>,
          %swap3A_443 = vector.shape_cast %swap3A_442 : vector<1x16xf32> to vector<16xf32>
          %swap3A_444 = vector.shape_cast %max3A_439 : vector<16xf32> to vector<1x16xf32>
          tpu.vector_store %arg13[%swap3A_440, %swap3A_441], %swap3A_444 {strides = array<i32>} : memref<40x64xf32, #tpu.memory_space<vmem>>, vector<1x16xf32>,
          %scan3A_445 = arith.constant 0 : i32
          scf.yield %scan3A_445 : i32
        }
        %scan3A_244 = arith.constant 40 : i32
        %dma_start3A_245 = arith.constant 0 : i32
        %dma_start3A_246 = tpu.memref_slice %arg12[%add3A_227, %dma_start3A_245] : memref<100x40xi32, #tpu.memory_space<vmem>> -> memref<1x40xi32, #tpu.memory_space<vmem>>
        %dma_start3A_247 = tpu.memref_squeeze %dma_start3A_246 : memref<1x40xi32, #tpu.memory_space<vmem>> -> memref<40xi32, #tpu.memory_space<vmem>>
        %dma_start3A_248 = arith.constant 0 : i32
        %dma_start3A_249 = arith.constant 0 : i32
        %dma_start3A_250 = tpu.memref_slice %arg25[%dma_start3A_248, %dma_start3A_249] : memref<10240x64xf32, #tpu.memory_space<vmem_shared>> -> memref<10240x64xf32, #tpu.memory_space<vmem_shared>>
        tpu.enqueue_indirect_dma source(%arg13 : memref<40x64xf32, #tpu.memory_space<vmem>>) target(%dma_start3A_250 : memref<10240x64xf32, #tpu.memory_space<vmem_shared>>) offsets(%dma_start3A_247 : memref<40xi32, #tpu.memory_space<vmem>>) semaphore(%arg35 : memref<!tpu.dma_semaphore, #tpu.memory_space<semaphore_mem>>) {add = true}
        %dma_start3A_251 = arith.constant 0 : i32
        %dma_start3A_252 = tpu.memref_slice %arg12[%add3A_227, %dma_start3A_251] : memref<100x40xi32, #tpu.memory_space<vmem>> -> memref<1x40xi32, #tpu.memory_space<vmem>>
        %dma_start3A_253 = tpu.memref_squeeze %dma_start3A_252 : memref<1x40xi32, #tpu.memory_space<vmem>> -> memref<40xi32, #tpu.memory_space<vmem>>
        %dma_start3A_254 = arith.constant 0 : i32
        %dma_start3A_255 = arith.constant 0 : i32
        %dma_start3A_256 = tpu.memref_slice %arg26[%dma_start3A_254, %dma_start3A_255] : memref<10240x16xf32, #tpu.memory_space<vmem_shared>> -> memref<10240x16xf32, #tpu.memory_space<vmem_shared>>
        tpu.enqueue_indirect_dma source(%arg21 : memref<40x16xf32, #tpu.memory_space<vmem>>) target(%dma_start3A_256 : memref<10240x16xf32, #tpu.memory_space<vmem_shared>>) offsets(%dma_start3A_253 : memref<40xi32, #tpu.memory_space<vmem>>) semaphore(%arg39 : memref<!tpu.dma_semaphore, #tpu.memory_space<semaphore_mem>>) {add = true}
        %lt3A = arith.constant 24 : i32
        %lt3A_257 = arith.cmpi slt, %scan3A_222, %lt3A : i32
        %convert_element_type3A = arith.extui %lt3A_257 : i1 to i32
        %cond3A = arith.constant 0 : i32
        %cond3A_258 = arith.cmpi ne, %convert_element_type3A, %cond3A : i32
        scf.if %cond3A_258 {
          %dma_wait3A_374 = arith.constant 0 : i32
          %dma_wait3A_375 = tpu.memref_slice %arg12[%add3A_227, %dma_wait3A_374] : memref<100x40xi32, #tpu.memory_space<vmem>> -> memref<1x40xi32, #tpu.memory_space<vmem>>
          %dma_wait3A_376 = tpu.memref_squeeze %dma_wait3A_375 : memref<1x40xi32, #tpu.memory_space<vmem>> -> memref<40xi32, #tpu.memory_space<vmem>>
          %dma_wait3A_377 = arith.constant 0 : i32
          %dma_wait3A_378 = arith.constant 0 : i32
          %dma_wait3A_379 = tpu.memref_slice %arg25[%dma_wait3A_377, %dma_wait3A_378] : memref<10240x64xf32, #tpu.memory_space<vmem_shared>> -> memref<10240x64xf32, #tpu.memory_space<vmem_shared>>
          tpu.wait_indirect_dma semaphore(%arg35 : memref<!tpu.dma_semaphore, #tpu.memory_space<semaphore_mem>>) src(%arg13 : memref<40x64xf32, #tpu.memory_space<vmem>>) dst(%dma_wait3A_379 : memref<10240x64xf32, #tpu.memory_space<vmem_shared>>)
          %dma_wait3A_380 = arith.constant 0 : i32
          %dma_wait3A_381 = tpu.memref_slice %arg12[%add3A_227, %dma_wait3A_380] : memref<100x40xi32, #tpu.memory_space<vmem>> -> memref<1x40xi32, #tpu.memory_space<vmem>>
          %dma_wait3A_382 = tpu.memref_squeeze %dma_wait3A_381 : memref<1x40xi32, #tpu.memory_space<vmem>> -> memref<40xi32, #tpu.memory_space<vmem>>
          %dma_wait3A_383 = arith.constant 0 : i32
          %dma_wait3A_384 = arith.constant 0 : i32
          %dma_wait3A_385 = tpu.memref_slice %arg26[%dma_wait3A_383, %dma_wait3A_384] : memref<10240x16xf32, #tpu.memory_space<vmem_shared>> -> memref<10240x16xf32, #tpu.memory_space<vmem_shared>>
          tpu.wait_indirect_dma semaphore(%arg39 : memref<!tpu.dma_semaphore, #tpu.memory_space<semaphore_mem>>) src(%arg21 : memref<40x16xf32, #tpu.memory_space<vmem>>) dst(%dma_wait3A_385 : memref<10240x16xf32, #tpu.memory_space<vmem_shared>>)
          %add3A_386 = arith.constant 4 : i32
          %add3A_387 = arith.addi %add3A_227, %add3A_386 : i32
          %dma_start3A_388 = arith.constant 0 : i32
          %dma_start3A_389 = tpu.memref_slice %arg11[%add3A_387, %dma_start3A_388] : memref<100x40xi32, #tpu.memory_space<vmem>> -> memref<1x40xi32, #tpu.memory_space<vmem>>
          %dma_start3A_390 = tpu.memref_squeeze %dma_start3A_389 : memref<1x40xi32, #tpu.memory_space<vmem>> -> memref<40xi32, #tpu.memory_space<vmem>>
          %dma_start3A_391 = arith.constant 0 : i32
          %dma_start3A_392 = arith.constant 0 : i32
          %dma_start3A_393 = tpu.memref_slice %arg24[%dma_start3A_391, %dma_start3A_392] : memref<10240x64xf32, #tpu.memory_space<vmem_shared>> -> memref<10240x64xf32, #tpu.memory_space<vmem_shared>>
          tpu.enqueue_indirect_dma source(%dma_start3A_393 : memref<10240x64xf32, #tpu.memory_space<vmem_shared>>) target(%arg13 : memref<40x64xf32, #tpu.memory_space<vmem>>) offsets(%dma_start3A_390 : memref<40xi32, #tpu.memory_space<vmem>>) semaphore(%arg27 : memref<!tpu.dma_semaphore, #tpu.memory_space<semaphore_mem>>)
          %mul3A_394 = arith.constant 100 : i32
          %mul3A_395 = arith.muli %scan3A_85, %mul3A_394 : i32
          %add3A_396 = arith.addi %mul3A_395, %add3A_387 : i32
          %mul3A_397 = arith.constant 40 : i32
          %mul3A_398 = arith.muli %add3A_396, %mul3A_397 : i32
          %add3A_399 = arith.addi %add3A, %mul3A_398 : i32
          %dma_start3A_400 = arith.constant 0 : i32
          %dma_start3A_401 = tpu.memref_slice %arg6[%add3A_399, %dma_start3A_400] : memref<640000x128xf32, #tpu.memory_space<hbm>> -> memref<40x64xf32, #tpu.memory_space<hbm>>
          %dma_start3A_402 = arith.constant 0 : i32
          %dma_start3A_403 = tpu.memref_slice %arg6[%add3A_399, %dma_start3A_402] : memref<640000x128xf32, #tpu.memory_space<hbm>> -> memref<40x64xf32, #tpu.memory_space<hbm>>
          tpu.enqueue_dma source(%dma_start3A_403 : memref<40x64xf32, #tpu.memory_space<hbm>>) target(%arg17 : memref<40x64xf32, #tpu.memory_space<vmem>>) target_semaphore(%arg31 : memref<!tpu.dma_semaphore, #tpu.memory_space<semaphore_mem>>)
        } else {
        }
        %mul3A_259 = arith.constant 4 : i32
        %mul3A_260 = arith.muli %mul3A_259, %scan3A_222 : i32
        %add3A_261 = arith.constant 1 : i32
        %add3A_262 = arith.addi %mul3A_260, %add3A_261 : i32
        %dma_wait3A_263 = arith.constant 0 : i32
        %dma_wait3A_264 = tpu.memref_slice %arg11[%add3A_262, %dma_wait3A_263] : memref<100x40xi32, #tpu.memory_space<vmem>> -> memref<1x40xi32, #tpu.memory_space<vmem>>
        %dma_wait3A_265 = tpu.memref_squeeze %dma_wait3A_264 : memref<1x40xi32, #tpu.memory_space<vmem>> -> memref<40xi32, #tpu.memory_space<vmem>>
        %dma_wait3A_266 = arith.constant 0 : i32
        %dma_wait3A_267 = arith.constant 0 : i32
        %dma_wait3A_268 = tpu.memref_slice %arg24[%dma_wait3A_266, %dma_wait3A_267] : memref<10240x64xf32, #tpu.memory_space<vmem_shared>> -> memref<10240x64xf32, #tpu.memory_space<vmem_shared>>
        tpu.wait_indirect_dma semaphore(%arg28 : memref<!tpu.dma_semaphore, #tpu.memory_space<semaphore_mem>>) src(%dma_wait3A_268 : memref<10240x64xf32, #tpu.memory_space<vmem_shared>>) dst(%arg14 : memref<40x64xf32, #tpu.memory_space<vmem>>)
        %dma_wait3A_269 = arith.constant 0 : i32
        %dma_wait3A_270 = tpu.memref_slice %arg6[%add3A, %dma_wait3A_269] : memref<640000x128xf32, #tpu.memory_space<hbm>> -> memref<40x64xf32, #tpu.memory_space<hbm>>
        %dma_wait3A_271 = arith.constant 0 : i32
        %dma_wait3A_272 = tpu.memref_slice %arg6[%add3A, %dma_wait3A_271] : memref<640000x128xf32, #tpu.memory_space<hbm>> -> memref<40x64xf32, #tpu.memory_space<hbm>>
        tpu.wait_dma2 semaphore(%arg32 : memref<!tpu.dma_semaphore, #tpu.memory_space<semaphore_mem>>) src(%dma_wait3A_272 : memref<40x64xf32, #tpu.memory_space<hbm>>) dst(%arg18 : memref<40x64xf32, #tpu.memory_space<vmem>>)
        %scan3A_273 = arith.constant 0 : i32
        %scan3A_274 = arith.constant 0 : i32
        %scan3A_275 = arith.constant 40 : i32
        %scan3A_276 = arith.addi %scan3A_274, %scan3A_275 : i32
        %scan3A_277 = arith.constant 1 : i32
        %scan3A_278 = scf.for %scan3A_374 = %scan3A_274 to %scan3A_276 step %scan3A_277 iter_args(%scan3A_375 = %scan3A_273) -> (i32)  : i32 {
          %get3A = arith.index_cast %scan3A_374 : i32 to index
          %get3A_376 = arith.constant 0 : index
          %get3A_377 = tpu.vector_load %arg14[%get3A, %get3A_376] {strides = array<i32>} : memref<40x64xf32, #tpu.memory_space<vmem>>, vector<1x16xf32>,
          %get3A_378 = vector.shape_cast %get3A_377 : vector<1x16xf32> to vector<16xf32>
          %get3A_379 = arith.index_cast %scan3A_374 : i32 to index
          %get3A_380 = arith.constant 0 : index
          %get3A_381 = tpu.vector_load %arg18[%get3A_379, %get3A_380] {strides = array<i32>} : memref<40x64xf32, #tpu.memory_space<vmem>>, vector<1x16xf32>,
          %get3A_382 = vector.shape_cast %get3A_381 : vector<1x16xf32> to vector<16xf32>
          %add3A_383 = arith.addf %get3A_378, %get3A_382 : vector<16xf32>
          %mul3A_384 = arith.constant 0.00999999977 : f32
          %mul3A_385 = vector.broadcast %mul3A_384 : f32 to vector<16xf32>
          %mul3A_386 = arith.mulf %add3A_383, %mul3A_385 : vector<16xf32>
          %max3A = arith.maximumf %add3A_383, %mul3A_386 : vector<16xf32>
          %swap3A = arith.index_cast %scan3A_374 : i32 to index
          %swap3A_387 = arith.constant 0 : index
          %swap3A_388 = tpu.vector_load %arg14[%swap3A, %swap3A_387] {strides = array<i32>} : memref<40x64xf32, #tpu.memory_space<vmem>>, vector<1x16xf32>,
          %swap3A_389 = vector.shape_cast %swap3A_388 : vector<1x16xf32> to vector<16xf32>
          %swap3A_390 = vector.shape_cast %max3A : vector<16xf32> to vector<1x16xf32>
          tpu.vector_store %arg14[%swap3A, %swap3A_387], %swap3A_390 {strides = array<i32>} : memref<40x64xf32, #tpu.memory_space<vmem>>, vector<1x16xf32>,
          %get3A_391 = arith.index_cast %scan3A_374 : i32 to index
          %get3A_392 = arith.constant 16 : index
          %get3A_393 = tpu.vector_load %arg14[%get3A_391, %get3A_392] {strides = array<i32>} : memref<40x64xf32, #tpu.memory_space<vmem>>, vector<1x16xf32>,
          %get3A_394 = vector.shape_cast %get3A_393 : vector<1x16xf32> to vector<16xf32>
          %get3A_395 = arith.index_cast %scan3A_374 : i32 to index
          %get3A_396 = arith.constant 16 : index
          %get3A_397 = tpu.vector_load %arg18[%get3A_395, %get3A_396] {strides = array<i32>} : memref<40x64xf32, #tpu.memory_space<vmem>>, vector<1x16xf32>,
          %get3A_398 = vector.shape_cast %get3A_397 : vector<1x16xf32> to vector<16xf32>
          %add3A_399 = arith.addf %get3A_394, %get3A_398 : vector<16xf32>
          %mul3A_400 = arith.constant 0.00999999977 : f32
          %mul3A_401 = vector.broadcast %mul3A_400 : f32 to vector<16xf32>
          %mul3A_402 = arith.mulf %add3A_399, %mul3A_401 : vector<16xf32>
          %max3A_403 = arith.maximumf %add3A_399, %mul3A_402 : vector<16xf32>
          %swap3A_404 = arith.index_cast %scan3A_374 : i32 to index
          %swap3A_405 = arith.constant 16 : index
          %swap3A_406 = tpu.vector_load %arg14[%swap3A_404, %swap3A_405] {strides = array<i32>} : memref<40x64xf32, #tpu.memory_space<vmem>>, vector<1x16xf32>,
          %swap3A_407 = vector.shape_cast %swap3A_406 : vector<1x16xf32> to vector<16xf32>
          %swap3A_408 = vector.shape_cast %max3A_403 : vector<16xf32> to vector<1x16xf32>
          tpu.vector_store %arg14[%swap3A_404, %swap3A_405], %swap3A_408 {strides = array<i32>} : memref<40x64xf32, #tpu.memory_space<vmem>>, vector<1x16xf32>,
          %get3A_409 = arith.index_cast %scan3A_374 : i32 to index
          %get3A_410 = arith.constant 32 : index
          %get3A_411 = tpu.vector_load %arg14[%get3A_409, %get3A_410] {strides = array<i32>} : memref<40x64xf32, #tpu.memory_space<vmem>>, vector<1x16xf32>,
          %get3A_412 = vector.shape_cast %get3A_411 : vector<1x16xf32> to vector<16xf32>
          %get3A_413 = arith.index_cast %scan3A_374 : i32 to index
          %get3A_414 = arith.constant 32 : index
          %get3A_415 = tpu.vector_load %arg18[%get3A_413, %get3A_414] {strides = array<i32>} : memref<40x64xf32, #tpu.memory_space<vmem>>, vector<1x16xf32>,
          %get3A_416 = vector.shape_cast %get3A_415 : vector<1x16xf32> to vector<16xf32>
          %add3A_417 = arith.addf %get3A_412, %get3A_416 : vector<16xf32>
          %mul3A_418 = arith.constant 0.00999999977 : f32
          %mul3A_419 = vector.broadcast %mul3A_418 : f32 to vector<16xf32>
          %mul3A_420 = arith.mulf %add3A_417, %mul3A_419 : vector<16xf32>
          %max3A_421 = arith.maximumf %add3A_417, %mul3A_420 : vector<16xf32>
          %swap3A_422 = arith.index_cast %scan3A_374 : i32 to index
          %swap3A_423 = arith.constant 32 : index
          %swap3A_424 = tpu.vector_load %arg14[%swap3A_422, %swap3A_423] {strides = array<i32>} : memref<40x64xf32, #tpu.memory_space<vmem>>, vector<1x16xf32>,
          %swap3A_425 = vector.shape_cast %swap3A_424 : vector<1x16xf32> to vector<16xf32>
          %swap3A_426 = vector.shape_cast %max3A_421 : vector<16xf32> to vector<1x16xf32>
          tpu.vector_store %arg14[%swap3A_422, %swap3A_423], %swap3A_426 {strides = array<i32>} : memref<40x64xf32, #tpu.memory_space<vmem>>, vector<1x16xf32>,
          %get3A_427 = arith.index_cast %scan3A_374 : i32 to index
          %get3A_428 = arith.constant 48 : index
          %get3A_429 = tpu.vector_load %arg14[%get3A_427, %get3A_428] {strides = array<i32>} : memref<40x64xf32, #tpu.memory_space<vmem>>, vector<1x16xf32>,
          %get3A_430 = vector.shape_cast %get3A_429 : vector<1x16xf32> to vector<16xf32>
          %get3A_431 = arith.index_cast %scan3A_374 : i32 to index
          %get3A_432 = arith.constant 48 : index
          %get3A_433 = tpu.vector_load %arg18[%get3A_431, %get3A_432] {strides = array<i32>} : memref<40x64xf32, #tpu.memory_space<vmem>>, vector<1x16xf32>,
          %get3A_434 = vector.shape_cast %get3A_433 : vector<1x16xf32> to vector<16xf32>
          %add3A_435 = arith.addf %get3A_430, %get3A_434 : vector<16xf32>
          %mul3A_436 = arith.constant 0.00999999977 : f32
          %mul3A_437 = vector.broadcast %mul3A_436 : f32 to vector<16xf32>
          %mul3A_438 = arith.mulf %add3A_435, %mul3A_437 : vector<16xf32>
          %max3A_439 = arith.maximumf %add3A_435, %mul3A_438 : vector<16xf32>
          %swap3A_440 = arith.index_cast %scan3A_374 : i32 to index
          %swap3A_441 = arith.constant 48 : index
          %swap3A_442 = tpu.vector_load %arg14[%swap3A_440, %swap3A_441] {strides = array<i32>} : memref<40x64xf32, #tpu.memory_space<vmem>>, vector<1x16xf32>,
          %swap3A_443 = vector.shape_cast %swap3A_442 : vector<1x16xf32> to vector<16xf32>
          %swap3A_444 = vector.shape_cast %max3A_439 : vector<16xf32> to vector<1x16xf32>
          tpu.vector_store %arg14[%swap3A_440, %swap3A_441], %swap3A_444 {strides = array<i32>} : memref<40x64xf32, #tpu.memory_space<vmem>>, vector<1x16xf32>,
          %scan3A_445 = arith.constant 0 : i32
          scf.yield %scan3A_445 : i32
        }
        %scan3A_279 = arith.constant 40 : i32
        %dma_start3A_280 = arith.constant 0 : i32
        %dma_start3A_281 = tpu.memref_slice %arg12[%add3A_262, %dma_start3A_280] : memref<100x40xi32, #tpu.memory_space<vmem>> -> memref<1x40xi32, #tpu.memory_space<vmem>>
        %dma_start3A_282 = tpu.memref_squeeze %dma_start3A_281 : memref<1x40xi32, #tpu.memory_space<vmem>> -> memref<40xi32, #tpu.memory_space<vmem>>
        %dma_start3A_283 = arith.constant 0 : i32
        %dma_start3A_284 = arith.constant 0 : i32
        %dma_start3A_285 = tpu.memref_slice %arg25[%dma_start3A_283, %dma_start3A_284] : memref<10240x64xf32, #tpu.memory_space<vmem_shared>> -> memref<10240x64xf32, #tpu.memory_space<vmem_shared>>
        tpu.enqueue_indirect_dma source(%arg14 : memref<40x64xf32, #tpu.memory_space<vmem>>) target(%dma_start3A_285 : memref<10240x64xf32, #tpu.memory_space<vmem_shared>>) offsets(%dma_start3A_282 : memref<40xi32, #tpu.memory_space<vmem>>) semaphore(%arg36 : memref<!tpu.dma_semaphore, #tpu.memory_space<semaphore_mem>>) {add = true}
        %dma_start3A_286 = arith.constant 0 : i32
        %dma_start3A_287 = tpu.memref_slice %arg12[%add3A_262, %dma_start3A_286] : memref<100x40xi32, #tpu.memory_space<vmem>> -> memref<1x40xi32, #tpu.memory_space<vmem>>
        %dma_start3A_288 = tpu.memref_squeeze %dma_start3A_287 : memref<1x40xi32, #tpu.memory_space<vmem>> -> memref<40xi32, #tpu.memory_space<vmem>>
        %dma_start3A_289 = arith.constant 0 : i32
        %dma_start3A_290 = arith.constant 0 : i32
        %dma_start3A_291 = tpu.memref_slice %arg26[%dma_start3A_289, %dma_start3A_290] : memref<10240x16xf32, #tpu.memory_space<vmem_shared>> -> memref<10240x16xf32, #tpu.memory_space<vmem_shared>>
        tpu.enqueue_indirect_dma source(%arg21 : memref<40x16xf32, #tpu.memory_space<vmem>>) target(%dma_start3A_291 : memref<10240x16xf32, #tpu.memory_space<vmem_shared>>) offsets(%dma_start3A_288 : memref<40xi32, #tpu.memory_space<vmem>>) semaphore(%arg40 : memref<!tpu.dma_semaphore, #tpu.memory_space<semaphore_mem>>) {add = true}
        %lt3A_292 = arith.constant 24 : i32
        %lt3A_293 = arith.cmpi slt, %scan3A_222, %lt3A_292 : i32
        %convert_element_type3A_294 = arith.extui %lt3A_293 : i1 to i32
        %cond3A_295 = arith.constant 0 : i32
        %cond3A_296 = arith.cmpi ne, %convert_element_type3A_294, %cond3A_295 : i32
        scf.if %cond3A_296 {
          %dma_wait3A_374 = arith.constant 0 : i32
          %dma_wait3A_375 = tpu.memref_slice %arg12[%add3A_262, %dma_wait3A_374] : memref<100x40xi32, #tpu.memory_space<vmem>> -> memref<1x40xi32, #tpu.memory_space<vmem>>
          %dma_wait3A_376 = tpu.memref_squeeze %dma_wait3A_375 : memref<1x40xi32, #tpu.memory_space<vmem>> -> memref<40xi32, #tpu.memory_space<vmem>>
          %dma_wait3A_377 = arith.constant 0 : i32
          %dma_wait3A_378 = arith.constant 0 : i32
          %dma_wait3A_379 = tpu.memref_slice %arg25[%dma_wait3A_377, %dma_wait3A_378] : memref<10240x64xf32, #tpu.memory_space<vmem_shared>> -> memref<10240x64xf32, #tpu.memory_space<vmem_shared>>
          tpu.wait_indirect_dma semaphore(%arg36 : memref<!tpu.dma_semaphore, #tpu.memory_space<semaphore_mem>>) src(%arg14 : memref<40x64xf32, #tpu.memory_space<vmem>>) dst(%dma_wait3A_379 : memref<10240x64xf32, #tpu.memory_space<vmem_shared>>)
          %dma_wait3A_380 = arith.constant 0 : i32
          %dma_wait3A_381 = tpu.memref_slice %arg12[%add3A_262, %dma_wait3A_380] : memref<100x40xi32, #tpu.memory_space<vmem>> -> memref<1x40xi32, #tpu.memory_space<vmem>>
          %dma_wait3A_382 = tpu.memref_squeeze %dma_wait3A_381 : memref<1x40xi32, #tpu.memory_space<vmem>> -> memref<40xi32, #tpu.memory_space<vmem>>
          %dma_wait3A_383 = arith.constant 0 : i32
          %dma_wait3A_384 = arith.constant 0 : i32
          %dma_wait3A_385 = tpu.memref_slice %arg26[%dma_wait3A_383, %dma_wait3A_384] : memref<10240x16xf32, #tpu.memory_space<vmem_shared>> -> memref<10240x16xf32, #tpu.memory_space<vmem_shared>>
          tpu.wait_indirect_dma semaphore(%arg40 : memref<!tpu.dma_semaphore, #tpu.memory_space<semaphore_mem>>) src(%arg21 : memref<40x16xf32, #tpu.memory_space<vmem>>) dst(%dma_wait3A_385 : memref<10240x16xf32, #tpu.memory_space<vmem_shared>>)
          %add3A_386 = arith.constant 4 : i32
          %add3A_387 = arith.addi %add3A_262, %add3A_386 : i32
          %dma_start3A_388 = arith.constant 0 : i32
          %dma_start3A_389 = tpu.memref_slice %arg11[%add3A_387, %dma_start3A_388] : memref<100x40xi32, #tpu.memory_space<vmem>> -> memref<1x40xi32, #tpu.memory_space<vmem>>
          %dma_start3A_390 = tpu.memref_squeeze %dma_start3A_389 : memref<1x40xi32, #tpu.memory_space<vmem>> -> memref<40xi32, #tpu.memory_space<vmem>>
          %dma_start3A_391 = arith.constant 0 : i32
          %dma_start3A_392 = arith.constant 0 : i32
          %dma_start3A_393 = tpu.memref_slice %arg24[%dma_start3A_391, %dma_start3A_392] : memref<10240x64xf32, #tpu.memory_space<vmem_shared>> -> memref<10240x64xf32, #tpu.memory_space<vmem_shared>>
          tpu.enqueue_indirect_dma source(%dma_start3A_393 : memref<10240x64xf32, #tpu.memory_space<vmem_shared>>) target(%arg14 : memref<40x64xf32, #tpu.memory_space<vmem>>) offsets(%dma_start3A_390 : memref<40xi32, #tpu.memory_space<vmem>>) semaphore(%arg28 : memref<!tpu.dma_semaphore, #tpu.memory_space<semaphore_mem>>)
          %mul3A_394 = arith.constant 100 : i32
          %mul3A_395 = arith.muli %scan3A_85, %mul3A_394 : i32
          %add3A_396 = arith.addi %mul3A_395, %add3A_387 : i32
          %mul3A_397 = arith.constant 40 : i32
          %mul3A_398 = arith.muli %add3A_396, %mul3A_397 : i32
          %add3A_399 = arith.addi %add3A, %mul3A_398 : i32
          %dma_start3A_400 = arith.constant 0 : i32
          %dma_start3A_401 = tpu.memref_slice %arg6[%add3A_399, %dma_start3A_400] : memref<640000x128xf32, #tpu.memory_space<hbm>> -> memref<40x64xf32, #tpu.memory_space<hbm>>
          %dma_start3A_402 = arith.constant 0 : i32
          %dma_start3A_403 = tpu.memref_slice %arg6[%add3A_399, %dma_start3A_402] : memref<640000x128xf32, #tpu.memory_space<hbm>> -> memref<40x64xf32, #tpu.memory_space<hbm>>
          tpu.enqueue_dma source(%dma_start3A_403 : memref<40x64xf32, #tpu.memory_space<hbm>>) target(%arg18 : memref<40x64xf32, #tpu.memory_space<vmem>>) target_semaphore(%arg32 : memref<!tpu.dma_semaphore, #tpu.memory_space<semaphore_mem>>)
        } else {
        }
        %mul3A_297 = arith.constant 4 : i32
        %mul3A_298 = arith.muli %mul3A_297, %scan3A_222 : i32
        %add3A_299 = arith.constant 2 : i32
        %add3A_300 = arith.addi %mul3A_298, %add3A_299 : i32
        %dma_wait3A_301 = arith.constant 0 : i32
        %dma_wait3A_302 = tpu.memref_slice %arg11[%add3A_300, %dma_wait3A_301] : memref<100x40xi32, #tpu.memory_space<vmem>> -> memref<1x40xi32, #tpu.memory_space<vmem>>
        %dma_wait3A_303 = tpu.memref_squeeze %dma_wait3A_302 : memref<1x40xi32, #tpu.memory_space<vmem>> -> memref<40xi32, #tpu.memory_space<vmem>>
        %dma_wait3A_304 = arith.constant 0 : i32
        %dma_wait3A_305 = arith.constant 0 : i32
        %dma_wait3A_306 = tpu.memref_slice %arg24[%dma_wait3A_304, %dma_wait3A_305] : memref<10240x64xf32, #tpu.memory_space<vmem_shared>> -> memref<10240x64xf32, #tpu.memory_space<vmem_shared>>
        tpu.wait_indirect_dma semaphore(%arg29 : memref<!tpu.dma_semaphore, #tpu.memory_space<semaphore_mem>>) src(%dma_wait3A_306 : memref<10240x64xf32, #tpu.memory_space<vmem_shared>>) dst(%arg15 : memref<40x64xf32, #tpu.memory_space<vmem>>)
        %dma_wait3A_307 = arith.constant 0 : i32
        %dma_wait3A_308 = tpu.memref_slice %arg6[%add3A, %dma_wait3A_307] : memref<640000x128xf32, #tpu.memory_space<hbm>> -> memref<40x64xf32, #tpu.memory_space<hbm>>
        %dma_wait3A_309 = arith.constant 0 : i32
        %dma_wait3A_310 = tpu.memref_slice %arg6[%add3A, %dma_wait3A_309] : memref<640000x128xf32, #tpu.memory_space<hbm>> -> memref<40x64xf32, #tpu.memory_space<hbm>>
        tpu.wait_dma2 semaphore(%arg33 : memref<!tpu.dma_semaphore, #tpu.memory_space<semaphore_mem>>) src(%dma_wait3A_310 : memref<40x64xf32, #tpu.memory_space<hbm>>) dst(%arg19 : memref<40x64xf32, #tpu.memory_space<vmem>>)
        %scan3A_311 = arith.constant 0 : i32
        %scan3A_312 = arith.constant 0 : i32
        %scan3A_313 = arith.constant 40 : i32
        %scan3A_314 = arith.addi %scan3A_312, %scan3A_313 : i32
        %scan3A_315 = arith.constant 1 : i32
        %scan3A_316 = scf.for %scan3A_374 = %scan3A_312 to %scan3A_314 step %scan3A_315 iter_args(%scan3A_375 = %scan3A_311) -> (i32)  : i32 {
          %get3A = arith.index_cast %scan3A_374 : i32 to index
          %get3A_376 = arith.constant 0 : index
          %get3A_377 = tpu.vector_load %arg15[%get3A, %get3A_376] {strides = array<i32>} : memref<40x64xf32, #tpu.memory_space<vmem>>, vector<1x16xf32>,
          %get3A_378 = vector.shape_cast %get3A_377 : vector<1x16xf32> to vector<16xf32>
          %get3A_379 = arith.index_cast %scan3A_374 : i32 to index
          %get3A_380 = arith.constant 0 : index
          %get3A_381 = tpu.vector_load %arg19[%get3A_379, %get3A_380] {strides = array<i32>} : memref<40x64xf32, #tpu.memory_space<vmem>>, vector<1x16xf32>,
          %get3A_382 = vector.shape_cast %get3A_381 : vector<1x16xf32> to vector<16xf32>
          %add3A_383 = arith.addf %get3A_378, %get3A_382 : vector<16xf32>
          %mul3A_384 = arith.constant 0.00999999977 : f32
          %mul3A_385 = vector.broadcast %mul3A_384 : f32 to vector<16xf32>
          %mul3A_386 = arith.mulf %add3A_383, %mul3A_385 : vector<16xf32>
          %max3A = arith.maximumf %add3A_383, %mul3A_386 : vector<16xf32>
          %swap3A = arith.index_cast %scan3A_374 : i32 to index
          %swap3A_387 = arith.constant 0 : index
          %swap3A_388 = tpu.vector_load %arg15[%swap3A, %swap3A_387] {strides = array<i32>} : memref<40x64xf32, #tpu.memory_space<vmem>>, vector<1x16xf32>,
          %swap3A_389 = vector.shape_cast %swap3A_388 : vector<1x16xf32> to vector<16xf32>
          %swap3A_390 = vector.shape_cast %max3A : vector<16xf32> to vector<1x16xf32>
          tpu.vector_store %arg15[%swap3A, %swap3A_387], %swap3A_390 {strides = array<i32>} : memref<40x64xf32, #tpu.memory_space<vmem>>, vector<1x16xf32>,
          %get3A_391 = arith.index_cast %scan3A_374 : i32 to index
          %get3A_392 = arith.constant 16 : index
          %get3A_393 = tpu.vector_load %arg15[%get3A_391, %get3A_392] {strides = array<i32>} : memref<40x64xf32, #tpu.memory_space<vmem>>, vector<1x16xf32>,
          %get3A_394 = vector.shape_cast %get3A_393 : vector<1x16xf32> to vector<16xf32>
          %get3A_395 = arith.index_cast %scan3A_374 : i32 to index
          %get3A_396 = arith.constant 16 : index
          %get3A_397 = tpu.vector_load %arg19[%get3A_395, %get3A_396] {strides = array<i32>} : memref<40x64xf32, #tpu.memory_space<vmem>>, vector<1x16xf32>,
          %get3A_398 = vector.shape_cast %get3A_397 : vector<1x16xf32> to vector<16xf32>
          %add3A_399 = arith.addf %get3A_394, %get3A_398 : vector<16xf32>
          %mul3A_400 = arith.constant 0.00999999977 : f32
          %mul3A_401 = vector.broadcast %mul3A_400 : f32 to vector<16xf32>
          %mul3A_402 = arith.mulf %add3A_399, %mul3A_401 : vector<16xf32>
          %max3A_403 = arith.maximumf %add3A_399, %mul3A_402 : vector<16xf32>
          %swap3A_404 = arith.index_cast %scan3A_374 : i32 to index
          %swap3A_405 = arith.constant 16 : index
          %swap3A_406 = tpu.vector_load %arg15[%swap3A_404, %swap3A_405] {strides = array<i32>} : memref<40x64xf32, #tpu.memory_space<vmem>>, vector<1x16xf32>,
          %swap3A_407 = vector.shape_cast %swap3A_406 : vector<1x16xf32> to vector<16xf32>
          %swap3A_408 = vector.shape_cast %max3A_403 : vector<16xf32> to vector<1x16xf32>
          tpu.vector_store %arg15[%swap3A_404, %swap3A_405], %swap3A_408 {strides = array<i32>} : memref<40x64xf32, #tpu.memory_space<vmem>>, vector<1x16xf32>,
          %get3A_409 = arith.index_cast %scan3A_374 : i32 to index
          %get3A_410 = arith.constant 32 : index
          %get3A_411 = tpu.vector_load %arg15[%get3A_409, %get3A_410] {strides = array<i32>} : memref<40x64xf32, #tpu.memory_space<vmem>>, vector<1x16xf32>,
          %get3A_412 = vector.shape_cast %get3A_411 : vector<1x16xf32> to vector<16xf32>
          %get3A_413 = arith.index_cast %scan3A_374 : i32 to index
          %get3A_414 = arith.constant 32 : index
          %get3A_415 = tpu.vector_load %arg19[%get3A_413, %get3A_414] {strides = array<i32>} : memref<40x64xf32, #tpu.memory_space<vmem>>, vector<1x16xf32>,
          %get3A_416 = vector.shape_cast %get3A_415 : vector<1x16xf32> to vector<16xf32>
          %add3A_417 = arith.addf %get3A_412, %get3A_416 : vector<16xf32>
          %mul3A_418 = arith.constant 0.00999999977 : f32
          %mul3A_419 = vector.broadcast %mul3A_418 : f32 to vector<16xf32>
          %mul3A_420 = arith.mulf %add3A_417, %mul3A_419 : vector<16xf32>
          %max3A_421 = arith.maximumf %add3A_417, %mul3A_420 : vector<16xf32>
          %swap3A_422 = arith.index_cast %scan3A_374 : i32 to index
          %swap3A_423 = arith.constant 32 : index
          %swap3A_424 = tpu.vector_load %arg15[%swap3A_422, %swap3A_423] {strides = array<i32>} : memref<40x64xf32, #tpu.memory_space<vmem>>, vector<1x16xf32>,
          %swap3A_425 = vector.shape_cast %swap3A_424 : vector<1x16xf32> to vector<16xf32>
          %swap3A_426 = vector.shape_cast %max3A_421 : vector<16xf32> to vector<1x16xf32>
          tpu.vector_store %arg15[%swap3A_422, %swap3A_423], %swap3A_426 {strides = array<i32>} : memref<40x64xf32, #tpu.memory_space<vmem>>, vector<1x16xf32>,
          %get3A_427 = arith.index_cast %scan3A_374 : i32 to index
          %get3A_428 = arith.constant 48 : index
          %get3A_429 = tpu.vector_load %arg15[%get3A_427, %get3A_428] {strides = array<i32>} : memref<40x64xf32, #tpu.memory_space<vmem>>, vector<1x16xf32>,
          %get3A_430 = vector.shape_cast %get3A_429 : vector<1x16xf32> to vector<16xf32>
          %get3A_431 = arith.index_cast %scan3A_374 : i32 to index
          %get3A_432 = arith.constant 48 : index
          %get3A_433 = tpu.vector_load %arg19[%get3A_431, %get3A_432] {strides = array<i32>} : memref<40x64xf32, #tpu.memory_space<vmem>>, vector<1x16xf32>,
          %get3A_434 = vector.shape_cast %get3A_433 : vector<1x16xf32> to vector<16xf32>
          %add3A_435 = arith.addf %get3A_430, %get3A_434 : vector<16xf32>
          %mul3A_436 = arith.constant 0.00999999977 : f32
          %mul3A_437 = vector.broadcast %mul3A_436 : f32 to vector<16xf32>
          %mul3A_438 = arith.mulf %add3A_435, %mul3A_437 : vector<16xf32>
          %max3A_439 = arith.maximumf %add3A_435, %mul3A_438 : vector<16xf32>
          %swap3A_440 = arith.index_cast %scan3A_374 : i32 to index
          %swap3A_441 = arith.constant 48 : index
          %swap3A_442 = tpu.vector_load %arg15[%swap3A_440, %swap3A_441] {strides = array<i32>} : memref<40x64xf32, #tpu.memory_space<vmem>>, vector<1x16xf32>,
          %swap3A_443 = vector.shape_cast %swap3A_442 : vector<1x16xf32> to vector<16xf32>
          %swap3A_444 = vector.shape_cast %max3A_439 : vector<16xf32> to vector<1x16xf32>
          tpu.vector_store %arg15[%swap3A_440, %swap3A_441], %swap3A_444 {strides = array<i32>} : memref<40x64xf32, #tpu.memory_space<vmem>>, vector<1x16xf32>,
          %scan3A_445 = arith.constant 0 : i32
          scf.yield %scan3A_445 : i32
        }
        %scan3A_317 = arith.constant 40 : i32
        %dma_start3A_318 = arith.constant 0 : i32
        %dma_start3A_319 = tpu.memref_slice %arg12[%add3A_300, %dma_start3A_318] : memref<100x40xi32, #tpu.memory_space<vmem>> -> memref<1x40xi32, #tpu.memory_space<vmem>>
        %dma_start3A_320 = tpu.memref_squeeze %dma_start3A_319 : memref<1x40xi32, #tpu.memory_space<vmem>> -> memref<40xi32, #tpu.memory_space<vmem>>
        %dma_start3A_321 = arith.constant 0 : i32
        %dma_start3A_322 = arith.constant 0 : i32
        %dma_start3A_323 = tpu.memref_slice %arg25[%dma_start3A_321, %dma_start3A_322] : memref<10240x64xf32, #tpu.memory_space<vmem_shared>> -> memref<10240x64xf32, #tpu.memory_space<vmem_shared>>
        tpu.enqueue_indirect_dma source(%arg15 : memref<40x64xf32, #tpu.memory_space<vmem>>) target(%dma_start3A_323 : memref<10240x64xf32, #tpu.memory_space<vmem_shared>>) offsets(%dma_start3A_320 : memref<40xi32, #tpu.memory_space<vmem>>) semaphore(%arg37 : memref<!tpu.dma_semaphore, #tpu.memory_space<semaphore_mem>>) {add = true}
        %dma_start3A_324 = arith.constant 0 : i32
        %dma_start3A_325 = tpu.memref_slice %arg12[%add3A_300, %dma_start3A_324] : memref<100x40xi32, #tpu.memory_space<vmem>> -> memref<1x40xi32, #tpu.memory_space<vmem>>
        %dma_start3A_326 = tpu.memref_squeeze %dma_start3A_325 : memref<1x40xi32, #tpu.memory_space<vmem>> -> memref<40xi32, #tpu.memory_space<vmem>>
        %dma_start3A_327 = arith.constant 0 : i32
        %dma_start3A_328 = arith.constant 0 : i32
        %dma_start3A_329 = tpu.memref_slice %arg26[%dma_start3A_327, %dma_start3A_328] : memref<10240x16xf32, #tpu.memory_space<vmem_shared>> -> memref<10240x16xf32, #tpu.memory_space<vmem_shared>>
        tpu.enqueue_indirect_dma source(%arg21 : memref<40x16xf32, #tpu.memory_space<vmem>>) target(%dma_start3A_329 : memref<10240x16xf32, #tpu.memory_space<vmem_shared>>) offsets(%dma_start3A_326 : memref<40xi32, #tpu.memory_space<vmem>>) semaphore(%arg41 : memref<!tpu.dma_semaphore, #tpu.memory_space<semaphore_mem>>) {add = true}
        %lt3A_330 = arith.constant 24 : i32
        %lt3A_331 = arith.cmpi slt, %scan3A_222, %lt3A_330 : i32
        %convert_element_type3A_332 = arith.extui %lt3A_331 : i1 to i32
        %cond3A_333 = arith.constant 0 : i32
        %cond3A_334 = arith.cmpi ne, %convert_element_type3A_332, %cond3A_333 : i32
        scf.if %cond3A_334 {
          %dma_wait3A_374 = arith.constant 0 : i32
          %dma_wait3A_375 = tpu.memref_slice %arg12[%add3A_300, %dma_wait3A_374] : memref<100x40xi32, #tpu.memory_space<vmem>> -> memref<1x40xi32, #tpu.memory_space<vmem>>
          %dma_wait3A_376 = tpu.memref_squeeze %dma_wait3A_375 : memref<1x40xi32, #tpu.memory_space<vmem>> -> memref<40xi32, #tpu.memory_space<vmem>>
          %dma_wait3A_377 = arith.constant 0 : i32
          %dma_wait3A_378 = arith.constant 0 : i32
          %dma_wait3A_379 = tpu.memref_slice %arg25[%dma_wait3A_377, %dma_wait3A_378] : memref<10240x64xf32, #tpu.memory_space<vmem_shared>> -> memref<10240x64xf32, #tpu.memory_space<vmem_shared>>
          tpu.wait_indirect_dma semaphore(%arg37 : memref<!tpu.dma_semaphore, #tpu.memory_space<semaphore_mem>>) src(%arg15 : memref<40x64xf32, #tpu.memory_space<vmem>>) dst(%dma_wait3A_379 : memref<10240x64xf32, #tpu.memory_space<vmem_shared>>)
          %dma_wait3A_380 = arith.constant 0 : i32
          %dma_wait3A_381 = tpu.memref_slice %arg12[%add3A_300, %dma_wait3A_380] : memref<100x40xi32, #tpu.memory_space<vmem>> -> memref<1x40xi32, #tpu.memory_space<vmem>>
          %dma_wait3A_382 = tpu.memref_squeeze %dma_wait3A_381 : memref<1x40xi32, #tpu.memory_space<vmem>> -> memref<40xi32, #tpu.memory_space<vmem>>
          %dma_wait3A_383 = arith.constant 0 : i32
          %dma_wait3A_384 = arith.constant 0 : i32
          %dma_wait3A_385 = tpu.memref_slice %arg26[%dma_wait3A_383, %dma_wait3A_384] : memref<10240x16xf32, #tpu.memory_space<vmem_shared>> -> memref<10240x16xf32, #tpu.memory_space<vmem_shared>>
          tpu.wait_indirect_dma semaphore(%arg41 : memref<!tpu.dma_semaphore, #tpu.memory_space<semaphore_mem>>) src(%arg21 : memref<40x16xf32, #tpu.memory_space<vmem>>) dst(%dma_wait3A_385 : memref<10240x16xf32, #tpu.memory_space<vmem_shared>>)
          %add3A_386 = arith.constant 4 : i32
          %add3A_387 = arith.addi %add3A_300, %add3A_386 : i32
          %dma_start3A_388 = arith.constant 0 : i32
          %dma_start3A_389 = tpu.memref_slice %arg11[%add3A_387, %dma_start3A_388] : memref<100x40xi32, #tpu.memory_space<vmem>> -> memref<1x40xi32, #tpu.memory_space<vmem>>
          %dma_start3A_390 = tpu.memref_squeeze %dma_start3A_389 : memref<1x40xi32, #tpu.memory_space<vmem>> -> memref<40xi32, #tpu.memory_space<vmem>>
          %dma_start3A_391 = arith.constant 0 : i32
          %dma_start3A_392 = arith.constant 0 : i32
          %dma_start3A_393 = tpu.memref_slice %arg24[%dma_start3A_391, %dma_start3A_392] : memref<10240x64xf32, #tpu.memory_space<vmem_shared>> -> memref<10240x64xf32, #tpu.memory_space<vmem_shared>>
          tpu.enqueue_indirect_dma source(%dma_start3A_393 : memref<10240x64xf32, #tpu.memory_space<vmem_shared>>) target(%arg15 : memref<40x64xf32, #tpu.memory_space<vmem>>) offsets(%dma_start3A_390 : memref<40xi32, #tpu.memory_space<vmem>>) semaphore(%arg29 : memref<!tpu.dma_semaphore, #tpu.memory_space<semaphore_mem>>)
          %mul3A_394 = arith.constant 100 : i32
          %mul3A_395 = arith.muli %scan3A_85, %mul3A_394 : i32
          %add3A_396 = arith.addi %mul3A_395, %add3A_387 : i32
          %mul3A_397 = arith.constant 40 : i32
          %mul3A_398 = arith.muli %add3A_396, %mul3A_397 : i32
          %add3A_399 = arith.addi %add3A, %mul3A_398 : i32
          %dma_start3A_400 = arith.constant 0 : i32
          %dma_start3A_401 = tpu.memref_slice %arg6[%add3A_399, %dma_start3A_400] : memref<640000x128xf32, #tpu.memory_space<hbm>> -> memref<40x64xf32, #tpu.memory_space<hbm>>
          %dma_start3A_402 = arith.constant 0 : i32
          %dma_start3A_403 = tpu.memref_slice %arg6[%add3A_399, %dma_start3A_402] : memref<640000x128xf32, #tpu.memory_space<hbm>> -> memref<40x64xf32, #tpu.memory_space<hbm>>
          tpu.enqueue_dma source(%dma_start3A_403 : memref<40x64xf32, #tpu.memory_space<hbm>>) target(%arg19 : memref<40x64xf32, #tpu.memory_space<vmem>>) target_semaphore(%arg33 : memref<!tpu.dma_semaphore, #tpu.memory_space<semaphore_mem>>)
        } else {
        }
        %mul3A_335 = arith.constant 4 : i32
        %mul3A_336 = arith.muli %mul3A_335, %scan3A_222 : i32
        %add3A_337 = arith.constant 3 : i32
        %add3A_338 = arith.addi %mul3A_336, %add3A_337 : i32
        %dma_wait3A_339 = arith.constant 0 : i32
        %dma_wait3A_340 = tpu.memref_slice %arg11[%add3A_338, %dma_wait3A_339] : memref<100x40xi32, #tpu.memory_space<vmem>> -> memref<1x40xi32, #tpu.memory_space<vmem>>
        %dma_wait3A_341 = tpu.memref_squeeze %dma_wait3A_340 : memref<1x40xi32, #tpu.memory_space<vmem>> -> memref<40xi32, #tpu.memory_space<vmem>>
        %dma_wait3A_342 = arith.constant 0 : i32
        %dma_wait3A_343 = arith.constant 0 : i32
        %dma_wait3A_344 = tpu.memref_slice %arg24[%dma_wait3A_342, %dma_wait3A_343] : memref<10240x64xf32, #tpu.memory_space<vmem_shared>> -> memref<10240x64xf32, #tpu.memory_space<vmem_shared>>
        tpu.wait_indirect_dma semaphore(%arg30 : memref<!tpu.dma_semaphore, #tpu.memory_space<semaphore_mem>>) src(%dma_wait3A_344 : memref<10240x64xf32, #tpu.memory_space<vmem_shared>>) dst(%arg16 : memref<40x64xf32, #tpu.memory_space<vmem>>)
        %dma_wait3A_345 = arith.constant 0 : i32
        %dma_wait3A_346 = tpu.memref_slice %arg6[%add3A, %dma_wait3A_345] : memref<640000x128xf32, #tpu.memory_space<hbm>> -> memref<40x64xf32, #tpu.memory_space<hbm>>
        %dma_wait3A_347 = arith.constant 0 : i32
        %dma_wait3A_348 = tpu.memref_slice %arg6[%add3A, %dma_wait3A_347] : memref<640000x128xf32, #tpu.memory_space<hbm>> -> memref<40x64xf32, #tpu.memory_space<hbm>>
        tpu.wait_dma2 semaphore(%arg34 : memref<!tpu.dma_semaphore, #tpu.memory_space<semaphore_mem>>) src(%dma_wait3A_348 : memref<40x64xf32, #tpu.memory_space<hbm>>) dst(%arg20 : memref<40x64xf32, #tpu.memory_space<vmem>>)
        %scan3A_349 = arith.constant 0 : i32
        %scan3A_350 = arith.constant 0 : i32
        %scan3A_351 = arith.constant 40 : i32
        %scan3A_352 = arith.addi %scan3A_350, %scan3A_351 : i32
        %scan3A_353 = arith.constant 1 : i32
        %scan3A_354 = scf.for %scan3A_374 = %scan3A_350 to %scan3A_352 step %scan3A_353 iter_args(%scan3A_375 = %scan3A_349) -> (i32)  : i32 {
          %get3A = arith.index_cast %scan3A_374 : i32 to index
          %get3A_376 = arith.constant 0 : index
          %get3A_377 = tpu.vector_load %arg16[%get3A, %get3A_376] {strides = array<i32>} : memref<40x64xf32, #tpu.memory_space<vmem>>, vector<1x16xf32>,
          %get3A_378 = vector.shape_cast %get3A_377 : vector<1x16xf32> to vector<16xf32>
          %get3A_379 = arith.index_cast %scan3A_374 : i32 to index
          %get3A_380 = arith.constant 0 : index
          %get3A_381 = tpu.vector_load %arg20[%get3A_379, %get3A_380] {strides = array<i32>} : memref<40x64xf32, #tpu.memory_space<vmem>>, vector<1x16xf32>,
          %get3A_382 = vector.shape_cast %get3A_381 : vector<1x16xf32> to vector<16xf32>
          %add3A_383 = arith.addf %get3A_378, %get3A_382 : vector<16xf32>
          %mul3A_384 = arith.constant 0.00999999977 : f32
          %mul3A_385 = vector.broadcast %mul3A_384 : f32 to vector<16xf32>
          %mul3A_386 = arith.mulf %add3A_383, %mul3A_385 : vector<16xf32>
          %max3A = arith.maximumf %add3A_383, %mul3A_386 : vector<16xf32>
          %swap3A = arith.index_cast %scan3A_374 : i32 to index
          %swap3A_387 = arith.constant 0 : index
          %swap3A_388 = tpu.vector_load %arg16[%swap3A, %swap3A_387] {strides = array<i32>} : memref<40x64xf32, #tpu.memory_space<vmem>>, vector<1x16xf32>,
          %swap3A_389 = vector.shape_cast %swap3A_388 : vector<1x16xf32> to vector<16xf32>
          %swap3A_390 = vector.shape_cast %max3A : vector<16xf32> to vector<1x16xf32>
          tpu.vector_store %arg16[%swap3A, %swap3A_387], %swap3A_390 {strides = array<i32>} : memref<40x64xf32, #tpu.memory_space<vmem>>, vector<1x16xf32>,
          %get3A_391 = arith.index_cast %scan3A_374 : i32 to index
          %get3A_392 = arith.constant 16 : index
          %get3A_393 = tpu.vector_load %arg16[%get3A_391, %get3A_392] {strides = array<i32>} : memref<40x64xf32, #tpu.memory_space<vmem>>, vector<1x16xf32>,
          %get3A_394 = vector.shape_cast %get3A_393 : vector<1x16xf32> to vector<16xf32>
          %get3A_395 = arith.index_cast %scan3A_374 : i32 to index
          %get3A_396 = arith.constant 16 : index
          %get3A_397 = tpu.vector_load %arg20[%get3A_395, %get3A_396] {strides = array<i32>} : memref<40x64xf32, #tpu.memory_space<vmem>>, vector<1x16xf32>,
          %get3A_398 = vector.shape_cast %get3A_397 : vector<1x16xf32> to vector<16xf32>
          %add3A_399 = arith.addf %get3A_394, %get3A_398 : vector<16xf32>
          %mul3A_400 = arith.constant 0.00999999977 : f32
          %mul3A_401 = vector.broadcast %mul3A_400 : f32 to vector<16xf32>
          %mul3A_402 = arith.mulf %add3A_399, %mul3A_401 : vector<16xf32>
          %max3A_403 = arith.maximumf %add3A_399, %mul3A_402 : vector<16xf32>
          %swap3A_404 = arith.index_cast %scan3A_374 : i32 to index
          %swap3A_405 = arith.constant 16 : index
          %swap3A_406 = tpu.vector_load %arg16[%swap3A_404, %swap3A_405] {strides = array<i32>} : memref<40x64xf32, #tpu.memory_space<vmem>>, vector<1x16xf32>,
          %swap3A_407 = vector.shape_cast %swap3A_406 : vector<1x16xf32> to vector<16xf32>
          %swap3A_408 = vector.shape_cast %max3A_403 : vector<16xf32> to vector<1x16xf32>
          tpu.vector_store %arg16[%swap3A_404, %swap3A_405], %swap3A_408 {strides = array<i32>} : memref<40x64xf32, #tpu.memory_space<vmem>>, vector<1x16xf32>,
          %get3A_409 = arith.index_cast %scan3A_374 : i32 to index
          %get3A_410 = arith.constant 32 : index
          %get3A_411 = tpu.vector_load %arg16[%get3A_409, %get3A_410] {strides = array<i32>} : memref<40x64xf32, #tpu.memory_space<vmem>>, vector<1x16xf32>,
          %get3A_412 = vector.shape_cast %get3A_411 : vector<1x16xf32> to vector<16xf32>
          %get3A_413 = arith.index_cast %scan3A_374 : i32 to index
          %get3A_414 = arith.constant 32 : index
          %get3A_415 = tpu.vector_load %arg20[%get3A_413, %get3A_414] {strides = array<i32>} : memref<40x64xf32, #tpu.memory_space<vmem>>, vector<1x16xf32>,
          %get3A_416 = vector.shape_cast %get3A_415 : vector<1x16xf32> to vector<16xf32>
          %add3A_417 = arith.addf %get3A_412, %get3A_416 : vector<16xf32>
          %mul3A_418 = arith.constant 0.00999999977 : f32
          %mul3A_419 = vector.broadcast %mul3A_418 : f32 to vector<16xf32>
          %mul3A_420 = arith.mulf %add3A_417, %mul3A_419 : vector<16xf32>
          %max3A_421 = arith.maximumf %add3A_417, %mul3A_420 : vector<16xf32>
          %swap3A_422 = arith.index_cast %scan3A_374 : i32 to index
          %swap3A_423 = arith.constant 32 : index
          %swap3A_424 = tpu.vector_load %arg16[%swap3A_422, %swap3A_423] {strides = array<i32>} : memref<40x64xf32, #tpu.memory_space<vmem>>, vector<1x16xf32>,
          %swap3A_425 = vector.shape_cast %swap3A_424 : vector<1x16xf32> to vector<16xf32>
          %swap3A_426 = vector.shape_cast %max3A_421 : vector<16xf32> to vector<1x16xf32>
          tpu.vector_store %arg16[%swap3A_422, %swap3A_423], %swap3A_426 {strides = array<i32>} : memref<40x64xf32, #tpu.memory_space<vmem>>, vector<1x16xf32>,
          %get3A_427 = arith.index_cast %scan3A_374 : i32 to index
          %get3A_428 = arith.constant 48 : index
          %get3A_429 = tpu.vector_load %arg16[%get3A_427, %get3A_428] {strides = array<i32>} : memref<40x64xf32, #tpu.memory_space<vmem>>, vector<1x16xf32>,
          %get3A_430 = vector.shape_cast %get3A_429 : vector<1x16xf32> to vector<16xf32>
          %get3A_431 = arith.index_cast %scan3A_374 : i32 to index
          %get3A_432 = arith.constant 48 : index
          %get3A_433 = tpu.vector_load %arg20[%get3A_431, %get3A_432] {strides = array<i32>} : memref<40x64xf32, #tpu.memory_space<vmem>>, vector<1x16xf32>,
          %get3A_434 = vector.shape_cast %get3A_433 : vector<1x16xf32> to vector<16xf32>
          %add3A_435 = arith.addf %get3A_430, %get3A_434 : vector<16xf32>
          %mul3A_436 = arith.constant 0.00999999977 : f32
          %mul3A_437 = vector.broadcast %mul3A_436 : f32 to vector<16xf32>
          %mul3A_438 = arith.mulf %add3A_435, %mul3A_437 : vector<16xf32>
          %max3A_439 = arith.maximumf %add3A_435, %mul3A_438 : vector<16xf32>
          %swap3A_440 = arith.index_cast %scan3A_374 : i32 to index
          %swap3A_441 = arith.constant 48 : index
          %swap3A_442 = tpu.vector_load %arg16[%swap3A_440, %swap3A_441] {strides = array<i32>} : memref<40x64xf32, #tpu.memory_space<vmem>>, vector<1x16xf32>,
          %swap3A_443 = vector.shape_cast %swap3A_442 : vector<1x16xf32> to vector<16xf32>
          %swap3A_444 = vector.shape_cast %max3A_439 : vector<16xf32> to vector<1x16xf32>
          tpu.vector_store %arg16[%swap3A_440, %swap3A_441], %swap3A_444 {strides = array<i32>} : memref<40x64xf32, #tpu.memory_space<vmem>>, vector<1x16xf32>,
          %scan3A_445 = arith.constant 0 : i32
          scf.yield %scan3A_445 : i32
        }
        %scan3A_355 = arith.constant 40 : i32
        %dma_start3A_356 = arith.constant 0 : i32
        %dma_start3A_357 = tpu.memref_slice %arg12[%add3A_338, %dma_start3A_356] : memref<100x40xi32, #tpu.memory_space<vmem>> -> memref<1x40xi32, #tpu.memory_space<vmem>>
        %dma_start3A_358 = tpu.memref_squeeze %dma_start3A_357 : memref<1x40xi32, #tpu.memory_space<vmem>> -> memref<40xi32, #tpu.memory_space<vmem>>
        %dma_start3A_359 = arith.constant 0 : i32
        %dma_start3A_360 = arith.constant 0 : i32
        %dma_start3A_361 = tpu.memref_slice %arg25[%dma_start3A_359, %dma_start3A_360] : memref<10240x64xf32, #tpu.memory_space<vmem_shared>> -> memref<10240x64xf32, #tpu.memory_space<vmem_shared>>
        tpu.enqueue_indirect_dma source(%arg16 : memref<40x64xf32, #tpu.memory_space<vmem>>) target(%dma_start3A_361 : memref<10240x64xf32, #tpu.memory_space<vmem_shared>>) offsets(%dma_start3A_358 : memref<40xi32, #tpu.memory_space<vmem>>) semaphore(%arg38 : memref<!tpu.dma_semaphore, #tpu.memory_space<semaphore_mem>>) {add = true}
        %dma_start3A_362 = arith.constant 0 : i32
        %dma_start3A_363 = tpu.memref_slice %arg12[%add3A_338, %dma_start3A_362] : memref<100x40xi32, #tpu.memory_space<vmem>> -> memref<1x40xi32, #tpu.memory_space<vmem>>
        %dma_start3A_364 = tpu.memref_squeeze %dma_start3A_363 : memref<1x40xi32, #tpu.memory_space<vmem>> -> memref<40xi32, #tpu.memory_space<vmem>>
        %dma_start3A_365 = arith.constant 0 : i32
        %dma_start3A_366 = arith.constant 0 : i32
        %dma_start3A_367 = tpu.memref_slice %arg26[%dma_start3A_365, %dma_start3A_366] : memref<10240x16xf32, #tpu.memory_space<vmem_shared>> -> memref<10240x16xf32, #tpu.memory_space<vmem_shared>>
        tpu.enqueue_indirect_dma source(%arg21 : memref<40x16xf32, #tpu.memory_space<vmem>>) target(%dma_start3A_367 : memref<10240x16xf32, #tpu.memory_space<vmem_shared>>) offsets(%dma_start3A_364 : memref<40xi32, #tpu.memory_space<vmem>>) semaphore(%arg42 : memref<!tpu.dma_semaphore, #tpu.memory_space<semaphore_mem>>) {add = true}
        %lt3A_368 = arith.constant 24 : i32
        %lt3A_369 = arith.cmpi slt, %scan3A_222, %lt3A_368 : i32
        %convert_element_type3A_370 = arith.extui %lt3A_369 : i1 to i32
        %cond3A_371 = arith.constant 0 : i32
        %cond3A_372 = arith.cmpi ne, %convert_element_type3A_370, %cond3A_371 : i32
        scf.if %cond3A_372 {
          %dma_wait3A_374 = arith.constant 0 : i32
          %dma_wait3A_375 = tpu.memref_slice %arg12[%add3A_338, %dma_wait3A_374] : memref<100x40xi32, #tpu.memory_space<vmem>> -> memref<1x40xi32, #tpu.memory_space<vmem>>
          %dma_wait3A_376 = tpu.memref_squeeze %dma_wait3A_375 : memref<1x40xi32, #tpu.memory_space<vmem>> -> memref<40xi32, #tpu.memory_space<vmem>>
          %dma_wait3A_377 = arith.constant 0 : i32
          %dma_wait3A_378 = arith.constant 0 : i32
          %dma_wait3A_379 = tpu.memref_slice %arg25[%dma_wait3A_377, %dma_wait3A_378] : memref<10240x64xf32, #tpu.memory_space<vmem_shared>> -> memref<10240x64xf32, #tpu.memory_space<vmem_shared>>
          tpu.wait_indirect_dma semaphore(%arg38 : memref<!tpu.dma_semaphore, #tpu.memory_space<semaphore_mem>>) src(%arg16 : memref<40x64xf32, #tpu.memory_space<vmem>>) dst(%dma_wait3A_379 : memref<10240x64xf32, #tpu.memory_space<vmem_shared>>)
          %dma_wait3A_380 = arith.constant 0 : i32
          %dma_wait3A_381 = tpu.memref_slice %arg12[%add3A_338, %dma_wait3A_380] : memref<100x40xi32, #tpu.memory_space<vmem>> -> memref<1x40xi32, #tpu.memory_space<vmem>>
          %dma_wait3A_382 = tpu.memref_squeeze %dma_wait3A_381 : memref<1x40xi32, #tpu.memory_space<vmem>> -> memref<40xi32, #tpu.memory_space<vmem>>
          %dma_wait3A_383 = arith.constant 0 : i32
          %dma_wait3A_384 = arith.constant 0 : i32
          %dma_wait3A_385 = tpu.memref_slice %arg26[%dma_wait3A_383, %dma_wait3A_384] : memref<10240x16xf32, #tpu.memory_space<vmem_shared>> -> memref<10240x16xf32, #tpu.memory_space<vmem_shared>>
          tpu.wait_indirect_dma semaphore(%arg42 : memref<!tpu.dma_semaphore, #tpu.memory_space<semaphore_mem>>) src(%arg21 : memref<40x16xf32, #tpu.memory_space<vmem>>) dst(%dma_wait3A_385 : memref<10240x16xf32, #tpu.memory_space<vmem_shared>>)
          %add3A_386 = arith.constant 4 : i32
          %add3A_387 = arith.addi %add3A_338, %add3A_386 : i32
          %dma_start3A_388 = arith.constant 0 : i32
          %dma_start3A_389 = tpu.memref_slice %arg11[%add3A_387, %dma_start3A_388] : memref<100x40xi32, #tpu.memory_space<vmem>> -> memref<1x40xi32, #tpu.memory_space<vmem>>
          %dma_start3A_390 = tpu.memref_squeeze %dma_start3A_389 : memref<1x40xi32, #tpu.memory_space<vmem>> -> memref<40xi32, #tpu.memory_space<vmem>>
          %dma_start3A_391 = arith.constant 0 : i32
          %dma_start3A_392 = arith.constant 0 : i32
          %dma_start3A_393 = tpu.memref_slice %arg24[%dma_start3A_391, %dma_start3A_392] : memref<10240x64xf32, #tpu.memory_space<vmem_shared>> -> memref<10240x64xf32, #tpu.memory_space<vmem_shared>>
          tpu.enqueue_indirect_dma source(%dma_start3A_393 : memref<10240x64xf32, #tpu.memory_space<vmem_shared>>) target(%arg16 : memref<40x64xf32, #tpu.memory_space<vmem>>) offsets(%dma_start3A_390 : memref<40xi32, #tpu.memory_space<vmem>>) semaphore(%arg30 : memref<!tpu.dma_semaphore, #tpu.memory_space<semaphore_mem>>)
          %mul3A_394 = arith.constant 100 : i32
          %mul3A_395 = arith.muli %scan3A_85, %mul3A_394 : i32
          %add3A_396 = arith.addi %mul3A_395, %add3A_387 : i32
          %mul3A_397 = arith.constant 40 : i32
          %mul3A_398 = arith.muli %add3A_396, %mul3A_397 : i32
          %add3A_399 = arith.addi %add3A, %mul3A_398 : i32
          %dma_start3A_400 = arith.constant 0 : i32
          %dma_start3A_401 = tpu.memref_slice %arg6[%add3A_399, %dma_start3A_400] : memref<640000x128xf32, #tpu.memory_space<hbm>> -> memref<40x64xf32, #tpu.memory_space<hbm>>
          %dma_start3A_402 = arith.constant 0 : i32
          %dma_start3A_403 = tpu.memref_slice %arg6[%add3A_399, %dma_start3A_402] : memref<640000x128xf32, #tpu.memory_space<hbm>> -> memref<40x64xf32, #tpu.memory_space<hbm>>
          tpu.enqueue_dma source(%dma_start3A_403 : memref<40x64xf32, #tpu.memory_space<hbm>>) target(%arg20 : memref<40x64xf32, #tpu.memory_space<vmem>>) target_semaphore(%arg34 : memref<!tpu.dma_semaphore, #tpu.memory_space<semaphore_mem>>)
        } else {
        }
        %scan3A_373 = arith.constant 0 : i32
        scf.yield %scan3A_373 : i32
      }
      %scan3A_165 = arith.constant 25 : i32
      %dma_wait3A = arith.constant 96 : i32
      %dma_wait3A_166 = arith.constant 0 : i32
      %dma_wait3A_167 = tpu.memref_slice %arg12[%dma_wait3A, %dma_wait3A_166] : memref<100x40xi32, #tpu.memory_space<vmem>> -> memref<1x40xi32, #tpu.memory_space<vmem>>
      %dma_wait3A_168 = tpu.memref_squeeze %dma_wait3A_167 : memref<1x40xi32, #tpu.memory_space<vmem>> -> memref<40xi32, #tpu.memory_space<vmem>>
      %dma_wait3A_169 = arith.constant 0 : i32
      %dma_wait3A_170 = arith.constant 0 : i32
      %dma_wait3A_171 = tpu.memref_slice %arg25[%dma_wait3A_169, %dma_wait3A_170] : memref<10240x64xf32, #tpu.memory_space<vmem_shared>> -> memref<10240x64xf32, #tpu.memory_space<vmem_shared>>
      tpu.wait_indirect_dma semaphore(%arg35 : memref<!tpu.dma_semaphore, #tpu.memory_space<semaphore_mem>>) src(%arg13 : memref<40x64xf32, #tpu.memory_space<vmem>>) dst(%dma_wait3A_171 : memref<10240x64xf32, #tpu.memory_space<vmem_shared>>)
      %dma_wait3A_172 = arith.constant 96 : i32
      %dma_wait3A_173 = arith.constant 0 : i32
      %dma_wait3A_174 = tpu.memref_slice %arg12[%dma_wait3A_172, %dma_wait3A_173] : memref<100x40xi32, #tpu.memory_space<vmem>> -> memref<1x40xi32, #tpu.memory_space<vmem>>
      %dma_wait3A_175 = tpu.memref_squeeze %dma_wait3A_174 : memref<1x40xi32, #tpu.memory_space<vmem>> -> memref<40xi32, #tpu.memory_space<vmem>>
      %dma_wait3A_176 = arith.constant 0 : i32
      %dma_wait3A_177 = arith.constant 0 : i32
      %dma_wait3A_178 = tpu.memref_slice %arg26[%dma_wait3A_176, %dma_wait3A_177] : memref<10240x16xf32, #tpu.memory_space<vmem_shared>> -> memref<10240x16xf32, #tpu.memory_space<vmem_shared>>
      tpu.wait_indirect_dma semaphore(%arg39 : memref<!tpu.dma_semaphore, #tpu.memory_space<semaphore_mem>>) src(%arg21 : memref<40x16xf32, #tpu.memory_space<vmem>>) dst(%dma_wait3A_178 : memref<10240x16xf32, #tpu.memory_space<vmem_shared>>)
      %dma_wait3A_179 = arith.constant 97 : i32
      %dma_wait3A_180 = arith.constant 0 : i32
      %dma_wait3A_181 = tpu.memref_slice %arg12[%dma_wait3A_179, %dma_wait3A_180] : memref<100x40xi32, #tpu.memory_space<vmem>> -> memref<1x40xi32, #tpu.memory_space<vmem>>
      %dma_wait3A_182 = tpu.memref_squeeze %dma_wait3A_181 : memref<1x40xi32, #tpu.memory_space<vmem>> -> memref<40xi32, #tpu.memory_space<vmem>>
      %dma_wait3A_183 = arith.constant 0 : i32
      %dma_wait3A_184 = arith.constant 0 : i32
      %dma_wait3A_185 = tpu.memref_slice %arg25[%dma_wait3A_183, %dma_wait3A_184] : memref<10240x64xf32, #tpu.memory_space<vmem_shared>> -> memref<10240x64xf32, #tpu.memory_space<vmem_shared>>
      tpu.wait_indirect_dma semaphore(%arg36 : memref<!tpu.dma_semaphore, #tpu.memory_space<semaphore_mem>>) src(%arg14 : memref<40x64xf32, #tpu.memory_space<vmem>>) dst(%dma_wait3A_185 : memref<10240x64xf32, #tpu.memory_space<vmem_shared>>)
      %dma_wait3A_186 = arith.constant 97 : i32
      %dma_wait3A_187 = arith.constant 0 : i32
      %dma_wait3A_188 = tpu.memref_slice %arg12[%dma_wait3A_186, %dma_wait3A_187] : memref<100x40xi32, #tpu.memory_space<vmem>> -> memref<1x40xi32, #tpu.memory_space<vmem>>
      %dma_wait3A_189 = tpu.memref_squeeze %dma_wait3A_188 : memref<1x40xi32, #tpu.memory_space<vmem>> -> memref<40xi32, #tpu.memory_space<vmem>>
      %dma_wait3A_190 = arith.constant 0 : i32
      %dma_wait3A_191 = arith.constant 0 : i32
      %dma_wait3A_192 = tpu.memref_slice %arg26[%dma_wait3A_190, %dma_wait3A_191] : memref<10240x16xf32, #tpu.memory_space<vmem_shared>> -> memref<10240x16xf32, #tpu.memory_space<vmem_shared>>
      tpu.wait_indirect_dma semaphore(%arg40 : memref<!tpu.dma_semaphore, #tpu.memory_space<semaphore_mem>>) src(%arg21 : memref<40x16xf32, #tpu.memory_space<vmem>>) dst(%dma_wait3A_192 : memref<10240x16xf32, #tpu.memory_space<vmem_shared>>)
      %dma_wait3A_193 = arith.constant 98 : i32
      %dma_wait3A_194 = arith.constant 0 : i32
      %dma_wait3A_195 = tpu.memref_slice %arg12[%dma_wait3A_193, %dma_wait3A_194] : memref<100x40xi32, #tpu.memory_space<vmem>> -> memref<1x40xi32, #tpu.memory_space<vmem>>
      %dma_wait3A_196 = tpu.memref_squeeze %dma_wait3A_195 : memref<1x40xi32, #tpu.memory_space<vmem>> -> memref<40xi32, #tpu.memory_space<vmem>>
      %dma_wait3A_197 = arith.constant 0 : i32
      %dma_wait3A_198 = arith.constant 0 : i32
      %dma_wait3A_199 = tpu.memref_slice %arg25[%dma_wait3A_197, %dma_wait3A_198] : memref<10240x64xf32, #tpu.memory_space<vmem_shared>> -> memref<10240x64xf32, #tpu.memory_space<vmem_shared>>
      tpu.wait_indirect_dma semaphore(%arg37 : memref<!tpu.dma_semaphore, #tpu.memory_space<semaphore_mem>>) src(%arg15 : memref<40x64xf32, #tpu.memory_space<vmem>>) dst(%dma_wait3A_199 : memref<10240x64xf32, #tpu.memory_space<vmem_shared>>)
      %dma_wait3A_200 = arith.constant 98 : i32
      %dma_wait3A_201 = arith.constant 0 : i32
      %dma_wait3A_202 = tpu.memref_slice %arg12[%dma_wait3A_200, %dma_wait3A_201] : memref<100x40xi32, #tpu.memory_space<vmem>> -> memref<1x40xi32, #tpu.memory_space<vmem>>
      %dma_wait3A_203 = tpu.memref_squeeze %dma_wait3A_202 : memref<1x40xi32, #tpu.memory_space<vmem>> -> memref<40xi32, #tpu.memory_space<vmem>>
      %dma_wait3A_204 = arith.constant 0 : i32
      %dma_wait3A_205 = arith.constant 0 : i32
      %dma_wait3A_206 = tpu.memref_slice %arg26[%dma_wait3A_204, %dma_wait3A_205] : memref<10240x16xf32, #tpu.memory_space<vmem_shared>> -> memref<10240x16xf32, #tpu.memory_space<vmem_shared>>
      tpu.wait_indirect_dma semaphore(%arg41 : memref<!tpu.dma_semaphore, #tpu.memory_space<semaphore_mem>>) src(%arg21 : memref<40x16xf32, #tpu.memory_space<vmem>>) dst(%dma_wait3A_206 : memref<10240x16xf32, #tpu.memory_space<vmem_shared>>)
      %dma_wait3A_207 = arith.constant 99 : i32
      %dma_wait3A_208 = arith.constant 0 : i32
      %dma_wait3A_209 = tpu.memref_slice %arg12[%dma_wait3A_207, %dma_wait3A_208] : memref<100x40xi32, #tpu.memory_space<vmem>> -> memref<1x40xi32, #tpu.memory_space<vmem>>
      %dma_wait3A_210 = tpu.memref_squeeze %dma_wait3A_209 : memref<1x40xi32, #tpu.memory_space<vmem>> -> memref<40xi32, #tpu.memory_space<vmem>>
      %dma_wait3A_211 = arith.constant 0 : i32
      %dma_wait3A_212 = arith.constant 0 : i32
      %dma_wait3A_213 = tpu.memref_slice %arg25[%dma_wait3A_211, %dma_wait3A_212] : memref<10240x64xf32, #tpu.memory_space<vmem_shared>> -> memref<10240x64xf32, #tpu.memory_space<vmem_shared>>
      tpu.wait_indirect_dma semaphore(%arg38 : memref<!tpu.dma_semaphore, #tpu.memory_space<semaphore_mem>>) src(%arg16 : memref<40x64xf32, #tpu.memory_space<vmem>>) dst(%dma_wait3A_213 : memref<10240x64xf32, #tpu.memory_space<vmem_shared>>)
      %dma_wait3A_214 = arith.constant 99 : i32
      %dma_wait3A_215 = arith.constant 0 : i32
      %dma_wait3A_216 = tpu.memref_slice %arg12[%dma_wait3A_214, %dma_wait3A_215] : memref<100x40xi32, #tpu.memory_space<vmem>> -> memref<1x40xi32, #tpu.memory_space<vmem>>
      %dma_wait3A_217 = tpu.memref_squeeze %dma_wait3A_216 : memref<1x40xi32, #tpu.memory_space<vmem>> -> memref<40xi32, #tpu.memory_space<vmem>>
      %dma_wait3A_218 = arith.constant 0 : i32
      %dma_wait3A_219 = arith.constant 0 : i32
      %dma_wait3A_220 = tpu.memref_slice %arg26[%dma_wait3A_218, %dma_wait3A_219] : memref<10240x16xf32, #tpu.memory_space<vmem_shared>> -> memref<10240x16xf32, #tpu.memory_space<vmem_shared>>
      tpu.wait_indirect_dma semaphore(%arg42 : memref<!tpu.dma_semaphore, #tpu.memory_space<semaphore_mem>>) src(%arg21 : memref<40x16xf32, #tpu.memory_space<vmem>>) dst(%dma_wait3A_220 : memref<10240x16xf32, #tpu.memory_space<vmem_shared>>)
      %scan3A_221 = arith.constant 0 : i32
      scf.yield %scan3A_221 : i32
    }
    %scan3A_39 = arith.constant 5 : i32
    %barrier3A_40 = arith.constant 0 : index
    tpu.barrier barrier_id(%barrier3A_40)
    %scan3A_41 = arith.constant 0 : i32
    %scan3A_42 = arith.constant 0 : i32
    %scan3A_43 = arith.constant 10 : i32
    %scan3A_44 = arith.addi %scan3A_42, %scan3A_43 : i32
    %scan3A_45 = arith.constant 1 : i32
    %scan3A_46 = scf.for %scan3A_85 = %scan3A_42 to %scan3A_44 step %scan3A_45 iter_args(%scan3A_86 = %scan3A_41) -> (i32)  : i32 {
      %mul3A_87 = arith.constant 640 : i32
      %mul3A_88 = arith.muli %arg1, %mul3A_87 : i32
      %mul3A_89 = arith.constant 64 : i32
      %mul3A_90 = arith.muli %scan3A_85, %mul3A_89 : i32
      %add3A_91 = arith.addi %mul3A_88, %mul3A_90 : i32
      "tpu.region"() ({
        %run_scoped3A = tpu.sem_alloc : memref<!tpu.dma_semaphore, #tpu.memory_space<semaphore_mem>>
        %dma_start3A = arith.constant 0 : i32
        %dma_start3A_99 = tpu.memref_slice %arg25[%add3A_91, %dma_start3A] : memref<10240x64xf32, #tpu.memory_space<vmem_shared>> -> memref<64x64xf32, #tpu.memory_space<vmem_shared>>
        %dma_start3A_100 = arith.constant 0 : i32
        %dma_start3A_101 = tpu.memref_slice %arg25[%add3A_91, %dma_start3A_100] : memref<10240x64xf32, #tpu.memory_space<vmem_shared>> -> memref<64x64xf32, #tpu.memory_space<vmem_shared>>
        tpu.enqueue_dma source(%dma_start3A_101 : memref<64x64xf32, #tpu.memory_space<vmem_shared>>) target(%arg22 : memref<64x64xf32, #tpu.memory_space<vmem>>) target_semaphore(%run_scoped3A : memref<!tpu.dma_semaphore, #tpu.memory_space<semaphore_mem>>)
        %dma_wait3A = arith.constant 0 : i32
        %dma_wait3A_102 = tpu.memref_slice %arg25[%add3A_91, %dma_wait3A] : memref<10240x64xf32, #tpu.memory_space<vmem_shared>> -> memref<64x64xf32, #tpu.memory_space<vmem_shared>>
        %dma_wait3A_103 = arith.constant 0 : i32
        %dma_wait3A_104 = tpu.memref_slice %arg25[%add3A_91, %dma_wait3A_103] : memref<10240x64xf32, #tpu.memory_space<vmem_shared>> -> memref<64x64xf32, #tpu.memory_space<vmem_shared>>
        tpu.wait_dma2 semaphore(%run_scoped3A : memref<!tpu.dma_semaphore, #tpu.memory_space<semaphore_mem>>) src(%dma_wait3A_104 : memref<64x64xf32, #tpu.memory_space<vmem_shared>>) dst(%arg22 : memref<64x64xf32, #tpu.memory_space<vmem>>)
        tpu.yield
      }) : () -> ()
      %mul3A_92 = arith.constant 10240 : i32
      %mul3A_93 = arith.muli %arg0, %mul3A_92 : i32
      %add3A_94 = arith.addi %mul3A_93, %add3A_91 : i32
      "tpu.region"() ({
        %run_scoped3A = tpu.sem_alloc : memref<!tpu.dma_semaphore, #tpu.memory_space<semaphore_mem>>
        %dma_start3A = arith.constant 0 : i32
        %dma_start3A_99 = tpu.memref_slice %arg8[%add3A_94, %dma_start3A] : memref<20480x64xf32, #tpu.memory_space<hbm>> -> memref<64x64xf32, #tpu.memory_space<hbm>>
        %dma_start3A_100 = arith.constant 0 : i32
        %dma_start3A_101 = tpu.memref_slice %arg8[%add3A_94, %dma_start3A_100] : memref<20480x64xf32, #tpu.memory_space<hbm>> -> memref<64x64xf32, #tpu.memory_space<hbm>>
        tpu.enqueue_dma source(%arg22 : memref<64x64xf32, #tpu.memory_space<vmem>>) target(%dma_start3A_101 : memref<64x64xf32, #tpu.memory_space<hbm>>) target_semaphore(%run_scoped3A : memref<!tpu.dma_semaphore, #tpu.memory_space<semaphore_mem>>)
        %dma_wait3A = arith.constant 0 : i32
        %dma_wait3A_102 = tpu.memref_slice %arg8[%add3A_94, %dma_wait3A] : memref<20480x64xf32, #tpu.memory_space<hbm>> -> memref<64x64xf32, #tpu.memory_space<hbm>>
        %dma_wait3A_103 = arith.constant 0 : i32
        %dma_wait3A_104 = tpu.memref_slice %arg8[%add3A_94, %dma_wait3A_103] : memref<20480x64xf32, #tpu.memory_space<hbm>> -> memref<64x64xf32, #tpu.memory_space<hbm>>
        tpu.wait_dma2 semaphore(%run_scoped3A : memref<!tpu.dma_semaphore, #tpu.memory_space<semaphore_mem>>) src(%arg22 : memref<64x64xf32, #tpu.memory_space<vmem>>) dst(%dma_wait3A_104 : memref<64x64xf32, #tpu.memory_space<hbm>>)
        tpu.yield
      }) : () -> ()
      "tpu.region"() ({
        %run_scoped3A = tpu.sem_alloc : memref<!tpu.dma_semaphore, #tpu.memory_space<semaphore_mem>>
        %dma_start3A = arith.constant 0 : i32
        %dma_start3A_99 = tpu.memref_slice %arg26[%add3A_91, %dma_start3A] : memref<10240x16xf32, #tpu.memory_space<vmem_shared>> -> memref<64x16xf32, #tpu.memory_space<vmem_shared>>
        %dma_start3A_100 = arith.constant 0 : i32
        %dma_start3A_101 = tpu.memref_slice %arg26[%add3A_91, %dma_start3A_100] : memref<10240x16xf32, #tpu.memory_space<vmem_shared>> -> memref<64x16xf32, #tpu.memory_space<vmem_shared>>
        tpu.enqueue_dma source(%dma_start3A_101 : memref<64x16xf32, #tpu.memory_space<vmem_shared>>) target(%arg23 : memref<64x16xf32, #tpu.memory_space<vmem>>) target_semaphore(%run_scoped3A : memref<!tpu.dma_semaphore, #tpu.memory_space<semaphore_mem>>)
        %dma_wait3A = arith.constant 0 : i32
        %dma_wait3A_102 = tpu.memref_slice %arg26[%add3A_91, %dma_wait3A] : memref<10240x16xf32, #tpu.memory_space<vmem_shared>> -> memref<64x16xf32, #tpu.memory_space<vmem_shared>>
        %dma_wait3A_103 = arith.constant 0 : i32
        %dma_wait3A_104 = tpu.memref_slice %arg26[%add3A_91, %dma_wait3A_103] : memref<10240x16xf32, #tpu.memory_space<vmem_shared>> -> memref<64x16xf32, #tpu.memory_space<vmem_shared>>
        tpu.wait_dma2 semaphore(%run_scoped3A : memref<!tpu.dma_semaphore, #tpu.memory_space<semaphore_mem>>) src(%dma_wait3A_104 : memref<64x16xf32, #tpu.memory_space<vmem_shared>>) dst(%arg23 : memref<64x16xf32, #tpu.memory_space<vmem>>)
        tpu.yield
      }) : () -> ()
      %mul3A_95 = arith.constant 10240 : i32
      %mul3A_96 = arith.muli %arg0, %mul3A_95 : i32
      %add3A_97 = arith.addi %mul3A_96, %add3A_91 : i32
      "tpu.region"() ({
        %run_scoped3A = tpu.sem_alloc : memref<!tpu.dma_semaphore, #tpu.memory_space<semaphore_mem>>
        %dma_start3A = arith.constant 0 : i32
        %dma_start3A_99 = tpu.memref_slice %arg10[%add3A_97, %dma_start3A] : memref<20480x16xf32, #tpu.memory_space<hbm>> -> memref<64x16xf32, #tpu.memory_space<hbm>>
        %dma_start3A_100 = arith.constant 0 : i32
        %dma_start3A_101 = tpu.memref_slice %arg10[%add3A_97, %dma_start3A_100] : memref<20480x16xf32, #tpu.memory_space<hbm>> -> memref<64x16xf32, #tpu.memory_space<hbm>>
        tpu.enqueue_dma source(%arg23 : memref<64x16xf32, #tpu.memory_space<vmem>>) target(%dma_start3A_101 : memref<64x16xf32, #tpu.memory_space<hbm>>) target_semaphore(%run_scoped3A : memref<!tpu.dma_semaphore, #tpu.memory_space<semaphore_mem>>)
        %dma_wait3A = arith.constant 0 : i32
        %dma_wait3A_102 = tpu.memref_slice %arg10[%add3A_97, %dma_wait3A] : memref<20480x16xf32, #tpu.memory_space<hbm>> -> memref<64x16xf32, #tpu.memory_space<hbm>>
        %dma_wait3A_103 = arith.constant 0 : i32
        %dma_wait3A_104 = tpu.memref_slice %arg10[%add3A_97, %dma_wait3A_103] : memref<20480x16xf32, #tpu.memory_space<hbm>> -> memref<64x16xf32, #tpu.memory_space<hbm>>
        tpu.wait_dma2 semaphore(%run_scoped3A : memref<!tpu.dma_semaphore, #tpu.memory_space<semaphore_mem>>) src(%arg23 : memref<64x16xf32, #tpu.memory_space<vmem>>) dst(%dma_wait3A_104 : memref<64x16xf32, #tpu.memory_space<hbm>>)
        tpu.yield
      }) : () -> ()
      %scan3A_98 = arith.constant 0 : i32
      scf.yield %scan3A_98 : i32
    }
    %scan3A_47 = arith.constant 10 : i32
    %scan3A_48 = arith.constant 0 : i32
    %scan3A_49 = arith.constant 0 : i32
    %scan3A_50 = arith.constant 16 : i32
    %scan3A_51 = arith.addi %scan3A_49, %scan3A_50 : i32
    %scan3A_52 = arith.constant 1 : i32
    %scan3A_53 = scf.for %scan3A_85 = %scan3A_49 to %scan3A_51 step %scan3A_52 iter_args(%scan3A_86 = %scan3A_48) -> (i32)  : i32 {
      %mul3A_87 = arith.constant 640 : i32
      %mul3A_88 = arith.muli %arg1, %mul3A_87 : i32
      %mul3A_89 = arith.constant 40 : i32
      %mul3A_90 = arith.muli %scan3A_85, %mul3A_89 : i32
      %add3A_91 = arith.addi %mul3A_88, %mul3A_90 : i32
      %eq3A = arith.constant 0 : i32
      %eq3A_92 = arith.cmpi eq, %arg0, %eq3A : i32
      %convert_element_type3A = arith.extui %eq3A_92 : i1 to i32
      %cond3A = arith.constant 0 : i32
      %cond3A_93 = arith.cmpi ne, %convert_element_type3A, %cond3A : i32
      scf.if %cond3A_93 {
        "tpu.region"() ({
          %run_scoped3A = tpu.sem_alloc : memref<!tpu.dma_semaphore, #tpu.memory_space<semaphore_mem>>
          %dma_start3A = arith.constant 0 : i32
          %dma_start3A_100 = tpu.memref_slice %arg3[%add3A_91, %dma_start3A] : memref<10240x64xf32, #tpu.memory_space<hbm>> -> memref<40x64xf32, #tpu.memory_space<hbm>>
          %dma_start3A_101 = arith.constant 0 : i32
          %dma_start3A_102 = tpu.memref_slice %arg3[%add3A_91, %dma_start3A_101] : memref<10240x64xf32, #tpu.memory_space<hbm>> -> memref<40x64xf32, #tpu.memory_space<hbm>>
          tpu.enqueue_dma source(%dma_start3A_102 : memref<40x64xf32, #tpu.memory_space<hbm>>) target(%arg13 : memref<40x64xf32, #tpu.memory_space<vmem>>) target_semaphore(%run_scoped3A : memref<!tpu.dma_semaphore, #tpu.memory_space<semaphore_mem>>)
          %dma_wait3A = arith.constant 0 : i32
          %dma_wait3A_103 = tpu.memref_slice %arg3[%add3A_91, %dma_wait3A] : memref<10240x64xf32, #tpu.memory_space<hbm>> -> memref<40x64xf32, #tpu.memory_space<hbm>>
          %dma_wait3A_104 = arith.constant 0 : i32
          %dma_wait3A_105 = tpu.memref_slice %arg3[%add3A_91, %dma_wait3A_104] : memref<10240x64xf32, #tpu.memory_space<hbm>> -> memref<40x64xf32, #tpu.memory_space<hbm>>
          tpu.wait_dma2 semaphore(%run_scoped3A : memref<!tpu.dma_semaphore, #tpu.memory_space<semaphore_mem>>) src(%dma_wait3A_105 : memref<40x64xf32, #tpu.memory_space<hbm>>) dst(%arg13 : memref<40x64xf32, #tpu.memory_space<vmem>>)
          tpu.yield
        }) : () -> ()
      } else {
      }
      %eq3A_94 = arith.constant 1 : i32
      %eq3A_95 = arith.cmpi eq, %arg0, %eq3A_94 : i32
      %convert_element_type3A_96 = arith.extui %eq3A_95 : i1 to i32
      %cond3A_97 = arith.constant 0 : i32
      %cond3A_98 = arith.cmpi ne, %convert_element_type3A_96, %cond3A_97 : i32
      scf.if %cond3A_98 {
        "tpu.region"() ({
          %run_scoped3A = tpu.sem_alloc : memref<!tpu.dma_semaphore, #tpu.memory_space<semaphore_mem>>
          %dma_start3A = arith.constant 0 : i32
          %dma_start3A_100 = tpu.memref_slice %arg5[%add3A_91, %dma_start3A] : memref<10240x64xf32, #tpu.memory_space<hbm>> -> memref<40x64xf32, #tpu.memory_space<hbm>>
          %dma_start3A_101 = arith.constant 0 : i32
          %dma_start3A_102 = tpu.memref_slice %arg5[%add3A_91, %dma_start3A_101] : memref<10240x64xf32, #tpu.memory_space<hbm>> -> memref<40x64xf32, #tpu.memory_space<hbm>>
          tpu.enqueue_dma source(%dma_start3A_102 : memref<40x64xf32, #tpu.memory_space<hbm>>) target(%arg13 : memref<40x64xf32, #tpu.memory_space<vmem>>) target_semaphore(%run_scoped3A : memref<!tpu.dma_semaphore, #tpu.memory_space<semaphore_mem>>)
          %dma_wait3A = arith.constant 0 : i32
          %dma_wait3A_103 = tpu.memref_slice %arg5[%add3A_91, %dma_wait3A] : memref<10240x64xf32, #tpu.memory_space<hbm>> -> memref<40x64xf32, #tpu.memory_space<hbm>>
          %dma_wait3A_104 = arith.constant 0 : i32
          %dma_wait3A_105 = tpu.memref_slice %arg5[%add3A_91, %dma_wait3A_104] : memref<10240x64xf32, #tpu.memory_space<hbm>> -> memref<40x64xf32, #tpu.memory_space<hbm>>
          tpu.wait_dma2 semaphore(%run_scoped3A : memref<!tpu.dma_semaphore, #tpu.memory_space<semaphore_mem>>) src(%dma_wait3A_105 : memref<40x64xf32, #tpu.memory_space<hbm>>) dst(%arg13 : memref<40x64xf32, #tpu.memory_space<vmem>>)
          tpu.yield
        }) : () -> ()
      } else {
      }
      "tpu.region"() ({
        %run_scoped3A = tpu.sem_alloc : memref<!tpu.dma_semaphore, #tpu.memory_space<semaphore_mem>>
        %dma_start3A = arith.constant 0 : i32
        %dma_start3A_100 = tpu.memref_slice %arg24[%add3A_91, %dma_start3A] : memref<10240x64xf32, #tpu.memory_space<vmem_shared>> -> memref<40x64xf32, #tpu.memory_space<vmem_shared>>
        %dma_start3A_101 = arith.constant 0 : i32
        %dma_start3A_102 = tpu.memref_slice %arg24[%add3A_91, %dma_start3A_101] : memref<10240x64xf32, #tpu.memory_space<vmem_shared>> -> memref<40x64xf32, #tpu.memory_space<vmem_shared>>
        tpu.enqueue_dma source(%arg13 : memref<40x64xf32, #tpu.memory_space<vmem>>) target(%dma_start3A_102 : memref<40x64xf32, #tpu.memory_space<vmem_shared>>) target_semaphore(%run_scoped3A : memref<!tpu.dma_semaphore, #tpu.memory_space<semaphore_mem>>)
        %dma_wait3A = arith.constant 0 : i32
        %dma_wait3A_103 = tpu.memref_slice %arg24[%add3A_91, %dma_wait3A] : memref<10240x64xf32, #tpu.memory_space<vmem_shared>> -> memref<40x64xf32, #tpu.memory_space<vmem_shared>>
        %dma_wait3A_104 = arith.constant 0 : i32
        %dma_wait3A_105 = tpu.memref_slice %arg24[%add3A_91, %dma_wait3A_104] : memref<10240x64xf32, #tpu.memory_space<vmem_shared>> -> memref<40x64xf32, #tpu.memory_space<vmem_shared>>
        tpu.wait_dma2 semaphore(%run_scoped3A : memref<!tpu.dma_semaphore, #tpu.memory_space<semaphore_mem>>) src(%arg13 : memref<40x64xf32, #tpu.memory_space<vmem>>) dst(%dma_wait3A_105 : memref<40x64xf32, #tpu.memory_space<vmem_shared>>)
        tpu.yield
      }) : () -> ()
      %scan3A_99 = arith.constant 0 : i32
      scf.yield %scan3A_99 : i32
    }
    %scan3A_54 = arith.constant 16 : i32
    %scan3A_55 = arith.constant 0 : i32
    %scan3A_56 = arith.constant 0 : i32
    %scan3A_57 = arith.constant 64 : i32
    %scan3A_58 = arith.addi %scan3A_56, %scan3A_57 : i32
    %scan3A_59 = arith.constant 1 : i32
    %scan3A_60 = scf.for %scan3A_85 = %scan3A_56 to %scan3A_58 step %scan3A_59 iter_args(%scan3A_86 = %scan3A_55) -> (i32)  : i32 {
      %swap3A = arith.index_cast %scan3A_85 : i32 to index
      %swap3A_87 = arith.constant 0 : index
      %swap3A_88 = tpu.vector_load %arg22[%swap3A, %swap3A_87] {strides = array<i32>} : memref<64x64xf32, #tpu.memory_space<vmem>>, vector<1x16xf32>,
      %swap3A_89 = vector.shape_cast %swap3A_88 : vector<1x16xf32> to vector<16xf32>
      %swap3A_90 = vector.shape_cast %broadcast_in_dim3A_0 : vector<16xf32> to vector<1x16xf32>
      tpu.vector_store %arg22[%swap3A, %swap3A_87], %swap3A_90 {strides = array<i32>} : memref<64x64xf32, #tpu.memory_space<vmem>>, vector<1x16xf32>,
      %swap3A_91 = arith.index_cast %scan3A_85 : i32 to index
      %swap3A_92 = arith.constant 16 : index
      %swap3A_93 = tpu.vector_load %arg22[%swap3A_91, %swap3A_92] {strides = array<i32>} : memref<64x64xf32, #tpu.memory_space<vmem>>, vector<1x16xf32>,
      %swap3A_94 = vector.shape_cast %swap3A_93 : vector<1x16xf32> to vector<16xf32>
      %swap3A_95 = vector.shape_cast %broadcast_in_dim3A_0 : vector<16xf32> to vector<1x16xf32>
      tpu.vector_store %arg22[%swap3A_91, %swap3A_92], %swap3A_95 {strides = array<i32>} : memref<64x64xf32, #tpu.memory_space<vmem>>, vector<1x16xf32>,
      %swap3A_96 = arith.index_cast %scan3A_85 : i32 to index
      %swap3A_97 = arith.constant 32 : index
      %swap3A_98 = tpu.vector_load %arg22[%swap3A_96, %swap3A_97] {strides = array<i32>} : memref<64x64xf32, #tpu.memory_space<vmem>>, vector<1x16xf32>,
      %swap3A_99 = vector.shape_cast %swap3A_98 : vector<1x16xf32> to vector<16xf32>
      %swap3A_100 = vector.shape_cast %broadcast_in_dim3A_0 : vector<16xf32> to vector<1x16xf32>
      tpu.vector_store %arg22[%swap3A_96, %swap3A_97], %swap3A_100 {strides = array<i32>} : memref<64x64xf32, #tpu.memory_space<vmem>>, vector<1x16xf32>,
      %swap3A_101 = arith.index_cast %scan3A_85 : i32 to index
      %swap3A_102 = arith.constant 48 : index
      %swap3A_103 = tpu.vector_load %arg22[%swap3A_101, %swap3A_102] {strides = array<i32>} : memref<64x64xf32, #tpu.memory_space<vmem>>, vector<1x16xf32>,
      %swap3A_104 = vector.shape_cast %swap3A_103 : vector<1x16xf32> to vector<16xf32>
      %swap3A_105 = vector.shape_cast %broadcast_in_dim3A_0 : vector<16xf32> to vector<1x16xf32>
      tpu.vector_store %arg22[%swap3A_101, %swap3A_102], %swap3A_105 {strides = array<i32>} : memref<64x64xf32, #tpu.memory_space<vmem>>, vector<1x16xf32>,
      %swap3A_106 = arith.index_cast %scan3A_85 : i32 to index
      %swap3A_107 = arith.constant 0 : index
      %swap3A_108 = tpu.vector_load %arg23[%swap3A_106, %swap3A_107] {strides = array<i32>} : memref<64x16xf32, #tpu.memory_space<vmem>>, vector<1x16xf32>,
      %swap3A_109 = vector.shape_cast %swap3A_108 : vector<1x16xf32> to vector<16xf32>
      %swap3A_110 = vector.shape_cast %broadcast_in_dim3A_0 : vector<16xf32> to vector<1x16xf32>
      tpu.vector_store %arg23[%swap3A_106, %swap3A_107], %swap3A_110 {strides = array<i32>} : memref<64x16xf32, #tpu.memory_space<vmem>>, vector<1x16xf32>,
      %scan3A_111 = arith.constant 0 : i32
      scf.yield %scan3A_111 : i32
    }
    %scan3A_61 = arith.constant 64 : i32
    %scan3A_62 = arith.constant 0 : i32
    %scan3A_63 = arith.constant 0 : i32
    %scan3A_64 = arith.constant 10 : i32
    %scan3A_65 = arith.addi %scan3A_63, %scan3A_64 : i32
    %scan3A_66 = arith.constant 1 : i32
    %scan3A_67 = scf.for %scan3A_85 = %scan3A_63 to %scan3A_65 step %scan3A_66 iter_args(%scan3A_86 = %scan3A_62) -> (i32)  : i32 {
      %mul3A_87 = arith.constant 640 : i32
      %mul3A_88 = arith.muli %arg1, %mul3A_87 : i32
      %mul3A_89 = arith.constant 64 : i32
      %mul3A_90 = arith.muli %scan3A_85, %mul3A_89 : i32
      %add3A_91 = arith.addi %mul3A_88, %mul3A_90 : i32
      "tpu.region"() ({
        %run_scoped3A = tpu.sem_alloc : memref<!tpu.dma_semaphore, #tpu.memory_space<semaphore_mem>>
        %dma_start3A = arith.constant 0 : i32
        %dma_start3A_93 = tpu.memref_slice %arg25[%add3A_91, %dma_start3A] : memref<10240x64xf32, #tpu.memory_space<vmem_shared>> -> memref<64x64xf32, #tpu.memory_space<vmem_shared>>
        %dma_start3A_94 = arith.constant 0 : i32
        %dma_start3A_95 = tpu.memref_slice %arg25[%add3A_91, %dma_start3A_94] : memref<10240x64xf32, #tpu.memory_space<vmem_shared>> -> memref<64x64xf32, #tpu.memory_space<vmem_shared>>
        tpu.enqueue_dma source(%arg22 : memref<64x64xf32, #tpu.memory_space<vmem>>) target(%dma_start3A_95 : memref<64x64xf32, #tpu.memory_space<vmem_shared>>) target_semaphore(%run_scoped3A : memref<!tpu.dma_semaphore, #tpu.memory_space<semaphore_mem>>)
        %dma_wait3A = arith.constant 0 : i32
        %dma_wait3A_96 = tpu.memref_slice %arg25[%add3A_91, %dma_wait3A] : memref<10240x64xf32, #tpu.memory_space<vmem_shared>> -> memref<64x64xf32, #tpu.memory_space<vmem_shared>>
        %dma_wait3A_97 = arith.constant 0 : i32
        %dma_wait3A_98 = tpu.memref_slice %arg25[%add3A_91, %dma_wait3A_97] : memref<10240x64xf32, #tpu.memory_space<vmem_shared>> -> memref<64x64xf32, #tpu.memory_space<vmem_shared>>
        tpu.wait_dma2 semaphore(%run_scoped3A : memref<!tpu.dma_semaphore, #tpu.memory_space<semaphore_mem>>) src(%arg22 : memref<64x64xf32, #tpu.memory_space<vmem>>) dst(%dma_wait3A_98 : memref<64x64xf32, #tpu.memory_space<vmem_shared>>)
        tpu.yield
      }) : () -> ()
      %scan3A_92 = arith.constant 0 : i32
      scf.yield %scan3A_92 : i32
    }
    %scan3A_68 = arith.constant 10 : i32
    %barrier3A_69 = arith.constant 0 : index
    tpu.barrier barrier_id(%barrier3A_69)
    %scan3A_70 = arith.constant 0 : i32
    %scan3A_71 = arith.constant 0 : i32
    %scan3A_72 = arith.constant 5 : i32
    %scan3A_73 = arith.addi %scan3A_71, %scan3A_72 : i32
    %scan3A_74 = arith.constant 1 : i32
    %scan3A_75 = scf.for %scan3A_85 = %scan3A_71 to %scan3A_73 step %scan3A_74 iter_args(%scan3A_86 = %scan3A_70) -> (i32)  : i32 {
      %sub3A = arith.constant 1 : i32
      %sub3A_87 = arith.subi %sub3A, %arg0 : i32
      "tpu.region"() ({
        %run_scoped3A = tpu.sem_alloc : memref<!tpu.dma_semaphore, #tpu.memory_space<semaphore_mem>>
        %dma_start3A_194 = arith.constant 0 : i32
        %dma_start3A_195 = arith.constant 0 : i32
        %dma_start3A_196 = tpu.memref_slice %arg7[%sub3A_87, %arg1, %scan3A_85, %dma_start3A_194, %dma_start3A_195] : memref<2x16x5x100x40xi32, #tpu.memory_space<hbm>> -> memref<1x1x1x100x40xi32, #tpu.memory_space<hbm>>
        %dma_start3A_197 = tpu.memref_squeeze %dma_start3A_196 : memref<1x1x1x100x40xi32, #tpu.memory_space<hbm>> -> memref<100x40xi32, #tpu.memory_space<hbm>>
        %dma_start3A_198 = arith.constant 0 : i32
        %dma_start3A_199 = arith.constant 0 : i32
        %dma_start3A_200 = tpu.memref_slice %arg7[%sub3A_87, %arg1, %scan3A_85, %dma_start3A_198, %dma_start3A_199] : memref<2x16x5x100x40xi32, #tpu.memory_space<hbm>> -> memref<1x1x1x100x40xi32, #tpu.memory_space<hbm>>
        %dma_start3A_201 = tpu.memref_squeeze %dma_start3A_200 : memref<1x1x1x100x40xi32, #tpu.memory_space<hbm>> -> memref<100x40xi32, #tpu.memory_space<hbm>>
        tpu.enqueue_dma source(%dma_start3A_201 : memref<100x40xi32, #tpu.memory_space<hbm>>) target(%arg11 : memref<100x40xi32, #tpu.memory_space<vmem>>) target_semaphore(%run_scoped3A : memref<!tpu.dma_semaphore, #tpu.memory_space<semaphore_mem>>)
        %dma_wait3A_202 = arith.constant 0 : i32
        %dma_wait3A_203 = arith.constant 0 : i32
        %dma_wait3A_204 = tpu.memref_slice %arg7[%sub3A_87, %arg1, %scan3A_85, %dma_wait3A_202, %dma_wait3A_203] : memref<2x16x5x100x40xi32, #tpu.memory_space<hbm>> -> memref<1x1x1x100x40xi32, #tpu.memory_space<hbm>>
        %dma_wait3A_205 = tpu.memref_squeeze %dma_wait3A_204 : memref<1x1x1x100x40xi32, #tpu.memory_space<hbm>> -> memref<100x40xi32, #tpu.memory_space<hbm>>
        %dma_wait3A_206 = arith.constant 0 : i32
        %dma_wait3A_207 = arith.constant 0 : i32
        %dma_wait3A_208 = tpu.memref_slice %arg7[%sub3A_87, %arg1, %scan3A_85, %dma_wait3A_206, %dma_wait3A_207] : memref<2x16x5x100x40xi32, #tpu.memory_space<hbm>> -> memref<1x1x1x100x40xi32, #tpu.memory_space<hbm>>
        %dma_wait3A_209 = tpu.memref_squeeze %dma_wait3A_208 : memref<1x1x1x100x40xi32, #tpu.memory_space<hbm>> -> memref<100x40xi32, #tpu.memory_space<hbm>>
        tpu.wait_dma2 semaphore(%run_scoped3A : memref<!tpu.dma_semaphore, #tpu.memory_space<semaphore_mem>>) src(%dma_wait3A_209 : memref<100x40xi32, #tpu.memory_space<hbm>>) dst(%arg11 : memref<100x40xi32, #tpu.memory_space<vmem>>)
        tpu.yield
      }) : () -> ()
      "tpu.region"() ({
        %run_scoped3A = tpu.sem_alloc : memref<!tpu.dma_semaphore, #tpu.memory_space<semaphore_mem>>
        %dma_start3A_194 = arith.constant 0 : i32
        %dma_start3A_195 = arith.constant 0 : i32
        %dma_start3A_196 = tpu.memref_slice %arg7[%arg0, %arg1, %scan3A_85, %dma_start3A_194, %dma_start3A_195] : memref<2x16x5x100x40xi32, #tpu.memory_space<hbm>> -> memref<1x1x1x100x40xi32, #tpu.memory_space<hbm>>
        %dma_start3A_197 = tpu.memref_squeeze %dma_start3A_196 : memref<1x1x1x100x40xi32, #tpu.memory_space<hbm>> -> memref<100x40xi32, #tpu.memory_space<hbm>>
        %dma_start3A_198 = arith.constant 0 : i32
        %dma_start3A_199 = arith.constant 0 : i32
        %dma_start3A_200 = tpu.memref_slice %arg7[%arg0, %arg1, %scan3A_85, %dma_start3A_198, %dma_start3A_199] : memref<2x16x5x100x40xi32, #tpu.memory_space<hbm>> -> memref<1x1x1x100x40xi32, #tpu.memory_space<hbm>>
        %dma_start3A_201 = tpu.memref_squeeze %dma_start3A_200 : memref<1x1x1x100x40xi32, #tpu.memory_space<hbm>> -> memref<100x40xi32, #tpu.memory_space<hbm>>
        tpu.enqueue_dma source(%dma_start3A_201 : memref<100x40xi32, #tpu.memory_space<hbm>>) target(%arg12 : memref<100x40xi32, #tpu.memory_space<vmem>>) target_semaphore(%run_scoped3A : memref<!tpu.dma_semaphore, #tpu.memory_space<semaphore_mem>>)
        %dma_wait3A_202 = arith.constant 0 : i32
        %dma_wait3A_203 = arith.constant 0 : i32
        %dma_wait3A_204 = tpu.memref_slice %arg7[%arg0, %arg1, %scan3A_85, %dma_wait3A_202, %dma_wait3A_203] : memref<2x16x5x100x40xi32, #tpu.memory_space<hbm>> -> memref<1x1x1x100x40xi32, #tpu.memory_space<hbm>>
        %dma_wait3A_205 = tpu.memref_squeeze %dma_wait3A_204 : memref<1x1x1x100x40xi32, #tpu.memory_space<hbm>> -> memref<100x40xi32, #tpu.memory_space<hbm>>
        %dma_wait3A_206 = arith.constant 0 : i32
        %dma_wait3A_207 = arith.constant 0 : i32
        %dma_wait3A_208 = tpu.memref_slice %arg7[%arg0, %arg1, %scan3A_85, %dma_wait3A_206, %dma_wait3A_207] : memref<2x16x5x100x40xi32, #tpu.memory_space<hbm>> -> memref<1x1x1x100x40xi32, #tpu.memory_space<hbm>>
        %dma_wait3A_209 = tpu.memref_squeeze %dma_wait3A_208 : memref<1x1x1x100x40xi32, #tpu.memory_space<hbm>> -> memref<100x40xi32, #tpu.memory_space<hbm>>
        tpu.wait_dma2 semaphore(%run_scoped3A : memref<!tpu.dma_semaphore, #tpu.memory_space<semaphore_mem>>) src(%dma_wait3A_209 : memref<100x40xi32, #tpu.memory_space<hbm>>) dst(%arg12 : memref<100x40xi32, #tpu.memory_space<vmem>>)
        tpu.yield
      }) : () -> ()
      %dma_start3A = arith.constant 0 : i32
      %dma_start3A_88 = arith.constant 0 : i32
      %dma_start3A_89 = tpu.memref_slice %arg11[%dma_start3A, %dma_start3A_88] : memref<100x40xi32, #tpu.memory_space<vmem>> -> memref<1x40xi32, #tpu.memory_space<vmem>>
      %dma_start3A_90 = tpu.memref_squeeze %dma_start3A_89 : memref<1x40xi32, #tpu.memory_space<vmem>> -> memref<40xi32, #tpu.memory_space<vmem>>
      %dma_start3A_91 = arith.constant 0 : i32
      %dma_start3A_92 = arith.constant 0 : i32
      %dma_start3A_93 = tpu.memref_slice %arg24[%dma_start3A_91, %dma_start3A_92] : memref<10240x64xf32, #tpu.memory_space<vmem_shared>> -> memref<10240x64xf32, #tpu.memory_space<vmem_shared>>
      tpu.enqueue_indirect_dma source(%dma_start3A_93 : memref<10240x64xf32, #tpu.memory_space<vmem_shared>>) target(%arg13 : memref<40x64xf32, #tpu.memory_space<vmem>>) offsets(%dma_start3A_90 : memref<40xi32, #tpu.memory_space<vmem>>) semaphore(%arg27 : memref<!tpu.dma_semaphore, #tpu.memory_space<semaphore_mem>>)
      %mul3A_94 = arith.constant 100 : i32
      %mul3A_95 = arith.muli %scan3A_85, %mul3A_94 : i32
      %add3A_96 = arith.constant 0 : i32
      %add3A_97 = arith.addi %mul3A_95, %add3A_96 : i32
      %mul3A_98 = arith.constant 40 : i32
      %mul3A_99 = arith.muli %add3A_97, %mul3A_98 : i32
      %add3A_100 = arith.addi %add3A, %mul3A_99 : i32
      %dma_start3A_101 = arith.constant 64 : i32
      %dma_start3A_102 = tpu.memref_slice %arg6[%add3A_100, %dma_start3A_101] : memref<640000x128xf32, #tpu.memory_space<hbm>> -> memref<40x64xf32, #tpu.memory_space<hbm>>
      %dma_start3A_103 = arith.constant 64 : i32
      %dma_start3A_104 = tpu.memref_slice %arg6[%add3A_100, %dma_start3A_103] : memref<640000x128xf32, #tpu.memory_space<hbm>> -> memref<40x64xf32, #tpu.memory_space<hbm>>
      tpu.enqueue_dma source(%dma_start3A_104 : memref<40x64xf32, #tpu.memory_space<hbm>>) target(%arg17 : memref<40x64xf32, #tpu.memory_space<vmem>>) target_semaphore(%arg31 : memref<!tpu.dma_semaphore, #tpu.memory_space<semaphore_mem>>)
      %dma_start3A_105 = arith.constant 1 : i32
      %dma_start3A_106 = arith.constant 0 : i32
      %dma_start3A_107 = tpu.memref_slice %arg11[%dma_start3A_105, %dma_start3A_106] : memref<100x40xi32, #tpu.memory_space<vmem>> -> memref<1x40xi32, #tpu.memory_space<vmem>>
      %dma_start3A_108 = tpu.memref_squeeze %dma_start3A_107 : memref<1x40xi32, #tpu.memory_space<vmem>> -> memref<40xi32, #tpu.memory_space<vmem>>
      %dma_start3A_109 = arith.constant 0 : i32
      %dma_start3A_110 = arith.constant 0 : i32
      %dma_start3A_111 = tpu.memref_slice %arg24[%dma_start3A_109, %dma_start3A_110] : memref<10240x64xf32, #tpu.memory_space<vmem_shared>> -> memref<10240x64xf32, #tpu.memory_space<vmem_shared>>
      tpu.enqueue_indirect_dma source(%dma_start3A_111 : memref<10240x64xf32, #tpu.memory_space<vmem_shared>>) target(%arg14 : memref<40x64xf32, #tpu.memory_space<vmem>>) offsets(%dma_start3A_108 : memref<40xi32, #tpu.memory_space<vmem>>) semaphore(%arg28 : memref<!tpu.dma_semaphore, #tpu.memory_space<semaphore_mem>>)
      %mul3A_112 = arith.constant 100 : i32
      %mul3A_113 = arith.muli %scan3A_85, %mul3A_112 : i32
      %add3A_114 = arith.constant 1 : i32
      %add3A_115 = arith.addi %mul3A_113, %add3A_114 : i32
      %mul3A_116 = arith.constant 40 : i32
      %mul3A_117 = arith.muli %add3A_115, %mul3A_116 : i32
      %add3A_118 = arith.addi %add3A, %mul3A_117 : i32
      %dma_start3A_119 = arith.constant 64 : i32
      %dma_start3A_120 = tpu.memref_slice %arg6[%add3A_118, %dma_start3A_119] : memref<640000x128xf32, #tpu.memory_space<hbm>> -> memref<40x64xf32, #tpu.memory_space<hbm>>
      %dma_start3A_121 = arith.constant 64 : i32
      %dma_start3A_122 = tpu.memref_slice %arg6[%add3A_118, %dma_start3A_121] : memref<640000x128xf32, #tpu.memory_space<hbm>> -> memref<40x64xf32, #tpu.memory_space<hbm>>
      tpu.enqueue_dma source(%dma_start3A_122 : memref<40x64xf32, #tpu.memory_space<hbm>>) target(%arg18 : memref<40x64xf32, #tpu.memory_space<vmem>>) target_semaphore(%arg32 : memref<!tpu.dma_semaphore, #tpu.memory_space<semaphore_mem>>)
      %dma_start3A_123 = arith.constant 2 : i32
      %dma_start3A_124 = arith.constant 0 : i32
      %dma_start3A_125 = tpu.memref_slice %arg11[%dma_start3A_123, %dma_start3A_124] : memref<100x40xi32, #tpu.memory_space<vmem>> -> memref<1x40xi32, #tpu.memory_space<vmem>>
      %dma_start3A_126 = tpu.memref_squeeze %dma_start3A_125 : memref<1x40xi32, #tpu.memory_space<vmem>> -> memref<40xi32, #tpu.memory_space<vmem>>
      %dma_start3A_127 = arith.constant 0 : i32
      %dma_start3A_128 = arith.constant 0 : i32
      %dma_start3A_129 = tpu.memref_slice %arg24[%dma_start3A_127, %dma_start3A_128] : memref<10240x64xf32, #tpu.memory_space<vmem_shared>> -> memref<10240x64xf32, #tpu.memory_space<vmem_shared>>
      tpu.enqueue_indirect_dma source(%dma_start3A_129 : memref<10240x64xf32, #tpu.memory_space<vmem_shared>>) target(%arg15 : memref<40x64xf32, #tpu.memory_space<vmem>>) offsets(%dma_start3A_126 : memref<40xi32, #tpu.memory_space<vmem>>) semaphore(%arg29 : memref<!tpu.dma_semaphore, #tpu.memory_space<semaphore_mem>>)
      %mul3A_130 = arith.constant 100 : i32
      %mul3A_131 = arith.muli %scan3A_85, %mul3A_130 : i32
      %add3A_132 = arith.constant 2 : i32
      %add3A_133 = arith.addi %mul3A_131, %add3A_132 : i32
      %mul3A_134 = arith.constant 40 : i32
      %mul3A_135 = arith.muli %add3A_133, %mul3A_134 : i32
      %add3A_136 = arith.addi %add3A, %mul3A_135 : i32
      %dma_start3A_137 = arith.constant 64 : i32
      %dma_start3A_138 = tpu.memref_slice %arg6[%add3A_136, %dma_start3A_137] : memref<640000x128xf32, #tpu.memory_space<hbm>> -> memref<40x64xf32, #tpu.memory_space<hbm>>
      %dma_start3A_139 = arith.constant 64 : i32
      %dma_start3A_140 = tpu.memref_slice %arg6[%add3A_136, %dma_start3A_139] : memref<640000x128xf32, #tpu.memory_space<hbm>> -> memref<40x64xf32, #tpu.memory_space<hbm>>
      tpu.enqueue_dma source(%dma_start3A_140 : memref<40x64xf32, #tpu.memory_space<hbm>>) target(%arg19 : memref<40x64xf32, #tpu.memory_space<vmem>>) target_semaphore(%arg33 : memref<!tpu.dma_semaphore, #tpu.memory_space<semaphore_mem>>)
      %dma_start3A_141 = arith.constant 3 : i32
      %dma_start3A_142 = arith.constant 0 : i32
      %dma_start3A_143 = tpu.memref_slice %arg11[%dma_start3A_141, %dma_start3A_142] : memref<100x40xi32, #tpu.memory_space<vmem>> -> memref<1x40xi32, #tpu.memory_space<vmem>>
      %dma_start3A_144 = tpu.memref_squeeze %dma_start3A_143 : memref<1x40xi32, #tpu.memory_space<vmem>> -> memref<40xi32, #tpu.memory_space<vmem>>
      %dma_start3A_145 = arith.constant 0 : i32
      %dma_start3A_146 = arith.constant 0 : i32
      %dma_start3A_147 = tpu.memref_slice %arg24[%dma_start3A_145, %dma_start3A_146] : memref<10240x64xf32, #tpu.memory_space<vmem_shared>> -> memref<10240x64xf32, #tpu.memory_space<vmem_shared>>
      tpu.enqueue_indirect_dma source(%dma_start3A_147 : memref<10240x64xf32, #tpu.memory_space<vmem_shared>>) target(%arg16 : memref<40x64xf32, #tpu.memory_space<vmem>>) offsets(%dma_start3A_144 : memref<40xi32, #tpu.memory_space<vmem>>) semaphore(%arg30 : memref<!tpu.dma_semaphore, #tpu.memory_space<semaphore_mem>>)
      %mul3A_148 = arith.constant 100 : i32
      %mul3A_149 = arith.muli %scan3A_85, %mul3A_148 : i32
      %add3A_150 = arith.constant 3 : i32
      %add3A_151 = arith.addi %mul3A_149, %add3A_150 : i32
      %mul3A_152 = arith.constant 40 : i32
      %mul3A_153 = arith.muli %add3A_151, %mul3A_152 : i32
      %add3A_154 = arith.addi %add3A, %mul3A_153 : i32
      %dma_start3A_155 = arith.constant 64 : i32
      %dma_start3A_156 = tpu.memref_slice %arg6[%add3A_154, %dma_start3A_155] : memref<640000x128xf32, #tpu.memory_space<hbm>> -> memref<40x64xf32, #tpu.memory_space<hbm>>
      %dma_start3A_157 = arith.constant 64 : i32
      %dma_start3A_158 = tpu.memref_slice %arg6[%add3A_154, %dma_start3A_157] : memref<640000x128xf32, #tpu.memory_space<hbm>> -> memref<40x64xf32, #tpu.memory_space<hbm>>
      tpu.enqueue_dma source(%dma_start3A_158 : memref<40x64xf32, #tpu.memory_space<hbm>>) target(%arg20 : memref<40x64xf32, #tpu.memory_space<vmem>>) target_semaphore(%arg34 : memref<!tpu.dma_semaphore, #tpu.memory_space<semaphore_mem>>)
      %scan3A_159 = arith.constant 0 : i32
      %scan3A_160 = arith.constant 0 : i32
      %scan3A_161 = arith.constant 25 : i32
      %scan3A_162 = arith.addi %scan3A_160, %scan3A_161 : i32
      %scan3A_163 = arith.constant 1 : i32
      %scan3A_164 = scf.for %scan3A_194 = %scan3A_160 to %scan3A_162 step %scan3A_163 iter_args(%scan3A_195 = %scan3A_159) -> (i32)  : i32 {
        %mul3A_196 = arith.constant 4 : i32
        %mul3A_197 = arith.muli %mul3A_196, %scan3A_194 : i32
        %add3A_198 = arith.constant 0 : i32
        %add3A_199 = arith.addi %mul3A_197, %add3A_198 : i32
        %dma_wait3A_200 = arith.constant 0 : i32
        %dma_wait3A_201 = tpu.memref_slice %arg11[%add3A_199, %dma_wait3A_200] : memref<100x40xi32, #tpu.memory_space<vmem>> -> memref<1x40xi32, #tpu.memory_space<vmem>>
        %dma_wait3A_202 = tpu.memref_squeeze %dma_wait3A_201 : memref<1x40xi32, #tpu.memory_space<vmem>> -> memref<40xi32, #tpu.memory_space<vmem>>
        %dma_wait3A_203 = arith.constant 0 : i32
        %dma_wait3A_204 = arith.constant 0 : i32
        %dma_wait3A_205 = tpu.memref_slice %arg24[%dma_wait3A_203, %dma_wait3A_204] : memref<10240x64xf32, #tpu.memory_space<vmem_shared>> -> memref<10240x64xf32, #tpu.memory_space<vmem_shared>>
        tpu.wait_indirect_dma semaphore(%arg27 : memref<!tpu.dma_semaphore, #tpu.memory_space<semaphore_mem>>) src(%dma_wait3A_205 : memref<10240x64xf32, #tpu.memory_space<vmem_shared>>) dst(%arg13 : memref<40x64xf32, #tpu.memory_space<vmem>>)
        %dma_wait3A_206 = arith.constant 64 : i32
        %dma_wait3A_207 = tpu.memref_slice %arg6[%add3A, %dma_wait3A_206] : memref<640000x128xf32, #tpu.memory_space<hbm>> -> memref<40x64xf32, #tpu.memory_space<hbm>>
        %dma_wait3A_208 = arith.constant 64 : i32
        %dma_wait3A_209 = tpu.memref_slice %arg6[%add3A, %dma_wait3A_208] : memref<640000x128xf32, #tpu.memory_space<hbm>> -> memref<40x64xf32, #tpu.memory_space<hbm>>
        tpu.wait_dma2 semaphore(%arg31 : memref<!tpu.dma_semaphore, #tpu.memory_space<semaphore_mem>>) src(%dma_wait3A_209 : memref<40x64xf32, #tpu.memory_space<hbm>>) dst(%arg17 : memref<40x64xf32, #tpu.memory_space<vmem>>)
        %scan3A_210 = arith.constant 0 : i32
        %scan3A_211 = arith.constant 0 : i32
        %scan3A_212 = arith.constant 40 : i32
        %scan3A_213 = arith.addi %scan3A_211, %scan3A_212 : i32
        %scan3A_214 = arith.constant 1 : i32
        %scan3A_215 = scf.for %scan3A_322 = %scan3A_211 to %scan3A_213 step %scan3A_214 iter_args(%scan3A_323 = %scan3A_210) -> (i32)  : i32 {
          %get3A = arith.index_cast %scan3A_322 : i32 to index
          %get3A_324 = arith.constant 0 : index
          %get3A_325 = tpu.vector_load %arg13[%get3A, %get3A_324] {strides = array<i32>} : memref<40x64xf32, #tpu.memory_space<vmem>>, vector<1x16xf32>,
          %get3A_326 = vector.shape_cast %get3A_325 : vector<1x16xf32> to vector<16xf32>
          %get3A_327 = arith.index_cast %scan3A_322 : i32 to index
          %get3A_328 = arith.constant 0 : index
          %get3A_329 = tpu.vector_load %arg17[%get3A_327, %get3A_328] {strides = array<i32>} : memref<40x64xf32, #tpu.memory_space<vmem>>, vector<1x16xf32>,
          %get3A_330 = vector.shape_cast %get3A_329 : vector<1x16xf32> to vector<16xf32>
          %add3A_331 = arith.addf %get3A_326, %get3A_330 : vector<16xf32>
          %mul3A_332 = arith.constant 0.00999999977 : f32
          %mul3A_333 = vector.broadcast %mul3A_332 : f32 to vector<16xf32>
          %mul3A_334 = arith.mulf %add3A_331, %mul3A_333 : vector<16xf32>
          %max3A = arith.maximumf %add3A_331, %mul3A_334 : vector<16xf32>
          %swap3A = arith.index_cast %scan3A_322 : i32 to index
          %swap3A_335 = arith.constant 0 : index
          %swap3A_336 = tpu.vector_load %arg13[%swap3A, %swap3A_335] {strides = array<i32>} : memref<40x64xf32, #tpu.memory_space<vmem>>, vector<1x16xf32>,
          %swap3A_337 = vector.shape_cast %swap3A_336 : vector<1x16xf32> to vector<16xf32>
          %swap3A_338 = vector.shape_cast %max3A : vector<16xf32> to vector<1x16xf32>
          tpu.vector_store %arg13[%swap3A, %swap3A_335], %swap3A_338 {strides = array<i32>} : memref<40x64xf32, #tpu.memory_space<vmem>>, vector<1x16xf32>,
          %get3A_339 = arith.index_cast %scan3A_322 : i32 to index
          %get3A_340 = arith.constant 16 : index
          %get3A_341 = tpu.vector_load %arg13[%get3A_339, %get3A_340] {strides = array<i32>} : memref<40x64xf32, #tpu.memory_space<vmem>>, vector<1x16xf32>,
          %get3A_342 = vector.shape_cast %get3A_341 : vector<1x16xf32> to vector<16xf32>
          %get3A_343 = arith.index_cast %scan3A_322 : i32 to index
          %get3A_344 = arith.constant 16 : index
          %get3A_345 = tpu.vector_load %arg17[%get3A_343, %get3A_344] {strides = array<i32>} : memref<40x64xf32, #tpu.memory_space<vmem>>, vector<1x16xf32>,
          %get3A_346 = vector.shape_cast %get3A_345 : vector<1x16xf32> to vector<16xf32>
          %add3A_347 = arith.addf %get3A_342, %get3A_346 : vector<16xf32>
          %mul3A_348 = arith.constant 0.00999999977 : f32
          %mul3A_349 = vector.broadcast %mul3A_348 : f32 to vector<16xf32>
          %mul3A_350 = arith.mulf %add3A_347, %mul3A_349 : vector<16xf32>
          %max3A_351 = arith.maximumf %add3A_347, %mul3A_350 : vector<16xf32>
          %swap3A_352 = arith.index_cast %scan3A_322 : i32 to index
          %swap3A_353 = arith.constant 16 : index
          %swap3A_354 = tpu.vector_load %arg13[%swap3A_352, %swap3A_353] {strides = array<i32>} : memref<40x64xf32, #tpu.memory_space<vmem>>, vector<1x16xf32>,
          %swap3A_355 = vector.shape_cast %swap3A_354 : vector<1x16xf32> to vector<16xf32>
          %swap3A_356 = vector.shape_cast %max3A_351 : vector<16xf32> to vector<1x16xf32>
          tpu.vector_store %arg13[%swap3A_352, %swap3A_353], %swap3A_356 {strides = array<i32>} : memref<40x64xf32, #tpu.memory_space<vmem>>, vector<1x16xf32>,
          %get3A_357 = arith.index_cast %scan3A_322 : i32 to index
          %get3A_358 = arith.constant 32 : index
          %get3A_359 = tpu.vector_load %arg13[%get3A_357, %get3A_358] {strides = array<i32>} : memref<40x64xf32, #tpu.memory_space<vmem>>, vector<1x16xf32>,
          %get3A_360 = vector.shape_cast %get3A_359 : vector<1x16xf32> to vector<16xf32>
          %get3A_361 = arith.index_cast %scan3A_322 : i32 to index
          %get3A_362 = arith.constant 32 : index
          %get3A_363 = tpu.vector_load %arg17[%get3A_361, %get3A_362] {strides = array<i32>} : memref<40x64xf32, #tpu.memory_space<vmem>>, vector<1x16xf32>,
          %get3A_364 = vector.shape_cast %get3A_363 : vector<1x16xf32> to vector<16xf32>
          %add3A_365 = arith.addf %get3A_360, %get3A_364 : vector<16xf32>
          %mul3A_366 = arith.constant 0.00999999977 : f32
          %mul3A_367 = vector.broadcast %mul3A_366 : f32 to vector<16xf32>
          %mul3A_368 = arith.mulf %add3A_365, %mul3A_367 : vector<16xf32>
          %max3A_369 = arith.maximumf %add3A_365, %mul3A_368 : vector<16xf32>
          %swap3A_370 = arith.index_cast %scan3A_322 : i32 to index
          %swap3A_371 = arith.constant 32 : index
          %swap3A_372 = tpu.vector_load %arg13[%swap3A_370, %swap3A_371] {strides = array<i32>} : memref<40x64xf32, #tpu.memory_space<vmem>>, vector<1x16xf32>,
          %swap3A_373 = vector.shape_cast %swap3A_372 : vector<1x16xf32> to vector<16xf32>
          %swap3A_374 = vector.shape_cast %max3A_369 : vector<16xf32> to vector<1x16xf32>
          tpu.vector_store %arg13[%swap3A_370, %swap3A_371], %swap3A_374 {strides = array<i32>} : memref<40x64xf32, #tpu.memory_space<vmem>>, vector<1x16xf32>,
          %get3A_375 = arith.index_cast %scan3A_322 : i32 to index
          %get3A_376 = arith.constant 48 : index
          %get3A_377 = tpu.vector_load %arg13[%get3A_375, %get3A_376] {strides = array<i32>} : memref<40x64xf32, #tpu.memory_space<vmem>>, vector<1x16xf32>,
          %get3A_378 = vector.shape_cast %get3A_377 : vector<1x16xf32> to vector<16xf32>
          %get3A_379 = arith.index_cast %scan3A_322 : i32 to index
          %get3A_380 = arith.constant 48 : index
          %get3A_381 = tpu.vector_load %arg17[%get3A_379, %get3A_380] {strides = array<i32>} : memref<40x64xf32, #tpu.memory_space<vmem>>, vector<1x16xf32>,
          %get3A_382 = vector.shape_cast %get3A_381 : vector<1x16xf32> to vector<16xf32>
          %add3A_383 = arith.addf %get3A_378, %get3A_382 : vector<16xf32>
          %mul3A_384 = arith.constant 0.00999999977 : f32
          %mul3A_385 = vector.broadcast %mul3A_384 : f32 to vector<16xf32>
          %mul3A_386 = arith.mulf %add3A_383, %mul3A_385 : vector<16xf32>
          %max3A_387 = arith.maximumf %add3A_383, %mul3A_386 : vector<16xf32>
          %swap3A_388 = arith.index_cast %scan3A_322 : i32 to index
          %swap3A_389 = arith.constant 48 : index
          %swap3A_390 = tpu.vector_load %arg13[%swap3A_388, %swap3A_389] {strides = array<i32>} : memref<40x64xf32, #tpu.memory_space<vmem>>, vector<1x16xf32>,
          %swap3A_391 = vector.shape_cast %swap3A_390 : vector<1x16xf32> to vector<16xf32>
          %swap3A_392 = vector.shape_cast %max3A_387 : vector<16xf32> to vector<1x16xf32>
          tpu.vector_store %arg13[%swap3A_388, %swap3A_389], %swap3A_392 {strides = array<i32>} : memref<40x64xf32, #tpu.memory_space<vmem>>, vector<1x16xf32>,
          %scan3A_393 = arith.constant 0 : i32
          scf.yield %scan3A_393 : i32
        }
        %scan3A_216 = arith.constant 40 : i32
        %dma_start3A_217 = arith.constant 0 : i32
        %dma_start3A_218 = tpu.memref_slice %arg12[%add3A_199, %dma_start3A_217] : memref<100x40xi32, #tpu.memory_space<vmem>> -> memref<1x40xi32, #tpu.memory_space<vmem>>
        %dma_start3A_219 = tpu.memref_squeeze %dma_start3A_218 : memref<1x40xi32, #tpu.memory_space<vmem>> -> memref<40xi32, #tpu.memory_space<vmem>>
        %dma_start3A_220 = arith.constant 0 : i32
        %dma_start3A_221 = arith.constant 0 : i32
        %dma_start3A_222 = tpu.memref_slice %arg25[%dma_start3A_220, %dma_start3A_221] : memref<10240x64xf32, #tpu.memory_space<vmem_shared>> -> memref<10240x64xf32, #tpu.memory_space<vmem_shared>>
        tpu.enqueue_indirect_dma source(%arg13 : memref<40x64xf32, #tpu.memory_space<vmem>>) target(%dma_start3A_222 : memref<10240x64xf32, #tpu.memory_space<vmem_shared>>) offsets(%dma_start3A_219 : memref<40xi32, #tpu.memory_space<vmem>>) semaphore(%arg35 : memref<!tpu.dma_semaphore, #tpu.memory_space<semaphore_mem>>) {add = true}
        %lt3A = arith.constant 24 : i32
        %lt3A_223 = arith.cmpi slt, %scan3A_194, %lt3A : i32
        %convert_element_type3A = arith.extui %lt3A_223 : i1 to i32
        %cond3A = arith.constant 0 : i32
        %cond3A_224 = arith.cmpi ne, %convert_element_type3A, %cond3A : i32
        scf.if %cond3A_224 {
          %dma_wait3A_322 = arith.constant 0 : i32
          %dma_wait3A_323 = tpu.memref_slice %arg12[%add3A_199, %dma_wait3A_322] : memref<100x40xi32, #tpu.memory_space<vmem>> -> memref<1x40xi32, #tpu.memory_space<vmem>>
          %dma_wait3A_324 = tpu.memref_squeeze %dma_wait3A_323 : memref<1x40xi32, #tpu.memory_space<vmem>> -> memref<40xi32, #tpu.memory_space<vmem>>
          %dma_wait3A_325 = arith.constant 0 : i32
          %dma_wait3A_326 = arith.constant 0 : i32
          %dma_wait3A_327 = tpu.memref_slice %arg25[%dma_wait3A_325, %dma_wait3A_326] : memref<10240x64xf32, #tpu.memory_space<vmem_shared>> -> memref<10240x64xf32, #tpu.memory_space<vmem_shared>>
          tpu.wait_indirect_dma semaphore(%arg35 : memref<!tpu.dma_semaphore, #tpu.memory_space<semaphore_mem>>) src(%arg13 : memref<40x64xf32, #tpu.memory_space<vmem>>) dst(%dma_wait3A_327 : memref<10240x64xf32, #tpu.memory_space<vmem_shared>>)
          %add3A_328 = arith.constant 4 : i32
          %add3A_329 = arith.addi %add3A_199, %add3A_328 : i32
          %dma_start3A_330 = arith.constant 0 : i32
          %dma_start3A_331 = tpu.memref_slice %arg11[%add3A_329, %dma_start3A_330] : memref<100x40xi32, #tpu.memory_space<vmem>> -> memref<1x40xi32, #tpu.memory_space<vmem>>
          %dma_start3A_332 = tpu.memref_squeeze %dma_start3A_331 : memref<1x40xi32, #tpu.memory_space<vmem>> -> memref<40xi32, #tpu.memory_space<vmem>>
          %dma_start3A_333 = arith.constant 0 : i32
          %dma_start3A_334 = arith.constant 0 : i32
          %dma_start3A_335 = tpu.memref_slice %arg24[%dma_start3A_333, %dma_start3A_334] : memref<10240x64xf32, #tpu.memory_space<vmem_shared>> -> memref<10240x64xf32, #tpu.memory_space<vmem_shared>>
          tpu.enqueue_indirect_dma source(%dma_start3A_335 : memref<10240x64xf32, #tpu.memory_space<vmem_shared>>) target(%arg13 : memref<40x64xf32, #tpu.memory_space<vmem>>) offsets(%dma_start3A_332 : memref<40xi32, #tpu.memory_space<vmem>>) semaphore(%arg27 : memref<!tpu.dma_semaphore, #tpu.memory_space<semaphore_mem>>)
          %mul3A_336 = arith.constant 100 : i32
          %mul3A_337 = arith.muli %scan3A_85, %mul3A_336 : i32
          %add3A_338 = arith.addi %mul3A_337, %add3A_329 : i32
          %mul3A_339 = arith.constant 40 : i32
          %mul3A_340 = arith.muli %add3A_338, %mul3A_339 : i32
          %add3A_341 = arith.addi %add3A, %mul3A_340 : i32
          %dma_start3A_342 = arith.constant 64 : i32
          %dma_start3A_343 = tpu.memref_slice %arg6[%add3A_341, %dma_start3A_342] : memref<640000x128xf32, #tpu.memory_space<hbm>> -> memref<40x64xf32, #tpu.memory_space<hbm>>
          %dma_start3A_344 = arith.constant 64 : i32
          %dma_start3A_345 = tpu.memref_slice %arg6[%add3A_341, %dma_start3A_344] : memref<640000x128xf32, #tpu.memory_space<hbm>> -> memref<40x64xf32, #tpu.memory_space<hbm>>
          tpu.enqueue_dma source(%dma_start3A_345 : memref<40x64xf32, #tpu.memory_space<hbm>>) target(%arg17 : memref<40x64xf32, #tpu.memory_space<vmem>>) target_semaphore(%arg31 : memref<!tpu.dma_semaphore, #tpu.memory_space<semaphore_mem>>)
        } else {
        }
        %mul3A_225 = arith.constant 4 : i32
        %mul3A_226 = arith.muli %mul3A_225, %scan3A_194 : i32
        %add3A_227 = arith.constant 1 : i32
        %add3A_228 = arith.addi %mul3A_226, %add3A_227 : i32
        %dma_wait3A_229 = arith.constant 0 : i32
        %dma_wait3A_230 = tpu.memref_slice %arg11[%add3A_228, %dma_wait3A_229] : memref<100x40xi32, #tpu.memory_space<vmem>> -> memref<1x40xi32, #tpu.memory_space<vmem>>
        %dma_wait3A_231 = tpu.memref_squeeze %dma_wait3A_230 : memref<1x40xi32, #tpu.memory_space<vmem>> -> memref<40xi32, #tpu.memory_space<vmem>>
        %dma_wait3A_232 = arith.constant 0 : i32
        %dma_wait3A_233 = arith.constant 0 : i32
        %dma_wait3A_234 = tpu.memref_slice %arg24[%dma_wait3A_232, %dma_wait3A_233] : memref<10240x64xf32, #tpu.memory_space<vmem_shared>> -> memref<10240x64xf32, #tpu.memory_space<vmem_shared>>
        tpu.wait_indirect_dma semaphore(%arg28 : memref<!tpu.dma_semaphore, #tpu.memory_space<semaphore_mem>>) src(%dma_wait3A_234 : memref<10240x64xf32, #tpu.memory_space<vmem_shared>>) dst(%arg14 : memref<40x64xf32, #tpu.memory_space<vmem>>)
        %dma_wait3A_235 = arith.constant 64 : i32
        %dma_wait3A_236 = tpu.memref_slice %arg6[%add3A, %dma_wait3A_235] : memref<640000x128xf32, #tpu.memory_space<hbm>> -> memref<40x64xf32, #tpu.memory_space<hbm>>
        %dma_wait3A_237 = arith.constant 64 : i32
        %dma_wait3A_238 = tpu.memref_slice %arg6[%add3A, %dma_wait3A_237] : memref<640000x128xf32, #tpu.memory_space<hbm>> -> memref<40x64xf32, #tpu.memory_space<hbm>>
        tpu.wait_dma2 semaphore(%arg32 : memref<!tpu.dma_semaphore, #tpu.memory_space<semaphore_mem>>) src(%dma_wait3A_238 : memref<40x64xf32, #tpu.memory_space<hbm>>) dst(%arg18 : memref<40x64xf32, #tpu.memory_space<vmem>>)
        %scan3A_239 = arith.constant 0 : i32
        %scan3A_240 = arith.constant 0 : i32
        %scan3A_241 = arith.constant 40 : i32
        %scan3A_242 = arith.addi %scan3A_240, %scan3A_241 : i32
        %scan3A_243 = arith.constant 1 : i32
        %scan3A_244 = scf.for %scan3A_322 = %scan3A_240 to %scan3A_242 step %scan3A_243 iter_args(%scan3A_323 = %scan3A_239) -> (i32)  : i32 {
          %get3A = arith.index_cast %scan3A_322 : i32 to index
          %get3A_324 = arith.constant 0 : index
          %get3A_325 = tpu.vector_load %arg14[%get3A, %get3A_324] {strides = array<i32>} : memref<40x64xf32, #tpu.memory_space<vmem>>, vector<1x16xf32>,
          %get3A_326 = vector.shape_cast %get3A_325 : vector<1x16xf32> to vector<16xf32>
          %get3A_327 = arith.index_cast %scan3A_322 : i32 to index
          %get3A_328 = arith.constant 0 : index
          %get3A_329 = tpu.vector_load %arg18[%get3A_327, %get3A_328] {strides = array<i32>} : memref<40x64xf32, #tpu.memory_space<vmem>>, vector<1x16xf32>,
          %get3A_330 = vector.shape_cast %get3A_329 : vector<1x16xf32> to vector<16xf32>
          %add3A_331 = arith.addf %get3A_326, %get3A_330 : vector<16xf32>
          %mul3A_332 = arith.constant 0.00999999977 : f32
          %mul3A_333 = vector.broadcast %mul3A_332 : f32 to vector<16xf32>
          %mul3A_334 = arith.mulf %add3A_331, %mul3A_333 : vector<16xf32>
          %max3A = arith.maximumf %add3A_331, %mul3A_334 : vector<16xf32>
          %swap3A = arith.index_cast %scan3A_322 : i32 to index
          %swap3A_335 = arith.constant 0 : index
          %swap3A_336 = tpu.vector_load %arg14[%swap3A, %swap3A_335] {strides = array<i32>} : memref<40x64xf32, #tpu.memory_space<vmem>>, vector<1x16xf32>,
          %swap3A_337 = vector.shape_cast %swap3A_336 : vector<1x16xf32> to vector<16xf32>
          %swap3A_338 = vector.shape_cast %max3A : vector<16xf32> to vector<1x16xf32>
          tpu.vector_store %arg14[%swap3A, %swap3A_335], %swap3A_338 {strides = array<i32>} : memref<40x64xf32, #tpu.memory_space<vmem>>, vector<1x16xf32>,
          %get3A_339 = arith.index_cast %scan3A_322 : i32 to index
          %get3A_340 = arith.constant 16 : index
          %get3A_341 = tpu.vector_load %arg14[%get3A_339, %get3A_340] {strides = array<i32>} : memref<40x64xf32, #tpu.memory_space<vmem>>, vector<1x16xf32>,
          %get3A_342 = vector.shape_cast %get3A_341 : vector<1x16xf32> to vector<16xf32>
          %get3A_343 = arith.index_cast %scan3A_322 : i32 to index
          %get3A_344 = arith.constant 16 : index
          %get3A_345 = tpu.vector_load %arg18[%get3A_343, %get3A_344] {strides = array<i32>} : memref<40x64xf32, #tpu.memory_space<vmem>>, vector<1x16xf32>,
          %get3A_346 = vector.shape_cast %get3A_345 : vector<1x16xf32> to vector<16xf32>
          %add3A_347 = arith.addf %get3A_342, %get3A_346 : vector<16xf32>
          %mul3A_348 = arith.constant 0.00999999977 : f32
          %mul3A_349 = vector.broadcast %mul3A_348 : f32 to vector<16xf32>
          %mul3A_350 = arith.mulf %add3A_347, %mul3A_349 : vector<16xf32>
          %max3A_351 = arith.maximumf %add3A_347, %mul3A_350 : vector<16xf32>
          %swap3A_352 = arith.index_cast %scan3A_322 : i32 to index
          %swap3A_353 = arith.constant 16 : index
          %swap3A_354 = tpu.vector_load %arg14[%swap3A_352, %swap3A_353] {strides = array<i32>} : memref<40x64xf32, #tpu.memory_space<vmem>>, vector<1x16xf32>,
          %swap3A_355 = vector.shape_cast %swap3A_354 : vector<1x16xf32> to vector<16xf32>
          %swap3A_356 = vector.shape_cast %max3A_351 : vector<16xf32> to vector<1x16xf32>
          tpu.vector_store %arg14[%swap3A_352, %swap3A_353], %swap3A_356 {strides = array<i32>} : memref<40x64xf32, #tpu.memory_space<vmem>>, vector<1x16xf32>,
          %get3A_357 = arith.index_cast %scan3A_322 : i32 to index
          %get3A_358 = arith.constant 32 : index
          %get3A_359 = tpu.vector_load %arg14[%get3A_357, %get3A_358] {strides = array<i32>} : memref<40x64xf32, #tpu.memory_space<vmem>>, vector<1x16xf32>,
          %get3A_360 = vector.shape_cast %get3A_359 : vector<1x16xf32> to vector<16xf32>
          %get3A_361 = arith.index_cast %scan3A_322 : i32 to index
          %get3A_362 = arith.constant 32 : index
          %get3A_363 = tpu.vector_load %arg18[%get3A_361, %get3A_362] {strides = array<i32>} : memref<40x64xf32, #tpu.memory_space<vmem>>, vector<1x16xf32>,
          %get3A_364 = vector.shape_cast %get3A_363 : vector<1x16xf32> to vector<16xf32>
          %add3A_365 = arith.addf %get3A_360, %get3A_364 : vector<16xf32>
          %mul3A_366 = arith.constant 0.00999999977 : f32
          %mul3A_367 = vector.broadcast %mul3A_366 : f32 to vector<16xf32>
          %mul3A_368 = arith.mulf %add3A_365, %mul3A_367 : vector<16xf32>
          %max3A_369 = arith.maximumf %add3A_365, %mul3A_368 : vector<16xf32>
          %swap3A_370 = arith.index_cast %scan3A_322 : i32 to index
          %swap3A_371 = arith.constant 32 : index
          %swap3A_372 = tpu.vector_load %arg14[%swap3A_370, %swap3A_371] {strides = array<i32>} : memref<40x64xf32, #tpu.memory_space<vmem>>, vector<1x16xf32>,
          %swap3A_373 = vector.shape_cast %swap3A_372 : vector<1x16xf32> to vector<16xf32>
          %swap3A_374 = vector.shape_cast %max3A_369 : vector<16xf32> to vector<1x16xf32>
          tpu.vector_store %arg14[%swap3A_370, %swap3A_371], %swap3A_374 {strides = array<i32>} : memref<40x64xf32, #tpu.memory_space<vmem>>, vector<1x16xf32>,
          %get3A_375 = arith.index_cast %scan3A_322 : i32 to index
          %get3A_376 = arith.constant 48 : index
          %get3A_377 = tpu.vector_load %arg14[%get3A_375, %get3A_376] {strides = array<i32>} : memref<40x64xf32, #tpu.memory_space<vmem>>, vector<1x16xf32>,
          %get3A_378 = vector.shape_cast %get3A_377 : vector<1x16xf32> to vector<16xf32>
          %get3A_379 = arith.index_cast %scan3A_322 : i32 to index
          %get3A_380 = arith.constant 48 : index
          %get3A_381 = tpu.vector_load %arg18[%get3A_379, %get3A_380] {strides = array<i32>} : memref<40x64xf32, #tpu.memory_space<vmem>>, vector<1x16xf32>,
          %get3A_382 = vector.shape_cast %get3A_381 : vector<1x16xf32> to vector<16xf32>
          %add3A_383 = arith.addf %get3A_378, %get3A_382 : vector<16xf32>
          %mul3A_384 = arith.constant 0.00999999977 : f32
          %mul3A_385 = vector.broadcast %mul3A_384 : f32 to vector<16xf32>
          %mul3A_386 = arith.mulf %add3A_383, %mul3A_385 : vector<16xf32>
          %max3A_387 = arith.maximumf %add3A_383, %mul3A_386 : vector<16xf32>
          %swap3A_388 = arith.index_cast %scan3A_322 : i32 to index
          %swap3A_389 = arith.constant 48 : index
          %swap3A_390 = tpu.vector_load %arg14[%swap3A_388, %swap3A_389] {strides = array<i32>} : memref<40x64xf32, #tpu.memory_space<vmem>>, vector<1x16xf32>,
          %swap3A_391 = vector.shape_cast %swap3A_390 : vector<1x16xf32> to vector<16xf32>
          %swap3A_392 = vector.shape_cast %max3A_387 : vector<16xf32> to vector<1x16xf32>
          tpu.vector_store %arg14[%swap3A_388, %swap3A_389], %swap3A_392 {strides = array<i32>} : memref<40x64xf32, #tpu.memory_space<vmem>>, vector<1x16xf32>,
          %scan3A_393 = arith.constant 0 : i32
          scf.yield %scan3A_393 : i32
        }
        %scan3A_245 = arith.constant 40 : i32
        %dma_start3A_246 = arith.constant 0 : i32
        %dma_start3A_247 = tpu.memref_slice %arg12[%add3A_228, %dma_start3A_246] : memref<100x40xi32, #tpu.memory_space<vmem>> -> memref<1x40xi32, #tpu.memory_space<vmem>>
        %dma_start3A_248 = tpu.memref_squeeze %dma_start3A_247 : memref<1x40xi32, #tpu.memory_space<vmem>> -> memref<40xi32, #tpu.memory_space<vmem>>
        %dma_start3A_249 = arith.constant 0 : i32
        %dma_start3A_250 = arith.constant 0 : i32
        %dma_start3A_251 = tpu.memref_slice %arg25[%dma_start3A_249, %dma_start3A_250] : memref<10240x64xf32, #tpu.memory_space<vmem_shared>> -> memref<10240x64xf32, #tpu.memory_space<vmem_shared>>
        tpu.enqueue_indirect_dma source(%arg14 : memref<40x64xf32, #tpu.memory_space<vmem>>) target(%dma_start3A_251 : memref<10240x64xf32, #tpu.memory_space<vmem_shared>>) offsets(%dma_start3A_248 : memref<40xi32, #tpu.memory_space<vmem>>) semaphore(%arg36 : memref<!tpu.dma_semaphore, #tpu.memory_space<semaphore_mem>>) {add = true}
        %lt3A_252 = arith.constant 24 : i32
        %lt3A_253 = arith.cmpi slt, %scan3A_194, %lt3A_252 : i32
        %convert_element_type3A_254 = arith.extui %lt3A_253 : i1 to i32
        %cond3A_255 = arith.constant 0 : i32
        %cond3A_256 = arith.cmpi ne, %convert_element_type3A_254, %cond3A_255 : i32
        scf.if %cond3A_256 {
          %dma_wait3A_322 = arith.constant 0 : i32
          %dma_wait3A_323 = tpu.memref_slice %arg12[%add3A_228, %dma_wait3A_322] : memref<100x40xi32, #tpu.memory_space<vmem>> -> memref<1x40xi32, #tpu.memory_space<vmem>>
          %dma_wait3A_324 = tpu.memref_squeeze %dma_wait3A_323 : memref<1x40xi32, #tpu.memory_space<vmem>> -> memref<40xi32, #tpu.memory_space<vmem>>
          %dma_wait3A_325 = arith.constant 0 : i32
          %dma_wait3A_326 = arith.constant 0 : i32
          %dma_wait3A_327 = tpu.memref_slice %arg25[%dma_wait3A_325, %dma_wait3A_326] : memref<10240x64xf32, #tpu.memory_space<vmem_shared>> -> memref<10240x64xf32, #tpu.memory_space<vmem_shared>>
          tpu.wait_indirect_dma semaphore(%arg36 : memref<!tpu.dma_semaphore, #tpu.memory_space<semaphore_mem>>) src(%arg14 : memref<40x64xf32, #tpu.memory_space<vmem>>) dst(%dma_wait3A_327 : memref<10240x64xf32, #tpu.memory_space<vmem_shared>>)
          %add3A_328 = arith.constant 4 : i32
          %add3A_329 = arith.addi %add3A_228, %add3A_328 : i32
          %dma_start3A_330 = arith.constant 0 : i32
          %dma_start3A_331 = tpu.memref_slice %arg11[%add3A_329, %dma_start3A_330] : memref<100x40xi32, #tpu.memory_space<vmem>> -> memref<1x40xi32, #tpu.memory_space<vmem>>
          %dma_start3A_332 = tpu.memref_squeeze %dma_start3A_331 : memref<1x40xi32, #tpu.memory_space<vmem>> -> memref<40xi32, #tpu.memory_space<vmem>>
          %dma_start3A_333 = arith.constant 0 : i32
          %dma_start3A_334 = arith.constant 0 : i32
          %dma_start3A_335 = tpu.memref_slice %arg24[%dma_start3A_333, %dma_start3A_334] : memref<10240x64xf32, #tpu.memory_space<vmem_shared>> -> memref<10240x64xf32, #tpu.memory_space<vmem_shared>>
          tpu.enqueue_indirect_dma source(%dma_start3A_335 : memref<10240x64xf32, #tpu.memory_space<vmem_shared>>) target(%arg14 : memref<40x64xf32, #tpu.memory_space<vmem>>) offsets(%dma_start3A_332 : memref<40xi32, #tpu.memory_space<vmem>>) semaphore(%arg28 : memref<!tpu.dma_semaphore, #tpu.memory_space<semaphore_mem>>)
          %mul3A_336 = arith.constant 100 : i32
          %mul3A_337 = arith.muli %scan3A_85, %mul3A_336 : i32
          %add3A_338 = arith.addi %mul3A_337, %add3A_329 : i32
          %mul3A_339 = arith.constant 40 : i32
          %mul3A_340 = arith.muli %add3A_338, %mul3A_339 : i32
          %add3A_341 = arith.addi %add3A, %mul3A_340 : i32
          %dma_start3A_342 = arith.constant 64 : i32
          %dma_start3A_343 = tpu.memref_slice %arg6[%add3A_341, %dma_start3A_342] : memref<640000x128xf32, #tpu.memory_space<hbm>> -> memref<40x64xf32, #tpu.memory_space<hbm>>
          %dma_start3A_344 = arith.constant 64 : i32
          %dma_start3A_345 = tpu.memref_slice %arg6[%add3A_341, %dma_start3A_344] : memref<640000x128xf32, #tpu.memory_space<hbm>> -> memref<40x64xf32, #tpu.memory_space<hbm>>
          tpu.enqueue_dma source(%dma_start3A_345 : memref<40x64xf32, #tpu.memory_space<hbm>>) target(%arg18 : memref<40x64xf32, #tpu.memory_space<vmem>>) target_semaphore(%arg32 : memref<!tpu.dma_semaphore, #tpu.memory_space<semaphore_mem>>)
        } else {
        }
        %mul3A_257 = arith.constant 4 : i32
        %mul3A_258 = arith.muli %mul3A_257, %scan3A_194 : i32
        %add3A_259 = arith.constant 2 : i32
        %add3A_260 = arith.addi %mul3A_258, %add3A_259 : i32
        %dma_wait3A_261 = arith.constant 0 : i32
        %dma_wait3A_262 = tpu.memref_slice %arg11[%add3A_260, %dma_wait3A_261] : memref<100x40xi32, #tpu.memory_space<vmem>> -> memref<1x40xi32, #tpu.memory_space<vmem>>
        %dma_wait3A_263 = tpu.memref_squeeze %dma_wait3A_262 : memref<1x40xi32, #tpu.memory_space<vmem>> -> memref<40xi32, #tpu.memory_space<vmem>>
        %dma_wait3A_264 = arith.constant 0 : i32
        %dma_wait3A_265 = arith.constant 0 : i32
        %dma_wait3A_266 = tpu.memref_slice %arg24[%dma_wait3A_264, %dma_wait3A_265] : memref<10240x64xf32, #tpu.memory_space<vmem_shared>> -> memref<10240x64xf32, #tpu.memory_space<vmem_shared>>
        tpu.wait_indirect_dma semaphore(%arg29 : memref<!tpu.dma_semaphore, #tpu.memory_space<semaphore_mem>>) src(%dma_wait3A_266 : memref<10240x64xf32, #tpu.memory_space<vmem_shared>>) dst(%arg15 : memref<40x64xf32, #tpu.memory_space<vmem>>)
        %dma_wait3A_267 = arith.constant 64 : i32
        %dma_wait3A_268 = tpu.memref_slice %arg6[%add3A, %dma_wait3A_267] : memref<640000x128xf32, #tpu.memory_space<hbm>> -> memref<40x64xf32, #tpu.memory_space<hbm>>
        %dma_wait3A_269 = arith.constant 64 : i32
        %dma_wait3A_270 = tpu.memref_slice %arg6[%add3A, %dma_wait3A_269] : memref<640000x128xf32, #tpu.memory_space<hbm>> -> memref<40x64xf32, #tpu.memory_space<hbm>>
        tpu.wait_dma2 semaphore(%arg33 : memref<!tpu.dma_semaphore, #tpu.memory_space<semaphore_mem>>) src(%dma_wait3A_270 : memref<40x64xf32, #tpu.memory_space<hbm>>) dst(%arg19 : memref<40x64xf32, #tpu.memory_space<vmem>>)
        %scan3A_271 = arith.constant 0 : i32
        %scan3A_272 = arith.constant 0 : i32
        %scan3A_273 = arith.constant 40 : i32
        %scan3A_274 = arith.addi %scan3A_272, %scan3A_273 : i32
        %scan3A_275 = arith.constant 1 : i32
        %scan3A_276 = scf.for %scan3A_322 = %scan3A_272 to %scan3A_274 step %scan3A_275 iter_args(%scan3A_323 = %scan3A_271) -> (i32)  : i32 {
          %get3A = arith.index_cast %scan3A_322 : i32 to index
          %get3A_324 = arith.constant 0 : index
          %get3A_325 = tpu.vector_load %arg15[%get3A, %get3A_324] {strides = array<i32>} : memref<40x64xf32, #tpu.memory_space<vmem>>, vector<1x16xf32>,
          %get3A_326 = vector.shape_cast %get3A_325 : vector<1x16xf32> to vector<16xf32>
          %get3A_327 = arith.index_cast %scan3A_322 : i32 to index
          %get3A_328 = arith.constant 0 : index
          %get3A_329 = tpu.vector_load %arg19[%get3A_327, %get3A_328] {strides = array<i32>} : memref<40x64xf32, #tpu.memory_space<vmem>>, vector<1x16xf32>,
          %get3A_330 = vector.shape_cast %get3A_329 : vector<1x16xf32> to vector<16xf32>
          %add3A_331 = arith.addf %get3A_326, %get3A_330 : vector<16xf32>
          %mul3A_332 = arith.constant 0.00999999977 : f32
          %mul3A_333 = vector.broadcast %mul3A_332 : f32 to vector<16xf32>
          %mul3A_334 = arith.mulf %add3A_331, %mul3A_333 : vector<16xf32>
          %max3A = arith.maximumf %add3A_331, %mul3A_334 : vector<16xf32>
          %swap3A = arith.index_cast %scan3A_322 : i32 to index
          %swap3A_335 = arith.constant 0 : index
          %swap3A_336 = tpu.vector_load %arg15[%swap3A, %swap3A_335] {strides = array<i32>} : memref<40x64xf32, #tpu.memory_space<vmem>>, vector<1x16xf32>,
          %swap3A_337 = vector.shape_cast %swap3A_336 : vector<1x16xf32> to vector<16xf32>
          %swap3A_338 = vector.shape_cast %max3A : vector<16xf32> to vector<1x16xf32>
          tpu.vector_store %arg15[%swap3A, %swap3A_335], %swap3A_338 {strides = array<i32>} : memref<40x64xf32, #tpu.memory_space<vmem>>, vector<1x16xf32>,
          %get3A_339 = arith.index_cast %scan3A_322 : i32 to index
          %get3A_340 = arith.constant 16 : index
          %get3A_341 = tpu.vector_load %arg15[%get3A_339, %get3A_340] {strides = array<i32>} : memref<40x64xf32, #tpu.memory_space<vmem>>, vector<1x16xf32>,
          %get3A_342 = vector.shape_cast %get3A_341 : vector<1x16xf32> to vector<16xf32>
          %get3A_343 = arith.index_cast %scan3A_322 : i32 to index
          %get3A_344 = arith.constant 16 : index
          %get3A_345 = tpu.vector_load %arg19[%get3A_343, %get3A_344] {strides = array<i32>} : memref<40x64xf32, #tpu.memory_space<vmem>>, vector<1x16xf32>,
          %get3A_346 = vector.shape_cast %get3A_345 : vector<1x16xf32> to vector<16xf32>
          %add3A_347 = arith.addf %get3A_342, %get3A_346 : vector<16xf32>
          %mul3A_348 = arith.constant 0.00999999977 : f32
          %mul3A_349 = vector.broadcast %mul3A_348 : f32 to vector<16xf32>
          %mul3A_350 = arith.mulf %add3A_347, %mul3A_349 : vector<16xf32>
          %max3A_351 = arith.maximumf %add3A_347, %mul3A_350 : vector<16xf32>
          %swap3A_352 = arith.index_cast %scan3A_322 : i32 to index
          %swap3A_353 = arith.constant 16 : index
          %swap3A_354 = tpu.vector_load %arg15[%swap3A_352, %swap3A_353] {strides = array<i32>} : memref<40x64xf32, #tpu.memory_space<vmem>>, vector<1x16xf32>,
          %swap3A_355 = vector.shape_cast %swap3A_354 : vector<1x16xf32> to vector<16xf32>
          %swap3A_356 = vector.shape_cast %max3A_351 : vector<16xf32> to vector<1x16xf32>
          tpu.vector_store %arg15[%swap3A_352, %swap3A_353], %swap3A_356 {strides = array<i32>} : memref<40x64xf32, #tpu.memory_space<vmem>>, vector<1x16xf32>,
          %get3A_357 = arith.index_cast %scan3A_322 : i32 to index
          %get3A_358 = arith.constant 32 : index
          %get3A_359 = tpu.vector_load %arg15[%get3A_357, %get3A_358] {strides = array<i32>} : memref<40x64xf32, #tpu.memory_space<vmem>>, vector<1x16xf32>,
          %get3A_360 = vector.shape_cast %get3A_359 : vector<1x16xf32> to vector<16xf32>
          %get3A_361 = arith.index_cast %scan3A_322 : i32 to index
          %get3A_362 = arith.constant 32 : index
          %get3A_363 = tpu.vector_load %arg19[%get3A_361, %get3A_362] {strides = array<i32>} : memref<40x64xf32, #tpu.memory_space<vmem>>, vector<1x16xf32>,
          %get3A_364 = vector.shape_cast %get3A_363 : vector<1x16xf32> to vector<16xf32>
          %add3A_365 = arith.addf %get3A_360, %get3A_364 : vector<16xf32>
          %mul3A_366 = arith.constant 0.00999999977 : f32
          %mul3A_367 = vector.broadcast %mul3A_366 : f32 to vector<16xf32>
          %mul3A_368 = arith.mulf %add3A_365, %mul3A_367 : vector<16xf32>
          %max3A_369 = arith.maximumf %add3A_365, %mul3A_368 : vector<16xf32>
          %swap3A_370 = arith.index_cast %scan3A_322 : i32 to index
          %swap3A_371 = arith.constant 32 : index
          %swap3A_372 = tpu.vector_load %arg15[%swap3A_370, %swap3A_371] {strides = array<i32>} : memref<40x64xf32, #tpu.memory_space<vmem>>, vector<1x16xf32>,
          %swap3A_373 = vector.shape_cast %swap3A_372 : vector<1x16xf32> to vector<16xf32>
          %swap3A_374 = vector.shape_cast %max3A_369 : vector<16xf32> to vector<1x16xf32>
          tpu.vector_store %arg15[%swap3A_370, %swap3A_371], %swap3A_374 {strides = array<i32>} : memref<40x64xf32, #tpu.memory_space<vmem>>, vector<1x16xf32>,
          %get3A_375 = arith.index_cast %scan3A_322 : i32 to index
          %get3A_376 = arith.constant 48 : index
          %get3A_377 = tpu.vector_load %arg15[%get3A_375, %get3A_376] {strides = array<i32>} : memref<40x64xf32, #tpu.memory_space<vmem>>, vector<1x16xf32>,
          %get3A_378 = vector.shape_cast %get3A_377 : vector<1x16xf32> to vector<16xf32>
          %get3A_379 = arith.index_cast %scan3A_322 : i32 to index
          %get3A_380 = arith.constant 48 : index
          %get3A_381 = tpu.vector_load %arg19[%get3A_379, %get3A_380] {strides = array<i32>} : memref<40x64xf32, #tpu.memory_space<vmem>>, vector<1x16xf32>,
          %get3A_382 = vector.shape_cast %get3A_381 : vector<1x16xf32> to vector<16xf32>
          %add3A_383 = arith.addf %get3A_378, %get3A_382 : vector<16xf32>
          %mul3A_384 = arith.constant 0.00999999977 : f32
          %mul3A_385 = vector.broadcast %mul3A_384 : f32 to vector<16xf32>
          %mul3A_386 = arith.mulf %add3A_383, %mul3A_385 : vector<16xf32>
          %max3A_387 = arith.maximumf %add3A_383, %mul3A_386 : vector<16xf32>
          %swap3A_388 = arith.index_cast %scan3A_322 : i32 to index
          %swap3A_389 = arith.constant 48 : index
          %swap3A_390 = tpu.vector_load %arg15[%swap3A_388, %swap3A_389] {strides = array<i32>} : memref<40x64xf32, #tpu.memory_space<vmem>>, vector<1x16xf32>,
          %swap3A_391 = vector.shape_cast %swap3A_390 : vector<1x16xf32> to vector<16xf32>
          %swap3A_392 = vector.shape_cast %max3A_387 : vector<16xf32> to vector<1x16xf32>
          tpu.vector_store %arg15[%swap3A_388, %swap3A_389], %swap3A_392 {strides = array<i32>} : memref<40x64xf32, #tpu.memory_space<vmem>>, vector<1x16xf32>,
          %scan3A_393 = arith.constant 0 : i32
          scf.yield %scan3A_393 : i32
        }
        %scan3A_277 = arith.constant 40 : i32
        %dma_start3A_278 = arith.constant 0 : i32
        %dma_start3A_279 = tpu.memref_slice %arg12[%add3A_260, %dma_start3A_278] : memref<100x40xi32, #tpu.memory_space<vmem>> -> memref<1x40xi32, #tpu.memory_space<vmem>>
        %dma_start3A_280 = tpu.memref_squeeze %dma_start3A_279 : memref<1x40xi32, #tpu.memory_space<vmem>> -> memref<40xi32, #tpu.memory_space<vmem>>
        %dma_start3A_281 = arith.constant 0 : i32
        %dma_start3A_282 = arith.constant 0 : i32
        %dma_start3A_283 = tpu.memref_slice %arg25[%dma_start3A_281, %dma_start3A_282] : memref<10240x64xf32, #tpu.memory_space<vmem_shared>> -> memref<10240x64xf32, #tpu.memory_space<vmem_shared>>
        tpu.enqueue_indirect_dma source(%arg15 : memref<40x64xf32, #tpu.memory_space<vmem>>) target(%dma_start3A_283 : memref<10240x64xf32, #tpu.memory_space<vmem_shared>>) offsets(%dma_start3A_280 : memref<40xi32, #tpu.memory_space<vmem>>) semaphore(%arg37 : memref<!tpu.dma_semaphore, #tpu.memory_space<semaphore_mem>>) {add = true}
        %lt3A_284 = arith.constant 24 : i32
        %lt3A_285 = arith.cmpi slt, %scan3A_194, %lt3A_284 : i32
        %convert_element_type3A_286 = arith.extui %lt3A_285 : i1 to i32
        %cond3A_287 = arith.constant 0 : i32
        %cond3A_288 = arith.cmpi ne, %convert_element_type3A_286, %cond3A_287 : i32
        scf.if %cond3A_288 {
          %dma_wait3A_322 = arith.constant 0 : i32
          %dma_wait3A_323 = tpu.memref_slice %arg12[%add3A_260, %dma_wait3A_322] : memref<100x40xi32, #tpu.memory_space<vmem>> -> memref<1x40xi32, #tpu.memory_space<vmem>>
          %dma_wait3A_324 = tpu.memref_squeeze %dma_wait3A_323 : memref<1x40xi32, #tpu.memory_space<vmem>> -> memref<40xi32, #tpu.memory_space<vmem>>
          %dma_wait3A_325 = arith.constant 0 : i32
          %dma_wait3A_326 = arith.constant 0 : i32
          %dma_wait3A_327 = tpu.memref_slice %arg25[%dma_wait3A_325, %dma_wait3A_326] : memref<10240x64xf32, #tpu.memory_space<vmem_shared>> -> memref<10240x64xf32, #tpu.memory_space<vmem_shared>>
          tpu.wait_indirect_dma semaphore(%arg37 : memref<!tpu.dma_semaphore, #tpu.memory_space<semaphore_mem>>) src(%arg15 : memref<40x64xf32, #tpu.memory_space<vmem>>) dst(%dma_wait3A_327 : memref<10240x64xf32, #tpu.memory_space<vmem_shared>>)
          %add3A_328 = arith.constant 4 : i32
          %add3A_329 = arith.addi %add3A_260, %add3A_328 : i32
          %dma_start3A_330 = arith.constant 0 : i32
          %dma_start3A_331 = tpu.memref_slice %arg11[%add3A_329, %dma_start3A_330] : memref<100x40xi32, #tpu.memory_space<vmem>> -> memref<1x40xi32, #tpu.memory_space<vmem>>
          %dma_start3A_332 = tpu.memref_squeeze %dma_start3A_331 : memref<1x40xi32, #tpu.memory_space<vmem>> -> memref<40xi32, #tpu.memory_space<vmem>>
          %dma_start3A_333 = arith.constant 0 : i32
          %dma_start3A_334 = arith.constant 0 : i32
          %dma_start3A_335 = tpu.memref_slice %arg24[%dma_start3A_333, %dma_start3A_334] : memref<10240x64xf32, #tpu.memory_space<vmem_shared>> -> memref<10240x64xf32, #tpu.memory_space<vmem_shared>>
          tpu.enqueue_indirect_dma source(%dma_start3A_335 : memref<10240x64xf32, #tpu.memory_space<vmem_shared>>) target(%arg15 : memref<40x64xf32, #tpu.memory_space<vmem>>) offsets(%dma_start3A_332 : memref<40xi32, #tpu.memory_space<vmem>>) semaphore(%arg29 : memref<!tpu.dma_semaphore, #tpu.memory_space<semaphore_mem>>)
          %mul3A_336 = arith.constant 100 : i32
          %mul3A_337 = arith.muli %scan3A_85, %mul3A_336 : i32
          %add3A_338 = arith.addi %mul3A_337, %add3A_329 : i32
          %mul3A_339 = arith.constant 40 : i32
          %mul3A_340 = arith.muli %add3A_338, %mul3A_339 : i32
          %add3A_341 = arith.addi %add3A, %mul3A_340 : i32
          %dma_start3A_342 = arith.constant 64 : i32
          %dma_start3A_343 = tpu.memref_slice %arg6[%add3A_341, %dma_start3A_342] : memref<640000x128xf32, #tpu.memory_space<hbm>> -> memref<40x64xf32, #tpu.memory_space<hbm>>
          %dma_start3A_344 = arith.constant 64 : i32
          %dma_start3A_345 = tpu.memref_slice %arg6[%add3A_341, %dma_start3A_344] : memref<640000x128xf32, #tpu.memory_space<hbm>> -> memref<40x64xf32, #tpu.memory_space<hbm>>
          tpu.enqueue_dma source(%dma_start3A_345 : memref<40x64xf32, #tpu.memory_space<hbm>>) target(%arg19 : memref<40x64xf32, #tpu.memory_space<vmem>>) target_semaphore(%arg33 : memref<!tpu.dma_semaphore, #tpu.memory_space<semaphore_mem>>)
        } else {
        }
        %mul3A_289 = arith.constant 4 : i32
        %mul3A_290 = arith.muli %mul3A_289, %scan3A_194 : i32
        %add3A_291 = arith.constant 3 : i32
        %add3A_292 = arith.addi %mul3A_290, %add3A_291 : i32
        %dma_wait3A_293 = arith.constant 0 : i32
        %dma_wait3A_294 = tpu.memref_slice %arg11[%add3A_292, %dma_wait3A_293] : memref<100x40xi32, #tpu.memory_space<vmem>> -> memref<1x40xi32, #tpu.memory_space<vmem>>
        %dma_wait3A_295 = tpu.memref_squeeze %dma_wait3A_294 : memref<1x40xi32, #tpu.memory_space<vmem>> -> memref<40xi32, #tpu.memory_space<vmem>>
        %dma_wait3A_296 = arith.constant 0 : i32
        %dma_wait3A_297 = arith.constant 0 : i32
        %dma_wait3A_298 = tpu.memref_slice %arg24[%dma_wait3A_296, %dma_wait3A_297] : memref<10240x64xf32, #tpu.memory_space<vmem_shared>> -> memref<10240x64xf32, #tpu.memory_space<vmem_shared>>
        tpu.wait_indirect_dma semaphore(%arg30 : memref<!tpu.dma_semaphore, #tpu.memory_space<semaphore_mem>>) src(%dma_wait3A_298 : memref<10240x64xf32, #tpu.memory_space<vmem_shared>>) dst(%arg16 : memref<40x64xf32, #tpu.memory_space<vmem>>)
        %dma_wait3A_299 = arith.constant 64 : i32
        %dma_wait3A_300 = tpu.memref_slice %arg6[%add3A, %dma_wait3A_299] : memref<640000x128xf32, #tpu.memory_space<hbm>> -> memref<40x64xf32, #tpu.memory_space<hbm>>
        %dma_wait3A_301 = arith.constant 64 : i32
        %dma_wait3A_302 = tpu.memref_slice %arg6[%add3A, %dma_wait3A_301] : memref<640000x128xf32, #tpu.memory_space<hbm>> -> memref<40x64xf32, #tpu.memory_space<hbm>>
        tpu.wait_dma2 semaphore(%arg34 : memref<!tpu.dma_semaphore, #tpu.memory_space<semaphore_mem>>) src(%dma_wait3A_302 : memref<40x64xf32, #tpu.memory_space<hbm>>) dst(%arg20 : memref<40x64xf32, #tpu.memory_space<vmem>>)
        %scan3A_303 = arith.constant 0 : i32
        %scan3A_304 = arith.constant 0 : i32
        %scan3A_305 = arith.constant 40 : i32
        %scan3A_306 = arith.addi %scan3A_304, %scan3A_305 : i32
        %scan3A_307 = arith.constant 1 : i32
        %scan3A_308 = scf.for %scan3A_322 = %scan3A_304 to %scan3A_306 step %scan3A_307 iter_args(%scan3A_323 = %scan3A_303) -> (i32)  : i32 {
          %get3A = arith.index_cast %scan3A_322 : i32 to index
          %get3A_324 = arith.constant 0 : index
          %get3A_325 = tpu.vector_load %arg16[%get3A, %get3A_324] {strides = array<i32>} : memref<40x64xf32, #tpu.memory_space<vmem>>, vector<1x16xf32>,
          %get3A_326 = vector.shape_cast %get3A_325 : vector<1x16xf32> to vector<16xf32>
          %get3A_327 = arith.index_cast %scan3A_322 : i32 to index
          %get3A_328 = arith.constant 0 : index
          %get3A_329 = tpu.vector_load %arg20[%get3A_327, %get3A_328] {strides = array<i32>} : memref<40x64xf32, #tpu.memory_space<vmem>>, vector<1x16xf32>,
          %get3A_330 = vector.shape_cast %get3A_329 : vector<1x16xf32> to vector<16xf32>
          %add3A_331 = arith.addf %get3A_326, %get3A_330 : vector<16xf32>
          %mul3A_332 = arith.constant 0.00999999977 : f32
          %mul3A_333 = vector.broadcast %mul3A_332 : f32 to vector<16xf32>
          %mul3A_334 = arith.mulf %add3A_331, %mul3A_333 : vector<16xf32>
          %max3A = arith.maximumf %add3A_331, %mul3A_334 : vector<16xf32>
          %swap3A = arith.index_cast %scan3A_322 : i32 to index
          %swap3A_335 = arith.constant 0 : index
          %swap3A_336 = tpu.vector_load %arg16[%swap3A, %swap3A_335] {strides = array<i32>} : memref<40x64xf32, #tpu.memory_space<vmem>>, vector<1x16xf32>,
          %swap3A_337 = vector.shape_cast %swap3A_336 : vector<1x16xf32> to vector<16xf32>
          %swap3A_338 = vector.shape_cast %max3A : vector<16xf32> to vector<1x16xf32>
          tpu.vector_store %arg16[%swap3A, %swap3A_335], %swap3A_338 {strides = array<i32>} : memref<40x64xf32, #tpu.memory_space<vmem>>, vector<1x16xf32>,
          %get3A_339 = arith.index_cast %scan3A_322 : i32 to index
          %get3A_340 = arith.constant 16 : index
          %get3A_341 = tpu.vector_load %arg16[%get3A_339, %get3A_340] {strides = array<i32>} : memref<40x64xf32, #tpu.memory_space<vmem>>, vector<1x16xf32>,
          %get3A_342 = vector.shape_cast %get3A_341 : vector<1x16xf32> to vector<16xf32>
          %get3A_343 = arith.index_cast %scan3A_322 : i32 to index
          %get3A_344 = arith.constant 16 : index
          %get3A_345 = tpu.vector_load %arg20[%get3A_343, %get3A_344] {strides = array<i32>} : memref<40x64xf32, #tpu.memory_space<vmem>>, vector<1x16xf32>,
          %get3A_346 = vector.shape_cast %get3A_345 : vector<1x16xf32> to vector<16xf32>
          %add3A_347 = arith.addf %get3A_342, %get3A_346 : vector<16xf32>
          %mul3A_348 = arith.constant 0.00999999977 : f32
          %mul3A_349 = vector.broadcast %mul3A_348 : f32 to vector<16xf32>
          %mul3A_350 = arith.mulf %add3A_347, %mul3A_349 : vector<16xf32>
          %max3A_351 = arith.maximumf %add3A_347, %mul3A_350 : vector<16xf32>
          %swap3A_352 = arith.index_cast %scan3A_322 : i32 to index
          %swap3A_353 = arith.constant 16 : index
          %swap3A_354 = tpu.vector_load %arg16[%swap3A_352, %swap3A_353] {strides = array<i32>} : memref<40x64xf32, #tpu.memory_space<vmem>>, vector<1x16xf32>,
          %swap3A_355 = vector.shape_cast %swap3A_354 : vector<1x16xf32> to vector<16xf32>
          %swap3A_356 = vector.shape_cast %max3A_351 : vector<16xf32> to vector<1x16xf32>
          tpu.vector_store %arg16[%swap3A_352, %swap3A_353], %swap3A_356 {strides = array<i32>} : memref<40x64xf32, #tpu.memory_space<vmem>>, vector<1x16xf32>,
          %get3A_357 = arith.index_cast %scan3A_322 : i32 to index
          %get3A_358 = arith.constant 32 : index
          %get3A_359 = tpu.vector_load %arg16[%get3A_357, %get3A_358] {strides = array<i32>} : memref<40x64xf32, #tpu.memory_space<vmem>>, vector<1x16xf32>,
          %get3A_360 = vector.shape_cast %get3A_359 : vector<1x16xf32> to vector<16xf32>
          %get3A_361 = arith.index_cast %scan3A_322 : i32 to index
          %get3A_362 = arith.constant 32 : index
          %get3A_363 = tpu.vector_load %arg20[%get3A_361, %get3A_362] {strides = array<i32>} : memref<40x64xf32, #tpu.memory_space<vmem>>, vector<1x16xf32>,
          %get3A_364 = vector.shape_cast %get3A_363 : vector<1x16xf32> to vector<16xf32>
          %add3A_365 = arith.addf %get3A_360, %get3A_364 : vector<16xf32>
          %mul3A_366 = arith.constant 0.00999999977 : f32
          %mul3A_367 = vector.broadcast %mul3A_366 : f32 to vector<16xf32>
          %mul3A_368 = arith.mulf %add3A_365, %mul3A_367 : vector<16xf32>
          %max3A_369 = arith.maximumf %add3A_365, %mul3A_368 : vector<16xf32>
          %swap3A_370 = arith.index_cast %scan3A_322 : i32 to index
          %swap3A_371 = arith.constant 32 : index
          %swap3A_372 = tpu.vector_load %arg16[%swap3A_370, %swap3A_371] {strides = array<i32>} : memref<40x64xf32, #tpu.memory_space<vmem>>, vector<1x16xf32>,
          %swap3A_373 = vector.shape_cast %swap3A_372 : vector<1x16xf32> to vector<16xf32>
          %swap3A_374 = vector.shape_cast %max3A_369 : vector<16xf32> to vector<1x16xf32>
          tpu.vector_store %arg16[%swap3A_370, %swap3A_371], %swap3A_374 {strides = array<i32>} : memref<40x64xf32, #tpu.memory_space<vmem>>, vector<1x16xf32>,
          %get3A_375 = arith.index_cast %scan3A_322 : i32 to index
          %get3A_376 = arith.constant 48 : index
          %get3A_377 = tpu.vector_load %arg16[%get3A_375, %get3A_376] {strides = array<i32>} : memref<40x64xf32, #tpu.memory_space<vmem>>, vector<1x16xf32>,
          %get3A_378 = vector.shape_cast %get3A_377 : vector<1x16xf32> to vector<16xf32>
          %get3A_379 = arith.index_cast %scan3A_322 : i32 to index
          %get3A_380 = arith.constant 48 : index
          %get3A_381 = tpu.vector_load %arg20[%get3A_379, %get3A_380] {strides = array<i32>} : memref<40x64xf32, #tpu.memory_space<vmem>>, vector<1x16xf32>,
          %get3A_382 = vector.shape_cast %get3A_381 : vector<1x16xf32> to vector<16xf32>
          %add3A_383 = arith.addf %get3A_378, %get3A_382 : vector<16xf32>
          %mul3A_384 = arith.constant 0.00999999977 : f32
          %mul3A_385 = vector.broadcast %mul3A_384 : f32 to vector<16xf32>
          %mul3A_386 = arith.mulf %add3A_383, %mul3A_385 : vector<16xf32>
          %max3A_387 = arith.maximumf %add3A_383, %mul3A_386 : vector<16xf32>
          %swap3A_388 = arith.index_cast %scan3A_322 : i32 to index
          %swap3A_389 = arith.constant 48 : index
          %swap3A_390 = tpu.vector_load %arg16[%swap3A_388, %swap3A_389] {strides = array<i32>} : memref<40x64xf32, #tpu.memory_space<vmem>>, vector<1x16xf32>,
          %swap3A_391 = vector.shape_cast %swap3A_390 : vector<1x16xf32> to vector<16xf32>
          %swap3A_392 = vector.shape_cast %max3A_387 : vector<16xf32> to vector<1x16xf32>
          tpu.vector_store %arg16[%swap3A_388, %swap3A_389], %swap3A_392 {strides = array<i32>} : memref<40x64xf32, #tpu.memory_space<vmem>>, vector<1x16xf32>,
          %scan3A_393 = arith.constant 0 : i32
          scf.yield %scan3A_393 : i32
        }
        %scan3A_309 = arith.constant 40 : i32
        %dma_start3A_310 = arith.constant 0 : i32
        %dma_start3A_311 = tpu.memref_slice %arg12[%add3A_292, %dma_start3A_310] : memref<100x40xi32, #tpu.memory_space<vmem>> -> memref<1x40xi32, #tpu.memory_space<vmem>>
        %dma_start3A_312 = tpu.memref_squeeze %dma_start3A_311 : memref<1x40xi32, #tpu.memory_space<vmem>> -> memref<40xi32, #tpu.memory_space<vmem>>
        %dma_start3A_313 = arith.constant 0 : i32
        %dma_start3A_314 = arith.constant 0 : i32
        %dma_start3A_315 = tpu.memref_slice %arg25[%dma_start3A_313, %dma_start3A_314] : memref<10240x64xf32, #tpu.memory_space<vmem_shared>> -> memref<10240x64xf32, #tpu.memory_space<vmem_shared>>
        tpu.enqueue_indirect_dma source(%arg16 : memref<40x64xf32, #tpu.memory_space<vmem>>) target(%dma_start3A_315 : memref<10240x64xf32, #tpu.memory_space<vmem_shared>>) offsets(%dma_start3A_312 : memref<40xi32, #tpu.memory_space<vmem>>) semaphore(%arg38 : memref<!tpu.dma_semaphore, #tpu.memory_space<semaphore_mem>>) {add = true}
        %lt3A_316 = arith.constant 24 : i32
        %lt3A_317 = arith.cmpi slt, %scan3A_194, %lt3A_316 : i32
        %convert_element_type3A_318 = arith.extui %lt3A_317 : i1 to i32
        %cond3A_319 = arith.constant 0 : i32
        %cond3A_320 = arith.cmpi ne, %convert_element_type3A_318, %cond3A_319 : i32
        scf.if %cond3A_320 {
          %dma_wait3A_322 = arith.constant 0 : i32
          %dma_wait3A_323 = tpu.memref_slice %arg12[%add3A_292, %dma_wait3A_322] : memref<100x40xi32, #tpu.memory_space<vmem>> -> memref<1x40xi32, #tpu.memory_space<vmem>>
          %dma_wait3A_324 = tpu.memref_squeeze %dma_wait3A_323 : memref<1x40xi32, #tpu.memory_space<vmem>> -> memref<40xi32, #tpu.memory_space<vmem>>
          %dma_wait3A_325 = arith.constant 0 : i32
          %dma_wait3A_326 = arith.constant 0 : i32
          %dma_wait3A_327 = tpu.memref_slice %arg25[%dma_wait3A_325, %dma_wait3A_326] : memref<10240x64xf32, #tpu.memory_space<vmem_shared>> -> memref<10240x64xf32, #tpu.memory_space<vmem_shared>>
          tpu.wait_indirect_dma semaphore(%arg38 : memref<!tpu.dma_semaphore, #tpu.memory_space<semaphore_mem>>) src(%arg16 : memref<40x64xf32, #tpu.memory_space<vmem>>) dst(%dma_wait3A_327 : memref<10240x64xf32, #tpu.memory_space<vmem_shared>>)
          %add3A_328 = arith.constant 4 : i32
          %add3A_329 = arith.addi %add3A_292, %add3A_328 : i32
          %dma_start3A_330 = arith.constant 0 : i32
          %dma_start3A_331 = tpu.memref_slice %arg11[%add3A_329, %dma_start3A_330] : memref<100x40xi32, #tpu.memory_space<vmem>> -> memref<1x40xi32, #tpu.memory_space<vmem>>
          %dma_start3A_332 = tpu.memref_squeeze %dma_start3A_331 : memref<1x40xi32, #tpu.memory_space<vmem>> -> memref<40xi32, #tpu.memory_space<vmem>>
          %dma_start3A_333 = arith.constant 0 : i32
          %dma_start3A_334 = arith.constant 0 : i32
          %dma_start3A_335 = tpu.memref_slice %arg24[%dma_start3A_333, %dma_start3A_334] : memref<10240x64xf32, #tpu.memory_space<vmem_shared>> -> memref<10240x64xf32, #tpu.memory_space<vmem_shared>>
          tpu.enqueue_indirect_dma source(%dma_start3A_335 : memref<10240x64xf32, #tpu.memory_space<vmem_shared>>) target(%arg16 : memref<40x64xf32, #tpu.memory_space<vmem>>) offsets(%dma_start3A_332 : memref<40xi32, #tpu.memory_space<vmem>>) semaphore(%arg30 : memref<!tpu.dma_semaphore, #tpu.memory_space<semaphore_mem>>)
          %mul3A_336 = arith.constant 100 : i32
          %mul3A_337 = arith.muli %scan3A_85, %mul3A_336 : i32
          %add3A_338 = arith.addi %mul3A_337, %add3A_329 : i32
          %mul3A_339 = arith.constant 40 : i32
          %mul3A_340 = arith.muli %add3A_338, %mul3A_339 : i32
          %add3A_341 = arith.addi %add3A, %mul3A_340 : i32
          %dma_start3A_342 = arith.constant 64 : i32
          %dma_start3A_343 = tpu.memref_slice %arg6[%add3A_341, %dma_start3A_342] : memref<640000x128xf32, #tpu.memory_space<hbm>> -> memref<40x64xf32, #tpu.memory_space<hbm>>
          %dma_start3A_344 = arith.constant 64 : i32
          %dma_start3A_345 = tpu.memref_slice %arg6[%add3A_341, %dma_start3A_344] : memref<640000x128xf32, #tpu.memory_space<hbm>> -> memref<40x64xf32, #tpu.memory_space<hbm>>
          tpu.enqueue_dma source(%dma_start3A_345 : memref<40x64xf32, #tpu.memory_space<hbm>>) target(%arg20 : memref<40x64xf32, #tpu.memory_space<vmem>>) target_semaphore(%arg34 : memref<!tpu.dma_semaphore, #tpu.memory_space<semaphore_mem>>)
        } else {
        }
        %scan3A_321 = arith.constant 0 : i32
        scf.yield %scan3A_321 : i32
      }
      %scan3A_165 = arith.constant 25 : i32
      %dma_wait3A = arith.constant 96 : i32
      %dma_wait3A_166 = arith.constant 0 : i32
      %dma_wait3A_167 = tpu.memref_slice %arg12[%dma_wait3A, %dma_wait3A_166] : memref<100x40xi32, #tpu.memory_space<vmem>> -> memref<1x40xi32, #tpu.memory_space<vmem>>
      %dma_wait3A_168 = tpu.memref_squeeze %dma_wait3A_167 : memref<1x40xi32, #tpu.memory_space<vmem>> -> memref<40xi32, #tpu.memory_space<vmem>>
      %dma_wait3A_169 = arith.constant 0 : i32
      %dma_wait3A_170 = arith.constant 0 : i32
      %dma_wait3A_171 = tpu.memref_slice %arg25[%dma_wait3A_169, %dma_wait3A_170] : memref<10240x64xf32, #tpu.memory_space<vmem_shared>> -> memref<10240x64xf32, #tpu.memory_space<vmem_shared>>
      tpu.wait_indirect_dma semaphore(%arg35 : memref<!tpu.dma_semaphore, #tpu.memory_space<semaphore_mem>>) src(%arg13 : memref<40x64xf32, #tpu.memory_space<vmem>>) dst(%dma_wait3A_171 : memref<10240x64xf32, #tpu.memory_space<vmem_shared>>)
      %dma_wait3A_172 = arith.constant 97 : i32
      %dma_wait3A_173 = arith.constant 0 : i32
      %dma_wait3A_174 = tpu.memref_slice %arg12[%dma_wait3A_172, %dma_wait3A_173] : memref<100x40xi32, #tpu.memory_space<vmem>> -> memref<1x40xi32, #tpu.memory_space<vmem>>
      %dma_wait3A_175 = tpu.memref_squeeze %dma_wait3A_174 : memref<1x40xi32, #tpu.memory_space<vmem>> -> memref<40xi32, #tpu.memory_space<vmem>>
      %dma_wait3A_176 = arith.constant 0 : i32
      %dma_wait3A_177 = arith.constant 0 : i32
      %dma_wait3A_178 = tpu.memref_slice %arg25[%dma_wait3A_176, %dma_wait3A_177] : memref<10240x64xf32, #tpu.memory_space<vmem_shared>> -> memref<10240x64xf32, #tpu.memory_space<vmem_shared>>
      tpu.wait_indirect_dma semaphore(%arg36 : memref<!tpu.dma_semaphore, #tpu.memory_space<semaphore_mem>>) src(%arg14 : memref<40x64xf32, #tpu.memory_space<vmem>>) dst(%dma_wait3A_178 : memref<10240x64xf32, #tpu.memory_space<vmem_shared>>)
      %dma_wait3A_179 = arith.constant 98 : i32
      %dma_wait3A_180 = arith.constant 0 : i32
      %dma_wait3A_181 = tpu.memref_slice %arg12[%dma_wait3A_179, %dma_wait3A_180] : memref<100x40xi32, #tpu.memory_space<vmem>> -> memref<1x40xi32, #tpu.memory_space<vmem>>
      %dma_wait3A_182 = tpu.memref_squeeze %dma_wait3A_181 : memref<1x40xi32, #tpu.memory_space<vmem>> -> memref<40xi32, #tpu.memory_space<vmem>>
      %dma_wait3A_183 = arith.constant 0 : i32
      %dma_wait3A_184 = arith.constant 0 : i32
      %dma_wait3A_185 = tpu.memref_slice %arg25[%dma_wait3A_183, %dma_wait3A_184] : memref<10240x64xf32, #tpu.memory_space<vmem_shared>> -> memref<10240x64xf32, #tpu.memory_space<vmem_shared>>
      tpu.wait_indirect_dma semaphore(%arg37 : memref<!tpu.dma_semaphore, #tpu.memory_space<semaphore_mem>>) src(%arg15 : memref<40x64xf32, #tpu.memory_space<vmem>>) dst(%dma_wait3A_185 : memref<10240x64xf32, #tpu.memory_space<vmem_shared>>)
      %dma_wait3A_186 = arith.constant 99 : i32
      %dma_wait3A_187 = arith.constant 0 : i32
      %dma_wait3A_188 = tpu.memref_slice %arg12[%dma_wait3A_186, %dma_wait3A_187] : memref<100x40xi32, #tpu.memory_space<vmem>> -> memref<1x40xi32, #tpu.memory_space<vmem>>
      %dma_wait3A_189 = tpu.memref_squeeze %dma_wait3A_188 : memref<1x40xi32, #tpu.memory_space<vmem>> -> memref<40xi32, #tpu.memory_space<vmem>>
      %dma_wait3A_190 = arith.constant 0 : i32
      %dma_wait3A_191 = arith.constant 0 : i32
      %dma_wait3A_192 = tpu.memref_slice %arg25[%dma_wait3A_190, %dma_wait3A_191] : memref<10240x64xf32, #tpu.memory_space<vmem_shared>> -> memref<10240x64xf32, #tpu.memory_space<vmem_shared>>
      tpu.wait_indirect_dma semaphore(%arg38 : memref<!tpu.dma_semaphore, #tpu.memory_space<semaphore_mem>>) src(%arg16 : memref<40x64xf32, #tpu.memory_space<vmem>>) dst(%dma_wait3A_192 : memref<10240x64xf32, #tpu.memory_space<vmem_shared>>)
      %scan3A_193 = arith.constant 0 : i32
      scf.yield %scan3A_193 : i32
    }
    %scan3A_76 = arith.constant 5 : i32
    %barrier3A_77 = arith.constant 0 : index
    tpu.barrier barrier_id(%barrier3A_77)
    %scan3A_78 = arith.constant 0 : i32
    %scan3A_79 = arith.constant 0 : i32
    %scan3A_80 = arith.constant 10 : i32
    %scan3A_81 = arith.addi %scan3A_79, %scan3A_80 : i32
    %scan3A_82 = arith.constant 1 : i32
    %scan3A_83 = scf.for %scan3A_85 = %scan3A_79 to %scan3A_81 step %scan3A_82 iter_args(%scan3A_86 = %scan3A_78) -> (i32)  : i32 {
      %mul3A_87 = arith.constant 640 : i32
      %mul3A_88 = arith.muli %arg1, %mul3A_87 : i32
      %mul3A_89 = arith.constant 64 : i32
      %mul3A_90 = arith.muli %scan3A_85, %mul3A_89 : i32
      %add3A_91 = arith.addi %mul3A_88, %mul3A_90 : i32
      "tpu.region"() ({
        %run_scoped3A = tpu.sem_alloc : memref<!tpu.dma_semaphore, #tpu.memory_space<semaphore_mem>>
        %dma_start3A = arith.constant 0 : i32
        %dma_start3A_96 = tpu.memref_slice %arg25[%add3A_91, %dma_start3A] : memref<10240x64xf32, #tpu.memory_space<vmem_shared>> -> memref<64x64xf32, #tpu.memory_space<vmem_shared>>
        %dma_start3A_97 = arith.constant 0 : i32
        %dma_start3A_98 = tpu.memref_slice %arg25[%add3A_91, %dma_start3A_97] : memref<10240x64xf32, #tpu.memory_space<vmem_shared>> -> memref<64x64xf32, #tpu.memory_space<vmem_shared>>
        tpu.enqueue_dma source(%dma_start3A_98 : memref<64x64xf32, #tpu.memory_space<vmem_shared>>) target(%arg22 : memref<64x64xf32, #tpu.memory_space<vmem>>) target_semaphore(%run_scoped3A : memref<!tpu.dma_semaphore, #tpu.memory_space<semaphore_mem>>)
        %dma_wait3A = arith.constant 0 : i32
        %dma_wait3A_99 = tpu.memref_slice %arg25[%add3A_91, %dma_wait3A] : memref<10240x64xf32, #tpu.memory_space<vmem_shared>> -> memref<64x64xf32, #tpu.memory_space<vmem_shared>>
        %dma_wait3A_100 = arith.constant 0 : i32
        %dma_wait3A_101 = tpu.memref_slice %arg25[%add3A_91, %dma_wait3A_100] : memref<10240x64xf32, #tpu.memory_space<vmem_shared>> -> memref<64x64xf32, #tpu.memory_space<vmem_shared>>
        tpu.wait_dma2 semaphore(%run_scoped3A : memref<!tpu.dma_semaphore, #tpu.memory_space<semaphore_mem>>) src(%dma_wait3A_101 : memref<64x64xf32, #tpu.memory_space<vmem_shared>>) dst(%arg22 : memref<64x64xf32, #tpu.memory_space<vmem>>)
        tpu.yield
      }) : () -> ()
      %mul3A_92 = arith.constant 10240 : i32
      %mul3A_93 = arith.muli %arg0, %mul3A_92 : i32
      %add3A_94 = arith.addi %mul3A_93, %add3A_91 : i32
      "tpu.region"() ({
        %run_scoped3A = tpu.sem_alloc : memref<!tpu.dma_semaphore, #tpu.memory_space<semaphore_mem>>
        %dma_start3A = arith.constant 0 : i32
        %dma_start3A_96 = tpu.memref_slice %arg9[%add3A_94, %dma_start3A] : memref<20480x64xf32, #tpu.memory_space<hbm>> -> memref<64x64xf32, #tpu.memory_space<hbm>>
        %dma_start3A_97 = arith.constant 0 : i32
        %dma_start3A_98 = tpu.memref_slice %arg9[%add3A_94, %dma_start3A_97] : memref<20480x64xf32, #tpu.memory_space<hbm>> -> memref<64x64xf32, #tpu.memory_space<hbm>>
        tpu.enqueue_dma source(%arg22 : memref<64x64xf32, #tpu.memory_space<vmem>>) target(%dma_start3A_98 : memref<64x64xf32, #tpu.memory_space<hbm>>) target_semaphore(%run_scoped3A : memref<!tpu.dma_semaphore, #tpu.memory_space<semaphore_mem>>)
        %dma_wait3A = arith.constant 0 : i32
        %dma_wait3A_99 = tpu.memref_slice %arg9[%add3A_94, %dma_wait3A] : memref<20480x64xf32, #tpu.memory_space<hbm>> -> memref<64x64xf32, #tpu.memory_space<hbm>>
        %dma_wait3A_100 = arith.constant 0 : i32
        %dma_wait3A_101 = tpu.memref_slice %arg9[%add3A_94, %dma_wait3A_100] : memref<20480x64xf32, #tpu.memory_space<hbm>> -> memref<64x64xf32, #tpu.memory_space<hbm>>
        tpu.wait_dma2 semaphore(%run_scoped3A : memref<!tpu.dma_semaphore, #tpu.memory_space<semaphore_mem>>) src(%arg22 : memref<64x64xf32, #tpu.memory_space<vmem>>) dst(%dma_wait3A_101 : memref<64x64xf32, #tpu.memory_space<hbm>>)
        tpu.yield
      }) : () -> ()
      %scan3A_95 = arith.constant 0 : i32
      scf.yield %scan3A_95 : i32
    }
    %scan3A_84 = arith.constant 10 : i32
    return
  }
}

module attributes {stable_mosaic.version = 14 : i64} {
  func.func @_tc_nodes_body(%arg0: i32, %arg1: memref<1000x128xf32, #tpu.memory_space<vmem>>, %arg2: memref<1000x128xf32, #tpu.memory_space<vmem>>, %arg3: memref<128x128xf32, #tpu.memory_space<vmem>>, %arg4: memref<128x128xf32, #tpu.memory_space<vmem>>, %arg5: memref<2x1000x64xf32, #tpu.memory_space<vmem>>, %arg6: memref<2x1000x64xf32, #tpu.memory_space<vmem>>) attributes {dimension_semantics = [#tpu.dimension_semantics<arbitrary>], iteration_bounds = array<i64: 10>, scalar_prefetch = 0 : i64, scratch_operands = 0 : i64, tpu.core_type = #tpu.core_type<tc>, window_params = [{transform_indices = @transform_0, window_bounds = array<i64: 1000, 128>}, {transform_indices = @transform_1, window_bounds = array<i64: 1000, 128>}, {pipeline_mode = #tpu.pipeline_mode<synchronous>, transform_indices = @transform_2, window_bounds = array<i64: 128, 128>}, {pipeline_mode = #tpu.pipeline_mode<synchronous>, transform_indices = @transform_3, window_bounds = array<i64: 128, 128>}, {transform_indices = @transform_4, window_bounds = array<i64: 2, 1000, 64>}, {transform_indices = @transform_5, window_bounds = array<i64: 2, 1000, 64>}]} {
    %get3A = arith.constant 0 : index
    %get3A_0 = arith.constant 0 : index
    %get3A_1 = vector.load %arg1[%get3A, %get3A_0] : memref<1000x128xf32, #tpu.memory_space<vmem>>, vector<1000x128xf32>
    %get3A_2 = arith.constant 0 : index
    %get3A_3 = arith.constant 0 : index
    %get3A_4 = vector.load %arg3[%get3A_2, %get3A_3] : memref<128x128xf32, #tpu.memory_space<vmem>>, vector<128x128xf32>
    %dot_general3A = arith.constant dense<0.000000e+00> : vector<1000x128xf32>
    %dot_general3A_5 = tpu.matmul %get3A_1, %get3A_4, %dot_general3A {dimension_numbers = #tpu.dot_dimension_numbers<[1], [0], [0], [1], [0, 0, 1, 1], [], []>, transpose_lhs_hint = false} : vector<1000x128xf32>, vector<128x128xf32>, vector<1000x128xf32> -> vector<1000x128xf32>
    %get3A_6 = arith.constant 0 : index
    %get3A_7 = arith.constant 0 : index
    %get3A_8 = vector.load %arg2[%get3A_6, %get3A_7] : memref<1000x128xf32, #tpu.memory_space<vmem>>, vector<1000x128xf32>
    %get3A_9 = arith.constant 0 : index
    %get3A_10 = arith.constant 0 : index
    %get3A_11 = vector.load %arg4[%get3A_9, %get3A_10] : memref<128x128xf32, #tpu.memory_space<vmem>>, vector<128x128xf32>
    %dot_general3A_12 = arith.constant dense<0.000000e+00> : vector<1000x128xf32>
    %dot_general3A_13 = tpu.matmul %get3A_8, %get3A_11, %dot_general3A_12 {dimension_numbers = #tpu.dot_dimension_numbers<[1], [0], [0], [1], [0, 0, 1, 1], [], []>, transpose_lhs_hint = false} : vector<1000x128xf32>, vector<128x128xf32>, vector<1000x128xf32> -> vector<1000x128xf32>
    %slice3A = vector.extract_strided_slice %dot_general3A_5 {offsets = [0, 0], sizes = [1000, 64], strides = [1, 1]} : vector<1000x128xf32> to vector<1000x64xf32>
    %swap3A = arith.constant 0 : index
    %swap3A_14 = arith.constant 0 : index
    %swap3A_15 = arith.constant 0 : index
    %swap3A_16 = vector.load %arg5[%swap3A, %swap3A_14, %swap3A_15] : memref<2x1000x64xf32, #tpu.memory_space<vmem>>, vector<1x1000x64xf32>
    %swap3A_17 = vector.shape_cast %swap3A_16 : vector<1x1000x64xf32> to vector<1000x64xf32>
    %swap3A_18 = vector.shape_cast %slice3A : vector<1000x64xf32> to vector<1x1000x64xf32>
    tpu.vector_store %arg5[%swap3A, %swap3A_14, %swap3A_15], %swap3A_18 {strides = array<i32>} : memref<2x1000x64xf32, #tpu.memory_space<vmem>>, vector<1x1000x64xf32>,
    %slice3A_19 = vector.extract_strided_slice %dot_general3A_13 {offsets = [0, 0], sizes = [1000, 64], strides = [1, 1]} : vector<1000x128xf32> to vector<1000x64xf32>
    %swap3A_20 = arith.constant 1 : index
    %swap3A_21 = arith.constant 0 : index
    %swap3A_22 = arith.constant 0 : index
    %swap3A_23 = vector.load %arg5[%swap3A_20, %swap3A_21, %swap3A_22] : memref<2x1000x64xf32, #tpu.memory_space<vmem>>, vector<1x1000x64xf32>
    %swap3A_24 = vector.shape_cast %swap3A_23 : vector<1x1000x64xf32> to vector<1000x64xf32>
    %swap3A_25 = vector.shape_cast %slice3A_19 : vector<1000x64xf32> to vector<1x1000x64xf32>
    tpu.vector_store %arg5[%swap3A_20, %swap3A_21, %swap3A_22], %swap3A_25 {strides = array<i32>} : memref<2x1000x64xf32, #tpu.memory_space<vmem>>, vector<1x1000x64xf32>,
    %slice3A_26 = vector.extract_strided_slice %dot_general3A_5 {offsets = [0, 64], sizes = [1000, 64], strides = [1, 1]} : vector<1000x128xf32> to vector<1000x64xf32>
    %swap3A_27 = arith.constant 0 : index
    %swap3A_28 = arith.constant 0 : index
    %swap3A_29 = arith.constant 0 : index
    %swap3A_30 = vector.load %arg6[%swap3A_27, %swap3A_28, %swap3A_29] : memref<2x1000x64xf32, #tpu.memory_space<vmem>>, vector<1x1000x64xf32>
    %swap3A_31 = vector.shape_cast %swap3A_30 : vector<1x1000x64xf32> to vector<1000x64xf32>
    %swap3A_32 = vector.shape_cast %slice3A_26 : vector<1000x64xf32> to vector<1x1000x64xf32>
    tpu.vector_store %arg6[%swap3A_27, %swap3A_28, %swap3A_29], %swap3A_32 {strides = array<i32>} : memref<2x1000x64xf32, #tpu.memory_space<vmem>>, vector<1x1000x64xf32>,
    %slice3A_33 = vector.extract_strided_slice %dot_general3A_13 {offsets = [0, 64], sizes = [1000, 64], strides = [1, 1]} : vector<1000x128xf32> to vector<1000x64xf32>
    %swap3A_34 = arith.constant 1 : index
    %swap3A_35 = arith.constant 0 : index
    %swap3A_36 = arith.constant 0 : index
    %swap3A_37 = vector.load %arg6[%swap3A_34, %swap3A_35, %swap3A_36] : memref<2x1000x64xf32, #tpu.memory_space<vmem>>, vector<1x1000x64xf32>
    %swap3A_38 = vector.shape_cast %swap3A_37 : vector<1x1000x64xf32> to vector<1000x64xf32>
    %swap3A_39 = vector.shape_cast %slice3A_33 : vector<1000x64xf32> to vector<1x1000x64xf32>
    tpu.vector_store %arg6[%swap3A_34, %swap3A_35, %swap3A_36], %swap3A_39 {strides = array<i32>} : memref<2x1000x64xf32, #tpu.memory_space<vmem>>, vector<1x1000x64xf32>,
    return
  }
  func.func @transform_0(%arg0: i32) -> (i32, i32) {
    %c0_i32 = arith.constant 0 : i32
    %c0_i32_0 = arith.constant 0 : i32
    return %arg0, %c0_i32 : i32, i32
  }
  func.func @transform_1(%arg0: i32) -> (i32, i32) {
    %c0_i32 = arith.constant 0 : i32
    %c0_i32_0 = arith.constant 0 : i32
    return %arg0, %c0_i32 : i32, i32
  }
  func.func @transform_2(%arg0: i32) -> (i32, i32) {
    %c0_i32 = arith.constant 0 : i32
    %c0_i32_0 = arith.constant 0 : i32
    %c0_i32_1 = arith.constant 0 : i32
    return %c0_i32, %c0_i32_0 : i32, i32
  }
  func.func @transform_3(%arg0: i32) -> (i32, i32) {
    %c0_i32 = arith.constant 0 : i32
    %c0_i32_0 = arith.constant 0 : i32
    %c0_i32_1 = arith.constant 0 : i32
    return %c0_i32, %c0_i32_0 : i32, i32
  }
  func.func @transform_4(%arg0: i32) -> (i32, i32, i32) {
    %c0_i32 = arith.constant 0 : i32
    %c0_i32_0 = arith.constant 0 : i32
    %c0_i32_1 = arith.constant 0 : i32
    return %c0_i32, %arg0, %c0_i32_0 : i32, i32, i32
  }
  func.func @transform_5(%arg0: i32) -> (i32, i32, i32) {
    %c0_i32 = arith.constant 0 : i32
    %c0_i32_0 = arith.constant 0 : i32
    %c0_i32_1 = arith.constant 0 : i32
    return %c0_i32, %arg0, %c0_i32_0 : i32, i32, i32
  }
}

module attributes {stable_mosaic.version = 14 : i64} {
  func.func @_tc_edges_body(%arg0: i32, %arg1: i32, %arg2: memref<2000x16xf32, #tpu.memory_space<vmem>>, %arg3: memref<16x128xf32, #tpu.memory_space<vmem>>, %arg4: memref<8x128xf32, #tpu.memory_space<vmem>>, %arg5: memref<2000x128xf32, #tpu.memory_space<vmem>>) attributes {dimension_semantics = [#tpu.dimension_semantics<arbitrary>, #tpu.dimension_semantics<arbitrary>], iteration_bounds = array<i64: 2, 160>, scalar_prefetch = 0 : i64, scratch_operands = 0 : i64, tpu.core_type = #tpu.core_type<tc>, window_params = [{transform_indices = @transform_0, window_bounds = array<i64: 2000, 16>}, {transform_indices = @transform_1, window_bounds = array<i64: 16, 128>}, {transform_indices = @transform_2, window_bounds = array<i64: 8, 128>}, {transform_indices = @transform_3, window_bounds = array<i64: 2000, 128>}]} {
    %get3A = arith.constant 0 : index
    %get3A_0 = arith.constant 0 : index
    %get3A_1 = vector.load %arg2[%get3A, %get3A_0] : memref<2000x16xf32, #tpu.memory_space<vmem>>, vector<2000x16xf32>
    %get3A_2 = arith.constant 0 : index
    %get3A_3 = arith.constant 0 : index
    %get3A_4 = vector.load %arg3[%get3A_2, %get3A_3] : memref<16x128xf32, #tpu.memory_space<vmem>>, vector<16x128xf32>
    %dot_general3A = arith.constant dense<0.000000e+00> : vector<2000x128xf32>
    %dot_general3A_5 = tpu.matmul %get3A_1, %get3A_4, %dot_general3A {dimension_numbers = #tpu.dot_dimension_numbers<[1], [0], [0], [1], [0, 0, 1, 1], [], []>, transpose_lhs_hint = false} : vector<2000x16xf32>, vector<16x128xf32>, vector<2000x128xf32> -> vector<2000x128xf32>
    %get3A_6 = arith.constant 0 : index
    %get3A_7 = arith.constant 0 : index
    %get3A_8 = vector.load %arg4[%get3A_6, %get3A_7] : memref<8x128xf32, #tpu.memory_space<vmem>>, vector<1x128xf32>
    %add3A = vector.broadcast %get3A_8 : vector<1x128xf32> to vector<2000x128xf32>
    %add3A_9 = arith.addf %dot_general3A_5, %add3A : vector<2000x128xf32>
    %swap3A = arith.constant 0 : index
    %swap3A_10 = arith.constant 0 : index
    %swap3A_11 = vector.load %arg5[%swap3A, %swap3A_10] : memref<2000x128xf32, #tpu.memory_space<vmem>>, vector<2000x128xf32>
    tpu.vector_store %arg5[%swap3A, %swap3A_10], %add3A_9 {strides = array<i32>} : memref<2000x128xf32, #tpu.memory_space<vmem>>, vector<2000x128xf32>,
    return
  }
  func.func @transform_0(%arg0: i32, %arg1: i32) -> (i32, i32) {
    %c0_i32 = arith.constant 0 : i32
    %c0_i32_0 = arith.constant 0 : i32
    return %arg1, %c0_i32 : i32, i32
  }
  func.func @transform_1(%arg0: i32, %arg1: i32) -> (i32, i32) {
    %c0_i32 = arith.constant 0 : i32
    %c0_i32_0 = arith.constant 0 : i32
    return %arg0, %c0_i32 : i32, i32
  }
  func.func @transform_2(%arg0: i32, %arg1: i32) -> (i32, i32) {
    %c0_i32 = arith.constant 0 : i32
    %c0_i32_0 = arith.constant 0 : i32
    return %arg0, %c0_i32 : i32, i32
  }
  func.func @transform_3(%arg0: i32, %arg1: i32) -> (i32, i32) {
    %mul3A = arith.constant 160 : i32
    %mul3A_0 = arith.muli %arg0, %mul3A : i32
    %add3A = arith.addi %mul3A_0, %arg1 : i32
    %c0_i32 = arith.constant 0 : i32
    %c0_i32_1 = arith.constant 0 : i32
    return %add3A, %c0_i32 : i32, i32
  }
}

module attributes {stable_mosaic.version = 14 : i64} {
  func.func @_tc_e3_body(%arg0: i32, %arg1: memref<2000x16xf32, #tpu.memory_space<vmem>>, %arg2: memref<16x16xf32, #tpu.memory_space<vmem>>, %arg3: memref<1x16xf32, #tpu.memory_space<vmem>>, %arg4: memref<2000x16xf32, #tpu.memory_space<vmem>>) attributes {dimension_semantics = [#tpu.dimension_semantics<arbitrary>], iteration_bounds = array<i64: 160>, scalar_prefetch = 0 : i64, scratch_operands = 0 : i64, tpu.core_type = #tpu.core_type<tc>, window_params = [{transform_indices = @transform_0, window_bounds = array<i64: 2000, 16>}, {pipeline_mode = #tpu.pipeline_mode<synchronous>, transform_indices = @transform_1, window_bounds = array<i64: 16, 16>}, {pipeline_mode = #tpu.pipeline_mode<synchronous>, transform_indices = @transform_2, window_bounds = array<i64: 1, 16>}, {transform_indices = @transform_3, window_bounds = array<i64: 2000, 16>}]} {
    %get3A = arith.constant 0 : index
    %get3A_0 = arith.constant 0 : index
    %get3A_1 = vector.load %arg1[%get3A, %get3A_0] : memref<2000x16xf32, #tpu.memory_space<vmem>>, vector<2000x16xf32>
    %get3A_2 = arith.constant 0 : index
    %get3A_3 = arith.constant 0 : index
    %get3A_4 = vector.load %arg2[%get3A_2, %get3A_3] : memref<16x16xf32, #tpu.memory_space<vmem>>, vector<16x16xf32>
    %dot_general3A = arith.constant dense<0.000000e+00> : vector<2000x16xf32>
    %dot_general3A_5 = tpu.matmul %get3A_1, %get3A_4, %dot_general3A {dimension_numbers = #tpu.dot_dimension_numbers<[1], [0], [0], [1], [0, 0, 1, 1], [], []>, transpose_lhs_hint = false} : vector<2000x16xf32>, vector<16x16xf32>, vector<2000x16xf32> -> vector<2000x16xf32>
    %get3A_6 = arith.constant 0 : index
    %get3A_7 = arith.constant 0 : index
    %get3A_8 = vector.load %arg3[%get3A_6, %get3A_7] : memref<1x16xf32, #tpu.memory_space<vmem>>, vector<1x16xf32>
    %add3A = vector.broadcast %get3A_8 : vector<1x16xf32> to vector<2000x16xf32>
    %add3A_9 = arith.addf %dot_general3A_5, %add3A : vector<2000x16xf32>
    %swap3A = arith.constant 0 : index
    %swap3A_10 = arith.constant 0 : index
    %swap3A_11 = vector.load %arg4[%swap3A, %swap3A_10] : memref<2000x16xf32, #tpu.memory_space<vmem>>, vector<2000x16xf32>
    tpu.vector_store %arg4[%swap3A, %swap3A_10], %add3A_9 {strides = array<i32>} : memref<2000x16xf32, #tpu.memory_space<vmem>>, vector<2000x16xf32>,
    return
  }
  func.func @transform_0(%arg0: i32) -> (i32, i32) {
    %c0_i32 = arith.constant 0 : i32
    %c0_i32_0 = arith.constant 0 : i32
    return %arg0, %c0_i32 : i32, i32
  }
  func.func @transform_1(%arg0: i32) -> (i32, i32) {
    %c0_i32 = arith.constant 0 : i32
    %c0_i32_0 = arith.constant 0 : i32
    %c0_i32_1 = arith.constant 0 : i32
    return %c0_i32, %c0_i32_0 : i32, i32
  }
  func.func @transform_2(%arg0: i32) -> (i32, i32) {
    %c0_i32 = arith.constant 0 : i32
    %c0_i32_0 = arith.constant 0 : i32
    %c0_i32_1 = arith.constant 0 : i32
    return %c0_i32, %c0_i32_0 : i32, i32
  }
  func.func @transform_3(%arg0: i32) -> (i32, i32) {
    %c0_i32 = arith.constant 0 : i32
    %c0_i32_0 = arith.constant 0 : i32
    return %arg0, %c0_i32 : i32, i32
  }
}

module attributes {stable_mosaic.version = 14 : i64} {
  func.func @_tc_stage2_body(%arg0: i32, %arg1: memref<80x64xf32, #tpu.memory_space<vmem>>, %arg2: memref<80x64xf32, #tpu.memory_space<vmem>>, %arg3: memref<80x64xf32, #tpu.memory_space<vmem>>, %arg4: memref<80x64xf32, #tpu.memory_space<vmem>>, %arg5: memref<80x16xf32, #tpu.memory_space<vmem>>, %arg6: memref<80x16xf32, #tpu.memory_space<vmem>>, %arg7: memref<80x128xf32, #tpu.memory_space<vmem>>, %arg8: memref<80x128xf32, #tpu.memory_space<vmem>>, %arg9: memref<128x128xf32, #tpu.memory_space<vmem>>, %arg10: memref<128x128xf32, #tpu.memory_space<vmem>>, %arg11: memref<128x128xf32, #tpu.memory_space<vmem>>, %arg12: memref<128x128xf32, #tpu.memory_space<vmem>>, %arg13: memref<128x16xf32, #tpu.memory_space<vmem>>, %arg14: memref<128x16xf32, #tpu.memory_space<vmem>>, %arg15: memref<1x128xf32, #tpu.memory_space<vmem>>, %arg16: memref<1x128xf32, #tpu.memory_space<vmem>>, %arg17: memref<80x128xf32, #tpu.memory_space<vmem>>, %arg18: memref<80x128xf32, #tpu.memory_space<vmem>>, %arg19: memref<80x16xf32, #tpu.memory_space<vmem>>, %arg20: memref<80x16xf32, #tpu.memory_space<vmem>>) attributes {dimension_semantics = [#tpu.dimension_semantics<arbitrary>], iteration_bounds = array<i64: 125>, scalar_prefetch = 0 : i64, scratch_operands = 0 : i64, tpu.core_type = #tpu.core_type<tc>, window_params = [{transform_indices = @transform_0, window_bounds = array<i64: 80, 64>}, {transform_indices = @transform_1, window_bounds = array<i64: 80, 64>}, {transform_indices = @transform_2, window_bounds = array<i64: 80, 64>}, {transform_indices = @transform_3, window_bounds = array<i64: 80, 64>}, {transform_indices = @transform_4, window_bounds = array<i64: 80, 16>}, {transform_indices = @transform_5, window_bounds = array<i64: 80, 16>}, {transform_indices = @transform_6, window_bounds = array<i64: 80, 128>}, {transform_indices = @transform_7, window_bounds = array<i64: 80, 128>}, {pipeline_mode = #tpu.pipeline_mode<synchronous>, transform_indices = @transform_8, window_bounds = array<i64: 128, 128>}, {pipeline_mode = #tpu.pipeline_mode<synchronous>, transform_indices = @transform_9, window_bounds = array<i64: 128, 128>}, {pipeline_mode = #tpu.pipeline_mode<synchronous>, transform_indices = @transform_10, window_bounds = array<i64: 128, 128>}, {pipeline_mode = #tpu.pipeline_mode<synchronous>, transform_indices = @transform_11, window_bounds = array<i64: 128, 128>}, {pipeline_mode = #tpu.pipeline_mode<synchronous>, transform_indices = @transform_12, window_bounds = array<i64: 128, 16>}, {pipeline_mode = #tpu.pipeline_mode<synchronous>, transform_indices = @transform_13, window_bounds = array<i64: 128, 16>}, {pipeline_mode = #tpu.pipeline_mode<synchronous>, transform_indices = @transform_14, window_bounds = array<i64: 1, 128>}, {pipeline_mode = #tpu.pipeline_mode<synchronous>, transform_indices = @transform_15, window_bounds = array<i64: 1, 128>}, {transform_indices = @transform_16, window_bounds = array<i64: 80, 128>}, {transform_indices = @transform_17, window_bounds = array<i64: 80, 128>}, {transform_indices = @transform_18, window_bounds = array<i64: 80, 16>}, {transform_indices = @transform_19, window_bounds = array<i64: 80, 16>}]} {
    %get3A = arith.constant 0 : index
    %get3A_0 = arith.constant 0 : index
    %get3A_1 = vector.load %arg5[%get3A, %get3A_0] : memref<80x16xf32, #tpu.memory_space<vmem>>, vector<80x1xf32>
    %jit3A = arith.constant 1.000000e+00 : f32
    %max3A = vector.broadcast %jit3A : f32 to vector<80x1xf32>
    %max3A_2 = arith.maximumf %max3A, %get3A_1 : vector<80x1xf32>
    %div3A = arith.constant 1.000000e+00 : f32
    %div3A_3 = vector.broadcast %div3A : f32 to vector<80x1xf32>
    %div3A_4 = arith.divf %div3A_3, %max3A_2 : vector<80x1xf32>
    %get3A_5 = arith.constant 0 : index
    %get3A_6 = arith.constant 0 : index
    %get3A_7 = vector.load %arg6[%get3A_5, %get3A_6] : memref<80x16xf32, #tpu.memory_space<vmem>>, vector<80x1xf32>
    %jit3A_8 = arith.constant 1.000000e+00 : f32
    %max3A_9 = vector.broadcast %jit3A_8 : f32 to vector<80x1xf32>
    %max3A_10 = arith.maximumf %max3A_9, %get3A_7 : vector<80x1xf32>
    %div3A_11 = arith.constant 1.000000e+00 : f32
    %div3A_12 = vector.broadcast %div3A_11 : f32 to vector<80x1xf32>
    %div3A_13 = arith.divf %div3A_12, %max3A_10 : vector<80x1xf32>
    %get3A_14 = arith.constant 0 : index
    %get3A_15 = arith.constant 0 : index
    %get3A_16 = vector.load %arg1[%get3A_14, %get3A_15] : memref<80x64xf32, #tpu.memory_space<vmem>>, vector<80x64xf32>
    %get3A_17 = arith.constant 0 : index
    %get3A_18 = arith.constant 0 : index
    %get3A_19 = vector.load %arg2[%get3A_17, %get3A_18] : memref<80x64xf32, #tpu.memory_space<vmem>>, vector<80x64xf32>
    %concatenate3A = tpu.concatenate %get3A_16, %get3A_19 in 1 : vector<80x64xf32>, vector<80x64xf32> -> vector<80x128xf32>
    %mul3A = vector.broadcast %div3A_4 : vector<80x1xf32> to vector<80x128xf32>
    %mul3A_20 = arith.mulf %concatenate3A, %mul3A : vector<80x128xf32>
    %get3A_21 = arith.constant 0 : index
    %get3A_22 = arith.constant 0 : index
    %get3A_23 = vector.load %arg3[%get3A_21, %get3A_22] : memref<80x64xf32, #tpu.memory_space<vmem>>, vector<80x64xf32>
    %get3A_24 = arith.constant 0 : index
    %get3A_25 = arith.constant 0 : index
    %get3A_26 = vector.load %arg4[%get3A_24, %get3A_25] : memref<80x64xf32, #tpu.memory_space<vmem>>, vector<80x64xf32>
    %concatenate3A_27 = tpu.concatenate %get3A_23, %get3A_26 in 1 : vector<80x64xf32>, vector<80x64xf32> -> vector<80x128xf32>
    %mul3A_28 = vector.broadcast %div3A_13 : vector<80x1xf32> to vector<80x128xf32>
    %mul3A_29 = arith.mulf %concatenate3A_27, %mul3A_28 : vector<80x128xf32>
    %get3A_30 = arith.constant 0 : index
    %get3A_31 = arith.constant 0 : index
    %get3A_32 = vector.load %arg7[%get3A_30, %get3A_31] : memref<80x128xf32, #tpu.memory_space<vmem>>, vector<80x128xf32>
    %get3A_33 = arith.constant 0 : index
    %get3A_34 = arith.constant 0 : index
    %get3A_35 = vector.load %arg9[%get3A_33, %get3A_34] : memref<128x128xf32, #tpu.memory_space<vmem>>, vector<128x128xf32>
    %dot_general3A = arith.constant dense<0.000000e+00> : vector<80x128xf32>
    %dot_general3A_36 = tpu.matmul %get3A_32, %get3A_35, %dot_general3A {dimension_numbers = #tpu.dot_dimension_numbers<[1], [0], [0], [1], [0, 0, 1, 1], [], []>, transpose_lhs_hint = false} : vector<80x128xf32>, vector<128x128xf32>, vector<80x128xf32> -> vector<80x128xf32>
    %get3A_37 = arith.constant 0 : index
    %get3A_38 = arith.constant 0 : index
    %get3A_39 = vector.load %arg10[%get3A_37, %get3A_38] : memref<128x128xf32, #tpu.memory_space<vmem>>, vector<128x128xf32>
    %dot_general3A_40 = arith.constant dense<0.000000e+00> : vector<80x128xf32>
    %dot_general3A_41 = tpu.matmul %mul3A_20, %get3A_39, %dot_general3A_40 {dimension_numbers = #tpu.dot_dimension_numbers<[1], [0], [0], [1], [0, 0, 1, 1], [], []>, transpose_lhs_hint = false} : vector<80x128xf32>, vector<128x128xf32>, vector<80x128xf32> -> vector<80x128xf32>
    %add3A = arith.addf %dot_general3A_36, %dot_general3A_41 : vector<80x128xf32>
    %get3A_42 = arith.constant 0 : index
    %get3A_43 = arith.constant 0 : index
    %get3A_44 = vector.load %arg15[%get3A_42, %get3A_43] : memref<1x128xf32, #tpu.memory_space<vmem>>, vector<1x128xf32>
    %add3A_45 = vector.broadcast %get3A_44 : vector<1x128xf32> to vector<80x128xf32>
    %add3A_46 = arith.addf %add3A, %add3A_45 : vector<80x128xf32>
    %get3A_47 = arith.constant 0 : index
    %get3A_48 = arith.constant 0 : index
    %get3A_49 = vector.load %arg8[%get3A_47, %get3A_48] : memref<80x128xf32, #tpu.memory_space<vmem>>, vector<80x128xf32>
    %get3A_50 = arith.constant 0 : index
    %get3A_51 = arith.constant 0 : index
    %get3A_52 = vector.load %arg11[%get3A_50, %get3A_51] : memref<128x128xf32, #tpu.memory_space<vmem>>, vector<128x128xf32>
    %dot_general3A_53 = arith.constant dense<0.000000e+00> : vector<80x128xf32>
    %dot_general3A_54 = tpu.matmul %get3A_49, %get3A_52, %dot_general3A_53 {dimension_numbers = #tpu.dot_dimension_numbers<[1], [0], [0], [1], [0, 0, 1, 1], [], []>, transpose_lhs_hint = false} : vector<80x128xf32>, vector<128x128xf32>, vector<80x128xf32> -> vector<80x128xf32>
    %get3A_55 = arith.constant 0 : index
    %get3A_56 = arith.constant 0 : index
    %get3A_57 = vector.load %arg12[%get3A_55, %get3A_56] : memref<128x128xf32, #tpu.memory_space<vmem>>, vector<128x128xf32>
    %dot_general3A_58 = arith.constant dense<0.000000e+00> : vector<80x128xf32>
    %dot_general3A_59 = tpu.matmul %mul3A_29, %get3A_57, %dot_general3A_58 {dimension_numbers = #tpu.dot_dimension_numbers<[1], [0], [0], [1], [0, 0, 1, 1], [], []>, transpose_lhs_hint = false} : vector<80x128xf32>, vector<128x128xf32>, vector<80x128xf32> -> vector<80x128xf32>
    %add3A_60 = arith.addf %dot_general3A_54, %dot_general3A_59 : vector<80x128xf32>
    %get3A_61 = arith.constant 0 : index
    %get3A_62 = arith.constant 0 : index
    %get3A_63 = vector.load %arg16[%get3A_61, %get3A_62] : memref<1x128xf32, #tpu.memory_space<vmem>>, vector<1x128xf32>
    %add3A_64 = vector.broadcast %get3A_63 : vector<1x128xf32> to vector<80x128xf32>
    %add3A_65 = arith.addf %add3A_60, %add3A_64 : vector<80x128xf32>
    %swap3A = arith.constant 0 : index
    %swap3A_66 = arith.constant 0 : index
    %swap3A_67 = vector.load %arg17[%swap3A, %swap3A_66] : memref<80x128xf32, #tpu.memory_space<vmem>>, vector<80x128xf32>
    tpu.vector_store %arg17[%swap3A, %swap3A_66], %add3A_46 {strides = array<i32>} : memref<80x128xf32, #tpu.memory_space<vmem>>, vector<80x128xf32>,
    %swap3A_68 = arith.constant 0 : index
    %swap3A_69 = arith.constant 0 : index
    %swap3A_70 = vector.load %arg18[%swap3A_68, %swap3A_69] : memref<80x128xf32, #tpu.memory_space<vmem>>, vector<80x128xf32>
    tpu.vector_store %arg18[%swap3A_68, %swap3A_69], %add3A_65 {strides = array<i32>} : memref<80x128xf32, #tpu.memory_space<vmem>>, vector<80x128xf32>,
    %get3A_71 = arith.constant 0 : index
    %get3A_72 = arith.constant 0 : index
    %get3A_73 = vector.load %arg13[%get3A_71, %get3A_72] : memref<128x16xf32, #tpu.memory_space<vmem>>, vector<128x16xf32>
    %dot_general3A_74 = arith.constant dense<0.000000e+00> : vector<80x16xf32>
    %dot_general3A_75 = tpu.matmul %add3A_46, %get3A_73, %dot_general3A_74 {dimension_numbers = #tpu.dot_dimension_numbers<[1], [0], [0], [1], [0, 0, 1, 1], [], []>, transpose_lhs_hint = false} : vector<80x128xf32>, vector<128x16xf32>, vector<80x16xf32> -> vector<80x16xf32>
    %swap3A_76 = arith.constant 0 : index
    %swap3A_77 = arith.constant 0 : index
    %swap3A_78 = vector.load %arg19[%swap3A_76, %swap3A_77] : memref<80x16xf32, #tpu.memory_space<vmem>>, vector<80x16xf32>
    tpu.vector_store %arg19[%swap3A_76, %swap3A_77], %dot_general3A_75 {strides = array<i32>} : memref<80x16xf32, #tpu.memory_space<vmem>>, vector<80x16xf32>,
    %get3A_79 = arith.constant 0 : index
    %get3A_80 = arith.constant 0 : index
    %get3A_81 = vector.load %arg14[%get3A_79, %get3A_80] : memref<128x16xf32, #tpu.memory_space<vmem>>, vector<128x16xf32>
    %dot_general3A_82 = arith.constant dense<0.000000e+00> : vector<80x16xf32>
    %dot_general3A_83 = tpu.matmul %add3A_65, %get3A_81, %dot_general3A_82 {dimension_numbers = #tpu.dot_dimension_numbers<[1], [0], [0], [1], [0, 0, 1, 1], [], []>, transpose_lhs_hint = false} : vector<80x128xf32>, vector<128x16xf32>, vector<80x16xf32> -> vector<80x16xf32>
    %swap3A_84 = arith.constant 0 : index
    %swap3A_85 = arith.constant 0 : index
    %swap3A_86 = vector.load %arg20[%swap3A_84, %swap3A_85] : memref<80x16xf32, #tpu.memory_space<vmem>>, vector<80x16xf32>
    tpu.vector_store %arg20[%swap3A_84, %swap3A_85], %dot_general3A_83 {strides = array<i32>} : memref<80x16xf32, #tpu.memory_space<vmem>>, vector<80x16xf32>,
    return
  }
  func.func @transform_0(%arg0: i32) -> (i32, i32) {
    %c0_i32 = arith.constant 0 : i32
    %c0_i32_0 = arith.constant 0 : i32
    return %arg0, %c0_i32 : i32, i32
  }
  func.func @transform_1(%arg0: i32) -> (i32, i32) {
    %c0_i32 = arith.constant 0 : i32
    %c0_i32_0 = arith.constant 0 : i32
    return %arg0, %c0_i32 : i32, i32
  }
  func.func @transform_2(%arg0: i32) -> (i32, i32) {
    %add3A = arith.constant 128 : i32
    %add3A_0 = arith.addi %arg0, %add3A : i32
    %c0_i32 = arith.constant 0 : i32
    %c0_i32_1 = arith.constant 0 : i32
    return %add3A_0, %c0_i32 : i32, i32
  }
  func.func @transform_3(%arg0: i32) -> (i32, i32) {
    %add3A = arith.constant 128 : i32
    %add3A_0 = arith.addi %arg0, %add3A : i32
    %c0_i32 = arith.constant 0 : i32
    %c0_i32_1 = arith.constant 0 : i32
    return %add3A_0, %c0_i32 : i32, i32
  }
  func.func @transform_4(%arg0: i32) -> (i32, i32) {
    %c0_i32 = arith.constant 0 : i32
    %c0_i32_0 = arith.constant 0 : i32
    return %arg0, %c0_i32 : i32, i32
  }
  func.func @transform_5(%arg0: i32) -> (i32, i32) {
    %add3A = arith.constant 128 : i32
    %add3A_0 = arith.addi %arg0, %add3A : i32
    %c0_i32 = arith.constant 0 : i32
    %c0_i32_1 = arith.constant 0 : i32
    return %add3A_0, %c0_i32 : i32, i32
  }
  func.func @transform_6(%arg0: i32) -> (i32, i32) {
    %c0_i32 = arith.constant 0 : i32
    %c0_i32_0 = arith.constant 0 : i32
    return %arg0, %c0_i32 : i32, i32
  }
  func.func @transform_7(%arg0: i32) -> (i32, i32) {
    %c0_i32 = arith.constant 0 : i32
    %c0_i32_0 = arith.constant 0 : i32
    return %arg0, %c0_i32 : i32, i32
  }
  func.func @transform_8(%arg0: i32) -> (i32, i32) {
    %c0_i32 = arith.constant 0 : i32
    %c0_i32_0 = arith.constant 0 : i32
    %c0_i32_1 = arith.constant 0 : i32
    return %c0_i32, %c0_i32_0 : i32, i32
  }
  func.func @transform_9(%arg0: i32) -> (i32, i32) {
    %c0_i32 = arith.constant 0 : i32
    %c0_i32_0 = arith.constant 0 : i32
    %c0_i32_1 = arith.constant 0 : i32
    return %c0_i32, %c0_i32_0 : i32, i32
  }
  func.func @transform_10(%arg0: i32) -> (i32, i32) {
    %c0_i32 = arith.constant 0 : i32
    %c0_i32_0 = arith.constant 0 : i32
    %c0_i32_1 = arith.constant 0 : i32
    return %c0_i32, %c0_i32_0 : i32, i32
  }
  func.func @transform_11(%arg0: i32) -> (i32, i32) {
    %c0_i32 = arith.constant 0 : i32
    %c0_i32_0 = arith.constant 0 : i32
    %c0_i32_1 = arith.constant 0 : i32
    return %c0_i32, %c0_i32_0 : i32, i32
  }
  func.func @transform_12(%arg0: i32) -> (i32, i32) {
    %c0_i32 = arith.constant 0 : i32
    %c0_i32_0 = arith.constant 0 : i32
    %c0_i32_1 = arith.constant 0 : i32
    return %c0_i32, %c0_i32_0 : i32, i32
  }
  func.func @transform_13(%arg0: i32) -> (i32, i32) {
    %c0_i32 = arith.constant 0 : i32
    %c0_i32_0 = arith.constant 0 : i32
    %c0_i32_1 = arith.constant 0 : i32
    return %c0_i32, %c0_i32_0 : i32, i32
  }
  func.func @transform_14(%arg0: i32) -> (i32, i32) {
    %c0_i32 = arith.constant 0 : i32
    %c0_i32_0 = arith.constant 0 : i32
    %c0_i32_1 = arith.constant 0 : i32
    return %c0_i32, %c0_i32_0 : i32, i32
  }
  func.func @transform_15(%arg0: i32) -> (i32, i32) {
    %c0_i32 = arith.constant 0 : i32
    %c0_i32_0 = arith.constant 0 : i32
    %c0_i32_1 = arith.constant 0 : i32
    return %c0_i32, %c0_i32_0 : i32, i32
  }
  func.func @transform_16(%arg0: i32) -> (i32, i32) {
    %c0_i32 = arith.constant 0 : i32
    %c0_i32_0 = arith.constant 0 : i32
    return %arg0, %c0_i32 : i32, i32
  }
  func.func @transform_17(%arg0: i32) -> (i32, i32) {
    %c0_i32 = arith.constant 0 : i32
    %c0_i32_0 = arith.constant 0 : i32
    return %arg0, %c0_i32 : i32, i32
  }
  func.func @transform_18(%arg0: i32) -> (i32, i32) {
    %c0_i32 = arith.constant 0 : i32
    %c0_i32_0 = arith.constant 0 : i32
    return %arg0, %c0_i32 : i32, i32
  }
  func.func @transform_19(%arg0: i32) -> (i32, i32) {
    %c0_i32 = arith.constant 0 : i32
    %c0_i32_0 = arith.constant 0 : i32
    return %arg0, %c0_i32 : i32, i32
  }
}

</mosaic_0001>

<sc_bundles>
// kernel: kernel.11.cloned.1.call-start
scs
__scs_entry_jumppad:
0x0: {  	(pc) =	sbr.rel $0x88, $3  }
0x1: {  	(tag) =	ssettag $0x0;
	lr =	simm.s32 $0x1  }
0x2: {  	[smem:$0x3F8F] =	sst lr;
	_ =	strace $0xD0000000  }
0x3: {  	_ = 	snop  }
0x4: {  	_ = 	snop  }
0x5: {  	_ = 	snop  }
0x6: {  	_ = 	snop  }
0x7: {  	_ = 	snop  }
__scs_overlays_trampoline_lowered:
0x8: {  	[smem:$0x3F9E] =	sst s0  }
0x9: {  	[smem:$0x3F9F] =	sst s1  }
0xa: {  	[smem:$0x3FA0] =	sst s2  }
0xb: {  	[smem:$0x3FA1] =	sst s3  }
0xc: {  	[smem:$0x3FA2] =	sst s4  }
0xd: {  	[smem:$0x3FA3] =	sst s5  }
0xe: {  	[smem:$0x3FA4] =	sst s6  }
0xf: {  	[smem:$0x3FA5] =	sst s7  }
0x10: {  	[smem:$0x3FA6] =	sst s8  }
0x11: {  	[smem:$0x3FA7] =	sst s9;
	s0 =	simm.s32 @!p0 $0x0  }
0x12: {  	s1 =	sld [smem:$0x3F8D];
	s0 =	simm.s32 @p0 $0x1  }
0x13: {  	[smem:$0x3FA8] =	sst s0;
	s0 =	simm.s32 @!p1 $0x0  }
0x14: {  	s2 =	sld [smem:$0x3F8C];
	s0 =	simm.s32 @p1 $0x1  }
0x15: {  	[smem:$0x3FA9] =	sst s0;
	s0 =	simm.s32 @!p2 $0x0  }
0x16: {  	s3 =	sld [smem:$0x3FDB];
	s0 =	simm.s32 @p2 $0x1  }
0x17: {  	s4 =	simm.s32 $0x1BF5;
	[smem:$0x3FAB] =	sst s0  }
0x18: {  	s0 =	sld [smem:$0x3F8E];
	_ =	swait.ge [sflag:s4], $0x0  }
0x19: {  	s7 =	sld [smem:$0x3F8F]  }
0x1a: {  	s8 =	sadd.s32 $0xFFFFE003, lr  }
0x1b: {  	s9 =	sadd.s32 $0xFFFFFEF7, lr;
	s5 =	simm.s32 $0xFFFFFFFF;
	p2 =	slt.u32 s8, $0xFFFFF086  }
0x1c: {  	p1 =	slt.u32 s9, $0xF7A;
	s5 =	simm.s32 @!p2 $0x0  }
0x1d: {  	s5 =	simm.s32 @p1 $0x1;
	p0 =	seq.s32 s7, s2  }
0x1e: {  	s7 =	smul.u32 @!p0 $0xF7A, s2;
	p2 =	seq.s32 @!p0 s5, $0x0  }
0x1f: {  	s9 =	smul.u32 $0xF7A, s1;
	s8 =	simm.s32 @!p0 $0x1BF5;
	p2 =	por !p2, p0  }
0x20: {  	[sflag:s8] =	ssyncset.s32 @!p0 $0xFFFFF086;
	s6 =	sadd.s32 @!p0 s3, s7;
	s7 =	simm.s32 @!p0 $0x108  }
0x21: {  	s3 =	sadd.s32 s3, s9;
	s6 =	sadd.s32 @!p0 $0x88, s6;
	s7 =	simm.s32 @p2 $0x1082  }
0x22: {  	[simem:s7], [sflag:s8] =	dma.local @!p0 [hbm:s6], $0xF7A  }
0x23: {  	s9 =	sor.u32 $0xD0000000, s2;
	s6 =	simm.s32 $0x108;
	_ =	swait.ge @!p0 [sflag:s8], $0x0  }
0x24: {  	s3 =	sadd.s32 $0x88, s3;
	s6 =	simm.s32 @!p1 $0x1082;
	[sflag:s4] =	ssyncset.s32 $0xFFFFF086  }
0x25: {  	[simem:s6], [sflag:s4] =	dma.local [hbm:s3], $0xF7A  }
0x26: {  	[smem:$0x3F8F] =	sst s1;
	(tag) =	ssettag s2;
	_ =	strace s9  }
0x27: {  	s1 =	sld [smem:$0x3F9F]  }
0x28: {  	s2 =	sld [smem:$0x3FA0]  }
0x29: {  	s4 =	sld [smem:$0x3FA2]  }
0x2a: {  	p0 =	seq.s32 s5, $0x0;
	s5 =	sld [smem:$0x3FA3]  }
0x2b: {  	s6 =	sld [smem:$0x3FA4]  }
0x2c: {  	s7 =	sld [smem:$0x3FA5]  }
0x2d: {  	s3 =	simm.s32 $0x108;
	s8 =	sld [smem:$0x3FA6]  }
0x2e: {  	s3 =	simm.s32 @!p0 $0x1082;
	s9 =	sld [smem:$0x3FA7]  }
0x2f: {  	lr =	sadd.s32 s0, s3;
	s0 =	sld [smem:$0x3F9E]  }
0x30: {  	s3 =	sld [smem:$0x3FA1]  }
0x31: {  	[smem:$0x3FAA] =	sst s10  }
0x32: {  	s10 =	sld [smem:$0x3FA8];
	_ =	sdelay $0x3  }
0x33: {  	p0 =	seq.s32 s10, $0x1;
	s10 =	sld [smem:$0x3FAA];
	_ =	sdelay $0x3  }
0x34: {  	[smem:$0x3FAA] =	sst s10  }
0x35: {  	s10 =	sld [smem:$0x3FA9];
	_ =	sdelay $0x3  }
0x36: {  	p1 =	seq.s32 s10, $0x1;
	s10 =	sld [smem:$0x3FAA];
	_ =	sdelay $0x3  }
0x37: {  	[smem:$0x3FAA] =	sst s10  }
0x38: {  	s10 =	sld [smem:$0x3FAB]  }
0x39: {  	_ = 	snop;
	(pc) =	sbr.ind lr, $3  }
0x3a: {  	_ = 	snop  }
0x3b: {  	_ = 	snop  }
0x3c: {  	p2 =	seq.s32 s10, $0x1;
	s10 =	sld [smem:$0x3FAA]  }
0x3d: {  	_ =	shalt  }
0x3e: {  	_ =	shalt  }
0x3f: {  	_ =	shalt  }
0x40: {  	_ =	shalt  }
0x41: {  	_ =	shalt  }
0x42: {  	_ =	shalt  }
0x43: {  	_ =	shalt  }
0x44: {  	_ =	shalt  }
0x45: {  	_ =	shalt  }
0x46: {  	_ =	shalt  }
0x47: {  	_ =	shalt  }
0x48: {  	_ =	shalt  }
0x49: {  	_ =	shalt  }
0x4a: {  	_ =	shalt  }
0x4b: {  	_ =	shalt  }
0x4c: {  	_ =	shalt  }
0x4d: {  	_ =	shalt  }
0x4e: {  	_ =	shalt  }
0x4f: {  	_ =	shalt  }
0x50: {  	_ =	shalt  }
0x51: {  	_ =	shalt  }
0x52: {  	_ =	shalt  }
0x53: {  	_ =	shalt  }
0x54: {  	_ =	shalt  }
0x55: {  	_ =	shalt  }
0x56: {  	_ =	shalt  }
0x57: {  	_ =	shalt  }
0x58: {  	_ =	shalt  }
0x59: {  	_ =	shalt  }
0x5a: {  	_ =	shalt  }
0x5b: {  	_ =	shalt  }
0x5c: {  	_ =	shalt  }
0x5d: {  	_ =	shalt  }
0x5e: {  	_ =	shalt  }
0x5f: {  	_ =	shalt  }
0x60: {  	_ =	shalt  }
0x61: {  	_ =	shalt  }
0x62: {  	_ =	shalt  }
0x63: {  	_ =	shalt  }
0x64: {  	_ =	shalt  }
0x65: {  	_ =	shalt  }
0x66: {  	_ =	shalt  }
0x67: {  	_ =	shalt  }
0x68: {  	_ =	shalt  }
0x69: {  	_ =	shalt  }
0x6a: {  	_ =	shalt  }
0x6b: {  	_ =	shalt  }
0x6c: {  	_ =	shalt  }
0x6d: {  	_ =	shalt  }
0x6e: {  	_ =	shalt  }
0x6f: {  	_ =	shalt  }
0x70: {  	_ =	shalt  }
0x71: {  	_ =	shalt  }
0x72: {  	_ =	shalt  }
0x73: {  	_ =	shalt  }
0x74: {  	_ =	shalt  }
0x75: {  	_ =	shalt  }
0x76: {  	_ =	shalt  }
0x77: {  	_ =	shalt  }
0x78: {  	_ =	shalt  }
0x79: {  	_ =	shalt  }
0x7a: {  	_ =	shalt  }
0x7b: {  	_ =	shalt  }
0x7c: {  	_ =	shalt  }
0x7d: {  	_ =	shalt  }
0x7e: {  	_ =	shalt  }
0x7f: {  	_ =	shalt  }
0x80: {  	_ =	shalt  }
0x81: {  	_ =	shalt  }
0x82: {  	_ =	shalt  }
0x83: {  	_ =	shalt  }
0x84: {  	_ =	shalt  }
0x85: {  	_ =	shalt  }
0x86: {  	_ =	shalt  }
0x87: {  	_ =	shalt  }
.Lfunc_end0:
.L_simem_size_0:
called_computation.1_lowered:
.L_overlay_start_0:
0x88: {  	s2 =	sld [smem:$0x3FD9]  }
0x89: {  	s3 =	sld [smem:$0x3FFE];
	_ =	sdelay $0x1  }
0x8a: {  	s1 =	srdreg.scid  }
0x8b: {  	s0 =	sand.u32 $0x1, s1  }
0x8c: {  	s14 =	sshll.u32 s0, $0xA;
	s2 =	sadd.s32 s3, s2  }
0x8d: {  	s2 =	sadd.s32 s2, s14  }
0x8e: {  	[smem:$0x3FB6] =	sst s2  }
0x8f: {  	_ = 	snop  }
0x90: {  	s2 =	sld [smem:$0x3FD0];
	_ =	sdelay $0x2  }
0x91: {  	s15 =	simm.s32 $0xA;
	s4 =	simm.s32 $0x10  }
0x92: {  	[smem:s4], [sflag:s15] =	dma.local [hbm:s2], $0x1  }
0x93: {  	_ =	swait.eq [sflag:s15], $0x1  }
0x94: {  	[sflag:s15] =	ssyncset.done $0x0  }
0x95: {  	[sflag:s15] =	ssyncadd.s32 $0xFFFFFFFF  }
0x96: {  	s16 =	sld [smem:$0x11];
	(tm) =	ssettm $0x1  }
0x97: {  	s17 =	sld [smem:$0x3FFB];
	_ =	sdelay $0x3  }
0x98: {  	_ =	strace s17  }
0x99: {  	s3 =	sld [smem:$0x3FFC];
	_ =	sdelay $0x3  }
0x9a: {  	_ =	strace s3  }
0x9b: {  	s3 =	sld [smem:$0x3FFD];
	_ =	sdelay $0x3  }
0x9c: {  	_ =	strace s3  }
0x9d: {  	_ =	strace $0x8FFFFFFF  }
0x9e: {  	s18 =	sld [smem:$0x3FDB];
	_ =	sdelay $0x1  }
0x9f: {  	s19 =	simm.s32 $_scs_section_size  }
0xa0: {  	s5 =	simm.s32 $_size__tile_overlayer_lowered;
	s6 =	simm.s32 $_tile_overlayer_lowered  }
0xa1: {  	s22 =	simm.s32 $0x1BFF;
	s21 =	sshll.u32 s6, $0x1;
	s3 =	sadd.s32 s19, s18  }
0xa2: {  	s7 =	simm.s32 $0x0;
	s20 =	sshll.u32 s5, $0x1;
	s5 =	sadd.s32 s21, s3  }
0xa3: {  	[timem:s7], [sflag:s22] =	dma.local [hbm:s5], s20  }
0xa4: {  	_ =	swait.ge [sflag:s22], s20  }
0xa5: {  	s4 =	ssub.s32 $0x0, s20;
	[sflag:s22] =	ssyncset.done $0x0  }
0xa6: {  	[sflag:s22] =	ssyncadd.s32 s4;
	_ =	sdelay $0x1  }
0xa7: {  	s23 =	simm.s32 $0x1B8B  }
0xa8: {  	_ =	swait.ge [sflag:s23], $0x1  }
0xa9: {  	[sflag:s23] =	ssyncset.done $0x0  }
0xaa: {  	s25 =	simm.s32 $0x1B8E;
	s24 =	sld [smem:$0x3FFE];
	[sflag:s23] =	ssyncadd.s32 $0xFFFFFFFF  }
0xab: {  	s26 =	simm.s32 $execute0_lowered;
	[smem:$0x3FD2] =	sst s25  }
0xac: {  	s5 =	sshll.u32 s26, $0x1;
	_ =	strace $0x80000049;
	[dreg:$0x1] =	wrdreg $0xFFFFFFFF  }
0xad: {  	s28 =	simm.s32 $_size_execute0_lowered;
	s3 =	sadd.s32 s3, s5;
	[dreg:$0x0] =	wrdreg $0x0  }
0xae: {  	s5 =	sshll.u32 s28, $0x1;
	[dreg:$0x2] =	wrdreg s3  }
0xaf: {  	[dreg:$0x3] =	wrdreg s5  }
0xb0: {  	[dreg:$0x4] =	wrdreg $0xC0  }
0xb1: {  	_ =	task [dreg:s7], $0x5FFFF  }
0xb2: {  	[dreg:$0x1] =	wrdreg $0xFFFFFFFF  }
0xb3: {  	[dreg:$0x0] =	wrdreg $0x60  }
0xb4: {  	[dreg:$0x2] =	wrdreg s24  }
0xb5: {  	[dreg:$0x3] =	wrdreg s16  }
0xb6: {  	[dreg:$0x4] =	wrdreg $0x9  }
0xb7: {  	_ =	task.clear_ibuf [dreg:s7], $0x5FFFF;
	_ =	strace $0x90000049  }
0xb8: {  	s29 =	simm.s32 $0x9;
	_ =	strace $0x8000004B  }
0xb9: {  	_ =	swait.ge [sflag:s29], $0x1  }
0xba: {  	[sflag:s29] =	ssyncadd.s32 $0xFFFFFFFF  }
0xbb: {  	_ =	strace $0x9000004B  }
0xbc: {  	_ =	sfence  }
0xbd: {  	s30 =	sld [smem:$0x0];
	_ =	sdelay $0x2  }
0xbe: {  	s31 =	sshll.u32 s1, $0xD;
	s1 =	sshrl.u32 s1, $0x2  }
0xbf: {  	s3 =	sand.u32 $0x4000, s31;
	s1 =	sadd.s32 s1, s30  }
0xc0: {  	s0 =	sor.u32 s3, s0;
	s1 =	sshll.u32 s1, $0x11  }
0xc1: {  	s0 =	sor.u32 s1, s0  }
0xc2: {  	s0 =	sadd.s32 $0x8F2B, s0  }
0xc3: {  	[sflag:s0] =	ssyncadd.remote.s32 $0x1  }
0xc4: {  	_ =	sfence.sel $0xFFFF  }
0xc5: {  	[dreg:$0x0] =	wrdreg $0xFFFFFFFF;
	(pc) =	sbr.abs _section_cstart, $3  }
0xc6: {  	[dreg:$0x1] =	wrdreg $0xFFFFFFFF  }
0xc7: {  	_ =	task.clear_ibuf [dreg:s7], $0x2FFFF;
	_ =	strace $0x9FFFFFFF  }
0xc8: {  	(tm) =	ssettm $0x7FFFFFFF  }
0xc9: {  	_ =	shalt  }
tec
execute0_lowered:
.L_overlay_start_1:
0x0: {  	(tag) =	ssettag $0x1  }
0x1: {  	s0 =	rddreg [dreg:$0x0]  }
0x2: {  	s1 =	srdreg.scid;
	s3 =	stileid.u32  }
0x3: {  	s2 =	rddreg [dreg:$0x1];
	s14 =	simm.s32 $0x9;
	s15 =	simm.s32 $0x2710  }
0x4: {  	s16 =	simm.s32 $0x28;
	s20 =	simm.s32 $0x50A0;
	s22 =	simm.s32 $0x55A0  }
0x5: {  	s23 =	simm.s32 $0x5AA0;
	s28 =	simm.s32 $0x5D20;
	s29 =	simm.s32 $0x2  }
0x6: {  	s30 =	simm.s32 $0x4;
	s1 =	sand.u32 $0x1, s1;
	s4 =	sshll.u32 s3, $0x1  }
0x7: {  	s31 =	simm.s32 $0x6;
	s17 =	simm.s32 $0x8;
	s8 =	sor.u32 s1, s4  }
0x8: {  	s18 =	simm.s32 $0x0;
	s3 =	simm.s32 $0x0;
	s4 =	smul.u32 $0x2710, s8  }
0x9: {  	s5 =	sadd.s32 $0xA800, s0;
	s6 =	sadd.s32 $0x5800, s0;
	s10 =	smul.u32 $0x27100, s8  }
0xa: {  	[smem:$0x7FF] =	sst s3;
	s1 =	ssub.s32 $0x2, s1;
	s8 =	smul.u32 $0x4E20, s8  }
0xb: {  	_ =	strace $0x8000004A;
	s24 =	sshrl.u32 s1, $0x1;
	s7 =	sshrl.u32 s4, $0x3  }
0xc: {  	s26 =	sshrl.u32 s10, $0x3;
	s8 =	sadd.s32 s2, s8;
	s12 =	sadd.s32 $0x28, s4  }
0xd: {  	s9 =	sadd.s32 s7, s0;
	s7 =	sadd.s32 $0xF800, s0;
	s0 =	ssub.s32 s1, s24  }
.Ltmp0:
0xe: {  	[dreg:$0x5] =	wrdreg s8;
	s1 =	sadd.s32 s2, s26;
	(pc) =	sbr.rel .LBB2_1-.Ltmp0, $4  }
0xf: {  	s24 =	simm.s32 $0x1;
	s26 =	simm.s32 $0x5;
	s25 =	sadd.s32 $0x50F800, s9  }
0x10: {  	s9 =	sadd.s32 $0x519440, s9;
	s1 =	sadd.s32 $0x50, s1;
	[dreg:$0x3] =	wrdreg s25  }
0x11: {  	s13 =	smax.u32 s0, $0x1;
	s0 =	simm.s32 $0x7;
	[dreg:$0x4] =	wrdreg s9  }
0x12: {  	[dreg:$0x6] =	wrdreg s1;
	s25 =	simm.s32 $0x3;
	s1 =	simm.s32 $0x5FA0  }
.LBB2_8:
0x13: {  	s18 =	sadd.s32 $0x1, s18  }
0x14: {  	_ =	swait.ge [sflag:s0], $0x280;
	p0 =	sne.s32 s18, s13  }
.Ltmp1:
0x15: {  	[sflag:s0] =	ssyncset.done $0x0;
	(pc) =	sbr.rel @!p0 .LBB2_9-.Ltmp1, $4  }
0x16: {  	[sflag:s0] =	ssyncadd.s32 $0xFFFFFD80  }
0x17: {  	_ =	swait.ge [sflag:s17], $0x280  }
0x18: {  	[sflag:s17] =	ssyncset.done $0x0  }
0x19: {  	[sflag:s17] =	ssyncadd.s32 $0xFFFFFD80  }
.LBB2_1:
0x1a: {  	s8 =	rddreg [dreg:$0x3]  }
0x1b: {  	[tilespmem:s3], [sflag:$0x9] =	stream.linear.gather [hbm4b:s8+s3], $0x2710, $0x38;
	[tilespmem:$0x6220] =	vst v63  }
0x1c: {  	_ =	swait.ge [sflag:s14], $0x2710  }
0x1d: {  	[sflag:s14] =	ssyncset.done $0x0  }
0x1e: {  	s21 =	rddreg [dreg:$0x4];
	[sflag:s14] =	ssyncadd.s32 $0xFFFFD8F0  }
0x1f: {  	[tilespmem:s15], [sflag:$0x9] =	stream.linear.gather [hbm4b:s21+s3], $0x2710, $0x38;
	[tilespmem:$0x6220] =	vst v63  }
0x20: {  	_ =	swait.ge [sflag:s14], $0x2710  }
0x21: {  	[sflag:s14] =	ssyncset.done $0x0  }
0x22: {  	s9 =	simm.s32 $0x4E20;
	[sflag:s14] =	ssyncadd.s32 $0xFFFFD8F0  }
0x23: {  	[tilespmem:s9], [sflag:$0x1] =	stream.indirect.gather [hbm4b:s5+s16], $0x10, s3, s16, $0xb8;
	[tilespmem:$0x6220] =	vst v63  }
0x24: {  	s10 =	simm.s32 $0x5320  }
0x25: {  	[tilespmem:s10], [sflag:$0x3] =	stream.indirect.gather [hbm4b:s6+s16], $0x10, s15, s16, $0xb8;
	[tilespmem:$0x6220] =	vst v63  }
0x26: {  	s11 =	rddreg [dreg:$0x5];
	s9 =	simm.s32 $0x5820  }
0x27: {  	[tilespmem:s9], [sflag:$0x5] =	stream.linear.gather [hbm4b:s11+s3], $0x280, $0x38;
	[tilespmem:$0x6220] =	vst v63  }
0x28: {  	_ = 	snop  }
0x29: {  	[tilespmem:s20], [sflag:$0x2] =	stream.indirect.gather [hbm4b:s5+s16], $0x10, s16, s16, $0xb8;
	[tilespmem:$0x6220] =	vst v63  }
0x2a: {  	s19 =	simm.s32 $0x2738  }
0x2b: {  	[tilespmem:s22], [sflag:$0x4] =	stream.indirect.gather [hbm4b:s6+s16], $0x10, s19, s16, $0xb8;
	[tilespmem:$0x6220] =	vst v63  }
0x2c: {  	s21 =	rddreg [dreg:$0x6];
	s19 =	simm.s32 $0x0  }
0x2d: {  	[tilespmem:s23], [sflag:$0x6] =	stream.linear.gather [hbm4b:s21+s3], $0x280, $0x38;
	[tilespmem:$0x6220] =	vst v63  }
.LBB2_2:
0x2e: {  	_ =	swait.ge [sflag:s24], $0x280  }
0x2f: {  	[sflag:s24] =	ssyncset.done $0x0  }
0x30: {  	[sflag:s24] =	ssyncadd.s32 $0xFFFFFD80  }
0x31: {  	_ =	swait.ge [sflag:s25], $0x280  }
0x32: {  	[sflag:s25] =	ssyncset.done $0x0  }
0x33: {  	[sflag:s25] =	ssyncadd.s32 $0xFFFFFD80  }
0x34: {  	_ =	swait.ge [sflag:s26], $0x280  }
0x35: {  	p0 =	seq.s32 s19, $0x0;
	[sflag:s26] =	ssyncset.done $0x0  }
0x36: {  	s8 =	simm.s32 @!p0 $0x7;
	[sflag:s26] =	ssyncadd.s32 $0xFFFFFD80  }
0x37: {  	_ =	swait.ge @!p0 [sflag:s8], $0x280  }
0x38: {  	[sflag:s8] =	ssyncset.done @!p0 $0x0  }
0x39: {  	[sflag:s8] =	ssyncadd.s32 @!p0 $0xFFFFFD80;
	s8 =	simm.s32 $0x0  }
0x3a: {  	v0 =	vld [tilespmem:s8+$0x4E20]  }
0x3b: {  	v2 =	vld [tilespmem:s8+$0x5320];
	_ =	sdelay $0x1  }
0x3c: {  	v1 =	vld [tilespmem:s8+$0x5820]  }
0x3d: {  	s21 =	simm.s32 $0x40  }
.LBB2_3:
0x3e: {  	s9 =	sshra.s32 s21, $0x2;
	p1 =	sne.s32 s21, $0x9C0  }
.Ltmp2:
0x3f: {  	s21 =	sadd.s32 $0x40, s21;
	v3 =	vadd.f32 v2, v0;
	v0 =	vld [tilespmem:s9+$0x4E20];
	(pc) =	sbr.rel @p1 .LBB2_3-.Ltmp2, $4  }
0x40: {  	v2 =	vld [tilespmem:s9+$0x5320]  }
0x41: {  	v3 =	vadd.f32 v1, v3  }
0x42: {  	v1 =	vld [tilespmem:s9+$0x5820]  }
0x43: {  	[tilespmem:s8+$0x5D20] =	vst v3;
	s8 =	smov.u32 s9  }
0x44: {  	_ = 	snop  }
0x45: {  	s21 =	smul.u32 $0x50, s19;
	v0 =	vadd.f32 v2, v0;
	_ =	sdelay $0x1  }
0x46: {  	s9 =	sadd.s32 s4, s21;
	v0 =	vadd.f32 v1, v0  }
0x47: {  	s9 =	sshll.u32 s9, $0x1  }
0x48: {  	p1 =	seq.s32 s19, $0x7C;
	s11 =	sadd.s32 s7, s9;
	[tilespmem:s8+$0x5D20] =	vst v0  }
0x49: {  	[hbm4b:s11+s3] =	stream.linear.scatter [tilespmem:s28], [sflag:$0x7], $0x280, $0x38;
	[tilespmem:$0x6220] =	vst v63  }
0x4a: {  	s10 =	simm.s32 @!p1 $0x4E20;
	s9 =	simm.s32 @!p1 $0x28;
	s8 =	sadd.s32 @!p1 $0x50, s21  }
0x4b: {  	[tilespmem:s10], [sflag:$0x1] =	stream.indirect.gather @!p1 [hbm4b:s5+s9], $0x10, s8, s9, $0xb8;
	[tilespmem:$0x6220] =	vst v63  }
0x4c: {  	s8 =	sadd.s32 @!p1 s4, s8  }
0x4d: {  	s11 =	simm.s32 @!p1 $0x5320;
	s10 =	sadd.s32 @!p1 $0x2760, s21;
	s8 =	sshll.u32 @!p1 s8, $0x1  }
0x4e: {  	[tilespmem:s11], [sflag:$0x3] =	stream.indirect.gather @!p1 [hbm4b:s6+s9], $0x10, s10, s9, $0xb8;
	[tilespmem:$0x6220] =	vst v63  }
0x4f: {  	s8 =	sand.u32 @!p1 $0x1FFFFFE0, s8  }
0x50: {  	s9 =	simm.s32 @!p1 $0x0;
	s10 =	simm.s32 @!p1 $0x5820;
	s8 =	sadd.s32 @!p1 s2, s8  }
0x51: {  	[tilespmem:s10], [sflag:$0x5] =	stream.linear.gather @!p1 [hbm4b:s8+s9], $0x280, $0x38;
	[tilespmem:$0x6220] =	vst v63  }
0x52: {  	_ =	swait.ge [sflag:s29], $0x280  }
0x53: {  	[sflag:s29] =	ssyncset.done $0x0  }
0x54: {  	[sflag:s29] =	ssyncadd.s32 $0xFFFFFD80  }
0x55: {  	_ =	swait.ge [sflag:s30], $0x280  }
0x56: {  	[sflag:s30] =	ssyncset.done $0x0  }
0x57: {  	[sflag:s30] =	ssyncadd.s32 $0xFFFFFD80  }
0x58: {  	_ =	swait.ge [sflag:s31], $0x280  }
0x59: {  	[sflag:s31] =	ssyncset.done $0x0  }
0x5a: {  	s8 =	simm.s32 @!p0 $0x8;
	[sflag:s31] =	ssyncadd.s32 $0xFFFFFD80  }
0x5b: {  	_ =	swait.ge @!p0 [sflag:s8], $0x280  }
0x5c: {  	[sflag:s8] =	ssyncset.done @!p0 $0x0  }
0x5d: {  	[sflag:s8] =	ssyncadd.s32 @!p0 $0xFFFFFD80;
	s8 =	simm.s32 $0x0  }
0x5e: {  	v0 =	vld [tilespmem:s8+$0x50A0]  }
0x5f: {  	v2 =	vld [tilespmem:s8+$0x55A0];
	_ =	sdelay $0x1  }
0x60: {  	v1 =	vld [tilespmem:s8+$0x5AA0]  }
0x61: {  	s9 =	simm.s32 $0x40  }
.LBB2_5:
0x62: {  	s10 =	sshra.s32 s9, $0x2;
	p0 =	sne.s32 s9, $0x9C0  }
.Ltmp3:
0x63: {  	s9 =	sadd.s32 $0x40, s9;
	v3 =	vadd.f32 v2, v0;
	v0 =	vld [tilespmem:s10+$0x50A0];
	(pc) =	sbr.rel @p0 .LBB2_5-.Ltmp3, $4  }
0x64: {  	v2 =	vld [tilespmem:s10+$0x55A0]  }
0x65: {  	v3 =	vadd.f32 v1, v3  }
0x66: {  	v1 =	vld [tilespmem:s10+$0x5AA0]  }
0x67: {  	[tilespmem:s8+$0x5FA0] =	vst v3;
	s8 =	smov.u32 s10  }
0x68: {  	_ = 	snop  }
0x69: {  	v0 =	vadd.f32 v2, v0  }
.Ltmp4:
0x6a: {  	s9 =	sadd.s32 s21, s12;
	(pc) =	sbr.rel @p1 .LBB2_8-.Ltmp4, $4  }
0x6b: {  	s9 =	sshll.u32 s9, $0x1;
	v0 =	vadd.f32 v1, v0  }
0x6c: {  	s9 =	sand.u32 $0x1FFFFFF0, s9  }
0x6d: {  	s11 =	sadd.s32 s7, s9;
	[tilespmem:s8+$0x5FA0] =	vst v0  }
0x6e: {  	[hbm4b:s11+s3] =	stream.linear.scatter [tilespmem:s1], [sflag:$0x8], $0x280, $0x38;
	[tilespmem:$0x6220] =	vst v63  }
0x6f: {  	s8 =	sadd.s32 $0x78, s21  }
0x70: {  	[tilespmem:s20], [sflag:$0x2] =	stream.indirect.gather [hbm4b:s5+s16], $0x10, s8, s16, $0xb8;
	[tilespmem:$0x6220] =	vst v63  }
0x71: {  	s8 =	sadd.s32 s4, s8  }
.Ltmp5:
0x72: {  	s9 =	sadd.s32 $0x2788, s21;
	s8 =	sshll.u32 s8, $0x1;
	(pc) =	sbr.rel .LBB2_2-.Ltmp5, $4  }
0x73: {  	[tilespmem:s22], [sflag:$0x4] =	stream.indirect.gather [hbm4b:s6+s16], $0x10, s9, s16, $0xb8;
	[tilespmem:$0x6220] =	vst v63  }
0x74: {  	s8 =	sand.u32 $0x1FFFFFF0, s8  }
0x75: {  	s19 =	sadd.s32 $0x1, s19;
	s8 =	sadd.s32 s2, s8  }
0x76: {  	[tilespmem:s23], [sflag:$0x6] =	stream.linear.gather [hbm4b:s8+s3], $0x280, $0x38;
	[tilespmem:$0x6220] =	vst v63  }
.LBB2_9:
0x77: {  	_ =	sfence.sel $0x180000  }
0x78: {  	[bflag:$0x0] =	sbarrier.arrive $0xFFFF  }
0x79: {  	_ =	strace $0x9000004A  }
0x7a: {  	s0 =	stileid.u32;
	[bflag:$0x2] =	sbarrier.arrive $0xFFFF  }
0x7b: {  	p0 =	sne.s32 s0, $0x0;
	s0 =	rddreg [dreg:$0x2]  }
0x7c: {  	s0 =	sadd.s32 @!p0 $0x100000, s0  }
0x7d: {  	[sflag:s0] =	ssyncadd.tile.s32 @!p0 $0x1;
	_ =	shalt  }
.Lfunc_end2:
_tile_overlayer_lowered:
.L_overlay_start_2:
0x7e: {  	(tag) =	ssettag $0x2  }
0x7f: {  	s0 =	rddreg [dreg:$0x0];
	s2 =	stileid.u32  }
0x80: {  	s1 =	rddreg [dreg:$0x1];
	p0 =	sne.s32 s2, $0x0  }
0x81: {  	s3 =	rddreg [dreg:$0x2];
	[bflag:$0x3] =	sbarrier.arrive $0xFFFF;
	s2 =	simm.s32 @!p0 $0x1C09  }
0x82: {  	[timem:s3], [sflag:s2] =	dma.local @!p0 [hbm:s0], s1  }
0x83: {  	s0 =	simm.s32 @!p0 $0x9  }
0x84: {  	_ =	swait.ge @!p0 [sflag:s0], s1  }
0x85: {  	s1 =	ssub.s32 @!p0 $0x0, s1;
	[sflag:s0] =	ssyncset.done @!p0 $0x0  }
0x86: {  	[sflag:s0] =	ssyncadd.s32 @!p0 s1  }
0x87: {  	[bflag:$0x3] =	sbarrier.arrive $0xFFFF  }
0x88: {  	_ =	shalt  }

// kernel: kernel.8.cloned.1.call-start
scs
__scs_entry_jumppad:
0x0: {  	(pc) =	sbr.rel $0x88, $3  }
0x1: {  	(tag) =	ssettag $0x0;
	lr =	simm.s32 $0x1  }
0x2: {  	[smem:$0x3F8F] =	sst lr;
	_ =	strace $0xD0000000  }
0x3: {  	_ = 	snop  }
0x4: {  	_ = 	snop  }
0x5: {  	_ = 	snop  }
0x6: {  	_ = 	snop  }
0x7: {  	_ = 	snop  }
__scs_overlays_trampoline_lowered:
0x8: {  	[smem:$0x3F9E] =	sst s0  }
0x9: {  	[smem:$0x3F9F] =	sst s1  }
0xa: {  	[smem:$0x3FA0] =	sst s2  }
0xb: {  	[smem:$0x3FA1] =	sst s3  }
0xc: {  	[smem:$0x3FA2] =	sst s4  }
0xd: {  	[smem:$0x3FA3] =	sst s5  }
0xe: {  	[smem:$0x3FA4] =	sst s6  }
0xf: {  	[smem:$0x3FA5] =	sst s7  }
0x10: {  	[smem:$0x3FA6] =	sst s8  }
0x11: {  	[smem:$0x3FA7] =	sst s9;
	s0 =	simm.s32 @!p0 $0x0  }
0x12: {  	s1 =	sld [smem:$0x3F8D];
	s0 =	simm.s32 @p0 $0x1  }
0x13: {  	[smem:$0x3FA8] =	sst s0;
	s0 =	simm.s32 @!p1 $0x0  }
0x14: {  	s2 =	sld [smem:$0x3F8C];
	s0 =	simm.s32 @p1 $0x1  }
0x15: {  	[smem:$0x3FA9] =	sst s0;
	s0 =	simm.s32 @!p2 $0x0  }
0x16: {  	s3 =	sld [smem:$0x3FDB];
	s0 =	simm.s32 @p2 $0x1  }
0x17: {  	s4 =	simm.s32 $0x1BF5;
	[smem:$0x3FAB] =	sst s0  }
0x18: {  	s0 =	sld [smem:$0x3F8E];
	_ =	swait.ge [sflag:s4], $0x0  }
0x19: {  	s7 =	sld [smem:$0x3F8F]  }
0x1a: {  	s8 =	sadd.s32 $0xFFFFE003, lr  }
0x1b: {  	s9 =	sadd.s32 $0xFFFFFEF7, lr;
	s5 =	simm.s32 $0xFFFFFFFF;
	p2 =	slt.u32 s8, $0xFFFFF086  }
0x1c: {  	p1 =	slt.u32 s9, $0xF7A;
	s5 =	simm.s32 @!p2 $0x0  }
0x1d: {  	s5 =	simm.s32 @p1 $0x1;
	p0 =	seq.s32 s7, s2  }
0x1e: {  	s7 =	smul.u32 @!p0 $0xF7A, s2;
	p2 =	seq.s32 @!p0 s5, $0x0  }
0x1f: {  	s9 =	smul.u32 $0xF7A, s1;
	s8 =	simm.s32 @!p0 $0x1BF5;
	p2 =	por !p2, p0  }
0x20: {  	[sflag:s8] =	ssyncset.s32 @!p0 $0xFFFFF086;
	s6 =	sadd.s32 @!p0 s3, s7;
	s7 =	simm.s32 @!p0 $0x108  }
0x21: {  	s3 =	sadd.s32 s3, s9;
	s6 =	sadd.s32 @!p0 $0x88, s6;
	s7 =	simm.s32 @p2 $0x1082  }
0x22: {  	[simem:s7], [sflag:s8] =	dma.local @!p0 [hbm:s6], $0xF7A  }
0x23: {  	s9 =	sor.u32 $0xD0000000, s2;
	s6 =	simm.s32 $0x108;
	_ =	swait.ge @!p0 [sflag:s8], $0x0  }
0x24: {  	s3 =	sadd.s32 $0x88, s3;
	s6 =	simm.s32 @!p1 $0x1082;
	[sflag:s4] =	ssyncset.s32 $0xFFFFF086  }
0x25: {  	[simem:s6], [sflag:s4] =	dma.local [hbm:s3], $0xF7A  }
0x26: {  	[smem:$0x3F8F] =	sst s1;
	(tag) =	ssettag s2;
	_ =	strace s9  }
0x27: {  	s1 =	sld [smem:$0x3F9F]  }
0x28: {  	s2 =	sld [smem:$0x3FA0]  }
0x29: {  	s4 =	sld [smem:$0x3FA2]  }
0x2a: {  	p0 =	seq.s32 s5, $0x0;
	s5 =	sld [smem:$0x3FA3]  }
0x2b: {  	s6 =	sld [smem:$0x3FA4]  }
0x2c: {  	s7 =	sld [smem:$0x3FA5]  }
0x2d: {  	s3 =	simm.s32 $0x108;
	s8 =	sld [smem:$0x3FA6]  }
0x2e: {  	s3 =	simm.s32 @!p0 $0x1082;
	s9 =	sld [smem:$0x3FA7]  }
0x2f: {  	lr =	sadd.s32 s0, s3;
	s0 =	sld [smem:$0x3F9E]  }
0x30: {  	s3 =	sld [smem:$0x3FA1]  }
0x31: {  	[smem:$0x3FAA] =	sst s10  }
0x32: {  	s10 =	sld [smem:$0x3FA8];
	_ =	sdelay $0x3  }
0x33: {  	p0 =	seq.s32 s10, $0x1;
	s10 =	sld [smem:$0x3FAA];
	_ =	sdelay $0x3  }
0x34: {  	[smem:$0x3FAA] =	sst s10  }
0x35: {  	s10 =	sld [smem:$0x3FA9];
	_ =	sdelay $0x3  }
0x36: {  	p1 =	seq.s32 s10, $0x1;
	s10 =	sld [smem:$0x3FAA];
	_ =	sdelay $0x3  }
0x37: {  	[smem:$0x3FAA] =	sst s10  }
0x38: {  	s10 =	sld [smem:$0x3FAB]  }
0x39: {  	_ = 	snop;
	(pc) =	sbr.ind lr, $3  }
0x3a: {  	_ = 	snop  }
0x3b: {  	_ = 	snop  }
0x3c: {  	p2 =	seq.s32 s10, $0x1;
	s10 =	sld [smem:$0x3FAA]  }
0x3d: {  	_ =	shalt  }
0x3e: {  	_ =	shalt  }
0x3f: {  	_ =	shalt  }
0x40: {  	_ =	shalt  }
0x41: {  	_ =	shalt  }
0x42: {  	_ =	shalt  }
0x43: {  	_ =	shalt  }
0x44: {  	_ =	shalt  }
0x45: {  	_ =	shalt  }
0x46: {  	_ =	shalt  }
0x47: {  	_ =	shalt  }
0x48: {  	_ =	shalt  }
0x49: {  	_ =	shalt  }
0x4a: {  	_ =	shalt  }
0x4b: {  	_ =	shalt  }
0x4c: {  	_ =	shalt  }
0x4d: {  	_ =	shalt  }
0x4e: {  	_ =	shalt  }
0x4f: {  	_ =	shalt  }
0x50: {  	_ =	shalt  }
0x51: {  	_ =	shalt  }
0x52: {  	_ =	shalt  }
0x53: {  	_ =	shalt  }
0x54: {  	_ =	shalt  }
0x55: {  	_ =	shalt  }
0x56: {  	_ =	shalt  }
0x57: {  	_ =	shalt  }
0x58: {  	_ =	shalt  }
0x59: {  	_ =	shalt  }
0x5a: {  	_ =	shalt  }
0x5b: {  	_ =	shalt  }
0x5c: {  	_ =	shalt  }
0x5d: {  	_ =	shalt  }
0x5e: {  	_ =	shalt  }
0x5f: {  	_ =	shalt  }
0x60: {  	_ =	shalt  }
0x61: {  	_ =	shalt  }
0x62: {  	_ =	shalt  }
0x63: {  	_ =	shalt  }
0x64: {  	_ =	shalt  }
0x65: {  	_ =	shalt  }
0x66: {  	_ =	shalt  }
0x67: {  	_ =	shalt  }
0x68: {  	_ =	shalt  }
0x69: {  	_ =	shalt  }
0x6a: {  	_ =	shalt  }
0x6b: {  	_ =	shalt  }
0x6c: {  	_ =	shalt  }
0x6d: {  	_ =	shalt  }
0x6e: {  	_ =	shalt  }
0x6f: {  	_ =	shalt  }
0x70: {  	_ =	shalt  }
0x71: {  	_ =	shalt  }
0x72: {  	_ =	shalt  }
0x73: {  	_ =	shalt  }
0x74: {  	_ =	shalt  }
0x75: {  	_ =	shalt  }
0x76: {  	_ =	shalt  }
0x77: {  	_ =	shalt  }
0x78: {  	_ =	shalt  }
0x79: {  	_ =	shalt  }
0x7a: {  	_ =	shalt  }
0x7b: {  	_ =	shalt  }
0x7c: {  	_ =	shalt  }
0x7d: {  	_ =	shalt  }
0x7e: {  	_ =	shalt  }
0x7f: {  	_ =	shalt  }
0x80: {  	_ =	shalt  }
0x81: {  	_ =	shalt  }
0x82: {  	_ =	shalt  }
0x83: {  	_ =	shalt  }
0x84: {  	_ =	shalt  }
0x85: {  	_ =	shalt  }
0x86: {  	_ =	shalt  }
0x87: {  	_ =	shalt  }
.Lfunc_end0:
.L_simem_size_0:
called_computation_lowered:
.L_overlay_start_0:
0x88: {  	s2 =	sld [smem:$0x3FD9]  }
0x89: {  	s3 =	sld [smem:$0x3FFE];
	_ =	sdelay $0x1  }
0x8a: {  	s1 =	srdreg.scid  }
0x8b: {  	s0 =	sand.u32 $0x1, s1  }
0x8c: {  	s14 =	sshll.u32 s0, $0xA;
	s2 =	sadd.s32 s3, s2  }
0x8d: {  	s2 =	sadd.s32 s2, s14  }
0x8e: {  	[smem:$0x3FB6] =	sst s2  }
0x8f: {  	_ = 	snop  }
0x90: {  	s2 =	sld [smem:$0x3FD0];
	_ =	sdelay $0x2  }
0x91: {  	s15 =	simm.s32 $0xA;
	s4 =	simm.s32 $0x10  }
0x92: {  	[smem:s4], [sflag:s15] =	dma.local [hbm:s2], $0x1  }
0x93: {  	_ =	swait.eq [sflag:s15], $0x1  }
0x94: {  	[sflag:s15] =	ssyncset.done $0x0  }
0x95: {  	s16 =	sld [smem:$0x10];
	[sflag:s15] =	ssyncadd.s32 $0xFFFFFFFF  }
0x96: {  	s17 =	sld [smem:$0x12];
	(tm) =	ssettm $0x1  }
0x97: {  	s18 =	sld [smem:$0x3FFB];
	_ =	sdelay $0x3  }
0x98: {  	_ =	strace s18  }
0x99: {  	s4 =	sld [smem:$0x3FFC];
	_ =	sdelay $0x3  }
0x9a: {  	_ =	strace s4  }
0x9b: {  	s4 =	sld [smem:$0x3FFD];
	_ =	sdelay $0x3  }
0x9c: {  	_ =	strace s4  }
0x9d: {  	_ =	strace $0x8FFFFFFF  }
0x9e: {  	s19 =	sld [smem:$0x3FDB];
	_ =	sdelay $0x1  }
0x9f: {  	s5 =	simm.s32 $_scs_section_size  }
0xa0: {  	s6 =	simm.s32 $_size__tile_overlayer_lowered;
	s7 =	simm.s32 $_tile_overlayer_lowered  }
0xa1: {  	s22 =	simm.s32 $0x1BFF;
	s21 =	sshll.u32 s7, $0x1;
	s4 =	sadd.s32 s5, s19  }
0xa2: {  	s8 =	simm.s32 $0x0;
	s20 =	sshll.u32 s6, $0x1;
	s6 =	sadd.s32 s21, s4  }
0xa3: {  	[timem:s8], [sflag:s22] =	dma.local [hbm:s6], s20  }
0xa4: {  	_ =	swait.ge [sflag:s22], s20  }
0xa5: {  	s5 =	ssub.s32 $0x0, s20;
	[sflag:s22] =	ssyncset.done $0x0  }
0xa6: {  	[sflag:s22] =	ssyncadd.s32 s5;
	_ =	sdelay $0x1  }
0xa7: {  	s23 =	simm.s32 $0x1B8B  }
0xa8: {  	_ =	swait.ge [sflag:s23], $0x1  }
0xa9: {  	[sflag:s23] =	ssyncset.done $0x0  }
0xaa: {  	s25 =	simm.s32 $0x1B8E;
	s24 =	sld [smem:$0x3FFE];
	[sflag:s23] =	ssyncadd.s32 $0xFFFFFFFF  }
0xab: {  	s26 =	simm.s32 $execute0_lowered;
	[smem:$0x3FD2] =	sst s25  }
0xac: {  	s6 =	sshll.u32 s26, $0x1;
	_ =	strace $0x80000046;
	[dreg:$0x1] =	wrdreg $0xFFFFFFFF  }
0xad: {  	s28 =	simm.s32 $_size_execute0_lowered;
	s4 =	sadd.s32 s4, s6;
	[dreg:$0x0] =	wrdreg $0x0  }
0xae: {  	s6 =	sshll.u32 s28, $0x1;
	[dreg:$0x2] =	wrdreg s4  }
0xaf: {  	[dreg:$0x3] =	wrdreg s6  }
0xb0: {  	[dreg:$0x4] =	wrdreg $0xC0  }
0xb1: {  	_ =	task [dreg:s8], $0x5FFFF  }
0xb2: {  	[dreg:$0x1] =	wrdreg $0xFFFFFFFF  }
0xb3: {  	[dreg:$0x0] =	wrdreg $0x60  }
0xb4: {  	[dreg:$0x2] =	wrdreg s17  }
0xb5: {  	[dreg:$0x3] =	wrdreg s16  }
0xb6: {  	[dreg:$0x4] =	wrdreg s24  }
0xb7: {  	[dreg:$0x5] =	wrdreg $0x85C00  }
0xb8: {  	[dreg:$0x6] =	wrdreg $0x125C00  }
0xb9: {  	[dreg:$0x7] =	wrdreg $0x1C5C00  }
0xba: {  	[dreg:$0x8] =	wrdreg $0x9  }
0xbb: {  	_ =	task.clear_ibuf [dreg:s8], $0x9FFFF;
	_ =	strace $0x90000046  }
0xbc: {  	s29 =	simm.s32 $0x9;
	_ =	strace $0x80000048  }
0xbd: {  	_ =	swait.ge [sflag:s29], $0x1  }
0xbe: {  	[sflag:s29] =	ssyncadd.s32 $0xFFFFFFFF  }
0xbf: {  	_ =	strace $0x90000048  }
0xc0: {  	_ =	sfence  }
0xc1: {  	s30 =	sld [smem:$0x0];
	_ =	sdelay $0x2  }
0xc2: {  	s31 =	sshll.u32 s1, $0xD;
	s1 =	sshrl.u32 s1, $0x2  }
0xc3: {  	s3 =	sand.u32 $0x4000, s31;
	s1 =	sadd.s32 s1, s30  }
0xc4: {  	s0 =	sor.u32 s3, s0;
	s1 =	sshll.u32 s1, $0x11  }
0xc5: {  	s0 =	sor.u32 s1, s0  }
0xc6: {  	s0 =	sadd.s32 $0x8F2B, s0  }
0xc7: {  	[sflag:s0] =	ssyncadd.remote.s32 $0x1  }
0xc8: {  	_ =	sfence.sel $0xFFFF  }
0xc9: {  	[dreg:$0x0] =	wrdreg $0xFFFFFFFF;
	(pc) =	sbr.abs _section_cstart, $3  }
0xca: {  	[dreg:$0x1] =	wrdreg $0xFFFFFFFF  }
0xcb: {  	_ =	task.clear_ibuf [dreg:s8], $0x2FFFF;
	_ =	strace $0x9FFFFFFF  }
0xcc: {  	(tm) =	ssettm $0x7FFFFFFF  }
0xcd: {  	_ =	shalt  }
tec
execute0_lowered:
.L_overlay_start_1:
0x0: {  	(tag) =	ssettag $0x1  }
0x1: {  	s0 =	srdreg.scid;
	s23 =	stileid.u32  }
0x2: {  	s9 =	rddreg [dreg:$0x0];
	s3 =	smul.u32 $0x4E20, s23  }
0x3: {  	s7 =	rddreg [dreg:$0x1];
	s0 =	sand.u32 $0x1, s0;
	s19 =	smul.u32 $0x280, s23  }
0x4: {  	s4 =	rddreg [dreg:$0x2];
	s13 =	smul.u32 $0x14000, s0  }
0x5: {  	s16 =	sadd.s32 $0x19800, s4;
	s17 =	sadd.s32 $0x5800, s4;
	s14 =	smul.u32 $0x5000, s0  }
0x6: {  	s18 =	sadd.s32 $0xEF1200, s4;
	s1 =	smul.u32 $0x4E200, s0;
	s2 =	ssub.s32 $0x2, s0  }
0x7: {  	s5 =	sxor.u32 $0x1, s0;
	p0 =	seq.s32 s0, $0x1;
	s6 =	sshrl.u32 s2, $0x1  }
0x8: {  	s5 =	smul.u32 $0x4E200, s5;
	s15 =	sor.u32 $0x40, s19;
	s11 =	sadd.s32 $0x80, s19  }
0x9: {  	s10 =	sadd.s32 $0xC0, s19;
	s8 =	sadd.s32 $0x100, s19;
	s9 =	smov.u32 @p0 s16  }
0xa: {  	s7 =	smov.u32 @p0 s17;
	s12 =	ssub.s32 s2, s6;
	s1 =	sadd.s32 s3, s1  }
0xb: {  	s6 =	sadd.s32 $0x140, s19;
	s2 =	sadd.s32 $0x200, s19;
	s20 =	sadd.s32 s3, s5  }
0xc: {  	s13 =	sadd.s32 s13, s4;
	[dreg:$0x7] =	wrdreg s20;
	s20 =	smul.u32 $0x2800, s0  }
0xd: {  	s5 =	sadd.s32 $0x180, s19;
	s3 =	sadd.s32 $0x1C0, s19;
	s12 =	smax.u32 s12, $0x1  }
0xe: {  	s0 =	sadd.s32 $0x240, s19;
	s21 =	sadd.s32 s20, s19;
	s22 =	sadd.s32 s20, s15  }
0xf: {  	s24 =	sadd.s32 s20, s11;
	s29 =	sadd.s32 s20, s8;
	s21 =	sshll.u32 s21, $0x3  }
0x10: {  	s31 =	sadd.s32 s20, s6;
	s16 =	sshll.u32 s29, $0x3;
	s19 =	sadd.s32 s18, s21  }
0x11: {  	s21 =	sshll.u32 s24, $0x3;
	s16 =	sadd.s32 s18, s16;
	s24 =	sadd.s32 s20, s3  }
0x12: {  	[dreg:$0x8] =	wrdreg s19;
	s19 =	sshll.u32 s22, $0x3;
	s22 =	sadd.s32 s20, s10  }
0x13: {  	s25 =	sadd.s32 s18, s21;
	[dreg:$0xc] =	wrdreg s16;
	s21 =	sadd.s32 s20, s5  }
0x14: {  	s19 =	sadd.s32 s18, s19;
	[dreg:$0xa] =	wrdreg s25;
	s26 =	sshll.u32 s22, $0x3  }
0x15: {  	s25 =	sshll.u32 s24, $0x3;
	[dreg:$0x9] =	wrdreg s19;
	s19 =	sadd.s32 s18, s26  }
0x16: {  	s24 =	smul.u32 $0x1400, s23;
	s26 =	sadd.s32 s20, s2;
	[dreg:$0xb] =	wrdreg s19  }
0x17: {  	s19 =	sshll.u32 s31, $0x3;
	s31 =	sadd.s32 s20, s0;
	s20 =	simm.s32 $0x0  }
0x18: {  	s22 =	sshll.u32 s21, $0x3;
	s9 =	sadd.s32 s24, s9;
	[smem:$0x7FF] =	sst s20  }
0x19: {  	s21 =	smul.u32 $0x500, s23;
	s7 =	sadd.s32 s24, s7;
	[dreg:$0x12] =	wrdreg s9  }
0x1a: {  	s29 =	sshll.u32 s26, $0x3;
	s16 =	sadd.s32 s18, s19;
	[dreg:$0x13] =	wrdreg s7  }
0x1b: {  	s13 =	sadd.s32 s24, s13;
	s26 =	smul.u32 $0xA000, s23;
	[dreg:$0xd] =	wrdreg s16  }
0x1c: {  	s16 =	sadd.s32 s18, s22;
	s22 =	sadd.s32 s14, s4;
	s14 =	rddreg [dreg:$0x3]  }
0x1d: {  	s24 =	sshll.u32 s11, $0x6;
	[dreg:$0xe] =	wrdreg s16;
	s16 =	sadd.s32 s18, s25  }
0x1e: {  	s19 =	sshll.u32 s31, $0x3;
	[dreg:$0xf] =	wrdreg s16;
	s16 =	sadd.s32 s18, s29  }
0x1f: {  	s20 =	sadd.s32 $0x523200, s4;
	s31 =	sadd.s32 $0x50F800, s4;
	[dreg:$0x10] =	wrdreg s16  }
0x20: {  	s17 =	sadd.s32 s21, s22;
	s16 =	sadd.s32 s18, s19;
	s18 =	rddreg [dreg:$0x5]  }
0x21: {  	s25 =	smul.u32 $0x28000, s23;
	s22 =	sadd.s32 $0x523208, s4;
	[dreg:$0x11] =	wrdreg s16  }
0x22: {  	s21 =	sshll.u32 s15, $0x6;
	s23 =	sshll.u32 s15, $0x4;
	s16 =	rddreg [dreg:$0x4]  }
0x23: {  	s29 =	sshrl.u32 s26, $0x2;
	_ =	strace $0x80000047;
	[dreg:$0x14] =	wrdreg s31  }
0x24: {  	s15 =	sshll.u32 s6, $0x6;
	s19 =	sadd.s32 s29, s18;
	[dreg:$0x15] =	wrdreg s12  }
0x25: {  	s7 =	sshrl.u32 s25, $0x2;
	s25 =	sadd.s32 s23, s18;
	[dreg:$0x16] =	wrdreg s19  }
0x26: {  	s23 =	sshll.u32 s6, $0x4;
	s4 =	sadd.s32 s21, s16;
	[dreg:$0x18] =	wrdreg s25  }
0x27: {  	s6 =	sshll.u32 s0, $0x6;
	s26 =	sadd.s32 s24, s16;
	[dreg:$0x17] =	wrdreg s4  }
0x28: {  	s0 =	sshll.u32 s0, $0x4;
	s21 =	sadd.s32 s15, s16;
	[dreg:$0x19] =	wrdreg s26  }
0x29: {  	s29 =	sshll.u32 s11, $0x4;
	s0 =	sadd.s32 s0, s18;
	[dreg:$0x1f] =	wrdreg s21  }
0x2a: {  	s31 =	sshll.u32 s10, $0x6;
	s15 =	sadd.s32 $0x50, s1;
	[smem:$0x7ED] =	sst s0  }
0x2b: {  	s10 =	sshll.u32 s10, $0x4;
	s4 =	sadd.s32 s29, s18;
	[smem:$0x7F2] =	sst s15  }
0x2c: {  	s12 =	sshll.u32 s8, $0x6;
	s9 =	sadd.s32 s31, s16;
	[dreg:$0x1a] =	wrdreg s4  }
0x2d: {  	s8 =	sshll.u32 s8, $0x4;
	s11 =	sadd.s32 s10, s18;
	[dreg:$0x1b] =	wrdreg s9  }
0x2e: {  	s24 =	sshll.u32 s5, $0x6;
	s19 =	sadd.s32 s8, s18;
	[dreg:$0x1c] =	wrdreg s11  }
0x2f: {  	s5 =	sshll.u32 s5, $0x4;
	s25 =	sadd.s32 s24, s16;
	[dreg:$0x1e] =	wrdreg s19  }
0x30: {  	s26 =	sadd.s32 s5, s18;
	[smem:$0x7E6] =	sst s25  }
0x31: {  	s8 =	sadd.s32 s6, s16;
	[smem:$0x7E7] =	sst s26  }
0x32: {  	s29 =	sshll.u32 s3, $0x6;
	s10 =	sadd.s32 s7, s14;
	[smem:$0x7EC] =	sst s8  }
0x33: {  	s3 =	sshll.u32 s3, $0x4;
	s4 =	sadd.s32 s12, s16;
	[smem:$0x7EE] =	sst s10  }
0x34: {  	s31 =	sshll.u32 s2, $0x6;
	s3 =	sadd.s32 s3, s18;
	[dreg:$0x1d] =	wrdreg s4  }
0x35: {  	s2 =	sshll.u32 s2, $0x4;
	s5 =	sadd.s32 s31, s16;
	[smem:$0x7E9] =	sst s3  }
0x36: {  	s2 =	sadd.s32 s2, s18;
	[smem:$0x7EA] =	sst s5  }
0x37: {  	s11 =	sadd.s32 $0xEE7200, s17;
	[smem:$0x7EB] =	sst s2  }
0x38: {  	s12 =	sadd.s32 $0xF19200, s13;
	[smem:$0x7EF] =	sst s11  }
0x39: {  	s30 =	simm.s32 $0x28;
	s13 =	sadd.s32 $0x28, s1;
	[smem:$0x7F0] =	sst s12  }
0x3a: {  	s28 =	simm.s32 $0x1;
	s17 =	sadd.s32 $0x78, s1;
	[smem:$0x7F1] =	sst s13  }
0x3b: {  	s6 =	simm.s32 $0xC;
	s9 =	sadd.s32 s7, s16;
	[smem:$0x7F3] =	sst s17  }
0x3c: {  	s8 =	simm.s32 $0x1F40;
	s4 =	sadd.s32 s23, s18;
	[smem:$0x7FC] =	sst s9  }
0x3d: {  	s10 =	simm.s32 $0x11;
	s19 =	sadd.s32 $0x1000, s9;
	[smem:$0x7E5] =	sst s4  }
0x3e: {  	s21 =	sadd.s32 $0x2000, s9;
	s23 =	sadd.s32 $0x3000, s9;
	[smem:$0x7F4] =	sst s19  }
0x3f: {  	s24 =	sadd.s32 $0x4000, s9;
	s25 =	sadd.s32 $0x5000, s9;
	[smem:$0x7F5] =	sst s21  }
0x40: {  	s26 =	sadd.s32 $0x6000, s9;
	s31 =	sadd.s32 $0x8000, s9;
	[smem:$0x7F6] =	sst s23  }
0x41: {  	s0 =	sadd.s32 $0x9000, s9;
	s3 =	simm.s32 $0x80;
	[smem:$0x7F7] =	sst s24  }
0x42: {  	s12 =	simm.s32 $0x3D40;
	s5 =	simm.s32 $0x5;
	[smem:$0x7F8] =	sst s25  }
0x43: {  	s11 =	simm.s32 $0x2;
	s2 =	simm.s32 $0x7;
	[smem:$0x7F9] =	sst s26  }
.Ltmp0:
0x44: {  	s13 =	simm.s32 $0x0;
	[smem:$0x7FB] =	sst s31;
	(pc) =	sbr.rel .LBB2_1-.Ltmp0, $4  }
0x45: {  	s4 =	sadd.s32 s29, s16;
	s29 =	sadd.s32 $0x7000, s9;
	[smem:$0x7FD] =	sst s0  }
0x46: {  	s25 =	simm.s32 $0x81C0;
	s9 =	simm.s32 $0x6F40;
	s24 =	simm.s32 $0x6  }
0x47: {  	s26 =	simm.s32 $0x3;
	s0 =	simm.s32 $0x4;
	[smem:$0x7E8] =	sst s4  }
0x48: {  	v0 =	vimm.f32 $1.000000000e+00;
	v1 =	vimm.f32 $0.0e+00;
	s21 =	simm.s32 $0x10;
	[smem:$0x7FA] =	sst s29;
	s4 =	simm.s32 $0x8  }
.LBB2_43:
0x49: {  	[bflag:$0x0] =	sbarrier.arrive $0xFFFF  }
0x4a: {  	s7 =	sld [smem:$0x7FC];
	_ =	sdelay $0x1  }
0x4b: {  	s17 =	simm.s32 $0x71C0  }
0x4c: {  	[tilespmem:s17], [sflag:$0x11] =	stream.linear.gather [spmem:s7], $0x1000, $0x38;
	[tilespmem:$0x1EDC0] =	vst v63  }
0x4d: {  	_ =	swait.ge [sflag:s10], $0x1000  }
0x4e: {  	[sflag:s10] =	ssyncset.done $0x0  }
0x4f: {  	s13 =	simm.s32 $0x0;
	s25 =	rddreg [dreg:$0x8];
	[sflag:s10] =	ssyncadd.s32 $0xFFFFF000  }
0x50: {  	[hbm4b:s25+s13] =	stream.linear.scatter [tilespmem:s17], [sflag:$0x11], $0x1000, $0x38;
	[tilespmem:$0x1EDC0] =	vst v63  }
0x51: {  	_ =	swait.ge [sflag:s10], $0x1000  }
0x52: {  	[sflag:s10] =	ssyncset.done $0x0  }
0x53: {  	s29 =	rddreg [dreg:$0x17];
	[sflag:s10] =	ssyncadd.s32 $0xFFFFF000  }
0x54: {  	[tilespmem:s17], [sflag:$0x11] =	stream.linear.gather [spmem:s29], $0x1000, $0x38;
	[tilespmem:$0x1EDC0] =	vst v63  }
0x55: {  	_ =	swait.ge [sflag:s10], $0x1000  }
0x56: {  	[sflag:s10] =	ssyncset.done $0x0  }
0x57: {  	s31 =	rddreg [dreg:$0x9];
	[sflag:s10] =	ssyncadd.s32 $0xFFFFF000  }
0x58: {  	[hbm4b:s31+s13] =	stream.linear.scatter [tilespmem:s17], [sflag:$0x11], $0x1000, $0x38;
	[tilespmem:$0x1EDC0] =	vst v63  }
0x59: {  	_ =	swait.ge [sflag:s10], $0x1000  }
0x5a: {  	[sflag:s10] =	ssyncset.done $0x0  }
0x5b: {  	s15 =	rddreg [dreg:$0x19];
	[sflag:s10] =	ssyncadd.s32 $0xFFFFF000  }
0x5c: {  	[tilespmem:s17], [sflag:$0x11] =	stream.linear.gather [spmem:s15], $0x1000, $0x38;
	[tilespmem:$0x1EDC0] =	vst v63  }
0x5d: {  	_ =	swait.ge [sflag:s10], $0x1000  }
0x5e: {  	[sflag:s10] =	ssyncset.done $0x0  }
0x5f: {  	s19 =	rddreg [dreg:$0xa];
	[sflag:s10] =	ssyncadd.s32 $0xFFFFF000  }
0x60: {  	[hbm4b:s19+s13] =	stream.linear.scatter [tilespmem:s17], [sflag:$0x11], $0x1000, $0x38;
	[tilespmem:$0x1EDC0] =	vst v63  }
0x61: {  	_ =	swait.ge [sflag:s10], $0x1000  }
0x62: {  	[sflag:s10] =	ssyncset.done $0x0  }
0x63: {  	s23 =	rddreg [dreg:$0x1b];
	[sflag:s10] =	ssyncadd.s32 $0xFFFFF000  }
0x64: {  	[tilespmem:s17], [sflag:$0x11] =	stream.linear.gather [spmem:s23], $0x1000, $0x38;
	[tilespmem:$0x1EDC0] =	vst v63  }
0x65: {  	_ =	swait.ge [sflag:s10], $0x1000  }
0x66: {  	[sflag:s10] =	ssyncset.done $0x0  }
0x67: {  	s25 =	rddreg [dreg:$0xb];
	[sflag:s10] =	ssyncadd.s32 $0xFFFFF000  }
0x68: {  	[hbm4b:s25+s13] =	stream.linear.scatter [tilespmem:s17], [sflag:$0x11], $0x1000, $0x38;
	[tilespmem:$0x1EDC0] =	vst v63  }
0x69: {  	_ =	swait.ge [sflag:s10], $0x1000  }
0x6a: {  	[sflag:s10] =	ssyncset.done $0x0  }
0x6b: {  	s29 =	rddreg [dreg:$0x1d];
	[sflag:s10] =	ssyncadd.s32 $0xFFFFF000  }
0x6c: {  	[tilespmem:s17], [sflag:$0x11] =	stream.linear.gather [spmem:s29], $0x1000, $0x38;
	[tilespmem:$0x1EDC0] =	vst v63  }
0x6d: {  	_ =	swait.ge [sflag:s10], $0x1000  }
0x6e: {  	[sflag:s10] =	ssyncset.done $0x0  }
0x6f: {  	s31 =	rddreg [dreg:$0xc];
	[sflag:s10] =	ssyncadd.s32 $0xFFFFF000  }
0x70: {  	[hbm4b:s31+s13] =	stream.linear.scatter [tilespmem:s17], [sflag:$0x11], $0x1000, $0x38;
	[tilespmem:$0x1EDC0] =	vst v63  }
0x71: {  	_ =	swait.ge [sflag:s10], $0x1000  }
0x72: {  	[sflag:s10] =	ssyncset.done $0x0  }
0x73: {  	s15 =	rddreg [dreg:$0x1f];
	[sflag:s10] =	ssyncadd.s32 $0xFFFFF000  }
0x74: {  	[tilespmem:s17], [sflag:$0x11] =	stream.linear.gather [spmem:s15], $0x1000, $0x38;
	[tilespmem:$0x1EDC0] =	vst v63  }
0x75: {  	_ =	swait.ge [sflag:s10], $0x1000  }
0x76: {  	[sflag:s10] =	ssyncset.done $0x0  }
0x77: {  	s19 =	rddreg [dreg:$0xd];
	[sflag:s10] =	ssyncadd.s32 $0xFFFFF000  }
0x78: {  	[hbm4b:s19+s13] =	stream.linear.scatter [tilespmem:s17], [sflag:$0x11], $0x1000, $0x38;
	[tilespmem:$0x1EDC0] =	vst v63  }
0x79: {  	_ =	swait.ge [sflag:s10], $0x1000  }
0x7a: {  	s23 =	sld [smem:$0x7E6]  }
0x7b: {  	[sflag:s10] =	ssyncset.done $0x0  }
0x7c: {  	[sflag:s10] =	ssyncadd.s32 $0xFFFFF000  }
0x7d: {  	[tilespmem:s17], [sflag:$0x11] =	stream.linear.gather [spmem:s23], $0x1000, $0x38;
	[tilespmem:$0x1EDC0] =	vst v63  }
0x7e: {  	_ =	swait.ge [sflag:s10], $0x1000  }
0x7f: {  	[sflag:s10] =	ssyncset.done $0x0  }
0x80: {  	s25 =	rddreg [dreg:$0xe];
	[sflag:s10] =	ssyncadd.s32 $0xFFFFF000  }
0x81: {  	[hbm4b:s25+s13] =	stream.linear.scatter [tilespmem:s17], [sflag:$0x11], $0x1000, $0x38;
	[tilespmem:$0x1EDC0] =	vst v63  }
0x82: {  	_ =	swait.ge [sflag:s10], $0x1000  }
0x83: {  	s29 =	sld [smem:$0x7E8]  }
0x84: {  	[sflag:s10] =	ssyncset.done $0x0  }
0x85: {  	[sflag:s10] =	ssyncadd.s32 $0xFFFFF000  }
0x86: {  	[tilespmem:s17], [sflag:$0x11] =	stream.linear.gather [spmem:s29], $0x1000, $0x38;
	[tilespmem:$0x1EDC0] =	vst v63  }
0x87: {  	_ =	swait.ge [sflag:s10], $0x1000  }
0x88: {  	[sflag:s10] =	ssyncset.done $0x0  }
0x89: {  	s31 =	rddreg [dreg:$0xf];
	[sflag:s10] =	ssyncadd.s32 $0xFFFFF000  }
0x8a: {  	[hbm4b:s31+s13] =	stream.linear.scatter [tilespmem:s17], [sflag:$0x11], $0x1000, $0x38;
	[tilespmem:$0x1EDC0] =	vst v63  }
0x8b: {  	_ =	swait.ge [sflag:s10], $0x1000  }
0x8c: {  	s15 =	sld [smem:$0x7EA]  }
0x8d: {  	[sflag:s10] =	ssyncset.done $0x0  }
0x8e: {  	[sflag:s10] =	ssyncadd.s32 $0xFFFFF000  }
0x8f: {  	[tilespmem:s17], [sflag:$0x11] =	stream.linear.gather [spmem:s15], $0x1000, $0x38;
	[tilespmem:$0x1EDC0] =	vst v63  }
0x90: {  	_ =	swait.ge [sflag:s10], $0x1000  }
0x91: {  	[sflag:s10] =	ssyncset.done $0x0  }
0x92: {  	s19 =	rddreg [dreg:$0x10];
	[sflag:s10] =	ssyncadd.s32 $0xFFFFF000  }
0x93: {  	[hbm4b:s19+s13] =	stream.linear.scatter [tilespmem:s17], [sflag:$0x11], $0x1000, $0x38;
	[tilespmem:$0x1EDC0] =	vst v63  }
0x94: {  	_ =	swait.ge [sflag:s10], $0x1000  }
0x95: {  	s23 =	sld [smem:$0x7EC]  }
0x96: {  	[sflag:s10] =	ssyncset.done $0x0  }
0x97: {  	[sflag:s10] =	ssyncadd.s32 $0xFFFFF000  }
0x98: {  	[tilespmem:s17], [sflag:$0x11] =	stream.linear.gather [spmem:s23], $0x1000, $0x38;
	[tilespmem:$0x1EDC0] =	vst v63  }
0x99: {  	_ =	swait.ge [sflag:s10], $0x1000  }
0x9a: {  	[sflag:s10] =	ssyncset.done $0x0  }
0x9b: {  	s25 =	rddreg [dreg:$0x11];
	[sflag:s10] =	ssyncadd.s32 $0xFFFFF000  }
0x9c: {  	[hbm4b:s25+s13] =	stream.linear.scatter [tilespmem:s17], [sflag:$0x11], $0x1000, $0x38;
	[tilespmem:$0x1EDC0] =	vst v63  }
0x9d: {  	_ =	swait.ge [sflag:s10], $0x1000  }
0x9e: {  	s29 =	sld [smem:$0x7E4];
	_ =	sdelay $0x2  }
0x9f: {  	s31 =	rddreg [dreg:$0x15];
	s13 =	sadd.s32 $0x1, s29  }
0xa0: {  	p0 =	sne.s32 s13, s31  }
.Ltmp1:
0xa1: {  	_ = 	snop;
	(pc) =	sbr.rel @!p0 .LBB2_44-.Ltmp1, $3  }
0xa2: {  	_ =	sdelay $0x1  }
0xa3: {  	[sflag:s10] =	ssyncset.done $0x0  }
0xa4: {  	s25 =	simm.s32 $0x81C0;
	[sflag:s10] =	ssyncadd.s32 $0xFFFFF000  }
.LBB2_1:
0xa5: {  	[tilespmem:$0x6F40] =	vst v0  }
0xa6: {  	[tilespmem:$0x6F50] =	vst v0  }
0xa7: {  	[tilespmem:$0x6F60] =	vst v0  }
0xa8: {  	[tilespmem:$0x6F70] =	vst v0  }
0xa9: {  	[tilespmem:$0x6F80] =	vst v0  }
0xaa: {  	[tilespmem:$0x6F90] =	vst v0  }
0xab: {  	[tilespmem:$0x6FA0] =	vst v0  }
0xac: {  	[tilespmem:$0x6FB0] =	vst v0  }
0xad: {  	[tilespmem:$0x6FC0] =	vst v0  }
0xae: {  	[tilespmem:$0x6FD0] =	vst v0  }
0xaf: {  	[tilespmem:$0x6FE0] =	vst v0  }
0xb0: {  	[tilespmem:$0x6FF0] =	vst v0  }
0xb1: {  	[tilespmem:$0x7000] =	vst v0  }
0xb2: {  	[tilespmem:$0x7010] =	vst v0  }
0xb3: {  	[tilespmem:$0x7020] =	vst v0  }
0xb4: {  	[tilespmem:$0x7030] =	vst v0  }
0xb5: {  	[tilespmem:$0x7040] =	vst v0  }
0xb6: {  	[tilespmem:$0x7050] =	vst v0  }
0xb7: {  	[tilespmem:$0x7060] =	vst v0  }
0xb8: {  	[tilespmem:$0x7070] =	vst v0  }
0xb9: {  	[tilespmem:$0x7080] =	vst v0  }
0xba: {  	[tilespmem:$0x7090] =	vst v0  }
0xbb: {  	[tilespmem:$0x70A0] =	vst v0  }
0xbc: {  	[tilespmem:$0x70B0] =	vst v0  }
0xbd: {  	[tilespmem:$0x70C0] =	vst v0  }
0xbe: {  	[tilespmem:$0x70D0] =	vst v0  }
0xbf: {  	[tilespmem:$0x70E0] =	vst v0  }
0xc0: {  	[tilespmem:$0x70F0] =	vst v0  }
0xc1: {  	[tilespmem:$0x7100] =	vst v0  }
0xc2: {  	[tilespmem:$0x7110] =	vst v0  }
0xc3: {  	[tilespmem:$0x7120] =	vst v0  }
0xc4: {  	[tilespmem:$0x7130] =	vst v0  }
0xc5: {  	[tilespmem:$0x7140] =	vst v0  }
0xc6: {  	[tilespmem:$0x7150] =	vst v0  }
0xc7: {  	[tilespmem:$0x7160] =	vst v0;
	p1 =	por $0x0, $0x0  }
.Ltmp2:
0xc8: {  	[tilespmem:$0x7170] =	vst v0;
	(pc) =	sbr.rel @p1 .LBB2_2-.Ltmp2, $4  }
0xc9: {  	[tilespmem:$0x7180] =	vst v0  }
0xca: {  	[tilespmem:$0x7190] =	vst v0  }
0xcb: {  	[tilespmem:$0x71A0] =	vst v0;
	s7 =	rddreg [dreg:$0x12]  }
0xcc: {  	[smem:$0x7E4] =	sst s13;
	[tilespmem:$0x71B0] =	vst v0;
	p0 =	por $0x0, $0x0;
	s23 =	sadd.s32 $0x0, s7  }
0xcd: {  	s17 =	simm.s32 $0x0  }
0xce: {  	[tilespmem:s8], [sflag:$0x11] =	stream.linear.gather [hbm4b:s23+s17], $0xA00, $0x38;
	[tilespmem:$0x1EDC0] =	vst v63  }
0xcf: {  	_ =	swait.ge [sflag:s10], $0xA00  }
0xd0: {  	p1 =	por $0x0, $0x0;
	s13 =	sld [smem:$0x7EE]  }
.Ltmp3:
0xd1: {  	[sflag:s10] =	ssyncset.done $0x0;
	(pc) =	sbr.rel @p1 .LBB2_4-.Ltmp3, $4  }
0xd2: {  	[sflag:s10] =	ssyncadd.s32 $0xFFFFF600  }
0xd3: {  	[spmem:s13] =	stream.linear.scatter [tilespmem:s8], [sflag:$0x11], $0xA00, $0x38;
	[tilespmem:$0x1EDC0] =	vst v63  }
0xd4: {  	s19 =	simm.s32 $0x280;
	p0 =	por $0x1, $0x1;
	_ =	swait.ge [sflag:s10], $0xA00  }
0xd5: {  	s23 =	sadd.s32 $0x140, s7;
	s13 =	sadd.s32 $0xA00, s13;
	[sflag:s10] =	ssyncset.done $0x0  }
.LBB2_5:
0xd6: {  	s25 =	sadd.s32 s19, s7;
	[sflag:s10] =	ssyncadd.s32 $0xFFFFF600  }
0xd7: {  	[tilespmem:s8], [sflag:$0x11] =	stream.linear.gather [hbm4b:s23+s17], $0xA00, $0x38;
	[tilespmem:$0x1EDC0] =	vst v63  }
0xd8: {  	p1 =	seq.s32 s19, $0x12C0;
	s19 =	sadd.s32 $0x140, s19;
	_ =	swait.ge [sflag:s10], $0xA00  }
.Ltmp4:
0xd9: {  	s23 =	smov.u32 s25;
	[sflag:s10] =	ssyncset.done $0x0;
	(pc) =	sbr.rel @!p1 .LBB2_5-.Ltmp4, $4  }
0xda: {  	[sflag:s10] =	ssyncadd.s32 $0xFFFFF600  }
0xdb: {  	[spmem:s13] =	stream.linear.scatter [tilespmem:s8], [sflag:$0x11], $0xA00, $0x38;
	[tilespmem:$0x1EDC0] =	vst v63  }
0xdc: {  	_ =	swait.ge [sflag:s10], $0xA00  }
0xdd: {  	s13 =	sadd.s32 $0xA00, s13;
	[sflag:s10] =	ssyncset.done $0x0  }
0xde: {  	s25 =	simm.s32 $0x81C0  }
.LBB2_7:
0xdf: {  	s17 =	simm.s32 $0x0;
	[sflag:s10] =	ssyncadd.s32 @p0 $0xFFFFF600  }
0xe0: {  	[tilespmem:s8], [sflag:$0x11] =	stream.linear.gather [hbm4b:s23+s17], $0xA00, $0x38;
	[tilespmem:$0x1EDC0] =	vst v63  }
0xe1: {  	_ =	swait.ge [sflag:s10], $0xA00  }
0xe2: {  	[sflag:s10] =	ssyncset.done $0x0  }
0xe3: {  	[sflag:s10] =	ssyncadd.s32 $0xFFFFF600  }
0xe4: {  	[spmem:s13] =	stream.linear.scatter [tilespmem:s8], [sflag:$0x11], $0xA00, $0x38;
	[tilespmem:$0x1EDC0] =	vst v63  }
0xe5: {  	_ =	swait.ge [sflag:s10], $0xA00  }
0xe6: {  	p0 =	por $0x0, $0x0;
	[sflag:s10] =	ssyncset.done $0x0  }
.Ltmp5:
0xe7: {  	s13 =	simm.s32 $0x71E0;
	[sflag:s10] =	ssyncadd.s32 $0xFFFFF600;
	(pc) =	sbr.rel @p0 .LBB2_9-.Ltmp5, $4  }
0xe8: {  	[tilespmem:s13+$0x0] =	vst v1  }
0xe9: {  	[tilespmem:s13+$0xFFFFFFE0] =	vst v1  }
0xea: {  	[tilespmem:s13+$0x10] =	vst v1  }
0xeb: {  	s19 =	simm.s32 $0x0;
	s17 =	simm.s32 $0x40;
	[tilespmem:s13+$0xFFFFFFF0] =	vst v1  }
.LBB2_8:
0xec: {  	p0 =	seq.s32 s17, $0xFC0  }
0xed: {  	[tilespmem:s19+$0x81C0] =	vst v1;
	s13 =	sadd.s32 $0x40, s13;
	s19 =	smov.u32 s17;
	s17 =	sadd.s32 $0x40, s17  }
.Ltmp6:
0xee: {  	[tilespmem:s13+$0x0] =	vst v1;
	(pc) =	sbr.rel @!p0 .LBB2_8-.Ltmp6, $4  }
0xef: {  	_ = 	snop  }
0xf0: {  	[tilespmem:s13+$0xFFFFFFE0] =	vst v1  }
0xf1: {  	[tilespmem:s13+$0x10] =	vst v1  }
0xf2: {  	s19 =	sshra.s32 s19, $0x2;
	[tilespmem:s13+$0xFFFFFFF0] =	vst v1  }
.LBB2_9:
0xf3: {  	s7 =	sld [smem:$0x7FC];
	_ =	sdelay $0x1  }
0xf4: {  	[tilespmem:s19+$0x81C0] =	vst v1;
	s13 =	simm.s32 $0x71C0  }
0xf5: {  	[spmem:s7] =	stream.linear.scatter [tilespmem:s13], [sflag:$0x11], $0x1000, $0x38;
	[tilespmem:$0x1EDC0] =	vst v63  }
0xf6: {  	_ =	swait.ge [sflag:s10], $0x1000  }
0xf7: {  	[sflag:s10] =	ssyncset.done $0x0  }
0xf8: {  	s31 =	rddreg [dreg:$0x16];
	[sflag:s10] =	ssyncadd.s32 $0xFFFFF000  }
0xf9: {  	[spmem:s31] =	stream.linear.scatter [tilespmem:s25], [sflag:$0x11], $0x400, $0x38;
	[tilespmem:$0x1EDC0] =	vst v63  }
0xfa: {  	_ =	swait.ge [sflag:s10], $0x400  }
0xfb: {  	[sflag:s10] =	ssyncset.done $0x0  }
0xfc: {  	s15 =	rddreg [dreg:$0x17];
	[sflag:s10] =	ssyncadd.s32 $0xFFFFFC00  }
0xfd: {  	[spmem:s15] =	stream.linear.scatter [tilespmem:s13], [sflag:$0x11], $0x1000, $0x38;
	[tilespmem:$0x1EDC0] =	vst v63  }
0xfe: {  	_ =	swait.ge [sflag:s10], $0x1000  }
0xff: {  	[sflag:s10] =	ssyncset.done $0x0  }
0x100: {  	s17 =	rddreg [dreg:$0x18];
	[sflag:s10] =	ssyncadd.s32 $0xFFFFF000  }
0x101: {  	[spmem:s17] =	stream.linear.scatter [tilespmem:s25], [sflag:$0x11], $0x400, $0x38;
	[tilespmem:$0x1EDC0] =	vst v63  }
0x102: {  	_ =	swait.ge [sflag:s10], $0x400  }
0x103: {  	[sflag:s10] =	ssyncset.done $0x0  }
0x104: {  	s19 =	rddreg [dreg:$0x19];
	[sflag:s10] =	ssyncadd.s32 $0xFFFFFC00  }
0x105: {  	[spmem:s19] =	stream.linear.scatter [tilespmem:s13], [sflag:$0x11], $0x1000, $0x38;
	[tilespmem:$0x1EDC0] =	vst v63  }
0x106: {  	_ =	swait.ge [sflag:s10], $0x1000  }
0x107: {  	[sflag:s10] =	ssyncset.done $0x0  }
0x108: {  	s23 =	rddreg [dreg:$0x1a];
	[sflag:s10] =	ssyncadd.s32 $0xFFFFF000  }
0x109: {  	[spmem:s23] =	stream.linear.scatter [tilespmem:s25], [sflag:$0x11], $0x400, $0x38;
	[tilespmem:$0x1EDC0] =	vst v63  }
0x10a: {  	_ =	swait.ge [sflag:s10], $0x400  }
0x10b: {  	[sflag:s10] =	ssyncset.done $0x0  }
0x10c: {  	s29 =	rddreg [dreg:$0x1b];
	[sflag:s10] =	ssyncadd.s32 $0xFFFFFC00  }
0x10d: {  	[spmem:s29] =	stream.linear.scatter [tilespmem:s13], [sflag:$0x11], $0x1000, $0x38;
	[tilespmem:$0x1EDC0] =	vst v63  }
0x10e: {  	_ =	swait.ge [sflag:s10], $0x1000  }
0x10f: {  	[sflag:s10] =	ssyncset.done $0x0  }
0x110: {  	s31 =	rddreg [dreg:$0x1c];
	[sflag:s10] =	ssyncadd.s32 $0xFFFFF000  }
0x111: {  	[spmem:s31] =	stream.linear.scatter [tilespmem:s25], [sflag:$0x11], $0x400, $0x38;
	[tilespmem:$0x1EDC0] =	vst v63  }
0x112: {  	_ =	swait.ge [sflag:s10], $0x400  }
0x113: {  	[sflag:s10] =	ssyncset.done $0x0  }
0x114: {  	s15 =	rddreg [dreg:$0x1d];
	[sflag:s10] =	ssyncadd.s32 $0xFFFFFC00  }
0x115: {  	[spmem:s15] =	stream.linear.scatter [tilespmem:s13], [sflag:$0x11], $0x1000, $0x38;
	[tilespmem:$0x1EDC0] =	vst v63  }
0x116: {  	_ =	swait.ge [sflag:s10], $0x1000  }
0x117: {  	[sflag:s10] =	ssyncset.done $0x0  }
0x118: {  	s17 =	rddreg [dreg:$0x1e];
	[sflag:s10] =	ssyncadd.s32 $0xFFFFF000  }
0x119: {  	[spmem:s17] =	stream.linear.scatter [tilespmem:s25], [sflag:$0x11], $0x400, $0x38;
	[tilespmem:$0x1EDC0] =	vst v63  }
0x11a: {  	_ =	swait.ge [sflag:s10], $0x400  }
0x11b: {  	[sflag:s10] =	ssyncset.done $0x0  }
0x11c: {  	s19 =	rddreg [dreg:$0x1f];
	[sflag:s10] =	ssyncadd.s32 $0xFFFFFC00  }
0x11d: {  	[spmem:s19] =	stream.linear.scatter [tilespmem:s13], [sflag:$0x11], $0x1000, $0x38;
	[tilespmem:$0x1EDC0] =	vst v63  }
0x11e: {  	_ =	swait.ge [sflag:s10], $0x1000  }
0x11f: {  	s23 =	sld [smem:$0x7E5]  }
0x120: {  	[sflag:s10] =	ssyncset.done $0x0  }
0x121: {  	[sflag:s10] =	ssyncadd.s32 $0xFFFFF000  }
0x122: {  	[spmem:s23] =	stream.linear.scatter [tilespmem:s25], [sflag:$0x11], $0x400, $0x38;
	[tilespmem:$0x1EDC0] =	vst v63  }
0x123: {  	_ =	swait.ge [sflag:s10], $0x400  }
0x124: {  	s29 =	sld [smem:$0x7E6]  }
0x125: {  	[sflag:s10] =	ssyncset.done $0x0  }
0x126: {  	[sflag:s10] =	ssyncadd.s32 $0xFFFFFC00  }
0x127: {  	[spmem:s29] =	stream.linear.scatter [tilespmem:s13], [sflag:$0x11], $0x1000, $0x38;
	[tilespmem:$0x1EDC0] =	vst v63  }
0x128: {  	_ =	swait.ge [sflag:s10], $0x1000  }
0x129: {  	s31 =	sld [smem:$0x7E7]  }
0x12a: {  	[sflag:s10] =	ssyncset.done $0x0  }
0x12b: {  	[sflag:s10] =	ssyncadd.s32 $0xFFFFF000  }
0x12c: {  	[spmem:s31] =	stream.linear.scatter [tilespmem:s25], [sflag:$0x11], $0x400, $0x38;
	[tilespmem:$0x1EDC0] =	vst v63  }
0x12d: {  	_ =	swait.ge [sflag:s10], $0x400  }
0x12e: {  	s15 =	sld [smem:$0x7E8]  }
0x12f: {  	[sflag:s10] =	ssyncset.done $0x0  }
0x130: {  	[sflag:s10] =	ssyncadd.s32 $0xFFFFFC00  }
0x131: {  	[spmem:s15] =	stream.linear.scatter [tilespmem:s13], [sflag:$0x11], $0x1000, $0x38;
	[tilespmem:$0x1EDC0] =	vst v63  }
0x132: {  	_ =	swait.ge [sflag:s10], $0x1000  }
0x133: {  	s17 =	sld [smem:$0x7E9]  }
0x134: {  	[sflag:s10] =	ssyncset.done $0x0  }
0x135: {  	[sflag:s10] =	ssyncadd.s32 $0xFFFFF000  }
0x136: {  	[spmem:s17] =	stream.linear.scatter [tilespmem:s25], [sflag:$0x11], $0x400, $0x38;
	[tilespmem:$0x1EDC0] =	vst v63  }
0x137: {  	_ =	swait.ge [sflag:s10], $0x400  }
0x138: {  	s19 =	sld [smem:$0x7EA]  }
0x139: {  	[sflag:s10] =	ssyncset.done $0x0  }
0x13a: {  	[sflag:s10] =	ssyncadd.s32 $0xFFFFFC00  }
0x13b: {  	[spmem:s19] =	stream.linear.scatter [tilespmem:s13], [sflag:$0x11], $0x1000, $0x38;
	[tilespmem:$0x1EDC0] =	vst v63  }
0x13c: {  	_ =	swait.ge [sflag:s10], $0x1000  }
0x13d: {  	s23 =	sld [smem:$0x7EB]  }
0x13e: {  	[sflag:s10] =	ssyncset.done $0x0  }
0x13f: {  	[sflag:s10] =	ssyncadd.s32 $0xFFFFF000  }
0x140: {  	[spmem:s23] =	stream.linear.scatter [tilespmem:s25], [sflag:$0x11], $0x400, $0x38;
	[tilespmem:$0x1EDC0] =	vst v63  }
0x141: {  	_ =	swait.ge [sflag:s10], $0x400  }
0x142: {  	s29 =	sld [smem:$0x7EC]  }
0x143: {  	[sflag:s10] =	ssyncset.done $0x0  }
0x144: {  	[sflag:s10] =	ssyncadd.s32 $0xFFFFFC00  }
0x145: {  	[spmem:s29] =	stream.linear.scatter [tilespmem:s13], [sflag:$0x11], $0x1000, $0x38;
	[tilespmem:$0x1EDC0] =	vst v63  }
0x146: {  	_ =	swait.ge [sflag:s10], $0x1000  }
0x147: {  	s31 =	sld [smem:$0x7ED]  }
0x148: {  	[sflag:s10] =	ssyncset.done $0x0  }
0x149: {  	[sflag:s10] =	ssyncadd.s32 $0xFFFFF000  }
0x14a: {  	[spmem:s31] =	stream.linear.scatter [tilespmem:s25], [sflag:$0x11], $0x400, $0x38;
	[tilespmem:$0x1EDC0] =	vst v63  }
.Ltmp7:
0x14b: {  	_ =	swait.ge [sflag:s10], $0x400;
	(pc) =	sbr.rel .LBB2_10-.Ltmp7, $4  }
0x14c: {  	[sflag:s10] =	ssyncset.done $0x0  }
0x14d: {  	[sflag:s10] =	ssyncadd.s32 $0xFFFFFC00  }
0x14e: {  	[bflag:$0x0] =	sbarrier.arrive $0xFFFF  }
0x14f: {  	s23 =	simm.s32 $0x0  }
.LBB2_21:
0x150: {  	s7 =	simm.s32 $0x9  }
0x151: {  	_ =	swait.ge [sflag:s7], $0xA00  }
0x152: {  	[sflag:s7] =	ssyncset.done $0x0  }
0x153: {  	s19 =	simm.s32 $0xD;
	[sflag:s7] =	ssyncadd.s32 $0xFFFFF600  }
0x154: {  	_ =	swait.ge [sflag:s19], $0x280  }
0x155: {  	[sflag:s19] =	ssyncset.done $0x0  }
0x156: {  	s23 =	simm.s32 $0xA;
	[sflag:s19] =	ssyncadd.s32 $0xFFFFFD80  }
0x157: {  	_ =	swait.ge [sflag:s23], $0xA00  }
0x158: {  	[sflag:s23] =	ssyncset.done $0x0  }
0x159: {  	s25 =	simm.s32 $0xE;
	[sflag:s23] =	ssyncadd.s32 $0xFFFFF600  }
0x15a: {  	_ =	swait.ge [sflag:s25], $0x280  }
0x15b: {  	[sflag:s25] =	ssyncset.done $0x0  }
0x15c: {  	s29 =	simm.s32 $0xB;
	[sflag:s25] =	ssyncadd.s32 $0xFFFFFD80  }
0x15d: {  	_ =	swait.ge [sflag:s29], $0xA00  }
0x15e: {  	[sflag:s29] =	ssyncset.done $0x0  }
0x15f: {  	s31 =	simm.s32 $0xF;
	[sflag:s29] =	ssyncadd.s32 $0xFFFFF600  }
0x160: {  	_ =	swait.ge [sflag:s31], $0x280  }
0x161: {  	[sflag:s31] =	ssyncset.done $0x0  }
0x162: {  	[sflag:s31] =	ssyncadd.s32 $0xFFFFFD80  }
0x163: {  	_ =	swait.ge [sflag:s6], $0xA00  }
0x164: {  	[sflag:s6] =	ssyncset.done $0x0  }
0x165: {  	[sflag:s6] =	ssyncadd.s32 $0xFFFFF600  }
0x166: {  	_ =	swait.ge [sflag:s21], $0x280  }
0x167: {  	s23 =	sld [smem:$0x7E3];
	_ =	sdelay $0x2  }
0x168: {  	s23 =	sadd.s32 $0x1, s23  }
0x169: {  	p0 =	sne.s32 s23, $0x5  }
.Ltmp8:
0x16a: {  	_ = 	snop;
	(pc) =	sbr.rel @!p0 .LBB2_22-.Ltmp8, $3  }
0x16b: {  	_ =	sdelay $0x1  }
0x16c: {  	[sflag:s21] =	ssyncset.done $0x0  }
0x16d: {  	[sflag:s21] =	ssyncadd.s32 $0xFFFFFD80  }
.LBB2_10:
0x16e: {  	s13 =	smul.u32 $0xFA0, s23  }
0x16f: {  	s7 =	rddreg [dreg:$0x7]  }
0x170: {  	s17 =	sadd.s32 s13, s7  }
0x171: {  	s25 =	rddreg [dreg:$0x14];
	s17 =	sshrl.u32 s17, $0x3  }
0x172: {  	s15 =	simm.s32 $0x0;
	s17 =	sadd.s32 s25, s17  }
0x173: {  	[tilespmem:s15], [sflag:$0x11] =	stream.linear.gather [hbm4b:s17+s15], $0xFA0, $0x38;
	[tilespmem:$0x1EDC0] =	vst v63  }
0x174: {  	s29 =	sadd.s32 s1, s13;
	_ =	swait.ge [sflag:s10], $0xFA0  }
0x175: {  	s19 =	sshrl.u32 s29, $0x3;
	[sflag:s10] =	ssyncset.done $0x0  }
0x176: {  	s31 =	simm.s32 $0xFA0;
	s19 =	sadd.s32 s25, s19;
	[sflag:s10] =	ssyncadd.s32 $0xFFFFF060  }
0x177: {  	[tilespmem:s31], [sflag:$0x11] =	stream.linear.gather [hbm4b:s19+s15], $0xFA0, $0x38;
	[tilespmem:$0x1EDC0] =	vst v63  }
0x178: {  	_ =	swait.ge [sflag:s10], $0xFA0  }
0x179: {  	[sflag:s10] =	ssyncset.done $0x0;
	s31 =	sld [smem:$0x7F1]  }
0x17a: {  	s25 =	simm.s32 $0x4740;
	s17 =	sshll.u32 s29, $0x4;
	[sflag:s10] =	ssyncadd.s32 $0xFFFFF060  }
0x17b: {  	[tilespmem:s8], [sflag:$0x1] =	stream.indirect.gather [spmem:s14], $0x40, s15, s30, $0xb8;
	[tilespmem:$0x1EDC0] =	vst v63  }
0x17c: {  	s17 =	sadd.s32 s20, s17;
	s19 =	simm.s32 $0x40;
	s7 =	sadd.s32 s13, s31  }
0x17d: {  	[tilespmem:s25], [sflag:$0x5] =	stream.strided.gather [hbm4b:s17+s19], $0xA00, s3, s19, $0x38;
	[tilespmem:$0x1EDC0] =	vst v63  }
0x17e: {  	s29 =	simm.s32 $0x2940;
	s31 =	sld [smem:$0x7F2];
	s17 =	sshll.u32 s7, $0x4  }
0x17f: {  	[tilespmem:s29], [sflag:$0x2] =	stream.indirect.gather [spmem:s14], $0x40, s30, s30, $0xb8;
	[tilespmem:$0x1EDC0] =	vst v63  }
0x180: {  	s15 =	simm.s32 $0x5140;
	s17 =	sadd.s32 s20, s17  }
0x181: {  	[tilespmem:s15], [sflag:$0x6] =	stream.strided.gather [hbm4b:s17+s19], $0xA00, s3, s19, $0x38;
	[tilespmem:$0x1EDC0] =	vst v63  }
0x182: {  	s25 =	simm.s32 $0x50;
	s29 =	simm.s32 $0x3340;
	s7 =	sadd.s32 s13, s31  }
0x183: {  	[tilespmem:s29], [sflag:$0x3] =	stream.indirect.gather [spmem:s14], $0x40, s25, s30, $0xb8;
	[tilespmem:$0x1EDC0] =	vst v63  }
0x184: {  	s17 =	sshll.u32 s7, $0x4;
	s29 =	sld [smem:$0x7F3]  }
0x185: {  	s15 =	simm.s32 $0x5B40;
	s17 =	sadd.s32 s20, s17  }
0x186: {  	[tilespmem:s15], [sflag:$0x7] =	stream.strided.gather [hbm4b:s17+s19], $0xA00, s3, s19, $0x38;
	[tilespmem:$0x1EDC0] =	vst v63  }
0x187: {  	s25 =	simm.s32 $0x78;
	s13 =	sadd.s32 s13, s29  }
0x188: {  	[tilespmem:s12], [sflag:$0x4] =	stream.indirect.gather [spmem:s14], $0x40, s25, s30, $0xb8;
	[tilespmem:$0x1EDC0] =	vst v63  }
0x189: {  	s13 =	sshll.u32 s13, $0x4  }
0x18a: {  	[smem:$0x7E3] =	sst s23;
	s31 =	simm.s32 $0x6540;
	s13 =	sadd.s32 s20, s13  }
0x18b: {  	[tilespmem:s31], [sflag:$0x8] =	stream.strided.gather [hbm4b:s13+s19], $0xA00, s3, s19, $0x38;
	[tilespmem:$0x1EDC0] =	vst v63  }
0x18c: {  	s15 =	simm.s32 $0x40;
	s17 =	smul.u32 $0x64, s23;
	s19 =	simm.s32 $0x0  }
.LBB2_11:
0x18d: {  	_ =	swait.ge [sflag:s28], $0xA00  }
0x18e: {  	[sflag:s28] =	ssyncset.done $0x0  }
0x18f: {  	[sflag:s28] =	ssyncadd.s32 $0xFFFFF600  }
0x190: {  	_ =	swait.ge [sflag:s5], $0xA00  }
0x191: {  	[sflag:s5] =	ssyncset.done $0x0  }
0x192: {  	s29 =	simm.s32 $0x0;
	[sflag:s5] =	ssyncadd.s32 $0xFFFFF600  }
0x193: {  	v3 =	vld [tilespmem:s29+$0x4740]  }
0x194: {  	v5 =	vld [tilespmem:s29+$0x4750]  }
0x195: {  	v4 =	vld [tilespmem:s29+$0x4760]  }
0x196: {  	v2 =	vld [tilespmem:s29+$0x4770]  }
0x197: {  	v6 =	vld [tilespmem:s29+$0x1F40]  }
0x198: {  	v8 =	vld [tilespmem:s29+$0x1F50]  }
0x199: {  	s13 =	simm.s32 $0x100;
	v7 =	vld [tilespmem:s29+$0x1F60]  }
.LBB2_12:
0x19a: {  	p0 =	sne.s32 s13, $0x2700;
	v9 =	vld [tilespmem:s29+$0x1F70];
	_ =	sdelay $0x1  }
0x19b: {  	v6 =	vadd.f32 v3, v6  }
0x19c: {  	s23 =	sshra.s32 s13, $0x2;
	v8 =	vadd.f32 v5, v8  }
0x19d: {  	v3 =	vld [tilespmem:s23+$0x4740];
	v10 =	vmul.f32 $9.999999770e-03, v6;
	v7 =	vadd.f32 v4, v7  }
0x19e: {  	v5 =	vld [tilespmem:s23+$0x4750];
	v11 =	vmul.f32 $9.999999770e-03, v8;
	v9 =	vadd.f32 v2, v9  }
.Ltmp9:
0x19f: {  	v4 =	vld [tilespmem:s23+$0x4760];
	v6 =	vmax.f32 v6, v10;
	v10 =	vmul.f32 $9.999999770e-03, v7;
	(pc) =	sbr.rel @p0 .LBB2_12-.Ltmp9, $4  }
0x1a0: {  	v2 =	vld [tilespmem:s23+$0x4770];
	[tilespmem:s29+$0x1F40] =	vst v6;
	v8 =	vmax.f32 v8, v11;
	v11 =	vmul.f32 $9.999999770e-03, v9  }
0x1a1: {  	v6 =	vld [tilespmem:s23+$0x1F40];
	[tilespmem:s29+$0x1F50] =	vst v8;
	v7 =	vmax.f32 v7, v10  }
0x1a2: {  	v8 =	vld [tilespmem:s23+$0x1F50];
	[tilespmem:s29+$0x1F60] =	vst v7;
	v9 =	vmax.f32 v9, v11  }
0x1a3: {  	s13 =	sadd.s32 $0x100, s13;
	v7 =	vld [tilespmem:s23+$0x1F60];
	[tilespmem:s29+$0x1F70] =	vst v9;
	s29 =	smov.u32 s23  }
0x1a4: {  	v9 =	vld [tilespmem:s29+$0x1F70];
	_ =	sdelay $0x1  }
0x1a5: {  	v3 =	vadd.f32 v3, v6  }
0x1a6: {  	v5 =	vadd.f32 v5, v8  }
0x1a7: {  	v6 =	vmul.f32 $9.999999770e-03, v3;
	v4 =	vadd.f32 v4, v7  }
0x1a8: {  	v7 =	vmul.f32 $9.999999770e-03, v5;
	v2 =	vadd.f32 v2, v9  }
0x1a9: {  	v3 =	vmax.f32 v3, v6;
	v6 =	vmul.f32 $9.999999770e-03, v4  }
0x1aa: {  	s13 =	smul.u32 $0x280, s19;
	[tilespmem:s29+$0x1F40] =	vst v3;
	v3 =	vmax.f32 v5, v7;
	v5 =	vmul.f32 $9.999999770e-03, v2  }
0x1ab: {  	[tilespmem:s29+$0x1F50] =	vst v3;
	v3 =	vmax.f32 v4, v6  }
0x1ac: {  	s25 =	sshra.s32 s13, $0x2;
	[tilespmem:s29+$0x1F60] =	vst v3;
	v2 =	vmax.f32 v2, v5  }
0x1ad: {  	s13 =	sadd.s32 $0xFA0, s25;
	[tilespmem:s29+$0x1F70] =	vst v2  }
0x1ae: {  	[spmem:s16] =	stream.indirect.scatter.add.f32 [tilespmem:s8], [sflag:$0x9], $0x40, s13, s30, $0xb8;
	[tilespmem:$0x1EDC0] =	vst v63  }
0x1af: {  	p0 =	seq.s32 s19, $0x18  }
0x1b0: {  	[spmem:s18] =	stream.indirect.scatter.add.f32 [tilespmem:s9], [sflag:$0xD], $0x10, s13, s30, $0xb8;
	[tilespmem:$0x1EDC0] =	vst v63  }
0x1b1: {  	s13 =	simm.s32 @!p0 $0x9  }
0x1b2: {  	_ =	swait.ge @!p0 [sflag:s13], $0xA00  }
0x1b3: {  	[sflag:s13] =	ssyncset.done @!p0 $0x0  }
0x1b4: {  	s29 =	sshll.u32 s19, $0x2;
	[sflag:s13] =	ssyncadd.s32 @!p0 $0xFFFFF600;
	s13 =	simm.s32 @!p0 $0xD  }
0x1b5: {  	s23 =	sadd.s32 @!p0 $0x4, s29;
	_ =	swait.ge @!p0 [sflag:s13], $0x280  }
0x1b6: {  	s7 =	smul.u32 @!p0 $0xA0, s23;
	[sflag:s13] =	ssyncset.done @!p0 $0x0  }
0x1b7: {  	s31 =	simm.s32 @!p0 $0x1F40;
	[sflag:s13] =	ssyncadd.s32 @!p0 $0xFFFFFD80;
	s13 =	sadd.s32 @!p0 s17, s23  }
0x1b8: {  	s7 =	sshra.s32 @!p0 s7, $0x2;
	s23 =	simm.s32 @!p0 $0x28;
	s13 =	smul.u32 @!p0 $0x28, s13  }
0x1b9: {  	[tilespmem:s31], [sflag:$0x1] =	stream.indirect.gather @!p0 [spmem:s14], $0x40, s7, s23, $0xb8;
	[tilespmem:$0x1EDC0] =	vst v63  }
0x1ba: {  	s7 =	sadd.s32 @!p0 s1, s13  }
0x1bb: {  	s7 =	sshll.u32 @!p0 s7, $0x4  }
0x1bc: {  	s23 =	simm.s32 @!p0 $0x80;
	s7 =	sand.u32 @!p0 $0x1FFFFF80, s7  }
0x1bd: {  	s31 =	simm.s32 @!p0 $0x4740;
	s13 =	simm.s32 @!p0 $0x40;
	s7 =	sadd.s32 @!p0 s20, s7  }
0x1be: {  	[tilespmem:s31], [sflag:$0x5] =	stream.strided.gather @!p0 [hbm4b:s7+s13], $0xA00, s23, s13, $0x38;
	[tilespmem:$0x1EDC0] =	vst v63  }
0x1bf: {  	_ =	swait.ge [sflag:s11], $0xA00  }
0x1c0: {  	[sflag:s11] =	ssyncset.done $0x0  }
0x1c1: {  	[sflag:s11] =	ssyncadd.s32 $0xFFFFF600  }
0x1c2: {  	_ =	swait.ge [sflag:s24], $0xA00  }
0x1c3: {  	[sflag:s24] =	ssyncset.done $0x0  }
0x1c4: {  	s13 =	simm.s32 $0x0;
	[sflag:s24] =	ssyncadd.s32 $0xFFFFF600  }
0x1c5: {  	v3 =	vld [tilespmem:s13+$0x5140]  }
0x1c6: {  	v5 =	vld [tilespmem:s13+$0x5150]  }
0x1c7: {  	v4 =	vld [tilespmem:s13+$0x5160]  }
0x1c8: {  	v2 =	vld [tilespmem:s13+$0x5170]  }
0x1c9: {  	v6 =	vld [tilespmem:s13+$0x2940]  }
0x1ca: {  	v8 =	vld [tilespmem:s13+$0x2950]  }
0x1cb: {  	s23 =	simm.s32 $0x100;
	v7 =	vld [tilespmem:s13+$0x2960]  }
.LBB2_14:
0x1cc: {  	p1 =	sne.s32 s23, $0x2700;
	v9 =	vld [tilespmem:s13+$0x2970];
	_ =	sdelay $0x1  }
0x1cd: {  	v6 =	vadd.f32 v3, v6  }
0x1ce: {  	s7 =	sshra.s32 s23, $0x2;
	v8 =	vadd.f32 v5, v8  }
0x1cf: {  	v3 =	vld [tilespmem:s7+$0x5140];
	v10 =	vmul.f32 $9.999999770e-03, v6;
	v7 =	vadd.f32 v4, v7  }
0x1d0: {  	v5 =	vld [tilespmem:s7+$0x5150];
	v11 =	vmul.f32 $9.999999770e-03, v8;
	v9 =	vadd.f32 v2, v9  }
.Ltmp10:
0x1d1: {  	v4 =	vld [tilespmem:s7+$0x5160];
	v6 =	vmax.f32 v6, v10;
	v10 =	vmul.f32 $9.999999770e-03, v7;
	(pc) =	sbr.rel @p1 .LBB2_14-.Ltmp10, $4  }
0x1d2: {  	v2 =	vld [tilespmem:s7+$0x5170];
	[tilespmem:s13+$0x2940] =	vst v6;
	v8 =	vmax.f32 v8, v11;
	v11 =	vmul.f32 $9.999999770e-03, v9  }
0x1d3: {  	v6 =	vld [tilespmem:s7+$0x2940];
	[tilespmem:s13+$0x2950] =	vst v8;
	v7 =	vmax.f32 v7, v10  }
0x1d4: {  	v8 =	vld [tilespmem:s7+$0x2950];
	[tilespmem:s13+$0x2960] =	vst v7;
	v9 =	vmax.f32 v9, v11  }
0x1d5: {  	s23 =	sadd.s32 $0x100, s23;
	v7 =	vld [tilespmem:s7+$0x2960];
	[tilespmem:s13+$0x2970] =	vst v9;
	s13 =	smov.u32 s7  }
0x1d6: {  	v9 =	vld [tilespmem:s13+$0x2970];
	_ =	sdelay $0x1  }
0x1d7: {  	v3 =	vadd.f32 v3, v6  }
0x1d8: {  	v5 =	vadd.f32 v5, v8  }
0x1d9: {  	v6 =	vmul.f32 $9.999999770e-03, v3;
	v4 =	vadd.f32 v4, v7  }
0x1da: {  	v7 =	vmul.f32 $9.999999770e-03, v5;
	v2 =	vadd.f32 v2, v9  }
0x1db: {  	v3 =	vmax.f32 v3, v6;
	v6 =	vmul.f32 $9.999999770e-03, v4  }
0x1dc: {  	[tilespmem:s13+$0x2940] =	vst v3;
	v3 =	vmax.f32 v5, v7;
	v5 =	vmul.f32 $9.999999770e-03, v2  }
0x1dd: {  	[tilespmem:s13+$0x2950] =	vst v3;
	v3 =	vmax.f32 v4, v6  }
0x1de: {  	[tilespmem:s13+$0x2960] =	vst v3;
	v2 =	vmax.f32 v2, v5  }
0x1df: {  	s7 =	sadd.s32 $0xFC8, s25;
	s31 =	simm.s32 $0x2940;
	[tilespmem:s13+$0x2970] =	vst v2  }
0x1e0: {  	[spmem:s16] =	stream.indirect.scatter.add.f32 [tilespmem:s31], [sflag:$0xA], $0x40, s7, s30, $0xb8;
	[tilespmem:$0x1EDC0] =	vst v63  }
0x1e1: {  	_ = 	snop  }
0x1e2: {  	[spmem:s18] =	stream.indirect.scatter.add.f32 [tilespmem:s9], [sflag:$0xE], $0x10, s7, s30, $0xb8;
	[tilespmem:$0x1EDC0] =	vst v63  }
0x1e3: {  	s7 =	simm.s32 @!p0 $0xA  }
0x1e4: {  	_ =	swait.ge @!p0 [sflag:s7], $0xA00  }
0x1e5: {  	[sflag:s7] =	ssyncset.done @!p0 $0x0  }
0x1e6: {  	s13 =	sadd.s32 @!p0 $0x5, s29;
	[sflag:s7] =	ssyncadd.s32 @!p0 $0xFFFFF600;
	s7 =	simm.s32 @!p0 $0xE  }
0x1e7: {  	s23 =	smul.u32 @!p0 $0xA0, s13;
	s13 =	sadd.s32 @!p0 s17, s13;
	_ =	swait.ge @!p0 [sflag:s7], $0x280  }
0x1e8: {  	s31 =	simm.s32 @!p0 $0x2940;
	s13 =	smul.u32 @!p0 $0x28, s13;
	[sflag:s7] =	ssyncset.done @!p0 $0x0  }
0x1e9: {  	[sflag:s7] =	ssyncadd.s32 @!p0 $0xFFFFFD80;
	s7 =	sshra.s32 @!p0 s23, $0x2;
	s23 =	simm.s32 @!p0 $0x28  }
0x1ea: {  	[tilespmem:s31], [sflag:$0x2] =	stream.indirect.gather @!p0 [spmem:s14], $0x40, s7, s23, $0xb8;
	[tilespmem:$0x1EDC0] =	vst v63  }
0x1eb: {  	s7 =	sadd.s32 @!p0 s1, s13  }
0x1ec: {  	s7 =	sshll.u32 @!p0 s7, $0x4  }
0x1ed: {  	s13 =	simm.s32 @!p0 $0x40;
	s7 =	sand.u32 @!p0 $0x1FFFFF80, s7  }
0x1ee: {  	s23 =	simm.s32 @!p0 $0x80;
	s31 =	simm.s32 @!p0 $0x5140;
	s7 =	sadd.s32 @!p0 s20, s7  }
0x1ef: {  	[tilespmem:s31], [sflag:$0x6] =	stream.strided.gather @!p0 [hbm4b:s7+s13], $0xA00, s23, s13, $0x38;
	[tilespmem:$0x1EDC0] =	vst v63  }
0x1f0: {  	_ =	swait.ge [sflag:s26], $0xA00  }
0x1f1: {  	[sflag:s26] =	ssyncset.done $0x0  }
0x1f2: {  	[sflag:s26] =	ssyncadd.s32 $0xFFFFF600  }
0x1f3: {  	_ =	swait.ge [sflag:s2], $0xA00  }
0x1f4: {  	[sflag:s2] =	ssyncset.done $0x0  }
0x1f5: {  	s13 =	simm.s32 $0x0;
	[sflag:s2] =	ssyncadd.s32 $0xFFFFF600  }
0x1f6: {  	v3 =	vld [tilespmem:s13+$0x5B40]  }
0x1f7: {  	v5 =	vld [tilespmem:s13+$0x5B50]  }
0x1f8: {  	v4 =	vld [tilespmem:s13+$0x5B60]  }
0x1f9: {  	v2 =	vld [tilespmem:s13+$0x5B70]  }
0x1fa: {  	v6 =	vld [tilespmem:s13+$0x3340]  }
0x1fb: {  	v8 =	vld [tilespmem:s13+$0x3350]  }
0x1fc: {  	s23 =	simm.s32 $0x100;
	v7 =	vld [tilespmem:s13+$0x3360]  }
.LBB2_16:
0x1fd: {  	p1 =	sne.s32 s23, $0x2700;
	v9 =	vld [tilespmem:s13+$0x3370];
	_ =	sdelay $0x1  }
0x1fe: {  	v6 =	vadd.f32 v3, v6  }
0x1ff: {  	s7 =	sshra.s32 s23, $0x2;
	v8 =	vadd.f32 v5, v8  }
0x200: {  	v3 =	vld [tilespmem:s7+$0x5B40];
	v10 =	vmul.f32 $9.999999770e-03, v6;
	v7 =	vadd.f32 v4, v7  }
0x201: {  	v5 =	vld [tilespmem:s7+$0x5B50];
	v11 =	vmul.f32 $9.999999770e-03, v8;
	v9 =	vadd.f32 v2, v9  }
.Ltmp11:
0x202: {  	v4 =	vld [tilespmem:s7+$0x5B60];
	v6 =	vmax.f32 v6, v10;
	v10 =	vmul.f32 $9.999999770e-03, v7;
	(pc) =	sbr.rel @p1 .LBB2_16-.Ltmp11, $4  }
0x203: {  	v2 =	vld [tilespmem:s7+$0x5B70];
	[tilespmem:s13+$0x3340] =	vst v6;
	v8 =	vmax.f32 v8, v11;
	v11 =	vmul.f32 $9.999999770e-03, v9  }
0x204: {  	v6 =	vld [tilespmem:s7+$0x3340];
	[tilespmem:s13+$0x3350] =	vst v8;
	v7 =	vmax.f32 v7, v10  }
0x205: {  	v8 =	vld [tilespmem:s7+$0x3350];
	[tilespmem:s13+$0x3360] =	vst v7;
	v9 =	vmax.f32 v9, v11  }
0x206: {  	s23 =	sadd.s32 $0x100, s23;
	v7 =	vld [tilespmem:s7+$0x3360];
	[tilespmem:s13+$0x3370] =	vst v9;
	s13 =	smov.u32 s7  }
0x207: {  	v9 =	vld [tilespmem:s13+$0x3370];
	_ =	sdelay $0x1  }
0x208: {  	v3 =	vadd.f32 v3, v6  }
0x209: {  	v5 =	vadd.f32 v5, v8  }
0x20a: {  	v6 =	vmul.f32 $9.999999770e-03, v3;
	v4 =	vadd.f32 v4, v7  }
0x20b: {  	v7 =	vmul.f32 $9.999999770e-03, v5;
	v2 =	vadd.f32 v2, v9  }
0x20c: {  	v3 =	vmax.f32 v3, v6;
	v6 =	vmul.f32 $9.999999770e-03, v4  }
0x20d: {  	[tilespmem:s13+$0x3340] =	vst v3;
	v3 =	vmax.f32 v5, v7;
	v5 =	vmul.f32 $9.999999770e-03, v2  }
0x20e: {  	[tilespmem:s13+$0x3350] =	vst v3;
	v3 =	vmax.f32 v4, v6  }
0x20f: {  	[tilespmem:s13+$0x3360] =	vst v3;
	v2 =	vmax.f32 v2, v5  }
0x210: {  	s7 =	sadd.s32 $0xFF0, s25;
	s31 =	simm.s32 $0x3340;
	[tilespmem:s13+$0x3370] =	vst v2  }
0x211: {  	[spmem:s16] =	stream.indirect.scatter.add.f32 [tilespmem:s31], [sflag:$0xB], $0x40, s7, s30, $0xb8;
	[tilespmem:$0x1EDC0] =	vst v63  }
0x212: {  	_ = 	snop  }
0x213: {  	[spmem:s18] =	stream.indirect.scatter.add.f32 [tilespmem:s9], [sflag:$0xF], $0x10, s7, s30, $0xb8;
	[tilespmem:$0x1EDC0] =	vst v63  }
0x214: {  	s7 =	simm.s32 @!p0 $0xB  }
0x215: {  	_ =	swait.ge @!p0 [sflag:s7], $0xA00  }
0x216: {  	[sflag:s7] =	ssyncset.done @!p0 $0x0  }
0x217: {  	s13 =	sadd.s32 @!p0 $0x6, s29;
	[sflag:s7] =	ssyncadd.s32 @!p0 $0xFFFFF600;
	s7 =	simm.s32 @!p0 $0xF  }
0x218: {  	s23 =	smul.u32 @!p0 $0xA0, s13;
	s13 =	sadd.s32 @!p0 s17, s13;
	_ =	swait.ge @!p0 [sflag:s7], $0x280  }
0x219: {  	s31 =	simm.s32 @!p0 $0x3340;
	s13 =	smul.u32 @!p0 $0x28, s13;
	[sflag:s7] =	ssyncset.done @!p0 $0x0  }
0x21a: {  	[sflag:s7] =	ssyncadd.s32 @!p0 $0xFFFFFD80;
	s7 =	sshra.s32 @!p0 s23, $0x2;
	s23 =	simm.s32 @!p0 $0x28  }
0x21b: {  	[tilespmem:s31], [sflag:$0x3] =	stream.indirect.gather @!p0 [spmem:s14], $0x40, s7, s23, $0xb8;
	[tilespmem:$0x1EDC0] =	vst v63  }
0x21c: {  	s7 =	sadd.s32 @!p0 s1, s13  }
0x21d: {  	s7 =	sshll.u32 @!p0 s7, $0x4  }
0x21e: {  	s13 =	simm.s32 @!p0 $0x40;
	s7 =	sand.u32 @!p0 $0x1FFFFF80, s7  }
0x21f: {  	s23 =	simm.s32 @!p0 $0x80;
	s31 =	simm.s32 @!p0 $0x5B40;
	s7 =	sadd.s32 @!p0 s20, s7  }
0x220: {  	[tilespmem:s31], [sflag:$0x7] =	stream.strided.gather @!p0 [hbm4b:s7+s13], $0xA00, s23, s13, $0x38;
	[tilespmem:$0x1EDC0] =	vst v63  }
0x221: {  	_ =	swait.ge [sflag:s0], $0xA00  }
0x222: {  	[sflag:s0] =	ssyncset.done $0x0  }
0x223: {  	[sflag:s0] =	ssyncadd.s32 $0xFFFFF600  }
0x224: {  	_ =	swait.ge [sflag:s4], $0xA00  }
0x225: {  	[sflag:s4] =	ssyncset.done $0x0  }
0x226: {  	s13 =	simm.s32 $0x0;
	[sflag:s4] =	ssyncadd.s32 $0xFFFFF600  }
0x227: {  	v3 =	vld [tilespmem:s13+$0x6540]  }
0x228: {  	v5 =	vld [tilespmem:s13+$0x6550]  }
0x229: {  	v4 =	vld [tilespmem:s13+$0x6560]  }
0x22a: {  	v2 =	vld [tilespmem:s13+$0x6570]  }
0x22b: {  	v6 =	vld [tilespmem:s13+$0x3D40]  }
0x22c: {  	v8 =	vld [tilespmem:s13+$0x3D50]  }
0x22d: {  	s23 =	simm.s32 $0x100;
	v7 =	vld [tilespmem:s13+$0x3D60]  }
.LBB2_18:
0x22e: {  	p1 =	sne.s32 s23, $0x2700;
	v9 =	vld [tilespmem:s13+$0x3D70];
	_ =	sdelay $0x1  }
0x22f: {  	v6 =	vadd.f32 v3, v6  }
0x230: {  	s7 =	sshra.s32 s23, $0x2;
	v8 =	vadd.f32 v5, v8  }
0x231: {  	v3 =	vld [tilespmem:s7+$0x6540];
	v10 =	vmul.f32 $9.999999770e-03, v6;
	v7 =	vadd.f32 v4, v7  }
0x232: {  	v5 =	vld [tilespmem:s7+$0x6550];
	v11 =	vmul.f32 $9.999999770e-03, v8;
	v9 =	vadd.f32 v2, v9  }
.Ltmp12:
0x233: {  	v4 =	vld [tilespmem:s7+$0x6560];
	v6 =	vmax.f32 v6, v10;
	v10 =	vmul.f32 $9.999999770e-03, v7;
	(pc) =	sbr.rel @p1 .LBB2_18-.Ltmp12, $4  }
0x234: {  	v2 =	vld [tilespmem:s7+$0x6570];
	[tilespmem:s13+$0x3D40] =	vst v6;
	v8 =	vmax.f32 v8, v11;
	v11 =	vmul.f32 $9.999999770e-03, v9  }
0x235: {  	v6 =	vld [tilespmem:s7+$0x3D40];
	[tilespmem:s13+$0x3D50] =	vst v8;
	v7 =	vmax.f32 v7, v10  }
0x236: {  	v8 =	vld [tilespmem:s7+$0x3D50];
	[tilespmem:s13+$0x3D60] =	vst v7;
	v9 =	vmax.f32 v9, v11  }
0x237: {  	s23 =	sadd.s32 $0x100, s23;
	v7 =	vld [tilespmem:s7+$0x3D60];
	[tilespmem:s13+$0x3D70] =	vst v9;
	s13 =	smov.u32 s7  }
0x238: {  	v9 =	vld [tilespmem:s13+$0x3D70];
	_ =	sdelay $0x1  }
0x239: {  	v3 =	vadd.f32 v3, v6  }
0x23a: {  	v5 =	vadd.f32 v5, v8  }
0x23b: {  	v6 =	vmul.f32 $9.999999770e-03, v3;
	v4 =	vadd.f32 v4, v7  }
0x23c: {  	v61 =	vmul.f32 $9.999999770e-03, v5;
	v2 =	vadd.f32 v2, v9  }
0x23d: {  	v3 =	vmax.f32 v3, v6;
	v62 =	vmul.f32 $9.999999770e-03, v4  }
0x23e: {  	[tilespmem:s13+$0x3D40] =	vst v3;
	v3 =	vmax.f32 v5, v61;
	v63 =	vmul.f32 $9.999999770e-03, v2  }
0x23f: {  	[tilespmem:s13+$0x3D50] =	vst v3;
	v3 =	vmax.f32 v4, v62  }
.Ltmp13:
0x240: {  	[tilespmem:s13+$0x3D60] =	vst v3;
	v2 =	vmax.f32 v2, v63;
	(pc) =	sbr.rel @p0 .LBB2_21-.Ltmp13, $4  }
0x241: {  	s7 =	sadd.s32 $0x1018, s25;
	[tilespmem:s13+$0x3D70] =	vst v2  }
0x242: {  	[spmem:s16] =	stream.indirect.scatter.add.f32 [tilespmem:s12], [sflag:$0xC], $0x40, s7, s30, $0xb8;
	[tilespmem:$0x1EDC0] =	vst v63  }
0x243: {  	_ = 	snop  }
0x244: {  	[spmem:s18] =	stream.indirect.scatter.add.f32 [tilespmem:s9], [sflag:$0x10], $0x10, s7, s30, $0xb8;
	[tilespmem:$0x1EDC0] =	vst v63  }
0x245: {  	_ =	swait.ge [sflag:s6], $0xA00;
	s7 =	sadd.s32 $0x7, s29  }
0x246: {  	[sflag:s6] =	ssyncset.done $0x0;
	s13 =	smul.u32 $0xA0, s7;
	s7 =	sadd.s32 s17, s7  }
0x247: {  	[sflag:s6] =	ssyncadd.s32 $0xFFFFF600;
	s7 =	smul.u32 $0x28, s7  }
0x248: {  	_ =	swait.ge [sflag:s21], $0x280  }
0x249: {  	s13 =	sshra.s32 s13, $0x2;
	[sflag:s21] =	ssyncset.done $0x0;
	s7 =	sadd.s32 s1, s7  }
.Ltmp14:
0x24a: {  	[sflag:s21] =	ssyncadd.s32 $0xFFFFFD80;
	s7 =	sshll.u32 s7, $0x4;
	(pc) =	sbr.rel .LBB2_11-.Ltmp14, $4  }
0x24b: {  	[tilespmem:s12], [sflag:$0x4] =	stream.indirect.gather [spmem:s14], $0x40, s13, s30, $0xb8;
	[tilespmem:$0x1EDC0] =	vst v63  }
0x24c: {  	s7 =	sand.u32 $0x1FFFFF80, s7  }
0x24d: {  	s31 =	simm.s32 $0x6540;
	s19 =	sadd.s32 $0x1, s19;
	s7 =	sadd.s32 s20, s7  }
0x24e: {  	[tilespmem:s31], [sflag:$0x8] =	stream.strided.gather [hbm4b:s7+s15], $0xA00, s3, s15, $0x38;
	[tilespmem:$0x1EDC0] =	vst v63  }
.LBB2_22:
0x24f: {  	[bflag:$0x0] =	sbarrier.arrive $0xFFFF  }
0x250: {  	s23 =	sld [smem:$0x7FC];
	_ =	sdelay $0x1  }
0x251: {  	s31 =	simm.s32 $0x71C0  }
0x252: {  	[tilespmem:s31], [sflag:$0x11] =	stream.linear.gather [spmem:s23], $0x1000, $0x38;
	[tilespmem:$0x1EDC0] =	vst v63  }
0x253: {  	_ =	swait.ge [sflag:s10], $0x1000  }
0x254: {  	s19 =	sld [smem:$0x7F0]  }
0x255: {  	[sflag:s10] =	ssyncset.done $0x0  }
0x256: {  	s13 =	simm.s32 $0x0;
	[sflag:s10] =	ssyncadd.s32 $0xFFFFF000  }
0x257: {  	[hbm4b:s19+s13] =	stream.linear.scatter [tilespmem:s31], [sflag:$0x11], $0x1000, $0x38;
	[tilespmem:$0x1EDC0] =	vst v63  }
0x258: {  	_ =	swait.ge [sflag:s10], $0x1000  }
0x259: {  	[sflag:s10] =	ssyncset.done $0x0  }
0x25a: {  	s15 =	simm.s32 $0x81C0;
	s25 =	rddreg [dreg:$0x16];
	[sflag:s10] =	ssyncadd.s32 $0xFFFFF000  }
0x25b: {  	[tilespmem:s15], [sflag:$0x11] =	stream.linear.gather [spmem:s25], $0x400, $0x38;
	[tilespmem:$0x1EDC0] =	vst v63  }
0x25c: {  	_ =	swait.ge [sflag:s10], $0x400  }
0x25d: {  	s29 =	sld [smem:$0x7EF];
	_ =	sdelay $0x1  }
0x25e: {  	[sflag:s10] =	ssyncset.done $0x0  }
0x25f: {  	[sflag:s10] =	ssyncadd.s32 $0xFFFFFC00;
	s7 =	sadd.s32 $0x0, s29  }
0x260: {  	[hbm4b:s7+s13] =	stream.linear.scatter [tilespmem:s15], [sflag:$0x11], $0x400, $0x38;
	[tilespmem:$0x1EDC0] =	vst v63  }
0x261: {  	_ =	swait.ge [sflag:s10], $0x400  }
0x262: {  	s17 =	simm.s32 $0x80;
	s19 =	sadd.s32 $0x200, s19;
	[sflag:s10] =	ssyncset.done $0x0  }
.LBB2_23:
0x263: {  	[sflag:s10] =	ssyncadd.s32 $0xFFFFFC00  }
0x264: {  	s25 =	sadd.s32 $0x400, s25;
	s23 =	sadd.s32 $0x1000, s23;
	s7 =	smov.u32 s17  }
0x265: {  	[tilespmem:s31], [sflag:$0x11] =	stream.linear.gather [spmem:s23], $0x1000, $0x38;
	[tilespmem:$0x1EDC0] =	vst v63  }
0x266: {  	p0 =	sne.s32 s17, $0x480;
	s17 =	sadd.s32 $0x80, s17;
	_ =	swait.ge [sflag:s10], $0x1000  }
0x267: {  	[sflag:s10] =	ssyncset.done $0x0  }
0x268: {  	[sflag:s10] =	ssyncadd.s32 $0xFFFFF000  }
0x269: {  	[hbm4b:s19+s13] =	stream.linear.scatter [tilespmem:s31], [sflag:$0x11], $0x1000, $0x38;
	[tilespmem:$0x1EDC0] =	vst v63  }
0x26a: {  	_ =	swait.ge [sflag:s10], $0x1000  }
0x26b: {  	[sflag:s10] =	ssyncset.done $0x0  }
0x26c: {  	[sflag:s10] =	ssyncadd.s32 $0xFFFFF000  }
0x26d: {  	[tilespmem:s15], [sflag:$0x11] =	stream.linear.gather [spmem:s25], $0x400, $0x38;
	[tilespmem:$0x1EDC0] =	vst v63  }
0x26e: {  	_ =	swait.ge [sflag:s10], $0x400  }
.Ltmp15:
0x26f: {  	[sflag:s10] =	ssyncset.done $0x0;
	(pc) =	sbr.rel @p0 .LBB2_23-.Ltmp15, $4  }
0x270: {  	s7 =	sadd.s32 s7, s29;
	[sflag:s10] =	ssyncadd.s32 $0xFFFFFC00  }
0x271: {  	[hbm4b:s7+s13] =	stream.linear.scatter [tilespmem:s15], [sflag:$0x11], $0x400, $0x38;
	[tilespmem:$0x1EDC0] =	vst v63  }
0x272: {  	_ =	swait.ge [sflag:s10], $0x400  }
0x273: {  	s19 =	sadd.s32 $0x200, s19;
	[sflag:s10] =	ssyncset.done $0x0  }
0x274: {  	p1 =	por $0x0, $0x0  }
.Ltmp16:
0x275: {  	_ = 	snop;
	(pc) =	sbr.rel @p1 .LBB2_25-.Ltmp16, $3  }
0x276: {  	_ =	sdelay $0x1  }
0x277: {  	s25 =	rddreg [dreg:$0x13]  }
0x278: {  	[sflag:s10] =	ssyncadd.s32 $0xFFFFFC00;
	p0 =	por $0x0, $0x0;
	s23 =	sadd.s32 $0x0, s25  }
0x279: {  	s17 =	simm.s32 $0x0  }
0x27a: {  	[tilespmem:s8], [sflag:$0x11] =	stream.linear.gather [hbm4b:s23+s17], $0xA00, $0x38;
	[tilespmem:$0x1EDC0] =	vst v63  }
0x27b: {  	_ =	swait.ge [sflag:s10], $0xA00  }
0x27c: {  	p1 =	por $0x0, $0x0;
	s7 =	sld [smem:$0x7EE]  }
.Ltmp17:
0x27d: {  	[sflag:s10] =	ssyncset.done $0x0;
	(pc) =	sbr.rel @p1 .LBB2_28-.Ltmp17, $4  }
0x27e: {  	[sflag:s10] =	ssyncadd.s32 $0xFFFFF600  }
0x27f: {  	[spmem:s7] =	stream.linear.scatter [tilespmem:s8], [sflag:$0x11], $0xA00, $0x38;
	[tilespmem:$0x1EDC0] =	vst v63  }
0x280: {  	s19 =	simm.s32 $0x280;
	p0 =	por $0x1, $0x1;
	_ =	swait.ge [sflag:s10], $0xA00  }
0x281: {  	s23 =	sadd.s32 $0x140, s25;
	s13 =	sadd.s32 $0xA00, s7;
	[sflag:s10] =	ssyncset.done $0x0  }
.LBB2_27:
0x282: {  	s7 =	sadd.s32 s19, s25;
	[sflag:s10] =	ssyncadd.s32 $0xFFFFF600  }
0x283: {  	[tilespmem:s8], [sflag:$0x11] =	stream.linear.gather [hbm4b:s23+s17], $0xA00, $0x38;
	[tilespmem:$0x1EDC0] =	vst v63  }
0x284: {  	p1 =	seq.s32 s19, $0x12C0;
	s19 =	sadd.s32 $0x140, s19;
	_ =	swait.ge [sflag:s10], $0xA00  }
.Ltmp18:
0x285: {  	s23 =	smov.u32 s7;
	[sflag:s10] =	ssyncset.done $0x0;
	(pc) =	sbr.rel @!p1 .LBB2_27-.Ltmp18, $4  }
0x286: {  	[sflag:s10] =	ssyncadd.s32 $0xFFFFF600  }
0x287: {  	[spmem:s13] =	stream.linear.scatter [tilespmem:s8], [sflag:$0x11], $0xA00, $0x38;
	[tilespmem:$0x1EDC0] =	vst v63  }
0x288: {  	_ =	swait.ge [sflag:s10], $0xA00  }
0x289: {  	s13 =	sadd.s32 $0xA00, s13;
	[sflag:s10] =	ssyncset.done $0x0  }
.LBB2_28:
0x28a: {  	s7 =	simm.s32 $0x0;
	[sflag:s10] =	ssyncadd.s32 @p0 $0xFFFFF600  }
0x28b: {  	[tilespmem:s8], [sflag:$0x11] =	stream.linear.gather [hbm4b:s23+s7], $0xA00, $0x38;
	[tilespmem:$0x1EDC0] =	vst v63  }
0x28c: {  	_ =	swait.ge [sflag:s10], $0xA00  }
0x28d: {  	[sflag:s10] =	ssyncset.done $0x0  }
0x28e: {  	[sflag:s10] =	ssyncadd.s32 $0xFFFFF600  }
0x28f: {  	[spmem:s13] =	stream.linear.scatter [tilespmem:s8], [sflag:$0x11], $0xA00, $0x38;
	[tilespmem:$0x1EDC0] =	vst v63  }
0x290: {  	_ =	swait.ge [sflag:s10], $0xA00  }
0x291: {  	p0 =	por $0x0, $0x0;
	[sflag:s10] =	ssyncset.done $0x0  }
.Ltmp19:
0x292: {  	s13 =	simm.s32 $0x71E0;
	[sflag:s10] =	ssyncadd.s32 $0xFFFFF600;
	(pc) =	sbr.rel @p0 .LBB2_30-.Ltmp19, $4  }
0x293: {  	[tilespmem:s13+$0x0] =	vst v1  }
0x294: {  	[tilespmem:s13+$0xFFFFFFE0] =	vst v1  }
0x295: {  	[tilespmem:s13+$0x10] =	vst v1  }
0x296: {  	s17 =	simm.s32 $0x40;
	s19 =	simm.s32 $0x0;
	[tilespmem:s13+$0xFFFFFFF0] =	vst v1  }
.LBB2_29:
0x297: {  	p0 =	seq.s32 s17, $0xFC0  }
0x298: {  	[tilespmem:s19+$0x81C0] =	vst v1;
	s13 =	sadd.s32 $0x40, s13;
	s7 =	smov.u32 s17;
	s17 =	sadd.s32 $0x40, s17  }
.Ltmp20:
0x299: {  	[tilespmem:s13+$0x0] =	vst v1;
	(pc) =	sbr.rel @!p0 .LBB2_29-.Ltmp20, $4  }
0x29a: {  	_ = 	snop  }
0x29b: {  	[tilespmem:s13+$0xFFFFFFE0] =	vst v1  }
0x29c: {  	[tilespmem:s13+$0x10] =	vst v1  }
0x29d: {  	s19 =	sshra.s32 s7, $0x2;
	[tilespmem:s13+$0xFFFFFFF0] =	vst v1  }
.LBB2_30:
0x29e: {  	s7 =	sld [smem:$0x7FC];
	_ =	sdelay $0x1  }
0x29f: {  	[tilespmem:s19+$0x81C0] =	vst v1;
	s13 =	simm.s32 $0x71C0  }
0x2a0: {  	[spmem:s7] =	stream.linear.scatter [tilespmem:s13], [sflag:$0x11], $0x1000, $0x38;
	[tilespmem:$0x1EDC0] =	vst v63  }
0x2a1: {  	_ =	swait.ge [sflag:s10], $0x1000  }
0x2a2: {  	s29 =	sld [smem:$0x7F4]  }
0x2a3: {  	[sflag:s10] =	ssyncset.done $0x0  }
0x2a4: {  	[sflag:s10] =	ssyncadd.s32 $0xFFFFF000  }
0x2a5: {  	[spmem:s29] =	stream.linear.scatter [tilespmem:s13], [sflag:$0x11], $0x1000, $0x38;
	[tilespmem:$0x1EDC0] =	vst v63  }
0x2a6: {  	_ =	swait.ge [sflag:s10], $0x1000  }
0x2a7: {  	s31 =	sld [smem:$0x7F5]  }
0x2a8: {  	[sflag:s10] =	ssyncset.done $0x0  }
0x2a9: {  	[sflag:s10] =	ssyncadd.s32 $0xFFFFF000  }
0x2aa: {  	[spmem:s31] =	stream.linear.scatter [tilespmem:s13], [sflag:$0x11], $0x1000, $0x38;
	[tilespmem:$0x1EDC0] =	vst v63  }
0x2ab: {  	_ =	swait.ge [sflag:s10], $0x1000  }
0x2ac: {  	s15 =	sld [smem:$0x7F6]  }
0x2ad: {  	[sflag:s10] =	ssyncset.done $0x0  }
0x2ae: {  	[sflag:s10] =	ssyncadd.s32 $0xFFFFF000  }
0x2af: {  	[spmem:s15] =	stream.linear.scatter [tilespmem:s13], [sflag:$0x11], $0x1000, $0x38;
	[tilespmem:$0x1EDC0] =	vst v63  }
0x2b0: {  	_ =	swait.ge [sflag:s10], $0x1000  }
0x2b1: {  	s17 =	sld [smem:$0x7F7]  }
0x2b2: {  	[sflag:s10] =	ssyncset.done $0x0  }
0x2b3: {  	[sflag:s10] =	ssyncadd.s32 $0xFFFFF000  }
0x2b4: {  	[spmem:s17] =	stream.linear.scatter [tilespmem:s13], [sflag:$0x11], $0x1000, $0x38;
	[tilespmem:$0x1EDC0] =	vst v63  }
0x2b5: {  	_ =	swait.ge [sflag:s10], $0x1000  }
0x2b6: {  	s19 =	sld [smem:$0x7F8]  }
0x2b7: {  	[sflag:s10] =	ssyncset.done $0x0  }
0x2b8: {  	[sflag:s10] =	ssyncadd.s32 $0xFFFFF000  }
0x2b9: {  	[spmem:s19] =	stream.linear.scatter [tilespmem:s13], [sflag:$0x11], $0x1000, $0x38;
	[tilespmem:$0x1EDC0] =	vst v63  }
0x2ba: {  	_ =	swait.ge [sflag:s10], $0x1000  }
0x2bb: {  	s23 =	sld [smem:$0x7F9]  }
0x2bc: {  	[sflag:s10] =	ssyncset.done $0x0  }
0x2bd: {  	[sflag:s10] =	ssyncadd.s32 $0xFFFFF000  }
0x2be: {  	[spmem:s23] =	stream.linear.scatter [tilespmem:s13], [sflag:$0x11], $0x1000, $0x38;
	[tilespmem:$0x1EDC0] =	vst v63  }
0x2bf: {  	_ =	swait.ge [sflag:s10], $0x1000  }
0x2c0: {  	s25 =	sld [smem:$0x7FA]  }
0x2c1: {  	[sflag:s10] =	ssyncset.done $0x0  }
0x2c2: {  	[sflag:s10] =	ssyncadd.s32 $0xFFFFF000  }
0x2c3: {  	[spmem:s25] =	stream.linear.scatter [tilespmem:s13], [sflag:$0x11], $0x1000, $0x38;
	[tilespmem:$0x1EDC0] =	vst v63  }
0x2c4: {  	_ =	swait.ge [sflag:s10], $0x1000  }
0x2c5: {  	s29 =	sld [smem:$0x7FB]  }
0x2c6: {  	[sflag:s10] =	ssyncset.done $0x0  }
0x2c7: {  	[sflag:s10] =	ssyncadd.s32 $0xFFFFF000  }
0x2c8: {  	[spmem:s29] =	stream.linear.scatter [tilespmem:s13], [sflag:$0x11], $0x1000, $0x38;
	[tilespmem:$0x1EDC0] =	vst v63  }
0x2c9: {  	_ =	swait.ge [sflag:s10], $0x1000  }
0x2ca: {  	s31 =	sld [smem:$0x7FD]  }
0x2cb: {  	[sflag:s10] =	ssyncset.done $0x0  }
0x2cc: {  	[sflag:s10] =	ssyncadd.s32 $0xFFFFF000  }
0x2cd: {  	[spmem:s31] =	stream.linear.scatter [tilespmem:s13], [sflag:$0x11], $0x1000, $0x38;
	[tilespmem:$0x1EDC0] =	vst v63  }
.Ltmp21:
0x2ce: {  	_ =	swait.ge [sflag:s10], $0x1000;
	(pc) =	sbr.rel .LBB2_31-.Ltmp21, $4  }
0x2cf: {  	[sflag:s10] =	ssyncset.done $0x0  }
0x2d0: {  	[sflag:s10] =	ssyncadd.s32 $0xFFFFF000  }
0x2d1: {  	[bflag:$0x0] =	sbarrier.arrive $0xFFFF  }
0x2d2: {  	s25 =	simm.s32 $0x0  }
.LBB2_42:
0x2d3: {  	s7 =	simm.s32 $0x9  }
0x2d4: {  	_ =	swait.ge [sflag:s7], $0xA00  }
0x2d5: {  	[sflag:s7] =	ssyncset.done $0x0  }
0x2d6: {  	s29 =	simm.s32 $0xA;
	[sflag:s7] =	ssyncadd.s32 $0xFFFFF600  }
0x2d7: {  	_ =	swait.ge [sflag:s29], $0xA00  }
0x2d8: {  	[sflag:s29] =	ssyncset.done $0x0  }
0x2d9: {  	s31 =	simm.s32 $0xB;
	[sflag:s29] =	ssyncadd.s32 $0xFFFFF600  }
0x2da: {  	_ =	swait.ge [sflag:s31], $0xA00  }
0x2db: {  	[sflag:s31] =	ssyncset.done $0x0  }
0x2dc: {  	[sflag:s31] =	ssyncadd.s32 $0xFFFFF600  }
0x2dd: {  	_ =	swait.ge [sflag:s6], $0xA00  }
0x2de: {  	s25 =	sld [smem:$0x7E2];
	_ =	sdelay $0x2  }
0x2df: {  	s25 =	sadd.s32 $0x1, s25  }
0x2e0: {  	p0 =	sne.s32 s25, $0x5  }
.Ltmp22:
0x2e1: {  	_ = 	snop;
	(pc) =	sbr.rel @!p0 .LBB2_43-.Ltmp22, $3  }
0x2e2: {  	_ =	sdelay $0x1  }
0x2e3: {  	[sflag:s6] =	ssyncset.done $0x0  }
0x2e4: {  	[sflag:s6] =	ssyncadd.s32 $0xFFFFF600  }
.LBB2_31:
0x2e5: {  	s7 =	smul.u32 $0xFA0, s25  }
0x2e6: {  	s13 =	rddreg [dreg:$0x7]  }
0x2e7: {  	s13 =	sadd.s32 s7, s13  }
0x2e8: {  	s19 =	rddreg [dreg:$0x14];
	s13 =	sshrl.u32 s13, $0x3  }
0x2e9: {  	s23 =	simm.s32 $0x0;
	s13 =	sadd.s32 s19, s13  }
0x2ea: {  	[tilespmem:s23], [sflag:$0x11] =	stream.linear.gather [hbm4b:s13+s23], $0xFA0, $0x38;
	[tilespmem:$0x1EDC0] =	vst v63  }
0x2eb: {  	s29 =	sadd.s32 s1, s7;
	_ =	swait.ge [sflag:s10], $0xFA0  }
0x2ec: {  	s17 =	sshrl.u32 s29, $0x3;
	[sflag:s10] =	ssyncset.done $0x0  }
0x2ed: {  	s15 =	simm.s32 $0xFA0;
	s17 =	sadd.s32 s19, s17;
	[sflag:s10] =	ssyncadd.s32 $0xFFFFF060  }
0x2ee: {  	[tilespmem:s15], [sflag:$0x11] =	stream.linear.gather [hbm4b:s17+s23], $0xFA0, $0x38;
	[tilespmem:$0x1EDC0] =	vst v63  }
0x2ef: {  	_ =	swait.ge [sflag:s10], $0xFA0  }
0x2f0: {  	[sflag:s10] =	ssyncset.done $0x0  }
0x2f1: {  	s13 =	sshll.u32 s29, $0x4;
	s19 =	sld [smem:$0x7F1];
	[sflag:s10] =	ssyncadd.s32 $0xFFFFF060  }
0x2f2: {  	[tilespmem:s8], [sflag:$0x1] =	stream.indirect.gather [spmem:s14], $0x40, s23, s30, $0xb8;
	[tilespmem:$0x1EDC0] =	vst v63  }
0x2f3: {  	s31 =	simm.s32 $0x4740;
	s13 =	sadd.s32 s13, s22;
	s17 =	simm.s32 $0x40  }
0x2f4: {  	[tilespmem:s31], [sflag:$0x5] =	stream.strided.gather [hbm4b:s13+s17], $0xA00, s3, s17, $0x38;
	[tilespmem:$0x1EDC0] =	vst v63  }
0x2f5: {  	s15 =	simm.s32 $0x2940;
	s13 =	sadd.s32 s7, s19  }
0x2f6: {  	[tilespmem:s15], [sflag:$0x2] =	stream.indirect.gather [spmem:s14], $0x40, s30, s30, $0xb8;
	[tilespmem:$0x1EDC0] =	vst v63  }
0x2f7: {  	s13 =	sshll.u32 s13, $0x4;
	s15 =	sld [smem:$0x7F2]  }
0x2f8: {  	s23 =	simm.s32 $0x5140;
	s13 =	sadd.s32 s13, s22  }
0x2f9: {  	[tilespmem:s23], [sflag:$0x6] =	stream.strided.gather [hbm4b:s13+s17], $0xA00, s3, s17, $0x38;
	[tilespmem:$0x1EDC0] =	vst v63  }
0x2fa: {  	s29 =	simm.s32 $0x50;
	s31 =	simm.s32 $0x3340;
	s13 =	sadd.s32 s7, s15  }
0x2fb: {  	[tilespmem:s31], [sflag:$0x3] =	stream.indirect.gather [spmem:s14], $0x40, s29, s30, $0xb8;
	[tilespmem:$0x1EDC0] =	vst v63  }
0x2fc: {  	s13 =	sshll.u32 s13, $0x4;
	s29 =	sld [smem:$0x7F3]  }
0x2fd: {  	s19 =	simm.s32 $0x5B40;
	s13 =	sadd.s32 s13, s22  }
0x2fe: {  	[tilespmem:s19], [sflag:$0x7] =	stream.strided.gather [hbm4b:s13+s17], $0xA00, s3, s17, $0x38;
	[tilespmem:$0x1EDC0] =	vst v63  }
0x2ff: {  	s23 =	simm.s32 $0x78;
	s7 =	sadd.s32 s7, s29  }
0x300: {  	[tilespmem:s12], [sflag:$0x4] =	stream.indirect.gather [spmem:s14], $0x40, s23, s30, $0xb8;
	[tilespmem:$0x1EDC0] =	vst v63  }
0x301: {  	s7 =	sshll.u32 s7, $0x4  }
0x302: {  	[smem:$0x7E2] =	sst s25;
	s31 =	simm.s32 $0x6540;
	s7 =	sadd.s32 s7, s22  }
0x303: {  	[tilespmem:s31], [sflag:$0x8] =	stream.strided.gather [hbm4b:s7+s17], $0xA00, s3, s17, $0x38;
	[tilespmem:$0x1EDC0] =	vst v63  }
0x304: {  	s15 =	simm.s32 $0x40;
	s19 =	simm.s32 $0x0;
	s17 =	smul.u32 $0x64, s25  }
.LBB2_32:
0x305: {  	_ =	swait.ge [sflag:s28], $0xA00  }
0x306: {  	[sflag:s28] =	ssyncset.done $0x0  }
0x307: {  	[sflag:s28] =	ssyncadd.s32 $0xFFFFF600  }
0x308: {  	_ =	swait.ge [sflag:s5], $0xA00  }
0x309: {  	[sflag:s5] =	ssyncset.done $0x0  }
0x30a: {  	s25 =	simm.s32 $0x0;
	[sflag:s5] =	ssyncadd.s32 $0xFFFFF600  }
0x30b: {  	v3 =	vld [tilespmem:s25+$0x4740]  }
0x30c: {  	v5 =	vld [tilespmem:s25+$0x4750]  }
0x30d: {  	v4 =	vld [tilespmem:s25+$0x4760]  }
0x30e: {  	v2 =	vld [tilespmem:s25+$0x4770]  }
0x30f: {  	v6 =	vld [tilespmem:s25+$0x1F40]  }
0x310: {  	v8 =	vld [tilespmem:s25+$0x1F50]  }
0x311: {  	s13 =	simm.s32 $0x100;
	v7 =	vld [tilespmem:s25+$0x1F60]  }
.LBB2_33:
0x312: {  	p0 =	sne.s32 s13, $0x2700;
	v9 =	vld [tilespmem:s25+$0x1F70];
	_ =	sdelay $0x1  }
0x313: {  	v6 =	vadd.f32 v3, v6  }
0x314: {  	s7 =	sshra.s32 s13, $0x2;
	v8 =	vadd.f32 v5, v8  }
0x315: {  	v3 =	vld [tilespmem:s7+$0x4740];
	v10 =	vmul.f32 $9.999999770e-03, v6;
	v7 =	vadd.f32 v4, v7  }
0x316: {  	v5 =	vld [tilespmem:s7+$0x4750];
	v11 =	vmul.f32 $9.999999770e-03, v8;
	v9 =	vadd.f32 v2, v9  }
.Ltmp23:
0x317: {  	v4 =	vld [tilespmem:s7+$0x4760];
	v6 =	vmax.f32 v6, v10;
	v10 =	vmul.f32 $9.999999770e-03, v7;
	(pc) =	sbr.rel @p0 .LBB2_33-.Ltmp23, $4  }
0x318: {  	v2 =	vld [tilespmem:s7+$0x4770];
	[tilespmem:s25+$0x1F40] =	vst v6;
	v8 =	vmax.f32 v8, v11;
	v11 =	vmul.f32 $9.999999770e-03, v9  }
0x319: {  	v6 =	vld [tilespmem:s7+$0x1F40];
	[tilespmem:s25+$0x1F50] =	vst v8;
	v7 =	vmax.f32 v7, v10  }
0x31a: {  	v8 =	vld [tilespmem:s7+$0x1F50];
	[tilespmem:s25+$0x1F60] =	vst v7;
	v9 =	vmax.f32 v9, v11  }
0x31b: {  	s13 =	sadd.s32 $0x100, s13;
	v7 =	vld [tilespmem:s7+$0x1F60];
	[tilespmem:s25+$0x1F70] =	vst v9;
	s25 =	smov.u32 s7  }
0x31c: {  	v9 =	vld [tilespmem:s25+$0x1F70];
	_ =	sdelay $0x1  }
0x31d: {  	v3 =	vadd.f32 v3, v6  }
0x31e: {  	v5 =	vadd.f32 v5, v8  }
0x31f: {  	v6 =	vmul.f32 $9.999999770e-03, v3;
	v4 =	vadd.f32 v4, v7  }
0x320: {  	v7 =	vmul.f32 $9.999999770e-03, v5;
	v2 =	vadd.f32 v2, v9  }
0x321: {  	v3 =	vmax.f32 v3, v6;
	v6 =	vmul.f32 $9.999999770e-03, v4  }
0x322: {  	s7 =	smul.u32 $0x280, s19;
	[tilespmem:s25+$0x1F40] =	vst v3;
	v3 =	vmax.f32 v5, v7;
	v5 =	vmul.f32 $9.999999770e-03, v2  }
0x323: {  	[tilespmem:s25+$0x1F50] =	vst v3;
	v3 =	vmax.f32 v4, v6  }
0x324: {  	s29 =	sshra.s32 s7, $0x2;
	[tilespmem:s25+$0x1F60] =	vst v3;
	v2 =	vmax.f32 v2, v5  }
0x325: {  	p0 =	seq.s32 s19, $0x18;
	s7 =	sadd.s32 $0xFA0, s29;
	[tilespmem:s25+$0x1F70] =	vst v2;
	s25 =	sshll.u32 s19, $0x2  }
0x326: {  	[spmem:s16] =	stream.indirect.scatter.add.f32 [tilespmem:s8], [sflag:$0x9], $0x40, s7, s30, $0xb8;
	[tilespmem:$0x1EDC0] =	vst v63  }
0x327: {  	s7 =	simm.s32 @!p0 $0x9;
	s13 =	sadd.s32 @!p0 $0x4, s25  }
0x328: {  	_ =	swait.ge @!p0 [sflag:s7], $0xA00;
	s23 =	smul.u32 @!p0 $0xA0, s13;
	s13 =	sadd.s32 @!p0 s17, s13  }
0x329: {  	s31 =	simm.s32 @!p0 $0x1F40;
	[sflag:s7] =	ssyncset.done @!p0 $0x0;
	s13 =	smul.u32 @!p0 $0x28, s13  }
0x32a: {  	[sflag:s7] =	ssyncadd.s32 @!p0 $0xFFFFF600;
	s7 =	sshra.s32 @!p0 s23, $0x2;
	s23 =	simm.s32 @!p0 $0x28  }
0x32b: {  	[tilespmem:s31], [sflag:$0x1] =	stream.indirect.gather @!p0 [spmem:s14], $0x40, s7, s23, $0xb8;
	[tilespmem:$0x1EDC0] =	vst v63  }
0x32c: {  	s7 =	sadd.s32 @!p0 s1, s13  }
0x32d: {  	s7 =	sshll.u32 @!p0 s7, $0x4  }
0x32e: {  	s13 =	simm.s32 @!p0 $0x40;
	s7 =	sand.u32 @!p0 $0x1FFFFF80, s7  }
0x32f: {  	s23 =	simm.s32 @!p0 $0x80;
	s31 =	simm.s32 @!p0 $0x4740;
	s7 =	sadd.s32 @!p0 s7, s22  }
0x330: {  	[tilespmem:s31], [sflag:$0x5] =	stream.strided.gather @!p0 [hbm4b:s7+s13], $0xA00, s23, s13, $0x38;
	[tilespmem:$0x1EDC0] =	vst v63  }
0x331: {  	_ =	swait.ge [sflag:s11], $0xA00  }
0x332: {  	[sflag:s11] =	ssyncset.done $0x0  }
0x333: {  	[sflag:s11] =	ssyncadd.s32 $0xFFFFF600  }
0x334: {  	_ =	swait.ge [sflag:s24], $0xA00  }
0x335: {  	[sflag:s24] =	ssyncset.done $0x0  }
0x336: {  	s13 =	simm.s32 $0x0;
	[sflag:s24] =	ssyncadd.s32 $0xFFFFF600  }
0x337: {  	v3 =	vld [tilespmem:s13+$0x5140]  }
0x338: {  	v5 =	vld [tilespmem:s13+$0x5150]  }
0x339: {  	v4 =	vld [tilespmem:s13+$0x5160]  }
0x33a: {  	v2 =	vld [tilespmem:s13+$0x5170]  }
0x33b: {  	v6 =	vld [tilespmem:s13+$0x2940]  }
0x33c: {  	v8 =	vld [tilespmem:s13+$0x2950]  }
0x33d: {  	s23 =	simm.s32 $0x100;
	v7 =	vld [tilespmem:s13+$0x2960]  }
.LBB2_35:
0x33e: {  	p1 =	sne.s32 s23, $0x2700;
	v9 =	vld [tilespmem:s13+$0x2970];
	_ =	sdelay $0x1  }
0x33f: {  	v6 =	vadd.f32 v3, v6  }
0x340: {  	s7 =	sshra.s32 s23, $0x2;
	v8 =	vadd.f32 v5, v8  }
0x341: {  	v3 =	vld [tilespmem:s7+$0x5140];
	v10 =	vmul.f32 $9.999999770e-03, v6;
	v7 =	vadd.f32 v4, v7  }
0x342: {  	v5 =	vld [tilespmem:s7+$0x5150];
	v11 =	vmul.f32 $9.999999770e-03, v8;
	v9 =	vadd.f32 v2, v9  }
.Ltmp24:
0x343: {  	v4 =	vld [tilespmem:s7+$0x5160];
	v6 =	vmax.f32 v6, v10;
	v10 =	vmul.f32 $9.999999770e-03, v7;
	(pc) =	sbr.rel @p1 .LBB2_35-.Ltmp24, $4  }
0x344: {  	v2 =	vld [tilespmem:s7+$0x5170];
	[tilespmem:s13+$0x2940] =	vst v6;
	v8 =	vmax.f32 v8, v11;
	v11 =	vmul.f32 $9.999999770e-03, v9  }
0x345: {  	v6 =	vld [tilespmem:s7+$0x2940];
	[tilespmem:s13+$0x2950] =	vst v8;
	v7 =	vmax.f32 v7, v10  }
0x346: {  	v8 =	vld [tilespmem:s7+$0x2950];
	[tilespmem:s13+$0x2960] =	vst v7;
	v9 =	vmax.f32 v9, v11  }
0x347: {  	s23 =	sadd.s32 $0x100, s23;
	v7 =	vld [tilespmem:s7+$0x2960];
	[tilespmem:s13+$0x2970] =	vst v9;
	s13 =	smov.u32 s7  }
0x348: {  	v9 =	vld [tilespmem:s13+$0x2970];
	_ =	sdelay $0x1  }
0x349: {  	v3 =	vadd.f32 v3, v6  }
0x34a: {  	v5 =	vadd.f32 v5, v8  }
0x34b: {  	v6 =	vmul.f32 $9.999999770e-03, v3;
	v4 =	vadd.f32 v4, v7  }
0x34c: {  	v7 =	vmul.f32 $9.999999770e-03, v5;
	v2 =	vadd.f32 v2, v9  }
0x34d: {  	v3 =	vmax.f32 v3, v6;
	v6 =	vmul.f32 $9.999999770e-03, v4  }
0x34e: {  	[tilespmem:s13+$0x2940] =	vst v3;
	v3 =	vmax.f32 v5, v7;
	v5 =	vmul.f32 $9.999999770e-03, v2  }
0x34f: {  	[tilespmem:s13+$0x2950] =	vst v3;
	v3 =	vmax.f32 v4, v6  }
0x350: {  	[tilespmem:s13+$0x2960] =	vst v3;
	v2 =	vmax.f32 v2, v5  }
0x351: {  	s7 =	sadd.s32 $0xFC8, s29;
	s31 =	simm.s32 $0x2940;
	[tilespmem:s13+$0x2970] =	vst v2  }
0x352: {  	[spmem:s16] =	stream.indirect.scatter.add.f32 [tilespmem:s31], [sflag:$0xA], $0x40, s7, s30, $0xb8;
	[tilespmem:$0x1EDC0] =	vst v63  }
0x353: {  	s13 =	sadd.s32 @!p0 $0x5, s25;
	s7 =	simm.s32 @!p0 $0xA  }
0x354: {  	s23 =	smul.u32 @!p0 $0xA0, s13;
	s13 =	sadd.s32 @!p0 s17, s13;
	_ =	swait.ge @!p0 [sflag:s7], $0xA00  }
0x355: {  	s31 =	simm.s32 @!p0 $0x2940;
	s13 =	smul.u32 @!p0 $0x28, s13;
	[sflag:s7] =	ssyncset.done @!p0 $0x0  }
0x356: {  	[sflag:s7] =	ssyncadd.s32 @!p0 $0xFFFFF600;
	s7 =	sshra.s32 @!p0 s23, $0x2;
	s23 =	simm.s32 @!p0 $0x28  }
0x357: {  	[tilespmem:s31], [sflag:$0x2] =	stream.indirect.gather @!p0 [spmem:s14], $0x40, s7, s23, $0xb8;
	[tilespmem:$0x1EDC0] =	vst v63  }
0x358: {  	s7 =	sadd.s32 @!p0 s1, s13  }
0x359: {  	s7 =	sshll.u32 @!p0 s7, $0x4  }
0x35a: {  	s13 =	simm.s32 @!p0 $0x40;
	s7 =	sand.u32 @!p0 $0x1FFFFF80, s7  }
0x35b: {  	s23 =	simm.s32 @!p0 $0x80;
	s31 =	simm.s32 @!p0 $0x5140;
	s7 =	sadd.s32 @!p0 s7, s22  }
0x35c: {  	[tilespmem:s31], [sflag:$0x6] =	stream.strided.gather @!p0 [hbm4b:s7+s13], $0xA00, s23, s13, $0x38;
	[tilespmem:$0x1EDC0] =	vst v63  }
0x35d: {  	_ =	swait.ge [sflag:s26], $0xA00  }
0x35e: {  	[sflag:s26] =	ssyncset.done $0x0  }
0x35f: {  	[sflag:s26] =	ssyncadd.s32 $0xFFFFF600  }
0x360: {  	_ =	swait.ge [sflag:s2], $0xA00  }
0x361: {  	[sflag:s2] =	ssyncset.done $0x0  }
0x362: {  	s13 =	simm.s32 $0x0;
	[sflag:s2] =	ssyncadd.s32 $0xFFFFF600  }
0x363: {  	v3 =	vld [tilespmem:s13+$0x5B40]  }
0x364: {  	v5 =	vld [tilespmem:s13+$0x5B50]  }
0x365: {  	v4 =	vld [tilespmem:s13+$0x5B60]  }
0x366: {  	v2 =	vld [tilespmem:s13+$0x5B70]  }
0x367: {  	v6 =	vld [tilespmem:s13+$0x3340]  }
0x368: {  	v8 =	vld [tilespmem:s13+$0x3350]  }
0x369: {  	s23 =	simm.s32 $0x100;
	v7 =	vld [tilespmem:s13+$0x3360]  }
.LBB2_37:
0x36a: {  	p1 =	sne.s32 s23, $0x2700;
	v9 =	vld [tilespmem:s13+$0x3370];
	_ =	sdelay $0x1  }
0x36b: {  	v6 =	vadd.f32 v3, v6  }
0x36c: {  	s7 =	sshra.s32 s23, $0x2;
	v8 =	vadd.f32 v5, v8  }
0x36d: {  	v3 =	vld [tilespmem:s7+$0x5B40];
	v10 =	vmul.f32 $9.999999770e-03, v6;
	v7 =	vadd.f32 v4, v7  }
0x36e: {  	v5 =	vld [tilespmem:s7+$0x5B50];
	v11 =	vmul.f32 $9.999999770e-03, v8;
	v9 =	vadd.f32 v2, v9  }
.Ltmp25:
0x36f: {  	v4 =	vld [tilespmem:s7+$0x5B60];
	v6 =	vmax.f32 v6, v10;
	v10 =	vmul.f32 $9.999999770e-03, v7;
	(pc) =	sbr.rel @p1 .LBB2_37-.Ltmp25, $4  }
0x370: {  	v2 =	vld [tilespmem:s7+$0x5B70];
	[tilespmem:s13+$0x3340] =	vst v6;
	v8 =	vmax.f32 v8, v11;
	v11 =	vmul.f32 $9.999999770e-03, v9  }
0x371: {  	v6 =	vld [tilespmem:s7+$0x3340];
	[tilespmem:s13+$0x3350] =	vst v8;
	v7 =	vmax.f32 v7, v10  }
0x372: {  	v8 =	vld [tilespmem:s7+$0x3350];
	[tilespmem:s13+$0x3360] =	vst v7;
	v9 =	vmax.f32 v9, v11  }
0x373: {  	s23 =	sadd.s32 $0x100, s23;
	v7 =	vld [tilespmem:s7+$0x3360];
	[tilespmem:s13+$0x3370] =	vst v9;
	s13 =	smov.u32 s7  }
0x374: {  	v9 =	vld [tilespmem:s13+$0x3370];
	_ =	sdelay $0x1  }
0x375: {  	v3 =	vadd.f32 v3, v6  }
0x376: {  	v5 =	vadd.f32 v5, v8  }
0x377: {  	v6 =	vmul.f32 $9.999999770e-03, v3;
	v4 =	vadd.f32 v4, v7  }
0x378: {  	v7 =	vmul.f32 $9.999999770e-03, v5;
	v2 =	vadd.f32 v2, v9  }
0x379: {  	v3 =	vmax.f32 v3, v6;
	v6 =	vmul.f32 $9.999999770e-03, v4  }
0x37a: {  	[tilespmem:s13+$0x3340] =	vst v3;
	v3 =	vmax.f32 v5, v7;
	v5 =	vmul.f32 $9.999999770e-03, v2  }
0x37b: {  	[tilespmem:s13+$0x3350] =	vst v3;
	v3 =	vmax.f32 v4, v6  }
0x37c: {  	[tilespmem:s13+$0x3360] =	vst v3;
	v2 =	vmax.f32 v2, v5  }
0x37d: {  	s7 =	sadd.s32 $0xFF0, s29;
	s31 =	simm.s32 $0x3340;
	[tilespmem:s13+$0x3370] =	vst v2  }
0x37e: {  	[spmem:s16] =	stream.indirect.scatter.add.f32 [tilespmem:s31], [sflag:$0xB], $0x40, s7, s30, $0xb8;
	[tilespmem:$0x1EDC0] =	vst v63  }
0x37f: {  	s13 =	sadd.s32 @!p0 $0x6, s25;
	s7 =	simm.s32 @!p0 $0xB  }
0x380: {  	s23 =	smul.u32 @!p0 $0xA0, s13;
	s13 =	sadd.s32 @!p0 s17, s13;
	_ =	swait.ge @!p0 [sflag:s7], $0xA00  }
0x381: {  	s31 =	simm.s32 @!p0 $0x3340;
	s13 =	smul.u32 @!p0 $0x28, s13;
	[sflag:s7] =	ssyncset.done @!p0 $0x0  }
0x382: {  	[sflag:s7] =	ssyncadd.s32 @!p0 $0xFFFFF600;
	s7 =	sshra.s32 @!p0 s23, $0x2;
	s23 =	simm.s32 @!p0 $0x28  }
0x383: {  	[tilespmem:s31], [sflag:$0x3] =	stream.indirect.gather @!p0 [spmem:s14], $0x40, s7, s23, $0xb8;
	[tilespmem:$0x1EDC0] =	vst v63  }
0x384: {  	s7 =	sadd.s32 @!p0 s1, s13  }
0x385: {  	s7 =	sshll.u32 @!p0 s7, $0x4  }
0x386: {  	s13 =	simm.s32 @!p0 $0x40;
	s7 =	sand.u32 @!p0 $0x1FFFFF80, s7  }
0x387: {  	s23 =	simm.s32 @!p0 $0x80;
	s31 =	simm.s32 @!p0 $0x5B40;
	s7 =	sadd.s32 @!p0 s7, s22  }
0x388: {  	[tilespmem:s31], [sflag:$0x7] =	stream.strided.gather @!p0 [hbm4b:s7+s13], $0xA00, s23, s13, $0x38;
	[tilespmem:$0x1EDC0] =	vst v63  }
0x389: {  	_ =	swait.ge [sflag:s0], $0xA00  }
0x38a: {  	[sflag:s0] =	ssyncset.done $0x0  }
0x38b: {  	[sflag:s0] =	ssyncadd.s32 $0xFFFFF600  }
0x38c: {  	_ =	swait.ge [sflag:s4], $0xA00  }
0x38d: {  	[sflag:s4] =	ssyncset.done $0x0  }
0x38e: {  	s13 =	simm.s32 $0x0;
	[sflag:s4] =	ssyncadd.s32 $0xFFFFF600  }
0x38f: {  	v3 =	vld [tilespmem:s13+$0x6540]  }
0x390: {  	v5 =	vld [tilespmem:s13+$0x6550]  }
0x391: {  	v4 =	vld [tilespmem:s13+$0x6560]  }
0x392: {  	v2 =	vld [tilespmem:s13+$0x6570]  }
0x393: {  	v6 =	vld [tilespmem:s13+$0x3D40]  }
0x394: {  	v8 =	vld [tilespmem:s13+$0x3D50]  }
0x395: {  	s23 =	simm.s32 $0x100;
	v7 =	vld [tilespmem:s13+$0x3D60]  }
.LBB2_39:
0x396: {  	p1 =	sne.s32 s23, $0x2700;
	v9 =	vld [tilespmem:s13+$0x3D70];
	_ =	sdelay $0x1  }
0x397: {  	v6 =	vadd.f32 v3, v6  }
0x398: {  	s7 =	sshra.s32 s23, $0x2;
	v8 =	vadd.f32 v5, v8  }
0x399: {  	v3 =	vld [tilespmem:s7+$0x6540];
	v10 =	vmul.f32 $9.999999770e-03, v6;
	v7 =	vadd.f32 v4, v7  }
0x39a: {  	v5 =	vld [tilespmem:s7+$0x6550];
	v11 =	vmul.f32 $9.999999770e-03, v8;
	v9 =	vadd.f32 v2, v9  }
.Ltmp26:
0x39b: {  	v4 =	vld [tilespmem:s7+$0x6560];
	v6 =	vmax.f32 v6, v10;
	v10 =	vmul.f32 $9.999999770e-03, v7;
	(pc) =	sbr.rel @p1 .LBB2_39-.Ltmp26, $4  }
0x39c: {  	v2 =	vld [tilespmem:s7+$0x6570];
	[tilespmem:s13+$0x3D40] =	vst v6;
	v8 =	vmax.f32 v8, v11;
	v11 =	vmul.f32 $9.999999770e-03, v9  }
0x39d: {  	v6 =	vld [tilespmem:s7+$0x3D40];
	[tilespmem:s13+$0x3D50] =	vst v8;
	v7 =	vmax.f32 v7, v10  }
0x39e: {  	v8 =	vld [tilespmem:s7+$0x3D50];
	[tilespmem:s13+$0x3D60] =	vst v7;
	v9 =	vmax.f32 v9, v11  }
0x39f: {  	s23 =	sadd.s32 $0x100, s23;
	v7 =	vld [tilespmem:s7+$0x3D60];
	[tilespmem:s13+$0x3D70] =	vst v9;
	s13 =	smov.u32 s7  }
0x3a0: {  	v9 =	vld [tilespmem:s13+$0x3D70];
	_ =	sdelay $0x1  }
0x3a1: {  	v3 =	vadd.f32 v3, v6  }
0x3a2: {  	v5 =	vadd.f32 v5, v8  }
0x3a3: {  	v6 =	vmul.f32 $9.999999770e-03, v3;
	v4 =	vadd.f32 v4, v7  }
0x3a4: {  	v61 =	vmul.f32 $9.999999770e-03, v5;
	v2 =	vadd.f32 v2, v9  }
0x3a5: {  	v3 =	vmax.f32 v3, v6;
	v62 =	vmul.f32 $9.999999770e-03, v4  }
.Ltmp27:
0x3a6: {  	[tilespmem:s13+$0x3D40] =	vst v3;
	v3 =	vmax.f32 v5, v61;
	v63 =	vmul.f32 $9.999999770e-03, v2;
	(pc) =	sbr.rel @p0 .LBB2_42-.Ltmp27, $4  }
0x3a7: {  	[tilespmem:s13+$0x3D50] =	vst v3;
	v3 =	vmax.f32 v4, v62  }
0x3a8: {  	[tilespmem:s13+$0x3D60] =	vst v3;
	v2 =	vmax.f32 v2, v63  }
0x3a9: {  	s7 =	sadd.s32 $0x1018, s29;
	[tilespmem:s13+$0x3D70] =	vst v2  }
0x3aa: {  	[spmem:s16] =	stream.indirect.scatter.add.f32 [tilespmem:s12], [sflag:$0xC], $0x40, s7, s30, $0xb8;
	[tilespmem:$0x1EDC0] =	vst v63  }
0x3ab: {  	s7 =	sadd.s32 $0x7, s25  }
0x3ac: {  	_ =	swait.ge [sflag:s6], $0xA00;
	s13 =	smul.u32 $0xA0, s7  }
0x3ad: {  	[sflag:s6] =	ssyncset.done $0x0;
	s7 =	sadd.s32 s17, s7  }
0x3ae: {  	[sflag:s6] =	ssyncadd.s32 $0xFFFFF600;
	s7 =	smul.u32 $0x28, s7;
	s13 =	sshra.s32 s13, $0x2  }
0x3af: {  	[tilespmem:s12], [sflag:$0x4] =	stream.indirect.gather [spmem:s14], $0x40, s13, s30, $0xb8;
	[tilespmem:$0x1EDC0] =	vst v63  }
.Ltmp28:
0x3b0: {  	s7 =	sadd.s32 s1, s7;
	(pc) =	sbr.rel .LBB2_32-.Ltmp28, $4  }
0x3b1: {  	s7 =	sshll.u32 s7, $0x4  }
0x3b2: {  	s7 =	sand.u32 $0x1FFFFF80, s7  }
0x3b3: {  	s31 =	simm.s32 $0x6540;
	s19 =	sadd.s32 $0x1, s19;
	s7 =	sadd.s32 s7, s22  }
0x3b4: {  	[tilespmem:s31], [sflag:$0x8] =	stream.strided.gather [hbm4b:s7+s15], $0xA00, s3, s15, $0x38;
	[tilespmem:$0x1EDC0] =	vst v63  }
.LBB2_2:
.Ltmp29:
0x3b5: {  	(pc) =	sbr.rel .LBB2_7-.Ltmp29, $2  }
0x3b6: {  	_ =	sdelay $0x2  }
0x3b7: {  	s13 =	sld [smem:$0x7EE]  }
.LBB2_25:
.Ltmp30:
0x3b8: {  	(pc) =	sbr.rel .LBB2_28-.Ltmp30, $2  }
0x3b9: {  	_ =	sdelay $0x2  }
0x3ba: {  	s13 =	sld [smem:$0x7EE]  }
.LBB2_4:
.Ltmp31:
0x3bb: {  	(pc) =	sbr.rel .LBB2_7-.Ltmp31, $2  }
0x3bc: {  	_ =	sdelay $0x2  }
0x3bd: {  	s25 =	simm.s32 $0x81C0  }
.LBB2_44:
0x3be: {  	_ =	sfence.sel $0x180000  }
0x3bf: {  	[bflag:$0x0] =	sbarrier.arrive $0xFFFF  }
0x3c0: {  	_ =	strace $0x90000047  }
0x3c1: {  	s0 =	stileid.u32;
	[bflag:$0x2] =	sbarrier.arrive $0xFFFF  }
0x3c2: {  	p0 =	sne.s32 s0, $0x0;
	s0 =	rddreg [dreg:$0x6]  }
0x3c3: {  	s0 =	sadd.s32 @!p0 $0x100000, s0  }
0x3c4: {  	[sflag:s0] =	ssyncadd.tile.s32 @!p0 $0x1;
	_ =	shalt  }
.Lfunc_end2:
_tile_overlayer_lowered:
.L_overlay_start_2:
0x3c5: {  	(tag) =	ssettag $0x2  }
0x3c6: {  	s0 =	rddreg [dreg:$0x0];
	s2 =	stileid.u32  }
0x3c7: {  	s1 =	rddreg [dreg:$0x1];
	p0 =	sne.s32 s2, $0x0  }
0x3c8: {  	s3 =	rddreg [dreg:$0x2];
	[bflag:$0x3] =	sbarrier.arrive $0xFFFF;
	s2 =	simm.s32 @!p0 $0x1C11  }
0x3c9: {  	[timem:s3], [sflag:s2] =	dma.local @!p0 [hbm:s0], s1  }
0x3ca: {  	s0 =	simm.s32 @!p0 $0x11  }
0x3cb: {  	_ =	swait.ge @!p0 [sflag:s0], s1  }
0x3cc: {  	s1 =	ssub.s32 @!p0 $0x0, s1;
	[sflag:s0] =	ssyncset.done @!p0 $0x0  }
0x3cd: {  	[sflag:s0] =	ssyncadd.s32 @!p0 s1  }
0x3ce: {  	[bflag:$0x3] =	sbarrier.arrive $0xFFFF  }
0x3cf: {  	_ =	shalt  }

</sc_bundles>
